<compile_context>
chip_gen: v7x
topology: tpu7x:2x2x1
jax: 0.10.2.dev20260603
libtpu: 0.0.44.dev20260713+nightly
codegen_flags: <defaults>
</compile_context>

<pallas_src>
import functools

import jax
import jax.numpy as jnp
from jax import lax
from jax.experimental import pallas as pl
from jax.experimental.pallas import tpu as pltpu
from jax.experimental.pallas import tpu_sc as plsc

_W = 128
_NC, _NS = 2, 16


@functools.lru_cache(maxsize=None)
def _build(N, D, C):
    nworkers = _NC * _NS
    R = N // nworkers
    nw = R // _W
    mesh = plsc.VectorSubcoreMesh(core_axis_name="c", subcore_axis_name="s")

    @functools.partial(
        pl.kernel,
        out_type=jax.ShapeDtypeStruct((N, D), jnp.float32),
        mesh=mesh,
        scratch_types=[
            pltpu.VMEM((R,), jnp.int32),
            pltpu.VMEM((R,), jnp.int32),
            pltpu.VMEM((_W, D), jnp.float32),
            pltpu.VMEM((_W, D), jnp.float32),
            pltpu.VMEM((_W, D), jnp.float32),
            pltpu.VMEM((_W, D), jnp.float32),
            pltpu.VMEM_SHARED((C, D), jnp.float32),
            pltpu.SemaphoreType.DMA,
            pltpu.SemaphoreType.DMA,
            pltpu.SemaphoreType.DMA,
            pltpu.SemaphoreType.DMA,
            pltpu.SemaphoreType.DMA,
            pltpu.SemaphoreType.DMA,
        ],
    )
    def k(seq_hbm, cidx_hbm, tok_hbm, comb_hbm, out_hbm,
          i_all, ci_all, o0, o1, a0, a1, comb_sh,
          st0, st1, sc0, sc1, so0, so1):
        sid = lax.axis_index("s")
        wid = sid * _NC + lax.axis_index("c")
        base = wid * R

        @pl.when(sid == 0)
        def _():
            pltpu.sync_copy(comb_hbm, comb_sh)

        plsc.subcore_barrier()
        pltpu.sync_copy(seq_hbm.at[pl.ds(base, R)], i_all)
        pltpu.sync_copy(cidx_hbm.at[pl.ds(base, R)], ci_all)

        def issue(g, o_v, a_v, st, sc_):
            pltpu.async_copy(tok_hbm.at[i_all.at[pl.ds(g * _W, _W)]], o_v, st)
            pltpu.async_copy(comb_sh.at[ci_all.at[pl.ds(g * _W, _W)]], a_v, sc_)

        def wait_gathers(g, o_v, a_v, st, sc_):
            pltpu.make_async_copy(
                tok_hbm.at[i_all.at[pl.ds(g * _W, _W)]], o_v, st
            ).wait()
            pltpu.make_async_copy(
                comb_sh.at[ci_all.at[pl.ds(g * _W, _W)]], a_v, sc_
            ).wait()

        H = _W // 2

        def _adds_span(o_v, a_v, lo):
            @pl.loop(lo, lo + H, step=4)
            def _(r):
                for dr in range(4):
                    for c in range(0, D, 16):
                        plsc.addupdate(
                            o_v.at[r + dr, pl.ds(c, 16)],
                            a_v[r + dr, pl.ds(c, 16)],
                        )

        def adds_and_writeback(g, o_v, a_v, so):
            for q in range(2):
                _adds_span(o_v, a_v, q * H)
                pltpu.async_copy(
                    o_v.at[pl.ds(q * H, H)],
                    out_hbm.at[pl.ds(base + g * _W + q * H, H)], so)

        def wait_writeback(g, o_v, so):
            for q in range(2):
                pltpu.make_async_copy(
                    o_v.at[pl.ds(q * H, H)],
                    out_hbm.at[pl.ds(base + g * _W + q * H, H)], so
                ).wait()

        issue(0, o0, a0, st0, sc0)
        issue(1, o1, a1, st1, sc1)
        wait_gathers(0, o0, a0, st0, sc0)
        adds_and_writeback(0, o0, a0, so0)

        @pl.loop(1, nw - 1, step=2)
        def _(g2):
            wait_gathers(g2, o1, a1, st1, sc1)
            wait_writeback(g2 - 1, o0, so0)
            issue(g2 + 1, o0, a0, st0, sc0)
            adds_and_writeback(g2, o1, a1, so1)
            wait_gathers(g2 + 1, o0, a0, st0, sc0)
            wait_writeback(g2, o1, so1)
            issue(g2 + 2, o1, a1, st1, sc1)
            adds_and_writeback(g2 + 1, o0, a0, so0)

        wait_gathers(nw - 1, o1, a1, st1, sc1)
        adds_and_writeback(nw - 1, o1, a1, so1)
        wait_writeback(nw - 2, o0, so0)
        wait_writeback(nw - 1, o1, so1)

    return k


def kernel(sequence, segment_labels, token_table, segment_table, pos_table):
    B, S = sequence.shape
    V, D = token_table.shape
    C = segment_table.shape[0]
    comb = (pos_table[:, None, :] + segment_table[None, :, :]).reshape(S * C, D)
    seq_flat = sequence.reshape(-1).astype(jnp.int32)
    cidx = (
        jnp.arange(S, dtype=jnp.int32)[None, :] * C
        + segment_labels.astype(jnp.int32)
    ).reshape(-1)
    out = _build(B * S, D, S * C)(seq_flat, cidx, token_table, comb)
    return out.reshape(B, S, D)

# --- scband reference (transcript-rebuilt; emitter-appended) ---
"""Pipeline reference for scband-bert-embedding-35983236006550 (READ-ONLY COPY).

The authoritative reference and input builder live on the scoring server;
editing this copy changes nothing except your own understanding.
"""

import jax, jax.numpy as jnp
import numpy as np

BATCH = 4096
SEQ = 200
VOCAB = 100000
DIM = 128
NUM_SEGMENTS = 3


def setup_inputs(seed: int = 0) -> dict:
    key = jax.random.key(seed)
    k1, k2, k3, k4, k5 = jax.random.split(key, 5)
    sequence = jax.random.randint(k1, (BATCH, SEQ), 0, VOCAB, dtype=jnp.int64 if jax.config.jax_enable_x64 else jnp.int32)
    segment_labels = jax.random.randint(k2, (BATCH, SEQ), 0, 2, dtype=jnp.int64 if jax.config.jax_enable_x64 else jnp.int32)
    token_table = jax.random.normal(k3, (VOCAB, DIM), dtype=jnp.float32) * 0.02
    segment_table = jax.random.normal(k4, (NUM_SEGMENTS, DIM), dtype=jnp.float32) * 0.02
    pos_table = jax.random.normal(k5, (SEQ, DIM), dtype=jnp.float32) * 0.02
    return {
        "sequence": sequence,
        "segment_labels": segment_labels,
        "token_table": token_table,
        "segment_table": segment_table,
        "pos_table": pos_table,
    }


def reference(sequence, segment_labels, token_table, segment_table, pos_table):
    # TokenEmbedding: gather rows of the token table by token id
    tok = jnp.take(token_table, sequence, axis=0)          # [B, S, D]
    # PositionEmbedding: lookup by position index 0..S-1, broadcast over batch
    pos = pos_table[None, :, :]                             # [1, S, D]
    # SegmentEmbedding: gather rows of the segment table by segment label
    seg = jnp.take(segment_table, segment_labels, axis=0)  # [B, S, D]
    x = tok + pos + seg
    # dropout is identity in eval mode (the original code stores a float rate)
    return x

if __name__ == "__main__":
    import jax
    _d = setup_inputs()
    print(jax.jit(kernel)(*tuple(_d.values())))

</pallas_src>

<mosaic_0001>
#map = affine_map<(d0, d1) -> (0)>
#map1 = affine_map<(d0, d1) -> (0, 0)>
module attributes {stable_mosaic.version = 14 : i64} {
  func.func @k(%arg0: i32, %arg1: i32, %arg2: memref<819200xi32, #tpu.memory_space<hbm>>, %arg3: memref<819200xi32, #tpu.memory_space<hbm>>, %arg4: memref<100000x128xf32, #tpu.memory_space<hbm>>, %arg5: memref<600x128xf32, #tpu.memory_space<hbm>>, %arg6: memref<819200x128xf32, #tpu.memory_space<hbm>>, %arg7: memref<25600xi32, #tpu.memory_space<vmem>>, %arg8: memref<25600xi32, #tpu.memory_space<vmem>>, %arg9: memref<128x128xf32, #tpu.memory_space<vmem>>, %arg10: memref<128x128xf32, #tpu.memory_space<vmem>>, %arg11: memref<128x128xf32, #tpu.memory_space<vmem>>, %arg12: memref<128x128xf32, #tpu.memory_space<vmem>>, %arg13: memref<600x128xf32, #tpu.memory_space<vmem_shared>>, %arg14: memref<!tpu.dma_semaphore, #tpu.memory_space<semaphore_mem>>, %arg15: memref<!tpu.dma_semaphore, #tpu.memory_space<semaphore_mem>>, %arg16: memref<!tpu.dma_semaphore, #tpu.memory_space<semaphore_mem>>, %arg17: memref<!tpu.dma_semaphore, #tpu.memory_space<semaphore_mem>>, %arg18: memref<!tpu.dma_semaphore, #tpu.memory_space<semaphore_mem>>, %arg19: memref<!tpu.dma_semaphore, #tpu.memory_space<semaphore_mem>>) attributes {dimension_semantics = [#tpu.dimension_semantics<core_parallel>, #tpu.dimension_semantics<subcore_parallel>], iteration_bounds = array<i64: 2, 16>, scalar_prefetch = 0 : i64, scratch_operands = 13 : i64, tpu.core_type = #tpu.core_type<sc_vector_subcore>, window_params = [{transform_indices = #map}, {transform_indices = #map}, {transform_indices = #map1}, {transform_indices = #map1}, {transform_indices = #map1}]} {
    %mul3A = arith.constant 2 : i32
    %mul3A_0 = arith.muli %arg1, %mul3A : i32
    %add3A = arith.addi %mul3A_0, %arg0 : i32
    %mul3A_1 = arith.constant 25600 : i32
    %mul3A_2 = arith.muli %add3A, %mul3A_1 : i32
    %eq3A = arith.constant 0 : i32
    %eq3A_3 = arith.cmpi eq, %arg1, %eq3A : i32
    %convert_element_type3A = arith.extui %eq3A_3 : i1 to i32
    %cond3A = arith.constant 0 : i32
    %cond3A_4 = arith.cmpi ne, %convert_element_type3A, %cond3A : i32
    scf.if %cond3A_4 {
      "tpu.region"() ({
        %run_scoped3A = tpu.sem_alloc : memref<!tpu.dma_semaphore, #tpu.memory_space<semaphore_mem>>
        tpu.enqueue_dma source(%arg5 : memref<600x128xf32, #tpu.memory_space<hbm>>) target(%arg13 : memref<600x128xf32, #tpu.memory_space<vmem_shared>>) target_semaphore(%run_scoped3A : memref<!tpu.dma_semaphore, #tpu.memory_space<semaphore_mem>>)
        tpu.wait_dma2 semaphore(%run_scoped3A : memref<!tpu.dma_semaphore, #tpu.memory_space<semaphore_mem>>) src(%arg5 : memref<600x128xf32, #tpu.memory_space<hbm>>) dst(%arg13 : memref<600x128xf32, #tpu.memory_space<vmem_shared>>)
        tpu.yield
      }) : () -> ()
    } else {
    }
    %barrier3A = arith.constant 0 : index
    tpu.barrier barrier_id(%barrier3A)
    "tpu.region"() ({
      %run_scoped3A = tpu.sem_alloc : memref<!tpu.dma_semaphore, #tpu.memory_space<semaphore_mem>>
      %dma_start3A_179 = tpu.memref_slice %arg2[%mul3A_2] : memref<819200xi32, #tpu.memory_space<hbm>> -> memref<25600xi32, #tpu.memory_space<hbm>>
      %dma_start3A_180 = tpu.memref_slice %arg2[%mul3A_2] : memref<819200xi32, #tpu.memory_space<hbm>> -> memref<25600xi32, #tpu.memory_space<hbm>>
      tpu.enqueue_dma source(%dma_start3A_180 : memref<25600xi32, #tpu.memory_space<hbm>>) target(%arg7 : memref<25600xi32, #tpu.memory_space<vmem>>) target_semaphore(%run_scoped3A : memref<!tpu.dma_semaphore, #tpu.memory_space<semaphore_mem>>)
      %dma_wait3A_181 = tpu.memref_slice %arg2[%mul3A_2] : memref<819200xi32, #tpu.memory_space<hbm>> -> memref<25600xi32, #tpu.memory_space<hbm>>
      %dma_wait3A_182 = tpu.memref_slice %arg2[%mul3A_2] : memref<819200xi32, #tpu.memory_space<hbm>> -> memref<25600xi32, #tpu.memory_space<hbm>>
      tpu.wait_dma2 semaphore(%run_scoped3A : memref<!tpu.dma_semaphore, #tpu.memory_space<semaphore_mem>>) src(%dma_wait3A_182 : memref<25600xi32, #tpu.memory_space<hbm>>) dst(%arg7 : memref<25600xi32, #tpu.memory_space<vmem>>)
      tpu.yield
    }) : () -> ()
    "tpu.region"() ({
      %run_scoped3A = tpu.sem_alloc : memref<!tpu.dma_semaphore, #tpu.memory_space<semaphore_mem>>
      %dma_start3A_179 = tpu.memref_slice %arg3[%mul3A_2] : memref<819200xi32, #tpu.memory_space<hbm>> -> memref<25600xi32, #tpu.memory_space<hbm>>
      %dma_start3A_180 = tpu.memref_slice %arg3[%mul3A_2] : memref<819200xi32, #tpu.memory_space<hbm>> -> memref<25600xi32, #tpu.memory_space<hbm>>
      tpu.enqueue_dma source(%dma_start3A_180 : memref<25600xi32, #tpu.memory_space<hbm>>) target(%arg8 : memref<25600xi32, #tpu.memory_space<vmem>>) target_semaphore(%run_scoped3A : memref<!tpu.dma_semaphore, #tpu.memory_space<semaphore_mem>>)
      %dma_wait3A_181 = tpu.memref_slice %arg3[%mul3A_2] : memref<819200xi32, #tpu.memory_space<hbm>> -> memref<25600xi32, #tpu.memory_space<hbm>>
      %dma_wait3A_182 = tpu.memref_slice %arg3[%mul3A_2] : memref<819200xi32, #tpu.memory_space<hbm>> -> memref<25600xi32, #tpu.memory_space<hbm>>
      tpu.wait_dma2 semaphore(%run_scoped3A : memref<!tpu.dma_semaphore, #tpu.memory_space<semaphore_mem>>) src(%dma_wait3A_182 : memref<25600xi32, #tpu.memory_space<hbm>>) dst(%arg8 : memref<25600xi32, #tpu.memory_space<vmem>>)
      tpu.yield
    }) : () -> ()
    %dma_start3A = arith.constant 0 : i32
    %dma_start3A_5 = tpu.memref_slice %arg7[%dma_start3A] : memref<25600xi32, #tpu.memory_space<vmem>> -> memref<128xi32, #tpu.memory_space<vmem>>
    %dma_start3A_6 = arith.constant 0 : i32
    %dma_start3A_7 = arith.constant 0 : i32
    %dma_start3A_8 = tpu.memref_slice %arg4[%dma_start3A_6, %dma_start3A_7] : memref<100000x128xf32, #tpu.memory_space<hbm>> -> memref<100000x128xf32, #tpu.memory_space<hbm>>
    tpu.enqueue_indirect_dma source(%dma_start3A_8 : memref<100000x128xf32, #tpu.memory_space<hbm>>) target(%arg9 : memref<128x128xf32, #tpu.memory_space<vmem>>) offsets(%dma_start3A_5 : memref<128xi32, #tpu.memory_space<vmem>>) semaphore(%arg14 : memref<!tpu.dma_semaphore, #tpu.memory_space<semaphore_mem>>)
    %dma_start3A_9 = arith.constant 0 : i32
    %dma_start3A_10 = tpu.memref_slice %arg8[%dma_start3A_9] : memref<25600xi32, #tpu.memory_space<vmem>> -> memref<128xi32, #tpu.memory_space<vmem>>
    %dma_start3A_11 = arith.constant 0 : i32
    %dma_start3A_12 = arith.constant 0 : i32
    %dma_start3A_13 = tpu.memref_slice %arg13[%dma_start3A_11, %dma_start3A_12] : memref<600x128xf32, #tpu.memory_space<vmem_shared>> -> memref<600x128xf32, #tpu.memory_space<vmem_shared>>
    tpu.enqueue_indirect_dma source(%dma_start3A_13 : memref<600x128xf32, #tpu.memory_space<vmem_shared>>) target(%arg11 : memref<128x128xf32, #tpu.memory_space<vmem>>) offsets(%dma_start3A_10 : memref<128xi32, #tpu.memory_space<vmem>>) semaphore(%arg16 : memref<!tpu.dma_semaphore, #tpu.memory_space<semaphore_mem>>)
    %dma_start3A_14 = arith.constant 128 : i32
    %dma_start3A_15 = tpu.memref_slice %arg7[%dma_start3A_14] : memref<25600xi32, #tpu.memory_space<vmem>> -> memref<128xi32, #tpu.memory_space<vmem>>
    %dma_start3A_16 = arith.constant 0 : i32
    %dma_start3A_17 = arith.constant 0 : i32
    %dma_start3A_18 = tpu.memref_slice %arg4[%dma_start3A_16, %dma_start3A_17] : memref<100000x128xf32, #tpu.memory_space<hbm>> -> memref<100000x128xf32, #tpu.memory_space<hbm>>
    tpu.enqueue_indirect_dma source(%dma_start3A_18 : memref<100000x128xf32, #tpu.memory_space<hbm>>) target(%arg10 : memref<128x128xf32, #tpu.memory_space<vmem>>) offsets(%dma_start3A_15 : memref<128xi32, #tpu.memory_space<vmem>>) semaphore(%arg15 : memref<!tpu.dma_semaphore, #tpu.memory_space<semaphore_mem>>)
    %dma_start3A_19 = arith.constant 128 : i32
    %dma_start3A_20 = tpu.memref_slice %arg8[%dma_start3A_19] : memref<25600xi32, #tpu.memory_space<vmem>> -> memref<128xi32, #tpu.memory_space<vmem>>
    %dma_start3A_21 = arith.constant 0 : i32
    %dma_start3A_22 = arith.constant 0 : i32
    %dma_start3A_23 = tpu.memref_slice %arg13[%dma_start3A_21, %dma_start3A_22] : memref<600x128xf32, #tpu.memory_space<vmem_shared>> -> memref<600x128xf32, #tpu.memory_space<vmem_shared>>
    tpu.enqueue_indirect_dma source(%dma_start3A_23 : memref<600x128xf32, #tpu.memory_space<vmem_shared>>) target(%arg12 : memref<128x128xf32, #tpu.memory_space<vmem>>) offsets(%dma_start3A_20 : memref<128xi32, #tpu.memory_space<vmem>>) semaphore(%arg17 : memref<!tpu.dma_semaphore, #tpu.memory_space<semaphore_mem>>)
    %dma_wait3A = arith.constant 0 : i32
    %dma_wait3A_24 = tpu.memref_slice %arg7[%dma_wait3A] : memref<25600xi32, #tpu.memory_space<vmem>> -> memref<128xi32, #tpu.memory_space<vmem>>
    %dma_wait3A_25 = arith.constant 0 : i32
    %dma_wait3A_26 = arith.constant 0 : i32
    %dma_wait3A_27 = tpu.memref_slice %arg4[%dma_wait3A_25, %dma_wait3A_26] : memref<100000x128xf32, #tpu.memory_space<hbm>> -> memref<100000x128xf32, #tpu.memory_space<hbm>>
    tpu.wait_indirect_dma semaphore(%arg14 : memref<!tpu.dma_semaphore, #tpu.memory_space<semaphore_mem>>) src(%dma_wait3A_27 : memref<100000x128xf32, #tpu.memory_space<hbm>>) dst(%arg9 : memref<128x128xf32, #tpu.memory_space<vmem>>)
    %dma_wait3A_28 = arith.constant 0 : i32
    %dma_wait3A_29 = tpu.memref_slice %arg8[%dma_wait3A_28] : memref<25600xi32, #tpu.memory_space<vmem>> -> memref<128xi32, #tpu.memory_space<vmem>>
    %dma_wait3A_30 = arith.constant 0 : i32
    %dma_wait3A_31 = arith.constant 0 : i32
    %dma_wait3A_32 = tpu.memref_slice %arg13[%dma_wait3A_30, %dma_wait3A_31] : memref<600x128xf32, #tpu.memory_space<vmem_shared>> -> memref<600x128xf32, #tpu.memory_space<vmem_shared>>
    tpu.wait_indirect_dma semaphore(%arg16 : memref<!tpu.dma_semaphore, #tpu.memory_space<semaphore_mem>>) src(%dma_wait3A_32 : memref<600x128xf32, #tpu.memory_space<vmem_shared>>) dst(%arg11 : memref<128x128xf32, #tpu.memory_space<vmem>>)
    %scan3A = arith.constant 0 : i32
    %scan3A_33 = arith.constant 16 : i32
    %scan3A_34 = arith.addi %scan3A, %scan3A_33 : i32
    %scan3A_35 = arith.constant 1 : i32
    scf.for %scan3A_179 = %scan3A to %scan3A_34 step %scan3A_35  : i32 {
      %mul3A_180 = arith.constant 4 : i32
      %mul3A_181 = arith.muli %scan3A_179, %mul3A_180 : i32
      %add3A_182 = arith.constant 0 : i32
      %add3A_183 = arith.addi %add3A_182, %mul3A_181 : i32
      %add3A_184 = arith.constant 0 : i32
      %add3A_185 = arith.addi %add3A_183, %add3A_184 : i32
      %add3A_186 = arith.constant 0 : i32
      %add3A_187 = arith.addi %add3A_183, %add3A_186 : i32
      %get3A = arith.index_cast %add3A_187 : i32 to index
      %get3A_188 = arith.constant 0 : index
      %get3A_189 = tpu.vector_load %arg11[%get3A, %get3A_188] {strides = array<i32>} : memref<128x128xf32, #tpu.memory_space<vmem>>, vector<1x16xf32>,
      %get3A_190 = vector.shape_cast %get3A_189 : vector<1x16xf32> to vector<16xf32>
      %swap3A = arith.index_cast %add3A_185 : i32 to index
      %swap3A_191 = arith.constant 0 : index
      %swap3A_192 = tpu.vector_load %arg9[%swap3A, %swap3A_191] {strides = array<i32>} : memref<128x128xf32, #tpu.memory_space<vmem>>, vector<1x16xf32>,
      %swap3A_193 = vector.shape_cast %swap3A_192 : vector<1x16xf32> to vector<16xf32>
      %swap3A_194 = vector.shape_cast %get3A_190 : vector<16xf32> to vector<1x16xf32>
      tpu.vector_store %arg9[%swap3A, %swap3A_191], %swap3A_194 {add = true, strides = array<i32>} : memref<128x128xf32, #tpu.memory_space<vmem>>, vector<1x16xf32>,
      %add3A_195 = arith.constant 0 : i32
      %add3A_196 = arith.addi %add3A_183, %add3A_195 : i32
      %add3A_197 = arith.constant 0 : i32
      %add3A_198 = arith.addi %add3A_183, %add3A_197 : i32
      %get3A_199 = arith.index_cast %add3A_198 : i32 to index
      %get3A_200 = arith.constant 16 : index
      %get3A_201 = tpu.vector_load %arg11[%get3A_199, %get3A_200] {strides = array<i32>} : memref<128x128xf32, #tpu.memory_space<vmem>>, vector<1x16xf32>,
      %get3A_202 = vector.shape_cast %get3A_201 : vector<1x16xf32> to vector<16xf32>
      %swap3A_203 = arith.index_cast %add3A_196 : i32 to index
      %swap3A_204 = arith.constant 16 : index
      %swap3A_205 = tpu.vector_load %arg9[%swap3A_203, %swap3A_204] {strides = array<i32>} : memref<128x128xf32, #tpu.memory_space<vmem>>, vector<1x16xf32>,
      %swap3A_206 = vector.shape_cast %swap3A_205 : vector<1x16xf32> to vector<16xf32>
      %swap3A_207 = vector.shape_cast %get3A_202 : vector<16xf32> to vector<1x16xf32>
      tpu.vector_store %arg9[%swap3A_203, %swap3A_204], %swap3A_207 {add = true, strides = array<i32>} : memref<128x128xf32, #tpu.memory_space<vmem>>, vector<1x16xf32>,
      %add3A_208 = arith.constant 0 : i32
      %add3A_209 = arith.addi %add3A_183, %add3A_208 : i32
      %add3A_210 = arith.constant 0 : i32
      %add3A_211 = arith.addi %add3A_183, %add3A_210 : i32
      %get3A_212 = arith.index_cast %add3A_211 : i32 to index
      %get3A_213 = arith.constant 32 : index
      %get3A_214 = tpu.vector_load %arg11[%get3A_212, %get3A_213] {strides = array<i32>} : memref<128x128xf32, #tpu.memory_space<vmem>>, vector<1x16xf32>,
      %get3A_215 = vector.shape_cast %get3A_214 : vector<1x16xf32> to vector<16xf32>
      %swap3A_216 = arith.index_cast %add3A_209 : i32 to index
      %swap3A_217 = arith.constant 32 : index
      %swap3A_218 = tpu.vector_load %arg9[%swap3A_216, %swap3A_217] {strides = array<i32>} : memref<128x128xf32, #tpu.memory_space<vmem>>, vector<1x16xf32>,
      %swap3A_219 = vector.shape_cast %swap3A_218 : vector<1x16xf32> to vector<16xf32>
      %swap3A_220 = vector.shape_cast %get3A_215 : vector<16xf32> to vector<1x16xf32>
      tpu.vector_store %arg9[%swap3A_216, %swap3A_217], %swap3A_220 {add = true, strides = array<i32>} : memref<128x128xf32, #tpu.memory_space<vmem>>, vector<1x16xf32>,
      %add3A_221 = arith.constant 0 : i32
      %add3A_222 = arith.addi %add3A_183, %add3A_221 : i32
      %add3A_223 = arith.constant 0 : i32
      %add3A_224 = arith.addi %add3A_183, %add3A_223 : i32
      %get3A_225 = arith.index_cast %add3A_224 : i32 to index
      %get3A_226 = arith.constant 48 : index
      %get3A_227 = tpu.vector_load %arg11[%get3A_225, %get3A_226] {strides = array<i32>} : memref<128x128xf32, #tpu.memory_space<vmem>>, vector<1x16xf32>,
      %get3A_228 = vector.shape_cast %get3A_227 : vector<1x16xf32> to vector<16xf32>
      %swap3A_229 = arith.index_cast %add3A_222 : i32 to index
      %swap3A_230 = arith.constant 48 : index
      %swap3A_231 = tpu.vector_load %arg9[%swap3A_229, %swap3A_230] {strides = array<i32>} : memref<128x128xf32, #tpu.memory_space<vmem>>, vector<1x16xf32>,
      %swap3A_232 = vector.shape_cast %swap3A_231 : vector<1x16xf32> to vector<16xf32>
      %swap3A_233 = vector.shape_cast %get3A_228 : vector<16xf32> to vector<1x16xf32>
      tpu.vector_store %arg9[%swap3A_229, %swap3A_230], %swap3A_233 {add = true, strides = array<i32>} : memref<128x128xf32, #tpu.memory_space<vmem>>, vector<1x16xf32>,
      %add3A_234 = arith.constant 0 : i32
      %add3A_235 = arith.addi %add3A_183, %add3A_234 : i32
      %add3A_236 = arith.constant 0 : i32
      %add3A_237 = arith.addi %add3A_183, %add3A_236 : i32
      %get3A_238 = arith.index_cast %add3A_237 : i32 to index
      %get3A_239 = arith.constant 64 : index
      %get3A_240 = tpu.vector_load %arg11[%get3A_238, %get3A_239] {strides = array<i32>} : memref<128x128xf32, #tpu.memory_space<vmem>>, vector<1x16xf32>,
      %get3A_241 = vector.shape_cast %get3A_240 : vector<1x16xf32> to vector<16xf32>
      %swap3A_242 = arith.index_cast %add3A_235 : i32 to index
      %swap3A_243 = arith.constant 64 : index
      %swap3A_244 = tpu.vector_load %arg9[%swap3A_242, %swap3A_243] {strides = array<i32>} : memref<128x128xf32, #tpu.memory_space<vmem>>, vector<1x16xf32>,
      %swap3A_245 = vector.shape_cast %swap3A_244 : vector<1x16xf32> to vector<16xf32>
      %swap3A_246 = vector.shape_cast %get3A_241 : vector<16xf32> to vector<1x16xf32>
      tpu.vector_store %arg9[%swap3A_242, %swap3A_243], %swap3A_246 {add = true, strides = array<i32>} : memref<128x128xf32, #tpu.memory_space<vmem>>, vector<1x16xf32>,
      %add3A_247 = arith.constant 0 : i32
      %add3A_248 = arith.addi %add3A_183, %add3A_247 : i32
      %add3A_249 = arith.constant 0 : i32
      %add3A_250 = arith.addi %add3A_183, %add3A_249 : i32
      %get3A_251 = arith.index_cast %add3A_250 : i32 to index
      %get3A_252 = arith.constant 80 : index
      %get3A_253 = tpu.vector_load %arg11[%get3A_251, %get3A_252] {strides = array<i32>} : memref<128x128xf32, #tpu.memory_space<vmem>>, vector<1x16xf32>,
      %get3A_254 = vector.shape_cast %get3A_253 : vector<1x16xf32> to vector<16xf32>
      %swap3A_255 = arith.index_cast %add3A_248 : i32 to index
      %swap3A_256 = arith.constant 80 : index
      %swap3A_257 = tpu.vector_load %arg9[%swap3A_255, %swap3A_256] {strides = array<i32>} : memref<128x128xf32, #tpu.memory_space<vmem>>, vector<1x16xf32>,
      %swap3A_258 = vector.shape_cast %swap3A_257 : vector<1x16xf32> to vector<16xf32>
      %swap3A_259 = vector.shape_cast %get3A_254 : vector<16xf32> to vector<1x16xf32>
      tpu.vector_store %arg9[%swap3A_255, %swap3A_256], %swap3A_259 {add = true, strides = array<i32>} : memref<128x128xf32, #tpu.memory_space<vmem>>, vector<1x16xf32>,
      %add3A_260 = arith.constant 0 : i32
      %add3A_261 = arith.addi %add3A_183, %add3A_260 : i32
      %add3A_262 = arith.constant 0 : i32
      %add3A_263 = arith.addi %add3A_183, %add3A_262 : i32
      %get3A_264 = arith.index_cast %add3A_263 : i32 to index
      %get3A_265 = arith.constant 96 : index
      %get3A_266 = tpu.vector_load %arg11[%get3A_264, %get3A_265] {strides = array<i32>} : memref<128x128xf32, #tpu.memory_space<vmem>>, vector<1x16xf32>,
      %get3A_267 = vector.shape_cast %get3A_266 : vector<1x16xf32> to vector<16xf32>
      %swap3A_268 = arith.index_cast %add3A_261 : i32 to index
      %swap3A_269 = arith.constant 96 : index
      %swap3A_270 = tpu.vector_load %arg9[%swap3A_268, %swap3A_269] {strides = array<i32>} : memref<128x128xf32, #tpu.memory_space<vmem>>, vector<1x16xf32>,
      %swap3A_271 = vector.shape_cast %swap3A_270 : vector<1x16xf32> to vector<16xf32>
      %swap3A_272 = vector.shape_cast %get3A_267 : vector<16xf32> to vector<1x16xf32>
      tpu.vector_store %arg9[%swap3A_268, %swap3A_269], %swap3A_272 {add = true, strides = array<i32>} : memref<128x128xf32, #tpu.memory_space<vmem>>, vector<1x16xf32>,
      %add3A_273 = arith.constant 0 : i32
      %add3A_274 = arith.addi %add3A_183, %add3A_273 : i32
      %add3A_275 = arith.constant 0 : i32
      %add3A_276 = arith.addi %add3A_183, %add3A_275 : i32
      %get3A_277 = arith.index_cast %add3A_276 : i32 to index
      %get3A_278 = arith.constant 112 : index
      %get3A_279 = tpu.vector_load %arg11[%get3A_277, %get3A_278] {strides = array<i32>} : memref<128x128xf32, #tpu.memory_space<vmem>>, vector<1x16xf32>,
      %get3A_280 = vector.shape_cast %get3A_279 : vector<1x16xf32> to vector<16xf32>
      %swap3A_281 = arith.index_cast %add3A_274 : i32 to index
      %swap3A_282 = arith.constant 112 : index
      %swap3A_283 = tpu.vector_load %arg9[%swap3A_281, %swap3A_282] {strides = array<i32>} : memref<128x128xf32, #tpu.memory_space<vmem>>, vector<1x16xf32>,
      %swap3A_284 = vector.shape_cast %swap3A_283 : vector<1x16xf32> to vector<16xf32>
      %swap3A_285 = vector.shape_cast %get3A_280 : vector<16xf32> to vector<1x16xf32>
      tpu.vector_store %arg9[%swap3A_281, %swap3A_282], %swap3A_285 {add = true, strides = array<i32>} : memref<128x128xf32, #tpu.memory_space<vmem>>, vector<1x16xf32>,
      %add3A_286 = arith.constant 1 : i32
      %add3A_287 = arith.addi %add3A_183, %add3A_286 : i32
      %add3A_288 = arith.constant 1 : i32
      %add3A_289 = arith.addi %add3A_183, %add3A_288 : i32
      %get3A_290 = arith.index_cast %add3A_289 : i32 to index
      %get3A_291 = arith.constant 0 : index
      %get3A_292 = tpu.vector_load %arg11[%get3A_290, %get3A_291] {strides = array<i32>} : memref<128x128xf32, #tpu.memory_space<vmem>>, vector<1x16xf32>,
      %get3A_293 = vector.shape_cast %get3A_292 : vector<1x16xf32> to vector<16xf32>
      %swap3A_294 = arith.index_cast %add3A_287 : i32 to index
      %swap3A_295 = arith.constant 0 : index
      %swap3A_296 = tpu.vector_load %arg9[%swap3A_294, %swap3A_295] {strides = array<i32>} : memref<128x128xf32, #tpu.memory_space<vmem>>, vector<1x16xf32>,
      %swap3A_297 = vector.shape_cast %swap3A_296 : vector<1x16xf32> to vector<16xf32>
      %swap3A_298 = vector.shape_cast %get3A_293 : vector<16xf32> to vector<1x16xf32>
      tpu.vector_store %arg9[%swap3A_294, %swap3A_295], %swap3A_298 {add = true, strides = array<i32>} : memref<128x128xf32, #tpu.memory_space<vmem>>, vector<1x16xf32>,
      %add3A_299 = arith.constant 1 : i32
      %add3A_300 = arith.addi %add3A_183, %add3A_299 : i32
      %add3A_301 = arith.constant 1 : i32
      %add3A_302 = arith.addi %add3A_183, %add3A_301 : i32
      %get3A_303 = arith.index_cast %add3A_302 : i32 to index
      %get3A_304 = arith.constant 16 : index
      %get3A_305 = tpu.vector_load %arg11[%get3A_303, %get3A_304] {strides = array<i32>} : memref<128x128xf32, #tpu.memory_space<vmem>>, vector<1x16xf32>,
      %get3A_306 = vector.shape_cast %get3A_305 : vector<1x16xf32> to vector<16xf32>
      %swap3A_307 = arith.index_cast %add3A_300 : i32 to index
      %swap3A_308 = arith.constant 16 : index
      %swap3A_309 = tpu.vector_load %arg9[%swap3A_307, %swap3A_308] {strides = array<i32>} : memref<128x128xf32, #tpu.memory_space<vmem>>, vector<1x16xf32>,
      %swap3A_310 = vector.shape_cast %swap3A_309 : vector<1x16xf32> to vector<16xf32>
      %swap3A_311 = vector.shape_cast %get3A_306 : vector<16xf32> to vector<1x16xf32>
      tpu.vector_store %arg9[%swap3A_307, %swap3A_308], %swap3A_311 {add = true, strides = array<i32>} : memref<128x128xf32, #tpu.memory_space<vmem>>, vector<1x16xf32>,
      %add3A_312 = arith.constant 1 : i32
      %add3A_313 = arith.addi %add3A_183, %add3A_312 : i32
      %add3A_314 = arith.constant 1 : i32
      %add3A_315 = arith.addi %add3A_183, %add3A_314 : i32
      %get3A_316 = arith.index_cast %add3A_315 : i32 to index
      %get3A_317 = arith.constant 32 : index
      %get3A_318 = tpu.vector_load %arg11[%get3A_316, %get3A_317] {strides = array<i32>} : memref<128x128xf32, #tpu.memory_space<vmem>>, vector<1x16xf32>,
      %get3A_319 = vector.shape_cast %get3A_318 : vector<1x16xf32> to vector<16xf32>
      %swap3A_320 = arith.index_cast %add3A_313 : i32 to index
      %swap3A_321 = arith.constant 32 : index
      %swap3A_322 = tpu.vector_load %arg9[%swap3A_320, %swap3A_321] {strides = array<i32>} : memref<128x128xf32, #tpu.memory_space<vmem>>, vector<1x16xf32>,
      %swap3A_323 = vector.shape_cast %swap3A_322 : vector<1x16xf32> to vector<16xf32>
      %swap3A_324 = vector.shape_cast %get3A_319 : vector<16xf32> to vector<1x16xf32>
      tpu.vector_store %arg9[%swap3A_320, %swap3A_321], %swap3A_324 {add = true, strides = array<i32>} : memref<128x128xf32, #tpu.memory_space<vmem>>, vector<1x16xf32>,
      %add3A_325 = arith.constant 1 : i32
      %add3A_326 = arith.addi %add3A_183, %add3A_325 : i32
      %add3A_327 = arith.constant 1 : i32
      %add3A_328 = arith.addi %add3A_183, %add3A_327 : i32
      %get3A_329 = arith.index_cast %add3A_328 : i32 to index
      %get3A_330 = arith.constant 48 : index
      %get3A_331 = tpu.vector_load %arg11[%get3A_329, %get3A_330] {strides = array<i32>} : memref<128x128xf32, #tpu.memory_space<vmem>>, vector<1x16xf32>,
      %get3A_332 = vector.shape_cast %get3A_331 : vector<1x16xf32> to vector<16xf32>
      %swap3A_333 = arith.index_cast %add3A_326 : i32 to index
      %swap3A_334 = arith.constant 48 : index
      %swap3A_335 = tpu.vector_load %arg9[%swap3A_333, %swap3A_334] {strides = array<i32>} : memref<128x128xf32, #tpu.memory_space<vmem>>, vector<1x16xf32>,
      %swap3A_336 = vector.shape_cast %swap3A_335 : vector<1x16xf32> to vector<16xf32>
      %swap3A_337 = vector.shape_cast %get3A_332 : vector<16xf32> to vector<1x16xf32>
      tpu.vector_store %arg9[%swap3A_333, %swap3A_334], %swap3A_337 {add = true, strides = array<i32>} : memref<128x128xf32, #tpu.memory_space<vmem>>, vector<1x16xf32>,
      %add3A_338 = arith.constant 1 : i32
      %add3A_339 = arith.addi %add3A_183, %add3A_338 : i32
      %add3A_340 = arith.constant 1 : i32
      %add3A_341 = arith.addi %add3A_183, %add3A_340 : i32
      %get3A_342 = arith.index_cast %add3A_341 : i32 to index
      %get3A_343 = arith.constant 64 : index
      %get3A_344 = tpu.vector_load %arg11[%get3A_342, %get3A_343] {strides = array<i32>} : memref<128x128xf32, #tpu.memory_space<vmem>>, vector<1x16xf32>,
      %get3A_345 = vector.shape_cast %get3A_344 : vector<1x16xf32> to vector<16xf32>
      %swap3A_346 = arith.index_cast %add3A_339 : i32 to index
      %swap3A_347 = arith.constant 64 : index
      %swap3A_348 = tpu.vector_load %arg9[%swap3A_346, %swap3A_347] {strides = array<i32>} : memref<128x128xf32, #tpu.memory_space<vmem>>, vector<1x16xf32>,
      %swap3A_349 = vector.shape_cast %swap3A_348 : vector<1x16xf32> to vector<16xf32>
      %swap3A_350 = vector.shape_cast %get3A_345 : vector<16xf32> to vector<1x16xf32>
      tpu.vector_store %arg9[%swap3A_346, %swap3A_347], %swap3A_350 {add = true, strides = array<i32>} : memref<128x128xf32, #tpu.memory_space<vmem>>, vector<1x16xf32>,
      %add3A_351 = arith.constant 1 : i32
      %add3A_352 = arith.addi %add3A_183, %add3A_351 : i32
      %add3A_353 = arith.constant 1 : i32
      %add3A_354 = arith.addi %add3A_183, %add3A_353 : i32
      %get3A_355 = arith.index_cast %add3A_354 : i32 to index
      %get3A_356 = arith.constant 80 : index
      %get3A_357 = tpu.vector_load %arg11[%get3A_355, %get3A_356] {strides = array<i32>} : memref<128x128xf32, #tpu.memory_space<vmem>>, vector<1x16xf32>,
      %get3A_358 = vector.shape_cast %get3A_357 : vector<1x16xf32> to vector<16xf32>
      %swap3A_359 = arith.index_cast %add3A_352 : i32 to index
      %swap3A_360 = arith.constant 80 : index
      %swap3A_361 = tpu.vector_load %arg9[%swap3A_359, %swap3A_360] {strides = array<i32>} : memref<128x128xf32, #tpu.memory_space<vmem>>, vector<1x16xf32>,
      %swap3A_362 = vector.shape_cast %swap3A_361 : vector<1x16xf32> to vector<16xf32>
      %swap3A_363 = vector.shape_cast %get3A_358 : vector<16xf32> to vector<1x16xf32>
      tpu.vector_store %arg9[%swap3A_359, %swap3A_360], %swap3A_363 {add = true, strides = array<i32>} : memref<128x128xf32, #tpu.memory_space<vmem>>, vector<1x16xf32>,
      %add3A_364 = arith.constant 1 : i32
      %add3A_365 = arith.addi %add3A_183, %add3A_364 : i32
      %add3A_366 = arith.constant 1 : i32
      %add3A_367 = arith.addi %add3A_183, %add3A_366 : i32
      %get3A_368 = arith.index_cast %add3A_367 : i32 to index
      %get3A_369 = arith.constant 96 : index
      %get3A_370 = tpu.vector_load %arg11[%get3A_368, %get3A_369] {strides = array<i32>} : memref<128x128xf32, #tpu.memory_space<vmem>>, vector<1x16xf32>,
      %get3A_371 = vector.shape_cast %get3A_370 : vector<1x16xf32> to vector<16xf32>
      %swap3A_372 = arith.index_cast %add3A_365 : i32 to index
      %swap3A_373 = arith.constant 96 : index
      %swap3A_374 = tpu.vector_load %arg9[%swap3A_372, %swap3A_373] {strides = array<i32>} : memref<128x128xf32, #tpu.memory_space<vmem>>, vector<1x16xf32>,
      %swap3A_375 = vector.shape_cast %swap3A_374 : vector<1x16xf32> to vector<16xf32>
      %swap3A_376 = vector.shape_cast %get3A_371 : vector<16xf32> to vector<1x16xf32>
      tpu.vector_store %arg9[%swap3A_372, %swap3A_373], %swap3A_376 {add = true, strides = array<i32>} : memref<128x128xf32, #tpu.memory_space<vmem>>, vector<1x16xf32>,
      %add3A_377 = arith.constant 1 : i32
      %add3A_378 = arith.addi %add3A_183, %add3A_377 : i32
      %add3A_379 = arith.constant 1 : i32
      %add3A_380 = arith.addi %add3A_183, %add3A_379 : i32
      %get3A_381 = arith.index_cast %add3A_380 : i32 to index
      %get3A_382 = arith.constant 112 : index
      %get3A_383 = tpu.vector_load %arg11[%get3A_381, %get3A_382] {strides = array<i32>} : memref<128x128xf32, #tpu.memory_space<vmem>>, vector<1x16xf32>,
      %get3A_384 = vector.shape_cast %get3A_383 : vector<1x16xf32> to vector<16xf32>
      %swap3A_385 = arith.index_cast %add3A_378 : i32 to index
      %swap3A_386 = arith.constant 112 : index
      %swap3A_387 = tpu.vector_load %arg9[%swap3A_385, %swap3A_386] {strides = array<i32>} : memref<128x128xf32, #tpu.memory_space<vmem>>, vector<1x16xf32>,
      %swap3A_388 = vector.shape_cast %swap3A_387 : vector<1x16xf32> to vector<16xf32>
      %swap3A_389 = vector.shape_cast %get3A_384 : vector<16xf32> to vector<1x16xf32>
      tpu.vector_store %arg9[%swap3A_385, %swap3A_386], %swap3A_389 {add = true, strides = array<i32>} : memref<128x128xf32, #tpu.memory_space<vmem>>, vector<1x16xf32>,
      %add3A_390 = arith.constant 2 : i32
      %add3A_391 = arith.addi %add3A_183, %add3A_390 : i32
      %add3A_392 = arith.constant 2 : i32
      %add3A_393 = arith.addi %add3A_183, %add3A_392 : i32
      %get3A_394 = arith.index_cast %add3A_393 : i32 to index
      %get3A_395 = arith.constant 0 : index
      %get3A_396 = tpu.vector_load %arg11[%get3A_394, %get3A_395] {strides = array<i32>} : memref<128x128xf32, #tpu.memory_space<vmem>>, vector<1x16xf32>,
      %get3A_397 = vector.shape_cast %get3A_396 : vector<1x16xf32> to vector<16xf32>
      %swap3A_398 = arith.index_cast %add3A_391 : i32 to index
      %swap3A_399 = arith.constant 0 : index
      %swap3A_400 = tpu.vector_load %arg9[%swap3A_398, %swap3A_399] {strides = array<i32>} : memref<128x128xf32, #tpu.memory_space<vmem>>, vector<1x16xf32>,
      %swap3A_401 = vector.shape_cast %swap3A_400 : vector<1x16xf32> to vector<16xf32>
      %swap3A_402 = vector.shape_cast %get3A_397 : vector<16xf32> to vector<1x16xf32>
      tpu.vector_store %arg9[%swap3A_398, %swap3A_399], %swap3A_402 {add = true, strides = array<i32>} : memref<128x128xf32, #tpu.memory_space<vmem>>, vector<1x16xf32>,
      %add3A_403 = arith.constant 2 : i32
      %add3A_404 = arith.addi %add3A_183, %add3A_403 : i32
      %add3A_405 = arith.constant 2 : i32
      %add3A_406 = arith.addi %add3A_183, %add3A_405 : i32
      %get3A_407 = arith.index_cast %add3A_406 : i32 to index
      %get3A_408 = arith.constant 16 : index
      %get3A_409 = tpu.vector_load %arg11[%get3A_407, %get3A_408] {strides = array<i32>} : memref<128x128xf32, #tpu.memory_space<vmem>>, vector<1x16xf32>,
      %get3A_410 = vector.shape_cast %get3A_409 : vector<1x16xf32> to vector<16xf32>
      %swap3A_411 = arith.index_cast %add3A_404 : i32 to index
      %swap3A_412 = arith.constant 16 : index
      %swap3A_413 = tpu.vector_load %arg9[%swap3A_411, %swap3A_412] {strides = array<i32>} : memref<128x128xf32, #tpu.memory_space<vmem>>, vector<1x16xf32>,
      %swap3A_414 = vector.shape_cast %swap3A_413 : vector<1x16xf32> to vector<16xf32>
      %swap3A_415 = vector.shape_cast %get3A_410 : vector<16xf32> to vector<1x16xf32>
      tpu.vector_store %arg9[%swap3A_411, %swap3A_412], %swap3A_415 {add = true, strides = array<i32>} : memref<128x128xf32, #tpu.memory_space<vmem>>, vector<1x16xf32>,
      %add3A_416 = arith.constant 2 : i32
      %add3A_417 = arith.addi %add3A_183, %add3A_416 : i32
      %add3A_418 = arith.constant 2 : i32
      %add3A_419 = arith.addi %add3A_183, %add3A_418 : i32
      %get3A_420 = arith.index_cast %add3A_419 : i32 to index
      %get3A_421 = arith.constant 32 : index
      %get3A_422 = tpu.vector_load %arg11[%get3A_420, %get3A_421] {strides = array<i32>} : memref<128x128xf32, #tpu.memory_space<vmem>>, vector<1x16xf32>,
      %get3A_423 = vector.shape_cast %get3A_422 : vector<1x16xf32> to vector<16xf32>
      %swap3A_424 = arith.index_cast %add3A_417 : i32 to index
      %swap3A_425 = arith.constant 32 : index
      %swap3A_426 = tpu.vector_load %arg9[%swap3A_424, %swap3A_425] {strides = array<i32>} : memref<128x128xf32, #tpu.memory_space<vmem>>, vector<1x16xf32>,
      %swap3A_427 = vector.shape_cast %swap3A_426 : vector<1x16xf32> to vector<16xf32>
      %swap3A_428 = vector.shape_cast %get3A_423 : vector<16xf32> to vector<1x16xf32>
      tpu.vector_store %arg9[%swap3A_424, %swap3A_425], %swap3A_428 {add = true, strides = array<i32>} : memref<128x128xf32, #tpu.memory_space<vmem>>, vector<1x16xf32>,
      %add3A_429 = arith.constant 2 : i32
      %add3A_430 = arith.addi %add3A_183, %add3A_429 : i32
      %add3A_431 = arith.constant 2 : i32
      %add3A_432 = arith.addi %add3A_183, %add3A_431 : i32
      %get3A_433 = arith.index_cast %add3A_432 : i32 to index
      %get3A_434 = arith.constant 48 : index
      %get3A_435 = tpu.vector_load %arg11[%get3A_433, %get3A_434] {strides = array<i32>} : memref<128x128xf32, #tpu.memory_space<vmem>>, vector<1x16xf32>,
      %get3A_436 = vector.shape_cast %get3A_435 : vector<1x16xf32> to vector<16xf32>
      %swap3A_437 = arith.index_cast %add3A_430 : i32 to index
      %swap3A_438 = arith.constant 48 : index
      %swap3A_439 = tpu.vector_load %arg9[%swap3A_437, %swap3A_438] {strides = array<i32>} : memref<128x128xf32, #tpu.memory_space<vmem>>, vector<1x16xf32>,
      %swap3A_440 = vector.shape_cast %swap3A_439 : vector<1x16xf32> to vector<16xf32>
      %swap3A_441 = vector.shape_cast %get3A_436 : vector<16xf32> to vector<1x16xf32>
      tpu.vector_store %arg9[%swap3A_437, %swap3A_438], %swap3A_441 {add = true, strides = array<i32>} : memref<128x128xf32, #tpu.memory_space<vmem>>, vector<1x16xf32>,
      %add3A_442 = arith.constant 2 : i32
      %add3A_443 = arith.addi %add3A_183, %add3A_442 : i32
      %add3A_444 = arith.constant 2 : i32
      %add3A_445 = arith.addi %add3A_183, %add3A_444 : i32
      %get3A_446 = arith.index_cast %add3A_445 : i32 to index
      %get3A_447 = arith.constant 64 : index
      %get3A_448 = tpu.vector_load %arg11[%get3A_446, %get3A_447] {strides = array<i32>} : memref<128x128xf32, #tpu.memory_space<vmem>>, vector<1x16xf32>,
      %get3A_449 = vector.shape_cast %get3A_448 : vector<1x16xf32> to vector<16xf32>
      %swap3A_450 = arith.index_cast %add3A_443 : i32 to index
      %swap3A_451 = arith.constant 64 : index
      %swap3A_452 = tpu.vector_load %arg9[%swap3A_450, %swap3A_451] {strides = array<i32>} : memref<128x128xf32, #tpu.memory_space<vmem>>, vector<1x16xf32>,
      %swap3A_453 = vector.shape_cast %swap3A_452 : vector<1x16xf32> to vector<16xf32>
      %swap3A_454 = vector.shape_cast %get3A_449 : vector<16xf32> to vector<1x16xf32>
      tpu.vector_store %arg9[%swap3A_450, %swap3A_451], %swap3A_454 {add = true, strides = array<i32>} : memref<128x128xf32, #tpu.memory_space<vmem>>, vector<1x16xf32>,
      %add3A_455 = arith.constant 2 : i32
      %add3A_456 = arith.addi %add3A_183, %add3A_455 : i32
      %add3A_457 = arith.constant 2 : i32
      %add3A_458 = arith.addi %add3A_183, %add3A_457 : i32
      %get3A_459 = arith.index_cast %add3A_458 : i32 to index
      %get3A_460 = arith.constant 80 : index
      %get3A_461 = tpu.vector_load %arg11[%get3A_459, %get3A_460] {strides = array<i32>} : memref<128x128xf32, #tpu.memory_space<vmem>>, vector<1x16xf32>,
      %get3A_462 = vector.shape_cast %get3A_461 : vector<1x16xf32> to vector<16xf32>
      %swap3A_463 = arith.index_cast %add3A_456 : i32 to index
      %swap3A_464 = arith.constant 80 : index
      %swap3A_465 = tpu.vector_load %arg9[%swap3A_463, %swap3A_464] {strides = array<i32>} : memref<128x128xf32, #tpu.memory_space<vmem>>, vector<1x16xf32>,
      %swap3A_466 = vector.shape_cast %swap3A_465 : vector<1x16xf32> to vector<16xf32>
      %swap3A_467 = vector.shape_cast %get3A_462 : vector<16xf32> to vector<1x16xf32>
      tpu.vector_store %arg9[%swap3A_463, %swap3A_464], %swap3A_467 {add = true, strides = array<i32>} : memref<128x128xf32, #tpu.memory_space<vmem>>, vector<1x16xf32>,
      %add3A_468 = arith.constant 2 : i32
      %add3A_469 = arith.addi %add3A_183, %add3A_468 : i32
      %add3A_470 = arith.constant 2 : i32
      %add3A_471 = arith.addi %add3A_183, %add3A_470 : i32
      %get3A_472 = arith.index_cast %add3A_471 : i32 to index
      %get3A_473 = arith.constant 96 : index
      %get3A_474 = tpu.vector_load %arg11[%get3A_472, %get3A_473] {strides = array<i32>} : memref<128x128xf32, #tpu.memory_space<vmem>>, vector<1x16xf32>,
      %get3A_475 = vector.shape_cast %get3A_474 : vector<1x16xf32> to vector<16xf32>
      %swap3A_476 = arith.index_cast %add3A_469 : i32 to index
      %swap3A_477 = arith.constant 96 : index
      %swap3A_478 = tpu.vector_load %arg9[%swap3A_476, %swap3A_477] {strides = array<i32>} : memref<128x128xf32, #tpu.memory_space<vmem>>, vector<1x16xf32>,
      %swap3A_479 = vector.shape_cast %swap3A_478 : vector<1x16xf32> to vector<16xf32>
      %swap3A_480 = vector.shape_cast %get3A_475 : vector<16xf32> to vector<1x16xf32>
      tpu.vector_store %arg9[%swap3A_476, %swap3A_477], %swap3A_480 {add = true, strides = array<i32>} : memref<128x128xf32, #tpu.memory_space<vmem>>, vector<1x16xf32>,
      %add3A_481 = arith.constant 2 : i32
      %add3A_482 = arith.addi %add3A_183, %add3A_481 : i32
      %add3A_483 = arith.constant 2 : i32
      %add3A_484 = arith.addi %add3A_183, %add3A_483 : i32
      %get3A_485 = arith.index_cast %add3A_484 : i32 to index
      %get3A_486 = arith.constant 112 : index
      %get3A_487 = tpu.vector_load %arg11[%get3A_485, %get3A_486] {strides = array<i32>} : memref<128x128xf32, #tpu.memory_space<vmem>>, vector<1x16xf32>,
      %get3A_488 = vector.shape_cast %get3A_487 : vector<1x16xf32> to vector<16xf32>
      %swap3A_489 = arith.index_cast %add3A_482 : i32 to index
      %swap3A_490 = arith.constant 112 : index
      %swap3A_491 = tpu.vector_load %arg9[%swap3A_489, %swap3A_490] {strides = array<i32>} : memref<128x128xf32, #tpu.memory_space<vmem>>, vector<1x16xf32>,
      %swap3A_492 = vector.shape_cast %swap3A_491 : vector<1x16xf32> to vector<16xf32>
      %swap3A_493 = vector.shape_cast %get3A_488 : vector<16xf32> to vector<1x16xf32>
      tpu.vector_store %arg9[%swap3A_489, %swap3A_490], %swap3A_493 {add = true, strides = array<i32>} : memref<128x128xf32, #tpu.memory_space<vmem>>, vector<1x16xf32>,
      %add3A_494 = arith.constant 3 : i32
      %add3A_495 = arith.addi %add3A_183, %add3A_494 : i32
      %add3A_496 = arith.constant 3 : i32
      %add3A_497 = arith.addi %add3A_183, %add3A_496 : i32
      %get3A_498 = arith.index_cast %add3A_497 : i32 to index
      %get3A_499 = arith.constant 0 : index
      %get3A_500 = tpu.vector_load %arg11[%get3A_498, %get3A_499] {strides = array<i32>} : memref<128x128xf32, #tpu.memory_space<vmem>>, vector<1x16xf32>,
      %get3A_501 = vector.shape_cast %get3A_500 : vector<1x16xf32> to vector<16xf32>
      %swap3A_502 = arith.index_cast %add3A_495 : i32 to index
      %swap3A_503 = arith.constant 0 : index
      %swap3A_504 = tpu.vector_load %arg9[%swap3A_502, %swap3A_503] {strides = array<i32>} : memref<128x128xf32, #tpu.memory_space<vmem>>, vector<1x16xf32>,
      %swap3A_505 = vector.shape_cast %swap3A_504 : vector<1x16xf32> to vector<16xf32>
      %swap3A_506 = vector.shape_cast %get3A_501 : vector<16xf32> to vector<1x16xf32>
      tpu.vector_store %arg9[%swap3A_502, %swap3A_503], %swap3A_506 {add = true, strides = array<i32>} : memref<128x128xf32, #tpu.memory_space<vmem>>, vector<1x16xf32>,
      %add3A_507 = arith.constant 3 : i32
      %add3A_508 = arith.addi %add3A_183, %add3A_507 : i32
      %add3A_509 = arith.constant 3 : i32
      %add3A_510 = arith.addi %add3A_183, %add3A_509 : i32
      %get3A_511 = arith.index_cast %add3A_510 : i32 to index
      %get3A_512 = arith.constant 16 : index
      %get3A_513 = tpu.vector_load %arg11[%get3A_511, %get3A_512] {strides = array<i32>} : memref<128x128xf32, #tpu.memory_space<vmem>>, vector<1x16xf32>,
      %get3A_514 = vector.shape_cast %get3A_513 : vector<1x16xf32> to vector<16xf32>
      %swap3A_515 = arith.index_cast %add3A_508 : i32 to index
      %swap3A_516 = arith.constant 16 : index
      %swap3A_517 = tpu.vector_load %arg9[%swap3A_515, %swap3A_516] {strides = array<i32>} : memref<128x128xf32, #tpu.memory_space<vmem>>, vector<1x16xf32>,
      %swap3A_518 = vector.shape_cast %swap3A_517 : vector<1x16xf32> to vector<16xf32>
      %swap3A_519 = vector.shape_cast %get3A_514 : vector<16xf32> to vector<1x16xf32>
      tpu.vector_store %arg9[%swap3A_515, %swap3A_516], %swap3A_519 {add = true, strides = array<i32>} : memref<128x128xf32, #tpu.memory_space<vmem>>, vector<1x16xf32>,
      %add3A_520 = arith.constant 3 : i32
      %add3A_521 = arith.addi %add3A_183, %add3A_520 : i32
      %add3A_522 = arith.constant 3 : i32
      %add3A_523 = arith.addi %add3A_183, %add3A_522 : i32
      %get3A_524 = arith.index_cast %add3A_523 : i32 to index
      %get3A_525 = arith.constant 32 : index
      %get3A_526 = tpu.vector_load %arg11[%get3A_524, %get3A_525] {strides = array<i32>} : memref<128x128xf32, #tpu.memory_space<vmem>>, vector<1x16xf32>,
      %get3A_527 = vector.shape_cast %get3A_526 : vector<1x16xf32> to vector<16xf32>
      %swap3A_528 = arith.index_cast %add3A_521 : i32 to index
      %swap3A_529 = arith.constant 32 : index
      %swap3A_530 = tpu.vector_load %arg9[%swap3A_528, %swap3A_529] {strides = array<i32>} : memref<128x128xf32, #tpu.memory_space<vmem>>, vector<1x16xf32>,
      %swap3A_531 = vector.shape_cast %swap3A_530 : vector<1x16xf32> to vector<16xf32>
      %swap3A_532 = vector.shape_cast %get3A_527 : vector<16xf32> to vector<1x16xf32>
      tpu.vector_store %arg9[%swap3A_528, %swap3A_529], %swap3A_532 {add = true, strides = array<i32>} : memref<128x128xf32, #tpu.memory_space<vmem>>, vector<1x16xf32>,
      %add3A_533 = arith.constant 3 : i32
      %add3A_534 = arith.addi %add3A_183, %add3A_533 : i32
      %add3A_535 = arith.constant 3 : i32
      %add3A_536 = arith.addi %add3A_183, %add3A_535 : i32
      %get3A_537 = arith.index_cast %add3A_536 : i32 to index
      %get3A_538 = arith.constant 48 : index
      %get3A_539 = tpu.vector_load %arg11[%get3A_537, %get3A_538] {strides = array<i32>} : memref<128x128xf32, #tpu.memory_space<vmem>>, vector<1x16xf32>,
      %get3A_540 = vector.shape_cast %get3A_539 : vector<1x16xf32> to vector<16xf32>
      %swap3A_541 = arith.index_cast %add3A_534 : i32 to index
      %swap3A_542 = arith.constant 48 : index
      %swap3A_543 = tpu.vector_load %arg9[%swap3A_541, %swap3A_542] {strides = array<i32>} : memref<128x128xf32, #tpu.memory_space<vmem>>, vector<1x16xf32>,
      %swap3A_544 = vector.shape_cast %swap3A_543 : vector<1x16xf32> to vector<16xf32>
      %swap3A_545 = vector.shape_cast %get3A_540 : vector<16xf32> to vector<1x16xf32>
      tpu.vector_store %arg9[%swap3A_541, %swap3A_542], %swap3A_545 {add = true, strides = array<i32>} : memref<128x128xf32, #tpu.memory_space<vmem>>, vector<1x16xf32>,
      %add3A_546 = arith.constant 3 : i32
      %add3A_547 = arith.addi %add3A_183, %add3A_546 : i32
      %add3A_548 = arith.constant 3 : i32
      %add3A_549 = arith.addi %add3A_183, %add3A_548 : i32
      %get3A_550 = arith.index_cast %add3A_549 : i32 to index
      %get3A_551 = arith.constant 64 : index
      %get3A_552 = tpu.vector_load %arg11[%get3A_550, %get3A_551] {strides = array<i32>} : memref<128x128xf32, #tpu.memory_space<vmem>>, vector<1x16xf32>,
      %get3A_553 = vector.shape_cast %get3A_552 : vector<1x16xf32> to vector<16xf32>
      %swap3A_554 = arith.index_cast %add3A_547 : i32 to index
      %swap3A_555 = arith.constant 64 : index
      %swap3A_556 = tpu.vector_load %arg9[%swap3A_554, %swap3A_555] {strides = array<i32>} : memref<128x128xf32, #tpu.memory_space<vmem>>, vector<1x16xf32>,
      %swap3A_557 = vector.shape_cast %swap3A_556 : vector<1x16xf32> to vector<16xf32>
      %swap3A_558 = vector.shape_cast %get3A_553 : vector<16xf32> to vector<1x16xf32>
      tpu.vector_store %arg9[%swap3A_554, %swap3A_555], %swap3A_558 {add = true, strides = array<i32>} : memref<128x128xf32, #tpu.memory_space<vmem>>, vector<1x16xf32>,
      %add3A_559 = arith.constant 3 : i32
      %add3A_560 = arith.addi %add3A_183, %add3A_559 : i32
      %add3A_561 = arith.constant 3 : i32
      %add3A_562 = arith.addi %add3A_183, %add3A_561 : i32
      %get3A_563 = arith.index_cast %add3A_562 : i32 to index
      %get3A_564 = arith.constant 80 : index
      %get3A_565 = tpu.vector_load %arg11[%get3A_563, %get3A_564] {strides = array<i32>} : memref<128x128xf32, #tpu.memory_space<vmem>>, vector<1x16xf32>,
      %get3A_566 = vector.shape_cast %get3A_565 : vector<1x16xf32> to vector<16xf32>
      %swap3A_567 = arith.index_cast %add3A_560 : i32 to index
      %swap3A_568 = arith.constant 80 : index
      %swap3A_569 = tpu.vector_load %arg9[%swap3A_567, %swap3A_568] {strides = array<i32>} : memref<128x128xf32, #tpu.memory_space<vmem>>, vector<1x16xf32>,
      %swap3A_570 = vector.shape_cast %swap3A_569 : vector<1x16xf32> to vector<16xf32>
      %swap3A_571 = vector.shape_cast %get3A_566 : vector<16xf32> to vector<1x16xf32>
      tpu.vector_store %arg9[%swap3A_567, %swap3A_568], %swap3A_571 {add = true, strides = array<i32>} : memref<128x128xf32, #tpu.memory_space<vmem>>, vector<1x16xf32>,
      %add3A_572 = arith.constant 3 : i32
      %add3A_573 = arith.addi %add3A_183, %add3A_572 : i32
      %add3A_574 = arith.constant 3 : i32
      %add3A_575 = arith.addi %add3A_183, %add3A_574 : i32
      %get3A_576 = arith.index_cast %add3A_575 : i32 to index
      %get3A_577 = arith.constant 96 : index
      %get3A_578 = tpu.vector_load %arg11[%get3A_576, %get3A_577] {strides = array<i32>} : memref<128x128xf32, #tpu.memory_space<vmem>>, vector<1x16xf32>,
      %get3A_579 = vector.shape_cast %get3A_578 : vector<1x16xf32> to vector<16xf32>
      %swap3A_580 = arith.index_cast %add3A_573 : i32 to index
      %swap3A_581 = arith.constant 96 : index
      %swap3A_582 = tpu.vector_load %arg9[%swap3A_580, %swap3A_581] {strides = array<i32>} : memref<128x128xf32, #tpu.memory_space<vmem>>, vector<1x16xf32>,
      %swap3A_583 = vector.shape_cast %swap3A_582 : vector<1x16xf32> to vector<16xf32>
      %swap3A_584 = vector.shape_cast %get3A_579 : vector<16xf32> to vector<1x16xf32>
      tpu.vector_store %arg9[%swap3A_580, %swap3A_581], %swap3A_584 {add = true, strides = array<i32>} : memref<128x128xf32, #tpu.memory_space<vmem>>, vector<1x16xf32>,
      %add3A_585 = arith.constant 3 : i32
      %add3A_586 = arith.addi %add3A_183, %add3A_585 : i32
      %add3A_587 = arith.constant 3 : i32
      %add3A_588 = arith.addi %add3A_183, %add3A_587 : i32
      %get3A_589 = arith.index_cast %add3A_588 : i32 to index
      %get3A_590 = arith.constant 112 : index
      %get3A_591 = tpu.vector_load %arg11[%get3A_589, %get3A_590] {strides = array<i32>} : memref<128x128xf32, #tpu.memory_space<vmem>>, vector<1x16xf32>,
      %get3A_592 = vector.shape_cast %get3A_591 : vector<1x16xf32> to vector<16xf32>
      %swap3A_593 = arith.index_cast %add3A_586 : i32 to index
      %swap3A_594 = arith.constant 112 : index
      %swap3A_595 = tpu.vector_load %arg9[%swap3A_593, %swap3A_594] {strides = array<i32>} : memref<128x128xf32, #tpu.memory_space<vmem>>, vector<1x16xf32>,
      %swap3A_596 = vector.shape_cast %swap3A_595 : vector<1x16xf32> to vector<16xf32>
      %swap3A_597 = vector.shape_cast %get3A_592 : vector<16xf32> to vector<1x16xf32>
      tpu.vector_store %arg9[%swap3A_593, %swap3A_594], %swap3A_597 {add = true, strides = array<i32>} : memref<128x128xf32, #tpu.memory_space<vmem>>, vector<1x16xf32>,
    }
    %scan3A_36 = arith.constant 16 : i32
    %add3A_37 = arith.constant 0 : i32
    %add3A_38 = arith.addi %mul3A_2, %add3A_37 : i32
    %add3A_39 = arith.constant 0 : i32
    %add3A_40 = arith.addi %add3A_38, %add3A_39 : i32
    %dma_start3A_41 = arith.constant 0 : i32
    %dma_start3A_42 = arith.constant 0 : i32
    %dma_start3A_43 = tpu.memref_slice %arg9[%dma_start3A_41, %dma_start3A_42] : memref<128x128xf32, #tpu.memory_space<vmem>> -> memref<64x128xf32, #tpu.memory_space<vmem>>
    %dma_start3A_44 = arith.constant 0 : i32
    %dma_start3A_45 = tpu.memref_slice %arg6[%add3A_40, %dma_start3A_44] : memref<819200x128xf32, #tpu.memory_space<hbm>> -> memref<64x128xf32, #tpu.memory_space<hbm>>
    %dma_start3A_46 = arith.constant 0 : i32
    %dma_start3A_47 = tpu.memref_slice %arg6[%add3A_40, %dma_start3A_46] : memref<819200x128xf32, #tpu.memory_space<hbm>> -> memref<64x128xf32, #tpu.memory_space<hbm>>
    %dma_start3A_48 = arith.constant 0 : i32
    %dma_start3A_49 = arith.constant 0 : i32
    %dma_start3A_50 = tpu.memref_slice %arg9[%dma_start3A_48, %dma_start3A_49] : memref<128x128xf32, #tpu.memory_space<vmem>> -> memref<64x128xf32, #tpu.memory_space<vmem>>
    tpu.enqueue_dma source(%dma_start3A_50 : memref<64x128xf32, #tpu.memory_space<vmem>>) target(%dma_start3A_47 : memref<64x128xf32, #tpu.memory_space<hbm>>) target_semaphore(%arg18 : memref<!tpu.dma_semaphore, #tpu.memory_space<semaphore_mem>>)
    %scan3A_51 = arith.constant 0 : i32
    %scan3A_52 = arith.constant 16 : i32
    %scan3A_53 = arith.addi %scan3A_51, %scan3A_52 : i32
    %scan3A_54 = arith.constant 1 : i32
    scf.for %scan3A_179 = %scan3A_51 to %scan3A_53 step %scan3A_54  : i32 {
      %mul3A_180 = arith.constant 4 : i32
      %mul3A_181 = arith.muli %scan3A_179, %mul3A_180 : i32
      %add3A_182 = arith.constant 64 : i32
      %add3A_183 = arith.addi %add3A_182, %mul3A_181 : i32
      %add3A_184 = arith.constant 0 : i32
      %add3A_185 = arith.addi %add3A_183, %add3A_184 : i32
      %add3A_186 = arith.constant 0 : i32
      %add3A_187 = arith.addi %add3A_183, %add3A_186 : i32
      %get3A = arith.index_cast %add3A_187 : i32 to index
      %get3A_188 = arith.constant 0 : index
      %get3A_189 = tpu.vector_load %arg11[%get3A, %get3A_188] {strides = array<i32>} : memref<128x128xf32, #tpu.memory_space<vmem>>, vector<1x16xf32>,
      %get3A_190 = vector.shape_cast %get3A_189 : vector<1x16xf32> to vector<16xf32>
      %swap3A = arith.index_cast %add3A_185 : i32 to index
      %swap3A_191 = arith.constant 0 : index
      %swap3A_192 = tpu.vector_load %arg9[%swap3A, %swap3A_191] {strides = array<i32>} : memref<128x128xf32, #tpu.memory_space<vmem>>, vector<1x16xf32>,
      %swap3A_193 = vector.shape_cast %swap3A_192 : vector<1x16xf32> to vector<16xf32>
      %swap3A_194 = vector.shape_cast %get3A_190 : vector<16xf32> to vector<1x16xf32>
      tpu.vector_store %arg9[%swap3A, %swap3A_191], %swap3A_194 {add = true, strides = array<i32>} : memref<128x128xf32, #tpu.memory_space<vmem>>, vector<1x16xf32>,
      %add3A_195 = arith.constant 0 : i32
      %add3A_196 = arith.addi %add3A_183, %add3A_195 : i32
      %add3A_197 = arith.constant 0 : i32
      %add3A_198 = arith.addi %add3A_183, %add3A_197 : i32
      %get3A_199 = arith.index_cast %add3A_198 : i32 to index
      %get3A_200 = arith.constant 16 : index
      %get3A_201 = tpu.vector_load %arg11[%get3A_199, %get3A_200] {strides = array<i32>} : memref<128x128xf32, #tpu.memory_space<vmem>>, vector<1x16xf32>,
      %get3A_202 = vector.shape_cast %get3A_201 : vector<1x16xf32> to vector<16xf32>
      %swap3A_203 = arith.index_cast %add3A_196 : i32 to index
      %swap3A_204 = arith.constant 16 : index
      %swap3A_205 = tpu.vector_load %arg9[%swap3A_203, %swap3A_204] {strides = array<i32>} : memref<128x128xf32, #tpu.memory_space<vmem>>, vector<1x16xf32>,
      %swap3A_206 = vector.shape_cast %swap3A_205 : vector<1x16xf32> to vector<16xf32>
      %swap3A_207 = vector.shape_cast %get3A_202 : vector<16xf32> to vector<1x16xf32>
      tpu.vector_store %arg9[%swap3A_203, %swap3A_204], %swap3A_207 {add = true, strides = array<i32>} : memref<128x128xf32, #tpu.memory_space<vmem>>, vector<1x16xf32>,
      %add3A_208 = arith.constant 0 : i32
      %add3A_209 = arith.addi %add3A_183, %add3A_208 : i32
      %add3A_210 = arith.constant 0 : i32
      %add3A_211 = arith.addi %add3A_183, %add3A_210 : i32
      %get3A_212 = arith.index_cast %add3A_211 : i32 to index
      %get3A_213 = arith.constant 32 : index
      %get3A_214 = tpu.vector_load %arg11[%get3A_212, %get3A_213] {strides = array<i32>} : memref<128x128xf32, #tpu.memory_space<vmem>>, vector<1x16xf32>,
      %get3A_215 = vector.shape_cast %get3A_214 : vector<1x16xf32> to vector<16xf32>
      %swap3A_216 = arith.index_cast %add3A_209 : i32 to index
      %swap3A_217 = arith.constant 32 : index
      %swap3A_218 = tpu.vector_load %arg9[%swap3A_216, %swap3A_217] {strides = array<i32>} : memref<128x128xf32, #tpu.memory_space<vmem>>, vector<1x16xf32>,
      %swap3A_219 = vector.shape_cast %swap3A_218 : vector<1x16xf32> to vector<16xf32>
      %swap3A_220 = vector.shape_cast %get3A_215 : vector<16xf32> to vector<1x16xf32>
      tpu.vector_store %arg9[%swap3A_216, %swap3A_217], %swap3A_220 {add = true, strides = array<i32>} : memref<128x128xf32, #tpu.memory_space<vmem>>, vector<1x16xf32>,
      %add3A_221 = arith.constant 0 : i32
      %add3A_222 = arith.addi %add3A_183, %add3A_221 : i32
      %add3A_223 = arith.constant 0 : i32
      %add3A_224 = arith.addi %add3A_183, %add3A_223 : i32
      %get3A_225 = arith.index_cast %add3A_224 : i32 to index
      %get3A_226 = arith.constant 48 : index
      %get3A_227 = tpu.vector_load %arg11[%get3A_225, %get3A_226] {strides = array<i32>} : memref<128x128xf32, #tpu.memory_space<vmem>>, vector<1x16xf32>,
      %get3A_228 = vector.shape_cast %get3A_227 : vector<1x16xf32> to vector<16xf32>
      %swap3A_229 = arith.index_cast %add3A_222 : i32 to index
      %swap3A_230 = arith.constant 48 : index
      %swap3A_231 = tpu.vector_load %arg9[%swap3A_229, %swap3A_230] {strides = array<i32>} : memref<128x128xf32, #tpu.memory_space<vmem>>, vector<1x16xf32>,
      %swap3A_232 = vector.shape_cast %swap3A_231 : vector<1x16xf32> to vector<16xf32>
      %swap3A_233 = vector.shape_cast %get3A_228 : vector<16xf32> to vector<1x16xf32>
      tpu.vector_store %arg9[%swap3A_229, %swap3A_230], %swap3A_233 {add = true, strides = array<i32>} : memref<128x128xf32, #tpu.memory_space<vmem>>, vector<1x16xf32>,
      %add3A_234 = arith.constant 0 : i32
      %add3A_235 = arith.addi %add3A_183, %add3A_234 : i32
      %add3A_236 = arith.constant 0 : i32
      %add3A_237 = arith.addi %add3A_183, %add3A_236 : i32
      %get3A_238 = arith.index_cast %add3A_237 : i32 to index
      %get3A_239 = arith.constant 64 : index
      %get3A_240 = tpu.vector_load %arg11[%get3A_238, %get3A_239] {strides = array<i32>} : memref<128x128xf32, #tpu.memory_space<vmem>>, vector<1x16xf32>,
      %get3A_241 = vector.shape_cast %get3A_240 : vector<1x16xf32> to vector<16xf32>
      %swap3A_242 = arith.index_cast %add3A_235 : i32 to index
      %swap3A_243 = arith.constant 64 : index
      %swap3A_244 = tpu.vector_load %arg9[%swap3A_242, %swap3A_243] {strides = array<i32>} : memref<128x128xf32, #tpu.memory_space<vmem>>, vector<1x16xf32>,
      %swap3A_245 = vector.shape_cast %swap3A_244 : vector<1x16xf32> to vector<16xf32>
      %swap3A_246 = vector.shape_cast %get3A_241 : vector<16xf32> to vector<1x16xf32>
      tpu.vector_store %arg9[%swap3A_242, %swap3A_243], %swap3A_246 {add = true, strides = array<i32>} : memref<128x128xf32, #tpu.memory_space<vmem>>, vector<1x16xf32>,
      %add3A_247 = arith.constant 0 : i32
      %add3A_248 = arith.addi %add3A_183, %add3A_247 : i32
      %add3A_249 = arith.constant 0 : i32
      %add3A_250 = arith.addi %add3A_183, %add3A_249 : i32
      %get3A_251 = arith.index_cast %add3A_250 : i32 to index
      %get3A_252 = arith.constant 80 : index
      %get3A_253 = tpu.vector_load %arg11[%get3A_251, %get3A_252] {strides = array<i32>} : memref<128x128xf32, #tpu.memory_space<vmem>>, vector<1x16xf32>,
      %get3A_254 = vector.shape_cast %get3A_253 : vector<1x16xf32> to vector<16xf32>
      %swap3A_255 = arith.index_cast %add3A_248 : i32 to index
      %swap3A_256 = arith.constant 80 : index
      %swap3A_257 = tpu.vector_load %arg9[%swap3A_255, %swap3A_256] {strides = array<i32>} : memref<128x128xf32, #tpu.memory_space<vmem>>, vector<1x16xf32>,
      %swap3A_258 = vector.shape_cast %swap3A_257 : vector<1x16xf32> to vector<16xf32>
      %swap3A_259 = vector.shape_cast %get3A_254 : vector<16xf32> to vector<1x16xf32>
      tpu.vector_store %arg9[%swap3A_255, %swap3A_256], %swap3A_259 {add = true, strides = array<i32>} : memref<128x128xf32, #tpu.memory_space<vmem>>, vector<1x16xf32>,
      %add3A_260 = arith.constant 0 : i32
      %add3A_261 = arith.addi %add3A_183, %add3A_260 : i32
      %add3A_262 = arith.constant 0 : i32
      %add3A_263 = arith.addi %add3A_183, %add3A_262 : i32
      %get3A_264 = arith.index_cast %add3A_263 : i32 to index
      %get3A_265 = arith.constant 96 : index
      %get3A_266 = tpu.vector_load %arg11[%get3A_264, %get3A_265] {strides = array<i32>} : memref<128x128xf32, #tpu.memory_space<vmem>>, vector<1x16xf32>,
      %get3A_267 = vector.shape_cast %get3A_266 : vector<1x16xf32> to vector<16xf32>
      %swap3A_268 = arith.index_cast %add3A_261 : i32 to index
      %swap3A_269 = arith.constant 96 : index
      %swap3A_270 = tpu.vector_load %arg9[%swap3A_268, %swap3A_269] {strides = array<i32>} : memref<128x128xf32, #tpu.memory_space<vmem>>, vector<1x16xf32>,
      %swap3A_271 = vector.shape_cast %swap3A_270 : vector<1x16xf32> to vector<16xf32>
      %swap3A_272 = vector.shape_cast %get3A_267 : vector<16xf32> to vector<1x16xf32>
      tpu.vector_store %arg9[%swap3A_268, %swap3A_269], %swap3A_272 {add = true, strides = array<i32>} : memref<128x128xf32, #tpu.memory_space<vmem>>, vector<1x16xf32>,
      %add3A_273 = arith.constant 0 : i32
      %add3A_274 = arith.addi %add3A_183, %add3A_273 : i32
      %add3A_275 = arith.constant 0 : i32
      %add3A_276 = arith.addi %add3A_183, %add3A_275 : i32
      %get3A_277 = arith.index_cast %add3A_276 : i32 to index
      %get3A_278 = arith.constant 112 : index
      %get3A_279 = tpu.vector_load %arg11[%get3A_277, %get3A_278] {strides = array<i32>} : memref<128x128xf32, #tpu.memory_space<vmem>>, vector<1x16xf32>,
      %get3A_280 = vector.shape_cast %get3A_279 : vector<1x16xf32> to vector<16xf32>
      %swap3A_281 = arith.index_cast %add3A_274 : i32 to index
      %swap3A_282 = arith.constant 112 : index
      %swap3A_283 = tpu.vector_load %arg9[%swap3A_281, %swap3A_282] {strides = array<i32>} : memref<128x128xf32, #tpu.memory_space<vmem>>, vector<1x16xf32>,
      %swap3A_284 = vector.shape_cast %swap3A_283 : vector<1x16xf32> to vector<16xf32>
      %swap3A_285 = vector.shape_cast %get3A_280 : vector<16xf32> to vector<1x16xf32>
      tpu.vector_store %arg9[%swap3A_281, %swap3A_282], %swap3A_285 {add = true, strides = array<i32>} : memref<128x128xf32, #tpu.memory_space<vmem>>, vector<1x16xf32>,
      %add3A_286 = arith.constant 1 : i32
      %add3A_287 = arith.addi %add3A_183, %add3A_286 : i32
      %add3A_288 = arith.constant 1 : i32
      %add3A_289 = arith.addi %add3A_183, %add3A_288 : i32
      %get3A_290 = arith.index_cast %add3A_289 : i32 to index
      %get3A_291 = arith.constant 0 : index
      %get3A_292 = tpu.vector_load %arg11[%get3A_290, %get3A_291] {strides = array<i32>} : memref<128x128xf32, #tpu.memory_space<vmem>>, vector<1x16xf32>,
      %get3A_293 = vector.shape_cast %get3A_292 : vector<1x16xf32> to vector<16xf32>
      %swap3A_294 = arith.index_cast %add3A_287 : i32 to index
      %swap3A_295 = arith.constant 0 : index
      %swap3A_296 = tpu.vector_load %arg9[%swap3A_294, %swap3A_295] {strides = array<i32>} : memref<128x128xf32, #tpu.memory_space<vmem>>, vector<1x16xf32>,
      %swap3A_297 = vector.shape_cast %swap3A_296 : vector<1x16xf32> to vector<16xf32>
      %swap3A_298 = vector.shape_cast %get3A_293 : vector<16xf32> to vector<1x16xf32>
      tpu.vector_store %arg9[%swap3A_294, %swap3A_295], %swap3A_298 {add = true, strides = array<i32>} : memref<128x128xf32, #tpu.memory_space<vmem>>, vector<1x16xf32>,
      %add3A_299 = arith.constant 1 : i32
      %add3A_300 = arith.addi %add3A_183, %add3A_299 : i32
      %add3A_301 = arith.constant 1 : i32
      %add3A_302 = arith.addi %add3A_183, %add3A_301 : i32
      %get3A_303 = arith.index_cast %add3A_302 : i32 to index
      %get3A_304 = arith.constant 16 : index
      %get3A_305 = tpu.vector_load %arg11[%get3A_303, %get3A_304] {strides = array<i32>} : memref<128x128xf32, #tpu.memory_space<vmem>>, vector<1x16xf32>,
      %get3A_306 = vector.shape_cast %get3A_305 : vector<1x16xf32> to vector<16xf32>
      %swap3A_307 = arith.index_cast %add3A_300 : i32 to index
      %swap3A_308 = arith.constant 16 : index
      %swap3A_309 = tpu.vector_load %arg9[%swap3A_307, %swap3A_308] {strides = array<i32>} : memref<128x128xf32, #tpu.memory_space<vmem>>, vector<1x16xf32>,
      %swap3A_310 = vector.shape_cast %swap3A_309 : vector<1x16xf32> to vector<16xf32>
      %swap3A_311 = vector.shape_cast %get3A_306 : vector<16xf32> to vector<1x16xf32>
      tpu.vector_store %arg9[%swap3A_307, %swap3A_308], %swap3A_311 {add = true, strides = array<i32>} : memref<128x128xf32, #tpu.memory_space<vmem>>, vector<1x16xf32>,
      %add3A_312 = arith.constant 1 : i32
      %add3A_313 = arith.addi %add3A_183, %add3A_312 : i32
      %add3A_314 = arith.constant 1 : i32
      %add3A_315 = arith.addi %add3A_183, %add3A_314 : i32
      %get3A_316 = arith.index_cast %add3A_315 : i32 to index
      %get3A_317 = arith.constant 32 : index
      %get3A_318 = tpu.vector_load %arg11[%get3A_316, %get3A_317] {strides = array<i32>} : memref<128x128xf32, #tpu.memory_space<vmem>>, vector<1x16xf32>,
      %get3A_319 = vector.shape_cast %get3A_318 : vector<1x16xf32> to vector<16xf32>
      %swap3A_320 = arith.index_cast %add3A_313 : i32 to index
      %swap3A_321 = arith.constant 32 : index
      %swap3A_322 = tpu.vector_load %arg9[%swap3A_320, %swap3A_321] {strides = array<i32>} : memref<128x128xf32, #tpu.memory_space<vmem>>, vector<1x16xf32>,
      %swap3A_323 = vector.shape_cast %swap3A_322 : vector<1x16xf32> to vector<16xf32>
      %swap3A_324 = vector.shape_cast %get3A_319 : vector<16xf32> to vector<1x16xf32>
      tpu.vector_store %arg9[%swap3A_320, %swap3A_321], %swap3A_324 {add = true, strides = array<i32>} : memref<128x128xf32, #tpu.memory_space<vmem>>, vector<1x16xf32>,
      %add3A_325 = arith.constant 1 : i32
      %add3A_326 = arith.addi %add3A_183, %add3A_325 : i32
      %add3A_327 = arith.constant 1 : i32
      %add3A_328 = arith.addi %add3A_183, %add3A_327 : i32
      %get3A_329 = arith.index_cast %add3A_328 : i32 to index
      %get3A_330 = arith.constant 48 : index
      %get3A_331 = tpu.vector_load %arg11[%get3A_329, %get3A_330] {strides = array<i32>} : memref<128x128xf32, #tpu.memory_space<vmem>>, vector<1x16xf32>,
      %get3A_332 = vector.shape_cast %get3A_331 : vector<1x16xf32> to vector<16xf32>
      %swap3A_333 = arith.index_cast %add3A_326 : i32 to index
      %swap3A_334 = arith.constant 48 : index
      %swap3A_335 = tpu.vector_load %arg9[%swap3A_333, %swap3A_334] {strides = array<i32>} : memref<128x128xf32, #tpu.memory_space<vmem>>, vector<1x16xf32>,
      %swap3A_336 = vector.shape_cast %swap3A_335 : vector<1x16xf32> to vector<16xf32>
      %swap3A_337 = vector.shape_cast %get3A_332 : vector<16xf32> to vector<1x16xf32>
      tpu.vector_store %arg9[%swap3A_333, %swap3A_334], %swap3A_337 {add = true, strides = array<i32>} : memref<128x128xf32, #tpu.memory_space<vmem>>, vector<1x16xf32>,
      %add3A_338 = arith.constant 1 : i32
      %add3A_339 = arith.addi %add3A_183, %add3A_338 : i32
      %add3A_340 = arith.constant 1 : i32
      %add3A_341 = arith.addi %add3A_183, %add3A_340 : i32
      %get3A_342 = arith.index_cast %add3A_341 : i32 to index
      %get3A_343 = arith.constant 64 : index
      %get3A_344 = tpu.vector_load %arg11[%get3A_342, %get3A_343] {strides = array<i32>} : memref<128x128xf32, #tpu.memory_space<vmem>>, vector<1x16xf32>,
      %get3A_345 = vector.shape_cast %get3A_344 : vector<1x16xf32> to vector<16xf32>
      %swap3A_346 = arith.index_cast %add3A_339 : i32 to index
      %swap3A_347 = arith.constant 64 : index
      %swap3A_348 = tpu.vector_load %arg9[%swap3A_346, %swap3A_347] {strides = array<i32>} : memref<128x128xf32, #tpu.memory_space<vmem>>, vector<1x16xf32>,
      %swap3A_349 = vector.shape_cast %swap3A_348 : vector<1x16xf32> to vector<16xf32>
      %swap3A_350 = vector.shape_cast %get3A_345 : vector<16xf32> to vector<1x16xf32>
      tpu.vector_store %arg9[%swap3A_346, %swap3A_347], %swap3A_350 {add = true, strides = array<i32>} : memref<128x128xf32, #tpu.memory_space<vmem>>, vector<1x16xf32>,
      %add3A_351 = arith.constant 1 : i32
      %add3A_352 = arith.addi %add3A_183, %add3A_351 : i32
      %add3A_353 = arith.constant 1 : i32
      %add3A_354 = arith.addi %add3A_183, %add3A_353 : i32
      %get3A_355 = arith.index_cast %add3A_354 : i32 to index
      %get3A_356 = arith.constant 80 : index
      %get3A_357 = tpu.vector_load %arg11[%get3A_355, %get3A_356] {strides = array<i32>} : memref<128x128xf32, #tpu.memory_space<vmem>>, vector<1x16xf32>,
      %get3A_358 = vector.shape_cast %get3A_357 : vector<1x16xf32> to vector<16xf32>
      %swap3A_359 = arith.index_cast %add3A_352 : i32 to index
      %swap3A_360 = arith.constant 80 : index
      %swap3A_361 = tpu.vector_load %arg9[%swap3A_359, %swap3A_360] {strides = array<i32>} : memref<128x128xf32, #tpu.memory_space<vmem>>, vector<1x16xf32>,
      %swap3A_362 = vector.shape_cast %swap3A_361 : vector<1x16xf32> to vector<16xf32>
      %swap3A_363 = vector.shape_cast %get3A_358 : vector<16xf32> to vector<1x16xf32>
      tpu.vector_store %arg9[%swap3A_359, %swap3A_360], %swap3A_363 {add = true, strides = array<i32>} : memref<128x128xf32, #tpu.memory_space<vmem>>, vector<1x16xf32>,
      %add3A_364 = arith.constant 1 : i32
      %add3A_365 = arith.addi %add3A_183, %add3A_364 : i32
      %add3A_366 = arith.constant 1 : i32
      %add3A_367 = arith.addi %add3A_183, %add3A_366 : i32
      %get3A_368 = arith.index_cast %add3A_367 : i32 to index
      %get3A_369 = arith.constant 96 : index
      %get3A_370 = tpu.vector_load %arg11[%get3A_368, %get3A_369] {strides = array<i32>} : memref<128x128xf32, #tpu.memory_space<vmem>>, vector<1x16xf32>,
      %get3A_371 = vector.shape_cast %get3A_370 : vector<1x16xf32> to vector<16xf32>
      %swap3A_372 = arith.index_cast %add3A_365 : i32 to index
      %swap3A_373 = arith.constant 96 : index
      %swap3A_374 = tpu.vector_load %arg9[%swap3A_372, %swap3A_373] {strides = array<i32>} : memref<128x128xf32, #tpu.memory_space<vmem>>, vector<1x16xf32>,
      %swap3A_375 = vector.shape_cast %swap3A_374 : vector<1x16xf32> to vector<16xf32>
      %swap3A_376 = vector.shape_cast %get3A_371 : vector<16xf32> to vector<1x16xf32>
      tpu.vector_store %arg9[%swap3A_372, %swap3A_373], %swap3A_376 {add = true, strides = array<i32>} : memref<128x128xf32, #tpu.memory_space<vmem>>, vector<1x16xf32>,
      %add3A_377 = arith.constant 1 : i32
      %add3A_378 = arith.addi %add3A_183, %add3A_377 : i32
      %add3A_379 = arith.constant 1 : i32
      %add3A_380 = arith.addi %add3A_183, %add3A_379 : i32
      %get3A_381 = arith.index_cast %add3A_380 : i32 to index
      %get3A_382 = arith.constant 112 : index
      %get3A_383 = tpu.vector_load %arg11[%get3A_381, %get3A_382] {strides = array<i32>} : memref<128x128xf32, #tpu.memory_space<vmem>>, vector<1x16xf32>,
      %get3A_384 = vector.shape_cast %get3A_383 : vector<1x16xf32> to vector<16xf32>
      %swap3A_385 = arith.index_cast %add3A_378 : i32 to index
      %swap3A_386 = arith.constant 112 : index
      %swap3A_387 = tpu.vector_load %arg9[%swap3A_385, %swap3A_386] {strides = array<i32>} : memref<128x128xf32, #tpu.memory_space<vmem>>, vector<1x16xf32>,
      %swap3A_388 = vector.shape_cast %swap3A_387 : vector<1x16xf32> to vector<16xf32>
      %swap3A_389 = vector.shape_cast %get3A_384 : vector<16xf32> to vector<1x16xf32>
      tpu.vector_store %arg9[%swap3A_385, %swap3A_386], %swap3A_389 {add = true, strides = array<i32>} : memref<128x128xf32, #tpu.memory_space<vmem>>, vector<1x16xf32>,
      %add3A_390 = arith.constant 2 : i32
      %add3A_391 = arith.addi %add3A_183, %add3A_390 : i32
      %add3A_392 = arith.constant 2 : i32
      %add3A_393 = arith.addi %add3A_183, %add3A_392 : i32
      %get3A_394 = arith.index_cast %add3A_393 : i32 to index
      %get3A_395 = arith.constant 0 : index
      %get3A_396 = tpu.vector_load %arg11[%get3A_394, %get3A_395] {strides = array<i32>} : memref<128x128xf32, #tpu.memory_space<vmem>>, vector<1x16xf32>,
      %get3A_397 = vector.shape_cast %get3A_396 : vector<1x16xf32> to vector<16xf32>
      %swap3A_398 = arith.index_cast %add3A_391 : i32 to index
      %swap3A_399 = arith.constant 0 : index
      %swap3A_400 = tpu.vector_load %arg9[%swap3A_398, %swap3A_399] {strides = array<i32>} : memref<128x128xf32, #tpu.memory_space<vmem>>, vector<1x16xf32>,
      %swap3A_401 = vector.shape_cast %swap3A_400 : vector<1x16xf32> to vector<16xf32>
      %swap3A_402 = vector.shape_cast %get3A_397 : vector<16xf32> to vector<1x16xf32>
      tpu.vector_store %arg9[%swap3A_398, %swap3A_399], %swap3A_402 {add = true, strides = array<i32>} : memref<128x128xf32, #tpu.memory_space<vmem>>, vector<1x16xf32>,
      %add3A_403 = arith.constant 2 : i32
      %add3A_404 = arith.addi %add3A_183, %add3A_403 : i32
      %add3A_405 = arith.constant 2 : i32
      %add3A_406 = arith.addi %add3A_183, %add3A_405 : i32
      %get3A_407 = arith.index_cast %add3A_406 : i32 to index
      %get3A_408 = arith.constant 16 : index
      %get3A_409 = tpu.vector_load %arg11[%get3A_407, %get3A_408] {strides = array<i32>} : memref<128x128xf32, #tpu.memory_space<vmem>>, vector<1x16xf32>,
      %get3A_410 = vector.shape_cast %get3A_409 : vector<1x16xf32> to vector<16xf32>
      %swap3A_411 = arith.index_cast %add3A_404 : i32 to index
      %swap3A_412 = arith.constant 16 : index
      %swap3A_413 = tpu.vector_load %arg9[%swap3A_411, %swap3A_412] {strides = array<i32>} : memref<128x128xf32, #tpu.memory_space<vmem>>, vector<1x16xf32>,
      %swap3A_414 = vector.shape_cast %swap3A_413 : vector<1x16xf32> to vector<16xf32>
      %swap3A_415 = vector.shape_cast %get3A_410 : vector<16xf32> to vector<1x16xf32>
      tpu.vector_store %arg9[%swap3A_411, %swap3A_412], %swap3A_415 {add = true, strides = array<i32>} : memref<128x128xf32, #tpu.memory_space<vmem>>, vector<1x16xf32>,
      %add3A_416 = arith.constant 2 : i32
      %add3A_417 = arith.addi %add3A_183, %add3A_416 : i32
      %add3A_418 = arith.constant 2 : i32
      %add3A_419 = arith.addi %add3A_183, %add3A_418 : i32
      %get3A_420 = arith.index_cast %add3A_419 : i32 to index
      %get3A_421 = arith.constant 32 : index
      %get3A_422 = tpu.vector_load %arg11[%get3A_420, %get3A_421] {strides = array<i32>} : memref<128x128xf32, #tpu.memory_space<vmem>>, vector<1x16xf32>,
      %get3A_423 = vector.shape_cast %get3A_422 : vector<1x16xf32> to vector<16xf32>
      %swap3A_424 = arith.index_cast %add3A_417 : i32 to index
      %swap3A_425 = arith.constant 32 : index
      %swap3A_426 = tpu.vector_load %arg9[%swap3A_424, %swap3A_425] {strides = array<i32>} : memref<128x128xf32, #tpu.memory_space<vmem>>, vector<1x16xf32>,
      %swap3A_427 = vector.shape_cast %swap3A_426 : vector<1x16xf32> to vector<16xf32>
      %swap3A_428 = vector.shape_cast %get3A_423 : vector<16xf32> to vector<1x16xf32>
      tpu.vector_store %arg9[%swap3A_424, %swap3A_425], %swap3A_428 {add = true, strides = array<i32>} : memref<128x128xf32, #tpu.memory_space<vmem>>, vector<1x16xf32>,
      %add3A_429 = arith.constant 2 : i32
      %add3A_430 = arith.addi %add3A_183, %add3A_429 : i32
      %add3A_431 = arith.constant 2 : i32
      %add3A_432 = arith.addi %add3A_183, %add3A_431 : i32
      %get3A_433 = arith.index_cast %add3A_432 : i32 to index
      %get3A_434 = arith.constant 48 : index
      %get3A_435 = tpu.vector_load %arg11[%get3A_433, %get3A_434] {strides = array<i32>} : memref<128x128xf32, #tpu.memory_space<vmem>>, vector<1x16xf32>,
      %get3A_436 = vector.shape_cast %get3A_435 : vector<1x16xf32> to vector<16xf32>
      %swap3A_437 = arith.index_cast %add3A_430 : i32 to index
      %swap3A_438 = arith.constant 48 : index
      %swap3A_439 = tpu.vector_load %arg9[%swap3A_437, %swap3A_438] {strides = array<i32>} : memref<128x128xf32, #tpu.memory_space<vmem>>, vector<1x16xf32>,
      %swap3A_440 = vector.shape_cast %swap3A_439 : vector<1x16xf32> to vector<16xf32>
      %swap3A_441 = vector.shape_cast %get3A_436 : vector<16xf32> to vector<1x16xf32>
      tpu.vector_store %arg9[%swap3A_437, %swap3A_438], %swap3A_441 {add = true, strides = array<i32>} : memref<128x128xf32, #tpu.memory_space<vmem>>, vector<1x16xf32>,
      %add3A_442 = arith.constant 2 : i32
      %add3A_443 = arith.addi %add3A_183, %add3A_442 : i32
      %add3A_444 = arith.constant 2 : i32
      %add3A_445 = arith.addi %add3A_183, %add3A_444 : i32
      %get3A_446 = arith.index_cast %add3A_445 : i32 to index
      %get3A_447 = arith.constant 64 : index
      %get3A_448 = tpu.vector_load %arg11[%get3A_446, %get3A_447] {strides = array<i32>} : memref<128x128xf32, #tpu.memory_space<vmem>>, vector<1x16xf32>,
      %get3A_449 = vector.shape_cast %get3A_448 : vector<1x16xf32> to vector<16xf32>
      %swap3A_450 = arith.index_cast %add3A_443 : i32 to index
      %swap3A_451 = arith.constant 64 : index
      %swap3A_452 = tpu.vector_load %arg9[%swap3A_450, %swap3A_451] {strides = array<i32>} : memref<128x128xf32, #tpu.memory_space<vmem>>, vector<1x16xf32>,
      %swap3A_453 = vector.shape_cast %swap3A_452 : vector<1x16xf32> to vector<16xf32>
      %swap3A_454 = vector.shape_cast %get3A_449 : vector<16xf32> to vector<1x16xf32>
      tpu.vector_store %arg9[%swap3A_450, %swap3A_451], %swap3A_454 {add = true, strides = array<i32>} : memref<128x128xf32, #tpu.memory_space<vmem>>, vector<1x16xf32>,
      %add3A_455 = arith.constant 2 : i32
      %add3A_456 = arith.addi %add3A_183, %add3A_455 : i32
      %add3A_457 = arith.constant 2 : i32
      %add3A_458 = arith.addi %add3A_183, %add3A_457 : i32
      %get3A_459 = arith.index_cast %add3A_458 : i32 to index
      %get3A_460 = arith.constant 80 : index
      %get3A_461 = tpu.vector_load %arg11[%get3A_459, %get3A_460] {strides = array<i32>} : memref<128x128xf32, #tpu.memory_space<vmem>>, vector<1x16xf32>,
      %get3A_462 = vector.shape_cast %get3A_461 : vector<1x16xf32> to vector<16xf32>
      %swap3A_463 = arith.index_cast %add3A_456 : i32 to index
      %swap3A_464 = arith.constant 80 : index
      %swap3A_465 = tpu.vector_load %arg9[%swap3A_463, %swap3A_464] {strides = array<i32>} : memref<128x128xf32, #tpu.memory_space<vmem>>, vector<1x16xf32>,
      %swap3A_466 = vector.shape_cast %swap3A_465 : vector<1x16xf32> to vector<16xf32>
      %swap3A_467 = vector.shape_cast %get3A_462 : vector<16xf32> to vector<1x16xf32>
      tpu.vector_store %arg9[%swap3A_463, %swap3A_464], %swap3A_467 {add = true, strides = array<i32>} : memref<128x128xf32, #tpu.memory_space<vmem>>, vector<1x16xf32>,
      %add3A_468 = arith.constant 2 : i32
      %add3A_469 = arith.addi %add3A_183, %add3A_468 : i32
      %add3A_470 = arith.constant 2 : i32
      %add3A_471 = arith.addi %add3A_183, %add3A_470 : i32
      %get3A_472 = arith.index_cast %add3A_471 : i32 to index
      %get3A_473 = arith.constant 96 : index
      %get3A_474 = tpu.vector_load %arg11[%get3A_472, %get3A_473] {strides = array<i32>} : memref<128x128xf32, #tpu.memory_space<vmem>>, vector<1x16xf32>,
      %get3A_475 = vector.shape_cast %get3A_474 : vector<1x16xf32> to vector<16xf32>
      %swap3A_476 = arith.index_cast %add3A_469 : i32 to index
      %swap3A_477 = arith.constant 96 : index
      %swap3A_478 = tpu.vector_load %arg9[%swap3A_476, %swap3A_477] {strides = array<i32>} : memref<128x128xf32, #tpu.memory_space<vmem>>, vector<1x16xf32>,
      %swap3A_479 = vector.shape_cast %swap3A_478 : vector<1x16xf32> to vector<16xf32>
      %swap3A_480 = vector.shape_cast %get3A_475 : vector<16xf32> to vector<1x16xf32>
      tpu.vector_store %arg9[%swap3A_476, %swap3A_477], %swap3A_480 {add = true, strides = array<i32>} : memref<128x128xf32, #tpu.memory_space<vmem>>, vector<1x16xf32>,
      %add3A_481 = arith.constant 2 : i32
      %add3A_482 = arith.addi %add3A_183, %add3A_481 : i32
      %add3A_483 = arith.constant 2 : i32
      %add3A_484 = arith.addi %add3A_183, %add3A_483 : i32
      %get3A_485 = arith.index_cast %add3A_484 : i32 to index
      %get3A_486 = arith.constant 112 : index
      %get3A_487 = tpu.vector_load %arg11[%get3A_485, %get3A_486] {strides = array<i32>} : memref<128x128xf32, #tpu.memory_space<vmem>>, vector<1x16xf32>,
      %get3A_488 = vector.shape_cast %get3A_487 : vector<1x16xf32> to vector<16xf32>
      %swap3A_489 = arith.index_cast %add3A_482 : i32 to index
      %swap3A_490 = arith.constant 112 : index
      %swap3A_491 = tpu.vector_load %arg9[%swap3A_489, %swap3A_490] {strides = array<i32>} : memref<128x128xf32, #tpu.memory_space<vmem>>, vector<1x16xf32>,
      %swap3A_492 = vector.shape_cast %swap3A_491 : vector<1x16xf32> to vector<16xf32>
      %swap3A_493 = vector.shape_cast %get3A_488 : vector<16xf32> to vector<1x16xf32>
      tpu.vector_store %arg9[%swap3A_489, %swap3A_490], %swap3A_493 {add = true, strides = array<i32>} : memref<128x128xf32, #tpu.memory_space<vmem>>, vector<1x16xf32>,
      %add3A_494 = arith.constant 3 : i32
      %add3A_495 = arith.addi %add3A_183, %add3A_494 : i32
      %add3A_496 = arith.constant 3 : i32
      %add3A_497 = arith.addi %add3A_183, %add3A_496 : i32
      %get3A_498 = arith.index_cast %add3A_497 : i32 to index
      %get3A_499 = arith.constant 0 : index
      %get3A_500 = tpu.vector_load %arg11[%get3A_498, %get3A_499] {strides = array<i32>} : memref<128x128xf32, #tpu.memory_space<vmem>>, vector<1x16xf32>,
      %get3A_501 = vector.shape_cast %get3A_500 : vector<1x16xf32> to vector<16xf32>
      %swap3A_502 = arith.index_cast %add3A_495 : i32 to index
      %swap3A_503 = arith.constant 0 : index
      %swap3A_504 = tpu.vector_load %arg9[%swap3A_502, %swap3A_503] {strides = array<i32>} : memref<128x128xf32, #tpu.memory_space<vmem>>, vector<1x16xf32>,
      %swap3A_505 = vector.shape_cast %swap3A_504 : vector<1x16xf32> to vector<16xf32>
      %swap3A_506 = vector.shape_cast %get3A_501 : vector<16xf32> to vector<1x16xf32>
      tpu.vector_store %arg9[%swap3A_502, %swap3A_503], %swap3A_506 {add = true, strides = array<i32>} : memref<128x128xf32, #tpu.memory_space<vmem>>, vector<1x16xf32>,
      %add3A_507 = arith.constant 3 : i32
      %add3A_508 = arith.addi %add3A_183, %add3A_507 : i32
      %add3A_509 = arith.constant 3 : i32
      %add3A_510 = arith.addi %add3A_183, %add3A_509 : i32
      %get3A_511 = arith.index_cast %add3A_510 : i32 to index
      %get3A_512 = arith.constant 16 : index
      %get3A_513 = tpu.vector_load %arg11[%get3A_511, %get3A_512] {strides = array<i32>} : memref<128x128xf32, #tpu.memory_space<vmem>>, vector<1x16xf32>,
      %get3A_514 = vector.shape_cast %get3A_513 : vector<1x16xf32> to vector<16xf32>
      %swap3A_515 = arith.index_cast %add3A_508 : i32 to index
      %swap3A_516 = arith.constant 16 : index
      %swap3A_517 = tpu.vector_load %arg9[%swap3A_515, %swap3A_516] {strides = array<i32>} : memref<128x128xf32, #tpu.memory_space<vmem>>, vector<1x16xf32>,
      %swap3A_518 = vector.shape_cast %swap3A_517 : vector<1x16xf32> to vector<16xf32>
      %swap3A_519 = vector.shape_cast %get3A_514 : vector<16xf32> to vector<1x16xf32>
      tpu.vector_store %arg9[%swap3A_515, %swap3A_516], %swap3A_519 {add = true, strides = array<i32>} : memref<128x128xf32, #tpu.memory_space<vmem>>, vector<1x16xf32>,
      %add3A_520 = arith.constant 3 : i32
      %add3A_521 = arith.addi %add3A_183, %add3A_520 : i32
      %add3A_522 = arith.constant 3 : i32
      %add3A_523 = arith.addi %add3A_183, %add3A_522 : i32
      %get3A_524 = arith.index_cast %add3A_523 : i32 to index
      %get3A_525 = arith.constant 32 : index
      %get3A_526 = tpu.vector_load %arg11[%get3A_524, %get3A_525] {strides = array<i32>} : memref<128x128xf32, #tpu.memory_space<vmem>>, vector<1x16xf32>,
      %get3A_527 = vector.shape_cast %get3A_526 : vector<1x16xf32> to vector<16xf32>
      %swap3A_528 = arith.index_cast %add3A_521 : i32 to index
      %swap3A_529 = arith.constant 32 : index
      %swap3A_530 = tpu.vector_load %arg9[%swap3A_528, %swap3A_529] {strides = array<i32>} : memref<128x128xf32, #tpu.memory_space<vmem>>, vector<1x16xf32>,
      %swap3A_531 = vector.shape_cast %swap3A_530 : vector<1x16xf32> to vector<16xf32>
      %swap3A_532 = vector.shape_cast %get3A_527 : vector<16xf32> to vector<1x16xf32>
      tpu.vector_store %arg9[%swap3A_528, %swap3A_529], %swap3A_532 {add = true, strides = array<i32>} : memref<128x128xf32, #tpu.memory_space<vmem>>, vector<1x16xf32>,
      %add3A_533 = arith.constant 3 : i32
      %add3A_534 = arith.addi %add3A_183, %add3A_533 : i32
      %add3A_535 = arith.constant 3 : i32
      %add3A_536 = arith.addi %add3A_183, %add3A_535 : i32
      %get3A_537 = arith.index_cast %add3A_536 : i32 to index
      %get3A_538 = arith.constant 48 : index
      %get3A_539 = tpu.vector_load %arg11[%get3A_537, %get3A_538] {strides = array<i32>} : memref<128x128xf32, #tpu.memory_space<vmem>>, vector<1x16xf32>,
      %get3A_540 = vector.shape_cast %get3A_539 : vector<1x16xf32> to vector<16xf32>
      %swap3A_541 = arith.index_cast %add3A_534 : i32 to index
      %swap3A_542 = arith.constant 48 : index
      %swap3A_543 = tpu.vector_load %arg9[%swap3A_541, %swap3A_542] {strides = array<i32>} : memref<128x128xf32, #tpu.memory_space<vmem>>, vector<1x16xf32>,
      %swap3A_544 = vector.shape_cast %swap3A_543 : vector<1x16xf32> to vector<16xf32>
      %swap3A_545 = vector.shape_cast %get3A_540 : vector<16xf32> to vector<1x16xf32>
      tpu.vector_store %arg9[%swap3A_541, %swap3A_542], %swap3A_545 {add = true, strides = array<i32>} : memref<128x128xf32, #tpu.memory_space<vmem>>, vector<1x16xf32>,
      %add3A_546 = arith.constant 3 : i32
      %add3A_547 = arith.addi %add3A_183, %add3A_546 : i32
      %add3A_548 = arith.constant 3 : i32
      %add3A_549 = arith.addi %add3A_183, %add3A_548 : i32
      %get3A_550 = arith.index_cast %add3A_549 : i32 to index
      %get3A_551 = arith.constant 64 : index
      %get3A_552 = tpu.vector_load %arg11[%get3A_550, %get3A_551] {strides = array<i32>} : memref<128x128xf32, #tpu.memory_space<vmem>>, vector<1x16xf32>,
      %get3A_553 = vector.shape_cast %get3A_552 : vector<1x16xf32> to vector<16xf32>
      %swap3A_554 = arith.index_cast %add3A_547 : i32 to index
      %swap3A_555 = arith.constant 64 : index
      %swap3A_556 = tpu.vector_load %arg9[%swap3A_554, %swap3A_555] {strides = array<i32>} : memref<128x128xf32, #tpu.memory_space<vmem>>, vector<1x16xf32>,
      %swap3A_557 = vector.shape_cast %swap3A_556 : vector<1x16xf32> to vector<16xf32>
      %swap3A_558 = vector.shape_cast %get3A_553 : vector<16xf32> to vector<1x16xf32>
      tpu.vector_store %arg9[%swap3A_554, %swap3A_555], %swap3A_558 {add = true, strides = array<i32>} : memref<128x128xf32, #tpu.memory_space<vmem>>, vector<1x16xf32>,
      %add3A_559 = arith.constant 3 : i32
      %add3A_560 = arith.addi %add3A_183, %add3A_559 : i32
      %add3A_561 = arith.constant 3 : i32
      %add3A_562 = arith.addi %add3A_183, %add3A_561 : i32
      %get3A_563 = arith.index_cast %add3A_562 : i32 to index
      %get3A_564 = arith.constant 80 : index
      %get3A_565 = tpu.vector_load %arg11[%get3A_563, %get3A_564] {strides = array<i32>} : memref<128x128xf32, #tpu.memory_space<vmem>>, vector<1x16xf32>,
      %get3A_566 = vector.shape_cast %get3A_565 : vector<1x16xf32> to vector<16xf32>
      %swap3A_567 = arith.index_cast %add3A_560 : i32 to index
      %swap3A_568 = arith.constant 80 : index
      %swap3A_569 = tpu.vector_load %arg9[%swap3A_567, %swap3A_568] {strides = array<i32>} : memref<128x128xf32, #tpu.memory_space<vmem>>, vector<1x16xf32>,
      %swap3A_570 = vector.shape_cast %swap3A_569 : vector<1x16xf32> to vector<16xf32>
      %swap3A_571 = vector.shape_cast %get3A_566 : vector<16xf32> to vector<1x16xf32>
      tpu.vector_store %arg9[%swap3A_567, %swap3A_568], %swap3A_571 {add = true, strides = array<i32>} : memref<128x128xf32, #tpu.memory_space<vmem>>, vector<1x16xf32>,
      %add3A_572 = arith.constant 3 : i32
      %add3A_573 = arith.addi %add3A_183, %add3A_572 : i32
      %add3A_574 = arith.constant 3 : i32
      %add3A_575 = arith.addi %add3A_183, %add3A_574 : i32
      %get3A_576 = arith.index_cast %add3A_575 : i32 to index
      %get3A_577 = arith.constant 96 : index
      %get3A_578 = tpu.vector_load %arg11[%get3A_576, %get3A_577] {strides = array<i32>} : memref<128x128xf32, #tpu.memory_space<vmem>>, vector<1x16xf32>,
      %get3A_579 = vector.shape_cast %get3A_578 : vector<1x16xf32> to vector<16xf32>
      %swap3A_580 = arith.index_cast %add3A_573 : i32 to index
      %swap3A_581 = arith.constant 96 : index
      %swap3A_582 = tpu.vector_load %arg9[%swap3A_580, %swap3A_581] {strides = array<i32>} : memref<128x128xf32, #tpu.memory_space<vmem>>, vector<1x16xf32>,
      %swap3A_583 = vector.shape_cast %swap3A_582 : vector<1x16xf32> to vector<16xf32>
      %swap3A_584 = vector.shape_cast %get3A_579 : vector<16xf32> to vector<1x16xf32>
      tpu.vector_store %arg9[%swap3A_580, %swap3A_581], %swap3A_584 {add = true, strides = array<i32>} : memref<128x128xf32, #tpu.memory_space<vmem>>, vector<1x16xf32>,
      %add3A_585 = arith.constant 3 : i32
      %add3A_586 = arith.addi %add3A_183, %add3A_585 : i32
      %add3A_587 = arith.constant 3 : i32
      %add3A_588 = arith.addi %add3A_183, %add3A_587 : i32
      %get3A_589 = arith.index_cast %add3A_588 : i32 to index
      %get3A_590 = arith.constant 112 : index
      %get3A_591 = tpu.vector_load %arg11[%get3A_589, %get3A_590] {strides = array<i32>} : memref<128x128xf32, #tpu.memory_space<vmem>>, vector<1x16xf32>,
      %get3A_592 = vector.shape_cast %get3A_591 : vector<1x16xf32> to vector<16xf32>
      %swap3A_593 = arith.index_cast %add3A_586 : i32 to index
      %swap3A_594 = arith.constant 112 : index
      %swap3A_595 = tpu.vector_load %arg9[%swap3A_593, %swap3A_594] {strides = array<i32>} : memref<128x128xf32, #tpu.memory_space<vmem>>, vector<1x16xf32>,
      %swap3A_596 = vector.shape_cast %swap3A_595 : vector<1x16xf32> to vector<16xf32>
      %swap3A_597 = vector.shape_cast %get3A_592 : vector<16xf32> to vector<1x16xf32>
      tpu.vector_store %arg9[%swap3A_593, %swap3A_594], %swap3A_597 {add = true, strides = array<i32>} : memref<128x128xf32, #tpu.memory_space<vmem>>, vector<1x16xf32>,
    }
    %scan3A_55 = arith.constant 16 : i32
    %add3A_56 = arith.constant 0 : i32
    %add3A_57 = arith.addi %mul3A_2, %add3A_56 : i32
    %add3A_58 = arith.constant 64 : i32
    %add3A_59 = arith.addi %add3A_57, %add3A_58 : i32
    %dma_start3A_60 = arith.constant 64 : i32
    %dma_start3A_61 = arith.constant 0 : i32
    %dma_start3A_62 = tpu.memref_slice %arg9[%dma_start3A_60, %dma_start3A_61] : memref<128x128xf32, #tpu.memory_space<vmem>> -> memref<64x128xf32, #tpu.memory_space<vmem>>
    %dma_start3A_63 = arith.constant 0 : i32
    %dma_start3A_64 = tpu.memref_slice %arg6[%add3A_59, %dma_start3A_63] : memref<819200x128xf32, #tpu.memory_space<hbm>> -> memref<64x128xf32, #tpu.memory_space<hbm>>
    %dma_start3A_65 = arith.constant 0 : i32
    %dma_start3A_66 = tpu.memref_slice %arg6[%add3A_59, %dma_start3A_65] : memref<819200x128xf32, #tpu.memory_space<hbm>> -> memref<64x128xf32, #tpu.memory_space<hbm>>
    %dma_start3A_67 = arith.constant 64 : i32
    %dma_start3A_68 = arith.constant 0 : i32
    %dma_start3A_69 = tpu.memref_slice %arg9[%dma_start3A_67, %dma_start3A_68] : memref<128x128xf32, #tpu.memory_space<vmem>> -> memref<64x128xf32, #tpu.memory_space<vmem>>
    tpu.enqueue_dma source(%dma_start3A_69 : memref<64x128xf32, #tpu.memory_space<vmem>>) target(%dma_start3A_66 : memref<64x128xf32, #tpu.memory_space<hbm>>) target_semaphore(%arg18 : memref<!tpu.dma_semaphore, #tpu.memory_space<semaphore_mem>>)
    %scan3A_70 = arith.constant 0 : i32
    %scan3A_71 = arith.constant 99 : i32
    %scan3A_72 = arith.addi %scan3A_70, %scan3A_71 : i32
    %scan3A_73 = arith.constant 1 : i32
    scf.for %scan3A_179 = %scan3A_70 to %scan3A_72 step %scan3A_73  : i32 {
      %mul3A_180 = arith.constant 2 : i32
      %mul3A_181 = arith.muli %scan3A_179, %mul3A_180 : i32
      %add3A_182 = arith.constant 1 : i32
      %add3A_183 = arith.addi %add3A_182, %mul3A_181 : i32
      %mul3A_184 = arith.constant 128 : i32
      %mul3A_185 = arith.muli %add3A_183, %mul3A_184 : i32
      %dma_wait3A_186 = tpu.memref_slice %arg7[%mul3A_185] : memref<25600xi32, #tpu.memory_space<vmem>> -> memref<128xi32, #tpu.memory_space<vmem>>
      %dma_wait3A_187 = arith.constant 0 : i32
      %dma_wait3A_188 = arith.constant 0 : i32
      %dma_wait3A_189 = tpu.memref_slice %arg4[%dma_wait3A_187, %dma_wait3A_188] : memref<100000x128xf32, #tpu.memory_space<hbm>> -> memref<100000x128xf32, #tpu.memory_space<hbm>>
      tpu.wait_indirect_dma semaphore(%arg15 : memref<!tpu.dma_semaphore, #tpu.memory_space<semaphore_mem>>) src(%dma_wait3A_189 : memref<100000x128xf32, #tpu.memory_space<hbm>>) dst(%arg10 : memref<128x128xf32, #tpu.memory_space<vmem>>)
      %mul3A_190 = arith.constant 128 : i32
      %mul3A_191 = arith.muli %add3A_183, %mul3A_190 : i32
      %dma_wait3A_192 = tpu.memref_slice %arg8[%mul3A_191] : memref<25600xi32, #tpu.memory_space<vmem>> -> memref<128xi32, #tpu.memory_space<vmem>>
      %dma_wait3A_193 = arith.constant 0 : i32
      %dma_wait3A_194 = arith.constant 0 : i32
      %dma_wait3A_195 = tpu.memref_slice %arg13[%dma_wait3A_193, %dma_wait3A_194] : memref<600x128xf32, #tpu.memory_space<vmem_shared>> -> memref<600x128xf32, #tpu.memory_space<vmem_shared>>
      tpu.wait_indirect_dma semaphore(%arg17 : memref<!tpu.dma_semaphore, #tpu.memory_space<semaphore_mem>>) src(%dma_wait3A_195 : memref<600x128xf32, #tpu.memory_space<vmem_shared>>) dst(%arg12 : memref<128x128xf32, #tpu.memory_space<vmem>>)
      %sub3A = arith.constant 1 : i32
      %sub3A_196 = arith.subi %add3A_183, %sub3A : i32
      %mul3A_197 = arith.constant 128 : i32
      %mul3A_198 = arith.muli %sub3A_196, %mul3A_197 : i32
      %add3A_199 = arith.addi %mul3A_2, %mul3A_198 : i32
      %add3A_200 = arith.constant 0 : i32
      %add3A_201 = arith.addi %add3A_199, %add3A_200 : i32
      %dma_wait3A_202 = arith.constant 0 : i32
      %dma_wait3A_203 = arith.constant 0 : i32
      %dma_wait3A_204 = tpu.memref_slice %arg9[%dma_wait3A_202, %dma_wait3A_203] : memref<128x128xf32, #tpu.memory_space<vmem>> -> memref<64x128xf32, #tpu.memory_space<vmem>>
      %dma_wait3A_205 = arith.constant 0 : i32
      %dma_wait3A_206 = tpu.memref_slice %arg6[%add3A_201, %dma_wait3A_205] : memref<819200x128xf32, #tpu.memory_space<hbm>> -> memref<64x128xf32, #tpu.memory_space<hbm>>
      %dma_wait3A_207 = arith.constant 0 : i32
      %dma_wait3A_208 = tpu.memref_slice %arg6[%add3A_201, %dma_wait3A_207] : memref<819200x128xf32, #tpu.memory_space<hbm>> -> memref<64x128xf32, #tpu.memory_space<hbm>>
      %dma_wait3A_209 = arith.constant 0 : i32
      %dma_wait3A_210 = arith.constant 0 : i32
      %dma_wait3A_211 = tpu.memref_slice %arg9[%dma_wait3A_209, %dma_wait3A_210] : memref<128x128xf32, #tpu.memory_space<vmem>> -> memref<64x128xf32, #tpu.memory_space<vmem>>
      tpu.wait_dma2 semaphore(%arg18 : memref<!tpu.dma_semaphore, #tpu.memory_space<semaphore_mem>>) src(%dma_wait3A_211 : memref<64x128xf32, #tpu.memory_space<vmem>>) dst(%dma_wait3A_208 : memref<64x128xf32, #tpu.memory_space<hbm>>)
      %mul3A_212 = arith.constant 128 : i32
      %mul3A_213 = arith.muli %sub3A_196, %mul3A_212 : i32
      %add3A_214 = arith.addi %mul3A_2, %mul3A_213 : i32
      %add3A_215 = arith.constant 64 : i32
      %add3A_216 = arith.addi %add3A_214, %add3A_215 : i32
      %dma_wait3A_217 = arith.constant 64 : i32
      %dma_wait3A_218 = arith.constant 0 : i32
      %dma_wait3A_219 = tpu.memref_slice %arg9[%dma_wait3A_217, %dma_wait3A_218] : memref<128x128xf32, #tpu.memory_space<vmem>> -> memref<64x128xf32, #tpu.memory_space<vmem>>
      %dma_wait3A_220 = arith.constant 0 : i32
      %dma_wait3A_221 = tpu.memref_slice %arg6[%add3A_216, %dma_wait3A_220] : memref<819200x128xf32, #tpu.memory_space<hbm>> -> memref<64x128xf32, #tpu.memory_space<hbm>>
      %dma_wait3A_222 = arith.constant 0 : i32
      %dma_wait3A_223 = tpu.memref_slice %arg6[%add3A_216, %dma_wait3A_222] : memref<819200x128xf32, #tpu.memory_space<hbm>> -> memref<64x128xf32, #tpu.memory_space<hbm>>
      %dma_wait3A_224 = arith.constant 64 : i32
      %dma_wait3A_225 = arith.constant 0 : i32
      %dma_wait3A_226 = tpu.memref_slice %arg9[%dma_wait3A_224, %dma_wait3A_225] : memref<128x128xf32, #tpu.memory_space<vmem>> -> memref<64x128xf32, #tpu.memory_space<vmem>>
      tpu.wait_dma2 semaphore(%arg18 : memref<!tpu.dma_semaphore, #tpu.memory_space<semaphore_mem>>) src(%dma_wait3A_226 : memref<64x128xf32, #tpu.memory_space<vmem>>) dst(%dma_wait3A_223 : memref<64x128xf32, #tpu.memory_space<hbm>>)
      %add3A_227 = arith.constant 1 : i32
      %add3A_228 = arith.addi %add3A_183, %add3A_227 : i32
      %mul3A_229 = arith.constant 128 : i32
      %mul3A_230 = arith.muli %add3A_228, %mul3A_229 : i32
      %dma_start3A_231 = tpu.memref_slice %arg7[%mul3A_230] : memref<25600xi32, #tpu.memory_space<vmem>> -> memref<128xi32, #tpu.memory_space<vmem>>
      %dma_start3A_232 = arith.constant 0 : i32
      %dma_start3A_233 = arith.constant 0 : i32
      %dma_start3A_234 = tpu.memref_slice %arg4[%dma_start3A_232, %dma_start3A_233] : memref<100000x128xf32, #tpu.memory_space<hbm>> -> memref<100000x128xf32, #tpu.memory_space<hbm>>
      tpu.enqueue_indirect_dma source(%dma_start3A_234 : memref<100000x128xf32, #tpu.memory_space<hbm>>) target(%arg9 : memref<128x128xf32, #tpu.memory_space<vmem>>) offsets(%dma_start3A_231 : memref<128xi32, #tpu.memory_space<vmem>>) semaphore(%arg14 : memref<!tpu.dma_semaphore, #tpu.memory_space<semaphore_mem>>)
      %mul3A_235 = arith.constant 128 : i32
      %mul3A_236 = arith.muli %add3A_228, %mul3A_235 : i32
      %dma_start3A_237 = tpu.memref_slice %arg8[%mul3A_236] : memref<25600xi32, #tpu.memory_space<vmem>> -> memref<128xi32, #tpu.memory_space<vmem>>
      %dma_start3A_238 = arith.constant 0 : i32
      %dma_start3A_239 = arith.constant 0 : i32
      %dma_start3A_240 = tpu.memref_slice %arg13[%dma_start3A_238, %dma_start3A_239] : memref<600x128xf32, #tpu.memory_space<vmem_shared>> -> memref<600x128xf32, #tpu.memory_space<vmem_shared>>
      tpu.enqueue_indirect_dma source(%dma_start3A_240 : memref<600x128xf32, #tpu.memory_space<vmem_shared>>) target(%arg11 : memref<128x128xf32, #tpu.memory_space<vmem>>) offsets(%dma_start3A_237 : memref<128xi32, #tpu.memory_space<vmem>>) semaphore(%arg16 : memref<!tpu.dma_semaphore, #tpu.memory_space<semaphore_mem>>)
      %scan3A_241 = arith.constant 0 : i32
      %scan3A_242 = arith.constant 16 : i32
      %scan3A_243 = arith.addi %scan3A_241, %scan3A_242 : i32
      %scan3A_244 = arith.constant 1 : i32
      scf.for %scan3A_381 = %scan3A_241 to %scan3A_243 step %scan3A_244  : i32 {
        %mul3A_382 = arith.constant 4 : i32
        %mul3A_383 = arith.muli %scan3A_381, %mul3A_382 : i32
        %add3A_384 = arith.constant 0 : i32
        %add3A_385 = arith.addi %add3A_384, %mul3A_383 : i32
        %add3A_386 = arith.constant 0 : i32
        %add3A_387 = arith.addi %add3A_385, %add3A_386 : i32
        %add3A_388 = arith.constant 0 : i32
        %add3A_389 = arith.addi %add3A_385, %add3A_388 : i32
        %get3A = arith.index_cast %add3A_389 : i32 to index
        %get3A_390 = arith.constant 0 : index
        %get3A_391 = tpu.vector_load %arg12[%get3A, %get3A_390] {strides = array<i32>} : memref<128x128xf32, #tpu.memory_space<vmem>>, vector<1x16xf32>,
        %get3A_392 = vector.shape_cast %get3A_391 : vector<1x16xf32> to vector<16xf32>
        %swap3A = arith.index_cast %add3A_387 : i32 to index
        %swap3A_393 = arith.constant 0 : index
        %swap3A_394 = tpu.vector_load %arg10[%swap3A, %swap3A_393] {strides = array<i32>} : memref<128x128xf32, #tpu.memory_space<vmem>>, vector<1x16xf32>,
        %swap3A_395 = vector.shape_cast %swap3A_394 : vector<1x16xf32> to vector<16xf32>
        %swap3A_396 = vector.shape_cast %get3A_392 : vector<16xf32> to vector<1x16xf32>
        tpu.vector_store %arg10[%swap3A, %swap3A_393], %swap3A_396 {add = true, strides = array<i32>} : memref<128x128xf32, #tpu.memory_space<vmem>>, vector<1x16xf32>,
        %add3A_397 = arith.constant 0 : i32
        %add3A_398 = arith.addi %add3A_385, %add3A_397 : i32
        %add3A_399 = arith.constant 0 : i32
        %add3A_400 = arith.addi %add3A_385, %add3A_399 : i32
        %get3A_401 = arith.index_cast %add3A_400 : i32 to index
        %get3A_402 = arith.constant 16 : index
        %get3A_403 = tpu.vector_load %arg12[%get3A_401, %get3A_402] {strides = array<i32>} : memref<128x128xf32, #tpu.memory_space<vmem>>, vector<1x16xf32>,
        %get3A_404 = vector.shape_cast %get3A_403 : vector<1x16xf32> to vector<16xf32>
        %swap3A_405 = arith.index_cast %add3A_398 : i32 to index
        %swap3A_406 = arith.constant 16 : index
        %swap3A_407 = tpu.vector_load %arg10[%swap3A_405, %swap3A_406] {strides = array<i32>} : memref<128x128xf32, #tpu.memory_space<vmem>>, vector<1x16xf32>,
        %swap3A_408 = vector.shape_cast %swap3A_407 : vector<1x16xf32> to vector<16xf32>
        %swap3A_409 = vector.shape_cast %get3A_404 : vector<16xf32> to vector<1x16xf32>
        tpu.vector_store %arg10[%swap3A_405, %swap3A_406], %swap3A_409 {add = true, strides = array<i32>} : memref<128x128xf32, #tpu.memory_space<vmem>>, vector<1x16xf32>,
        %add3A_410 = arith.constant 0 : i32
        %add3A_411 = arith.addi %add3A_385, %add3A_410 : i32
        %add3A_412 = arith.constant 0 : i32
        %add3A_413 = arith.addi %add3A_385, %add3A_412 : i32
        %get3A_414 = arith.index_cast %add3A_413 : i32 to index
        %get3A_415 = arith.constant 32 : index
        %get3A_416 = tpu.vector_load %arg12[%get3A_414, %get3A_415] {strides = array<i32>} : memref<128x128xf32, #tpu.memory_space<vmem>>, vector<1x16xf32>,
        %get3A_417 = vector.shape_cast %get3A_416 : vector<1x16xf32> to vector<16xf32>
        %swap3A_418 = arith.index_cast %add3A_411 : i32 to index
        %swap3A_419 = arith.constant 32 : index
        %swap3A_420 = tpu.vector_load %arg10[%swap3A_418, %swap3A_419] {strides = array<i32>} : memref<128x128xf32, #tpu.memory_space<vmem>>, vector<1x16xf32>,
        %swap3A_421 = vector.shape_cast %swap3A_420 : vector<1x16xf32> to vector<16xf32>
        %swap3A_422 = vector.shape_cast %get3A_417 : vector<16xf32> to vector<1x16xf32>
        tpu.vector_store %arg10[%swap3A_418, %swap3A_419], %swap3A_422 {add = true, strides = array<i32>} : memref<128x128xf32, #tpu.memory_space<vmem>>, vector<1x16xf32>,
        %add3A_423 = arith.constant 0 : i32
        %add3A_424 = arith.addi %add3A_385, %add3A_423 : i32
        %add3A_425 = arith.constant 0 : i32
        %add3A_426 = arith.addi %add3A_385, %add3A_425 : i32
        %get3A_427 = arith.index_cast %add3A_426 : i32 to index
        %get3A_428 = arith.constant 48 : index
        %get3A_429 = tpu.vector_load %arg12[%get3A_427, %get3A_428] {strides = array<i32>} : memref<128x128xf32, #tpu.memory_space<vmem>>, vector<1x16xf32>,
        %get3A_430 = vector.shape_cast %get3A_429 : vector<1x16xf32> to vector<16xf32>
        %swap3A_431 = arith.index_cast %add3A_424 : i32 to index
        %swap3A_432 = arith.constant 48 : index
        %swap3A_433 = tpu.vector_load %arg10[%swap3A_431, %swap3A_432] {strides = array<i32>} : memref<128x128xf32, #tpu.memory_space<vmem>>, vector<1x16xf32>,
        %swap3A_434 = vector.shape_cast %swap3A_433 : vector<1x16xf32> to vector<16xf32>
        %swap3A_435 = vector.shape_cast %get3A_430 : vector<16xf32> to vector<1x16xf32>
        tpu.vector_store %arg10[%swap3A_431, %swap3A_432], %swap3A_435 {add = true, strides = array<i32>} : memref<128x128xf32, #tpu.memory_space<vmem>>, vector<1x16xf32>,
        %add3A_436 = arith.constant 0 : i32
        %add3A_437 = arith.addi %add3A_385, %add3A_436 : i32
        %add3A_438 = arith.constant 0 : i32
        %add3A_439 = arith.addi %add3A_385, %add3A_438 : i32
        %get3A_440 = arith.index_cast %add3A_439 : i32 to index
        %get3A_441 = arith.constant 64 : index
        %get3A_442 = tpu.vector_load %arg12[%get3A_440, %get3A_441] {strides = array<i32>} : memref<128x128xf32, #tpu.memory_space<vmem>>, vector<1x16xf32>,
        %get3A_443 = vector.shape_cast %get3A_442 : vector<1x16xf32> to vector<16xf32>
        %swap3A_444 = arith.index_cast %add3A_437 : i32 to index
        %swap3A_445 = arith.constant 64 : index
        %swap3A_446 = tpu.vector_load %arg10[%swap3A_444, %swap3A_445] {strides = array<i32>} : memref<128x128xf32, #tpu.memory_space<vmem>>, vector<1x16xf32>,
        %swap3A_447 = vector.shape_cast %swap3A_446 : vector<1x16xf32> to vector<16xf32>
        %swap3A_448 = vector.shape_cast %get3A_443 : vector<16xf32> to vector<1x16xf32>
        tpu.vector_store %arg10[%swap3A_444, %swap3A_445], %swap3A_448 {add = true, strides = array<i32>} : memref<128x128xf32, #tpu.memory_space<vmem>>, vector<1x16xf32>,
        %add3A_449 = arith.constant 0 : i32
        %add3A_450 = arith.addi %add3A_385, %add3A_449 : i32
        %add3A_451 = arith.constant 0 : i32
        %add3A_452 = arith.addi %add3A_385, %add3A_451 : i32
        %get3A_453 = arith.index_cast %add3A_452 : i32 to index
        %get3A_454 = arith.constant 80 : index
        %get3A_455 = tpu.vector_load %arg12[%get3A_453, %get3A_454] {strides = array<i32>} : memref<128x128xf32, #tpu.memory_space<vmem>>, vector<1x16xf32>,
        %get3A_456 = vector.shape_cast %get3A_455 : vector<1x16xf32> to vector<16xf32>
        %swap3A_457 = arith.index_cast %add3A_450 : i32 to index
        %swap3A_458 = arith.constant 80 : index
        %swap3A_459 = tpu.vector_load %arg10[%swap3A_457, %swap3A_458] {strides = array<i32>} : memref<128x128xf32, #tpu.memory_space<vmem>>, vector<1x16xf32>,
        %swap3A_460 = vector.shape_cast %swap3A_459 : vector<1x16xf32> to vector<16xf32>
        %swap3A_461 = vector.shape_cast %get3A_456 : vector<16xf32> to vector<1x16xf32>
        tpu.vector_store %arg10[%swap3A_457, %swap3A_458], %swap3A_461 {add = true, strides = array<i32>} : memref<128x128xf32, #tpu.memory_space<vmem>>, vector<1x16xf32>,
        %add3A_462 = arith.constant 0 : i32
        %add3A_463 = arith.addi %add3A_385, %add3A_462 : i32
        %add3A_464 = arith.constant 0 : i32
        %add3A_465 = arith.addi %add3A_385, %add3A_464 : i32
        %get3A_466 = arith.index_cast %add3A_465 : i32 to index
        %get3A_467 = arith.constant 96 : index
        %get3A_468 = tpu.vector_load %arg12[%get3A_466, %get3A_467] {strides = array<i32>} : memref<128x128xf32, #tpu.memory_space<vmem>>, vector<1x16xf32>,
        %get3A_469 = vector.shape_cast %get3A_468 : vector<1x16xf32> to vector<16xf32>
        %swap3A_470 = arith.index_cast %add3A_463 : i32 to index
        %swap3A_471 = arith.constant 96 : index
        %swap3A_472 = tpu.vector_load %arg10[%swap3A_470, %swap3A_471] {strides = array<i32>} : memref<128x128xf32, #tpu.memory_space<vmem>>, vector<1x16xf32>,
        %swap3A_473 = vector.shape_cast %swap3A_472 : vector<1x16xf32> to vector<16xf32>
        %swap3A_474 = vector.shape_cast %get3A_469 : vector<16xf32> to vector<1x16xf32>
        tpu.vector_store %arg10[%swap3A_470, %swap3A_471], %swap3A_474 {add = true, strides = array<i32>} : memref<128x128xf32, #tpu.memory_space<vmem>>, vector<1x16xf32>,
        %add3A_475 = arith.constant 0 : i32
        %add3A_476 = arith.addi %add3A_385, %add3A_475 : i32
        %add3A_477 = arith.constant 0 : i32
        %add3A_478 = arith.addi %add3A_385, %add3A_477 : i32
        %get3A_479 = arith.index_cast %add3A_478 : i32 to index
        %get3A_480 = arith.constant 112 : index
        %get3A_481 = tpu.vector_load %arg12[%get3A_479, %get3A_480] {strides = array<i32>} : memref<128x128xf32, #tpu.memory_space<vmem>>, vector<1x16xf32>,
        %get3A_482 = vector.shape_cast %get3A_481 : vector<1x16xf32> to vector<16xf32>
        %swap3A_483 = arith.index_cast %add3A_476 : i32 to index
        %swap3A_484 = arith.constant 112 : index
        %swap3A_485 = tpu.vector_load %arg10[%swap3A_483, %swap3A_484] {strides = array<i32>} : memref<128x128xf32, #tpu.memory_space<vmem>>, vector<1x16xf32>,
        %swap3A_486 = vector.shape_cast %swap3A_485 : vector<1x16xf32> to vector<16xf32>
        %swap3A_487 = vector.shape_cast %get3A_482 : vector<16xf32> to vector<1x16xf32>
        tpu.vector_store %arg10[%swap3A_483, %swap3A_484], %swap3A_487 {add = true, strides = array<i32>} : memref<128x128xf32, #tpu.memory_space<vmem>>, vector<1x16xf32>,
        %add3A_488 = arith.constant 1 : i32
        %add3A_489 = arith.addi %add3A_385, %add3A_488 : i32
        %add3A_490 = arith.constant 1 : i32
        %add3A_491 = arith.addi %add3A_385, %add3A_490 : i32
        %get3A_492 = arith.index_cast %add3A_491 : i32 to index
        %get3A_493 = arith.constant 0 : index
        %get3A_494 = tpu.vector_load %arg12[%get3A_492, %get3A_493] {strides = array<i32>} : memref<128x128xf32, #tpu.memory_space<vmem>>, vector<1x16xf32>,
        %get3A_495 = vector.shape_cast %get3A_494 : vector<1x16xf32> to vector<16xf32>
        %swap3A_496 = arith.index_cast %add3A_489 : i32 to index
        %swap3A_497 = arith.constant 0 : index
        %swap3A_498 = tpu.vector_load %arg10[%swap3A_496, %swap3A_497] {strides = array<i32>} : memref<128x128xf32, #tpu.memory_space<vmem>>, vector<1x16xf32>,
        %swap3A_499 = vector.shape_cast %swap3A_498 : vector<1x16xf32> to vector<16xf32>
        %swap3A_500 = vector.shape_cast %get3A_495 : vector<16xf32> to vector<1x16xf32>
        tpu.vector_store %arg10[%swap3A_496, %swap3A_497], %swap3A_500 {add = true, strides = array<i32>} : memref<128x128xf32, #tpu.memory_space<vmem>>, vector<1x16xf32>,
        %add3A_501 = arith.constant 1 : i32
        %add3A_502 = arith.addi %add3A_385, %add3A_501 : i32
        %add3A_503 = arith.constant 1 : i32
        %add3A_504 = arith.addi %add3A_385, %add3A_503 : i32
        %get3A_505 = arith.index_cast %add3A_504 : i32 to index
        %get3A_506 = arith.constant 16 : index
        %get3A_507 = tpu.vector_load %arg12[%get3A_505, %get3A_506] {strides = array<i32>} : memref<128x128xf32, #tpu.memory_space<vmem>>, vector<1x16xf32>,
        %get3A_508 = vector.shape_cast %get3A_507 : vector<1x16xf32> to vector<16xf32>
        %swap3A_509 = arith.index_cast %add3A_502 : i32 to index
        %swap3A_510 = arith.constant 16 : index
        %swap3A_511 = tpu.vector_load %arg10[%swap3A_509, %swap3A_510] {strides = array<i32>} : memref<128x128xf32, #tpu.memory_space<vmem>>, vector<1x16xf32>,
        %swap3A_512 = vector.shape_cast %swap3A_511 : vector<1x16xf32> to vector<16xf32>
        %swap3A_513 = vector.shape_cast %get3A_508 : vector<16xf32> to vector<1x16xf32>
        tpu.vector_store %arg10[%swap3A_509, %swap3A_510], %swap3A_513 {add = true, strides = array<i32>} : memref<128x128xf32, #tpu.memory_space<vmem>>, vector<1x16xf32>,
        %add3A_514 = arith.constant 1 : i32
        %add3A_515 = arith.addi %add3A_385, %add3A_514 : i32
        %add3A_516 = arith.constant 1 : i32
        %add3A_517 = arith.addi %add3A_385, %add3A_516 : i32
        %get3A_518 = arith.index_cast %add3A_517 : i32 to index
        %get3A_519 = arith.constant 32 : index
        %get3A_520 = tpu.vector_load %arg12[%get3A_518, %get3A_519] {strides = array<i32>} : memref<128x128xf32, #tpu.memory_space<vmem>>, vector<1x16xf32>,
        %get3A_521 = vector.shape_cast %get3A_520 : vector<1x16xf32> to vector<16xf32>
        %swap3A_522 = arith.index_cast %add3A_515 : i32 to index
        %swap3A_523 = arith.constant 32 : index
        %swap3A_524 = tpu.vector_load %arg10[%swap3A_522, %swap3A_523] {strides = array<i32>} : memref<128x128xf32, #tpu.memory_space<vmem>>, vector<1x16xf32>,
        %swap3A_525 = vector.shape_cast %swap3A_524 : vector<1x16xf32> to vector<16xf32>
        %swap3A_526 = vector.shape_cast %get3A_521 : vector<16xf32> to vector<1x16xf32>
        tpu.vector_store %arg10[%swap3A_522, %swap3A_523], %swap3A_526 {add = true, strides = array<i32>} : memref<128x128xf32, #tpu.memory_space<vmem>>, vector<1x16xf32>,
        %add3A_527 = arith.constant 1 : i32
        %add3A_528 = arith.addi %add3A_385, %add3A_527 : i32
        %add3A_529 = arith.constant 1 : i32
        %add3A_530 = arith.addi %add3A_385, %add3A_529 : i32
        %get3A_531 = arith.index_cast %add3A_530 : i32 to index
        %get3A_532 = arith.constant 48 : index
        %get3A_533 = tpu.vector_load %arg12[%get3A_531, %get3A_532] {strides = array<i32>} : memref<128x128xf32, #tpu.memory_space<vmem>>, vector<1x16xf32>,
        %get3A_534 = vector.shape_cast %get3A_533 : vector<1x16xf32> to vector<16xf32>
        %swap3A_535 = arith.index_cast %add3A_528 : i32 to index
        %swap3A_536 = arith.constant 48 : index
        %swap3A_537 = tpu.vector_load %arg10[%swap3A_535, %swap3A_536] {strides = array<i32>} : memref<128x128xf32, #tpu.memory_space<vmem>>, vector<1x16xf32>,
        %swap3A_538 = vector.shape_cast %swap3A_537 : vector<1x16xf32> to vector<16xf32>
        %swap3A_539 = vector.shape_cast %get3A_534 : vector<16xf32> to vector<1x16xf32>
        tpu.vector_store %arg10[%swap3A_535, %swap3A_536], %swap3A_539 {add = true, strides = array<i32>} : memref<128x128xf32, #tpu.memory_space<vmem>>, vector<1x16xf32>,
        %add3A_540 = arith.constant 1 : i32
        %add3A_541 = arith.addi %add3A_385, %add3A_540 : i32
        %add3A_542 = arith.constant 1 : i32
        %add3A_543 = arith.addi %add3A_385, %add3A_542 : i32
        %get3A_544 = arith.index_cast %add3A_543 : i32 to index
        %get3A_545 = arith.constant 64 : index
        %get3A_546 = tpu.vector_load %arg12[%get3A_544, %get3A_545] {strides = array<i32>} : memref<128x128xf32, #tpu.memory_space<vmem>>, vector<1x16xf32>,
        %get3A_547 = vector.shape_cast %get3A_546 : vector<1x16xf32> to vector<16xf32>
        %swap3A_548 = arith.index_cast %add3A_541 : i32 to index
        %swap3A_549 = arith.constant 64 : index
        %swap3A_550 = tpu.vector_load %arg10[%swap3A_548, %swap3A_549] {strides = array<i32>} : memref<128x128xf32, #tpu.memory_space<vmem>>, vector<1x16xf32>,
        %swap3A_551 = vector.shape_cast %swap3A_550 : vector<1x16xf32> to vector<16xf32>
        %swap3A_552 = vector.shape_cast %get3A_547 : vector<16xf32> to vector<1x16xf32>
        tpu.vector_store %arg10[%swap3A_548, %swap3A_549], %swap3A_552 {add = true, strides = array<i32>} : memref<128x128xf32, #tpu.memory_space<vmem>>, vector<1x16xf32>,
        %add3A_553 = arith.constant 1 : i32
        %add3A_554 = arith.addi %add3A_385, %add3A_553 : i32
        %add3A_555 = arith.constant 1 : i32
        %add3A_556 = arith.addi %add3A_385, %add3A_555 : i32
        %get3A_557 = arith.index_cast %add3A_556 : i32 to index
        %get3A_558 = arith.constant 80 : index
        %get3A_559 = tpu.vector_load %arg12[%get3A_557, %get3A_558] {strides = array<i32>} : memref<128x128xf32, #tpu.memory_space<vmem>>, vector<1x16xf32>,
        %get3A_560 = vector.shape_cast %get3A_559 : vector<1x16xf32> to vector<16xf32>
        %swap3A_561 = arith.index_cast %add3A_554 : i32 to index
        %swap3A_562 = arith.constant 80 : index
        %swap3A_563 = tpu.vector_load %arg10[%swap3A_561, %swap3A_562] {strides = array<i32>} : memref<128x128xf32, #tpu.memory_space<vmem>>, vector<1x16xf32>,
        %swap3A_564 = vector.shape_cast %swap3A_563 : vector<1x16xf32> to vector<16xf32>
        %swap3A_565 = vector.shape_cast %get3A_560 : vector<16xf32> to vector<1x16xf32>
        tpu.vector_store %arg10[%swap3A_561, %swap3A_562], %swap3A_565 {add = true, strides = array<i32>} : memref<128x128xf32, #tpu.memory_space<vmem>>, vector<1x16xf32>,
        %add3A_566 = arith.constant 1 : i32
        %add3A_567 = arith.addi %add3A_385, %add3A_566 : i32
        %add3A_568 = arith.constant 1 : i32
        %add3A_569 = arith.addi %add3A_385, %add3A_568 : i32
        %get3A_570 = arith.index_cast %add3A_569 : i32 to index
        %get3A_571 = arith.constant 96 : index
        %get3A_572 = tpu.vector_load %arg12[%get3A_570, %get3A_571] {strides = array<i32>} : memref<128x128xf32, #tpu.memory_space<vmem>>, vector<1x16xf32>,
        %get3A_573 = vector.shape_cast %get3A_572 : vector<1x16xf32> to vector<16xf32>
        %swap3A_574 = arith.index_cast %add3A_567 : i32 to index
        %swap3A_575 = arith.constant 96 : index
        %swap3A_576 = tpu.vector_load %arg10[%swap3A_574, %swap3A_575] {strides = array<i32>} : memref<128x128xf32, #tpu.memory_space<vmem>>, vector<1x16xf32>,
        %swap3A_577 = vector.shape_cast %swap3A_576 : vector<1x16xf32> to vector<16xf32>
        %swap3A_578 = vector.shape_cast %get3A_573 : vector<16xf32> to vector<1x16xf32>
        tpu.vector_store %arg10[%swap3A_574, %swap3A_575], %swap3A_578 {add = true, strides = array<i32>} : memref<128x128xf32, #tpu.memory_space<vmem>>, vector<1x16xf32>,
        %add3A_579 = arith.constant 1 : i32
        %add3A_580 = arith.addi %add3A_385, %add3A_579 : i32
        %add3A_581 = arith.constant 1 : i32
        %add3A_582 = arith.addi %add3A_385, %add3A_581 : i32
        %get3A_583 = arith.index_cast %add3A_582 : i32 to index
        %get3A_584 = arith.constant 112 : index
        %get3A_585 = tpu.vector_load %arg12[%get3A_583, %get3A_584] {strides = array<i32>} : memref<128x128xf32, #tpu.memory_space<vmem>>, vector<1x16xf32>,
        %get3A_586 = vector.shape_cast %get3A_585 : vector<1x16xf32> to vector<16xf32>
        %swap3A_587 = arith.index_cast %add3A_580 : i32 to index
        %swap3A_588 = arith.constant 112 : index
        %swap3A_589 = tpu.vector_load %arg10[%swap3A_587, %swap3A_588] {strides = array<i32>} : memref<128x128xf32, #tpu.memory_space<vmem>>, vector<1x16xf32>,
        %swap3A_590 = vector.shape_cast %swap3A_589 : vector<1x16xf32> to vector<16xf32>
        %swap3A_591 = vector.shape_cast %get3A_586 : vector<16xf32> to vector<1x16xf32>
        tpu.vector_store %arg10[%swap3A_587, %swap3A_588], %swap3A_591 {add = true, strides = array<i32>} : memref<128x128xf32, #tpu.memory_space<vmem>>, vector<1x16xf32>,
        %add3A_592 = arith.constant 2 : i32
        %add3A_593 = arith.addi %add3A_385, %add3A_592 : i32
        %add3A_594 = arith.constant 2 : i32
        %add3A_595 = arith.addi %add3A_385, %add3A_594 : i32
        %get3A_596 = arith.index_cast %add3A_595 : i32 to index
        %get3A_597 = arith.constant 0 : index
        %get3A_598 = tpu.vector_load %arg12[%get3A_596, %get3A_597] {strides = array<i32>} : memref<128x128xf32, #tpu.memory_space<vmem>>, vector<1x16xf32>,
        %get3A_599 = vector.shape_cast %get3A_598 : vector<1x16xf32> to vector<16xf32>
        %swap3A_600 = arith.index_cast %add3A_593 : i32 to index
        %swap3A_601 = arith.constant 0 : index
        %swap3A_602 = tpu.vector_load %arg10[%swap3A_600, %swap3A_601] {strides = array<i32>} : memref<128x128xf32, #tpu.memory_space<vmem>>, vector<1x16xf32>,
        %swap3A_603 = vector.shape_cast %swap3A_602 : vector<1x16xf32> to vector<16xf32>
        %swap3A_604 = vector.shape_cast %get3A_599 : vector<16xf32> to vector<1x16xf32>
        tpu.vector_store %arg10[%swap3A_600, %swap3A_601], %swap3A_604 {add = true, strides = array<i32>} : memref<128x128xf32, #tpu.memory_space<vmem>>, vector<1x16xf32>,
        %add3A_605 = arith.constant 2 : i32
        %add3A_606 = arith.addi %add3A_385, %add3A_605 : i32
        %add3A_607 = arith.constant 2 : i32
        %add3A_608 = arith.addi %add3A_385, %add3A_607 : i32
        %get3A_609 = arith.index_cast %add3A_608 : i32 to index
        %get3A_610 = arith.constant 16 : index
        %get3A_611 = tpu.vector_load %arg12[%get3A_609, %get3A_610] {strides = array<i32>} : memref<128x128xf32, #tpu.memory_space<vmem>>, vector<1x16xf32>,
        %get3A_612 = vector.shape_cast %get3A_611 : vector<1x16xf32> to vector<16xf32>
        %swap3A_613 = arith.index_cast %add3A_606 : i32 to index
        %swap3A_614 = arith.constant 16 : index
        %swap3A_615 = tpu.vector_load %arg10[%swap3A_613, %swap3A_614] {strides = array<i32>} : memref<128x128xf32, #tpu.memory_space<vmem>>, vector<1x16xf32>,
        %swap3A_616 = vector.shape_cast %swap3A_615 : vector<1x16xf32> to vector<16xf32>
        %swap3A_617 = vector.shape_cast %get3A_612 : vector<16xf32> to vector<1x16xf32>
        tpu.vector_store %arg10[%swap3A_613, %swap3A_614], %swap3A_617 {add = true, strides = array<i32>} : memref<128x128xf32, #tpu.memory_space<vmem>>, vector<1x16xf32>,
        %add3A_618 = arith.constant 2 : i32
        %add3A_619 = arith.addi %add3A_385, %add3A_618 : i32
        %add3A_620 = arith.constant 2 : i32
        %add3A_621 = arith.addi %add3A_385, %add3A_620 : i32
        %get3A_622 = arith.index_cast %add3A_621 : i32 to index
        %get3A_623 = arith.constant 32 : index
        %get3A_624 = tpu.vector_load %arg12[%get3A_622, %get3A_623] {strides = array<i32>} : memref<128x128xf32, #tpu.memory_space<vmem>>, vector<1x16xf32>,
        %get3A_625 = vector.shape_cast %get3A_624 : vector<1x16xf32> to vector<16xf32>
        %swap3A_626 = arith.index_cast %add3A_619 : i32 to index
        %swap3A_627 = arith.constant 32 : index
        %swap3A_628 = tpu.vector_load %arg10[%swap3A_626, %swap3A_627] {strides = array<i32>} : memref<128x128xf32, #tpu.memory_space<vmem>>, vector<1x16xf32>,
        %swap3A_629 = vector.shape_cast %swap3A_628 : vector<1x16xf32> to vector<16xf32>
        %swap3A_630 = vector.shape_cast %get3A_625 : vector<16xf32> to vector<1x16xf32>
        tpu.vector_store %arg10[%swap3A_626, %swap3A_627], %swap3A_630 {add = true, strides = array<i32>} : memref<128x128xf32, #tpu.memory_space<vmem>>, vector<1x16xf32>,
        %add3A_631 = arith.constant 2 : i32
        %add3A_632 = arith.addi %add3A_385, %add3A_631 : i32
        %add3A_633 = arith.constant 2 : i32
        %add3A_634 = arith.addi %add3A_385, %add3A_633 : i32
        %get3A_635 = arith.index_cast %add3A_634 : i32 to index
        %get3A_636 = arith.constant 48 : index
        %get3A_637 = tpu.vector_load %arg12[%get3A_635, %get3A_636] {strides = array<i32>} : memref<128x128xf32, #tpu.memory_space<vmem>>, vector<1x16xf32>,
        %get3A_638 = vector.shape_cast %get3A_637 : vector<1x16xf32> to vector<16xf32>
        %swap3A_639 = arith.index_cast %add3A_632 : i32 to index
        %swap3A_640 = arith.constant 48 : index
        %swap3A_641 = tpu.vector_load %arg10[%swap3A_639, %swap3A_640] {strides = array<i32>} : memref<128x128xf32, #tpu.memory_space<vmem>>, vector<1x16xf32>,
        %swap3A_642 = vector.shape_cast %swap3A_641 : vector<1x16xf32> to vector<16xf32>
        %swap3A_643 = vector.shape_cast %get3A_638 : vector<16xf32> to vector<1x16xf32>
        tpu.vector_store %arg10[%swap3A_639, %swap3A_640], %swap3A_643 {add = true, strides = array<i32>} : memref<128x128xf32, #tpu.memory_space<vmem>>, vector<1x16xf32>,
        %add3A_644 = arith.constant 2 : i32
        %add3A_645 = arith.addi %add3A_385, %add3A_644 : i32
        %add3A_646 = arith.constant 2 : i32
        %add3A_647 = arith.addi %add3A_385, %add3A_646 : i32
        %get3A_648 = arith.index_cast %add3A_647 : i32 to index
        %get3A_649 = arith.constant 64 : index
        %get3A_650 = tpu.vector_load %arg12[%get3A_648, %get3A_649] {strides = array<i32>} : memref<128x128xf32, #tpu.memory_space<vmem>>, vector<1x16xf32>,
        %get3A_651 = vector.shape_cast %get3A_650 : vector<1x16xf32> to vector<16xf32>
        %swap3A_652 = arith.index_cast %add3A_645 : i32 to index
        %swap3A_653 = arith.constant 64 : index
        %swap3A_654 = tpu.vector_load %arg10[%swap3A_652, %swap3A_653] {strides = array<i32>} : memref<128x128xf32, #tpu.memory_space<vmem>>, vector<1x16xf32>,
        %swap3A_655 = vector.shape_cast %swap3A_654 : vector<1x16xf32> to vector<16xf32>
        %swap3A_656 = vector.shape_cast %get3A_651 : vector<16xf32> to vector<1x16xf32>
        tpu.vector_store %arg10[%swap3A_652, %swap3A_653], %swap3A_656 {add = true, strides = array<i32>} : memref<128x128xf32, #tpu.memory_space<vmem>>, vector<1x16xf32>,
        %add3A_657 = arith.constant 2 : i32
        %add3A_658 = arith.addi %add3A_385, %add3A_657 : i32
        %add3A_659 = arith.constant 2 : i32
        %add3A_660 = arith.addi %add3A_385, %add3A_659 : i32
        %get3A_661 = arith.index_cast %add3A_660 : i32 to index
        %get3A_662 = arith.constant 80 : index
        %get3A_663 = tpu.vector_load %arg12[%get3A_661, %get3A_662] {strides = array<i32>} : memref<128x128xf32, #tpu.memory_space<vmem>>, vector<1x16xf32>,
        %get3A_664 = vector.shape_cast %get3A_663 : vector<1x16xf32> to vector<16xf32>
        %swap3A_665 = arith.index_cast %add3A_658 : i32 to index
        %swap3A_666 = arith.constant 80 : index
        %swap3A_667 = tpu.vector_load %arg10[%swap3A_665, %swap3A_666] {strides = array<i32>} : memref<128x128xf32, #tpu.memory_space<vmem>>, vector<1x16xf32>,
        %swap3A_668 = vector.shape_cast %swap3A_667 : vector<1x16xf32> to vector<16xf32>
        %swap3A_669 = vector.shape_cast %get3A_664 : vector<16xf32> to vector<1x16xf32>
        tpu.vector_store %arg10[%swap3A_665, %swap3A_666], %swap3A_669 {add = true, strides = array<i32>} : memref<128x128xf32, #tpu.memory_space<vmem>>, vector<1x16xf32>,
        %add3A_670 = arith.constant 2 : i32
        %add3A_671 = arith.addi %add3A_385, %add3A_670 : i32
        %add3A_672 = arith.constant 2 : i32
        %add3A_673 = arith.addi %add3A_385, %add3A_672 : i32
        %get3A_674 = arith.index_cast %add3A_673 : i32 to index
        %get3A_675 = arith.constant 96 : index
        %get3A_676 = tpu.vector_load %arg12[%get3A_674, %get3A_675] {strides = array<i32>} : memref<128x128xf32, #tpu.memory_space<vmem>>, vector<1x16xf32>,
        %get3A_677 = vector.shape_cast %get3A_676 : vector<1x16xf32> to vector<16xf32>
        %swap3A_678 = arith.index_cast %add3A_671 : i32 to index
        %swap3A_679 = arith.constant 96 : index
        %swap3A_680 = tpu.vector_load %arg10[%swap3A_678, %swap3A_679] {strides = array<i32>} : memref<128x128xf32, #tpu.memory_space<vmem>>, vector<1x16xf32>,
        %swap3A_681 = vector.shape_cast %swap3A_680 : vector<1x16xf32> to vector<16xf32>
        %swap3A_682 = vector.shape_cast %get3A_677 : vector<16xf32> to vector<1x16xf32>
        tpu.vector_store %arg10[%swap3A_678, %swap3A_679], %swap3A_682 {add = true, strides = array<i32>} : memref<128x128xf32, #tpu.memory_space<vmem>>, vector<1x16xf32>,
        %add3A_683 = arith.constant 2 : i32
        %add3A_684 = arith.addi %add3A_385, %add3A_683 : i32
        %add3A_685 = arith.constant 2 : i32
        %add3A_686 = arith.addi %add3A_385, %add3A_685 : i32
        %get3A_687 = arith.index_cast %add3A_686 : i32 to index
        %get3A_688 = arith.constant 112 : index
        %get3A_689 = tpu.vector_load %arg12[%get3A_687, %get3A_688] {strides = array<i32>} : memref<128x128xf32, #tpu.memory_space<vmem>>, vector<1x16xf32>,
        %get3A_690 = vector.shape_cast %get3A_689 : vector<1x16xf32> to vector<16xf32>
        %swap3A_691 = arith.index_cast %add3A_684 : i32 to index
        %swap3A_692 = arith.constant 112 : index
        %swap3A_693 = tpu.vector_load %arg10[%swap3A_691, %swap3A_692] {strides = array<i32>} : memref<128x128xf32, #tpu.memory_space<vmem>>, vector<1x16xf32>,
        %swap3A_694 = vector.shape_cast %swap3A_693 : vector<1x16xf32> to vector<16xf32>
        %swap3A_695 = vector.shape_cast %get3A_690 : vector<16xf32> to vector<1x16xf32>
        tpu.vector_store %arg10[%swap3A_691, %swap3A_692], %swap3A_695 {add = true, strides = array<i32>} : memref<128x128xf32, #tpu.memory_space<vmem>>, vector<1x16xf32>,
        %add3A_696 = arith.constant 3 : i32
        %add3A_697 = arith.addi %add3A_385, %add3A_696 : i32
        %add3A_698 = arith.constant 3 : i32
        %add3A_699 = arith.addi %add3A_385, %add3A_698 : i32
        %get3A_700 = arith.index_cast %add3A_699 : i32 to index
        %get3A_701 = arith.constant 0 : index
        %get3A_702 = tpu.vector_load %arg12[%get3A_700, %get3A_701] {strides = array<i32>} : memref<128x128xf32, #tpu.memory_space<vmem>>, vector<1x16xf32>,
        %get3A_703 = vector.shape_cast %get3A_702 : vector<1x16xf32> to vector<16xf32>
        %swap3A_704 = arith.index_cast %add3A_697 : i32 to index
        %swap3A_705 = arith.constant 0 : index
        %swap3A_706 = tpu.vector_load %arg10[%swap3A_704, %swap3A_705] {strides = array<i32>} : memref<128x128xf32, #tpu.memory_space<vmem>>, vector<1x16xf32>,
        %swap3A_707 = vector.shape_cast %swap3A_706 : vector<1x16xf32> to vector<16xf32>
        %swap3A_708 = vector.shape_cast %get3A_703 : vector<16xf32> to vector<1x16xf32>
        tpu.vector_store %arg10[%swap3A_704, %swap3A_705], %swap3A_708 {add = true, strides = array<i32>} : memref<128x128xf32, #tpu.memory_space<vmem>>, vector<1x16xf32>,
        %add3A_709 = arith.constant 3 : i32
        %add3A_710 = arith.addi %add3A_385, %add3A_709 : i32
        %add3A_711 = arith.constant 3 : i32
        %add3A_712 = arith.addi %add3A_385, %add3A_711 : i32
        %get3A_713 = arith.index_cast %add3A_712 : i32 to index
        %get3A_714 = arith.constant 16 : index
        %get3A_715 = tpu.vector_load %arg12[%get3A_713, %get3A_714] {strides = array<i32>} : memref<128x128xf32, #tpu.memory_space<vmem>>, vector<1x16xf32>,
        %get3A_716 = vector.shape_cast %get3A_715 : vector<1x16xf32> to vector<16xf32>
        %swap3A_717 = arith.index_cast %add3A_710 : i32 to index
        %swap3A_718 = arith.constant 16 : index
        %swap3A_719 = tpu.vector_load %arg10[%swap3A_717, %swap3A_718] {strides = array<i32>} : memref<128x128xf32, #tpu.memory_space<vmem>>, vector<1x16xf32>,
        %swap3A_720 = vector.shape_cast %swap3A_719 : vector<1x16xf32> to vector<16xf32>
        %swap3A_721 = vector.shape_cast %get3A_716 : vector<16xf32> to vector<1x16xf32>
        tpu.vector_store %arg10[%swap3A_717, %swap3A_718], %swap3A_721 {add = true, strides = array<i32>} : memref<128x128xf32, #tpu.memory_space<vmem>>, vector<1x16xf32>,
        %add3A_722 = arith.constant 3 : i32
        %add3A_723 = arith.addi %add3A_385, %add3A_722 : i32
        %add3A_724 = arith.constant 3 : i32
        %add3A_725 = arith.addi %add3A_385, %add3A_724 : i32
        %get3A_726 = arith.index_cast %add3A_725 : i32 to index
        %get3A_727 = arith.constant 32 : index
        %get3A_728 = tpu.vector_load %arg12[%get3A_726, %get3A_727] {strides = array<i32>} : memref<128x128xf32, #tpu.memory_space<vmem>>, vector<1x16xf32>,
        %get3A_729 = vector.shape_cast %get3A_728 : vector<1x16xf32> to vector<16xf32>
        %swap3A_730 = arith.index_cast %add3A_723 : i32 to index
        %swap3A_731 = arith.constant 32 : index
        %swap3A_732 = tpu.vector_load %arg10[%swap3A_730, %swap3A_731] {strides = array<i32>} : memref<128x128xf32, #tpu.memory_space<vmem>>, vector<1x16xf32>,
        %swap3A_733 = vector.shape_cast %swap3A_732 : vector<1x16xf32> to vector<16xf32>
        %swap3A_734 = vector.shape_cast %get3A_729 : vector<16xf32> to vector<1x16xf32>
        tpu.vector_store %arg10[%swap3A_730, %swap3A_731], %swap3A_734 {add = true, strides = array<i32>} : memref<128x128xf32, #tpu.memory_space<vmem>>, vector<1x16xf32>,
        %add3A_735 = arith.constant 3 : i32
        %add3A_736 = arith.addi %add3A_385, %add3A_735 : i32
        %add3A_737 = arith.constant 3 : i32
        %add3A_738 = arith.addi %add3A_385, %add3A_737 : i32
        %get3A_739 = arith.index_cast %add3A_738 : i32 to index
        %get3A_740 = arith.constant 48 : index
        %get3A_741 = tpu.vector_load %arg12[%get3A_739, %get3A_740] {strides = array<i32>} : memref<128x128xf32, #tpu.memory_space<vmem>>, vector<1x16xf32>,
        %get3A_742 = vector.shape_cast %get3A_741 : vector<1x16xf32> to vector<16xf32>
        %swap3A_743 = arith.index_cast %add3A_736 : i32 to index
        %swap3A_744 = arith.constant 48 : index
        %swap3A_745 = tpu.vector_load %arg10[%swap3A_743, %swap3A_744] {strides = array<i32>} : memref<128x128xf32, #tpu.memory_space<vmem>>, vector<1x16xf32>,
        %swap3A_746 = vector.shape_cast %swap3A_745 : vector<1x16xf32> to vector<16xf32>
        %swap3A_747 = vector.shape_cast %get3A_742 : vector<16xf32> to vector<1x16xf32>
        tpu.vector_store %arg10[%swap3A_743, %swap3A_744], %swap3A_747 {add = true, strides = array<i32>} : memref<128x128xf32, #tpu.memory_space<vmem>>, vector<1x16xf32>,
        %add3A_748 = arith.constant 3 : i32
        %add3A_749 = arith.addi %add3A_385, %add3A_748 : i32
        %add3A_750 = arith.constant 3 : i32
        %add3A_751 = arith.addi %add3A_385, %add3A_750 : i32
        %get3A_752 = arith.index_cast %add3A_751 : i32 to index
        %get3A_753 = arith.constant 64 : index
        %get3A_754 = tpu.vector_load %arg12[%get3A_752, %get3A_753] {strides = array<i32>} : memref<128x128xf32, #tpu.memory_space<vmem>>, vector<1x16xf32>,
        %get3A_755 = vector.shape_cast %get3A_754 : vector<1x16xf32> to vector<16xf32>
        %swap3A_756 = arith.index_cast %add3A_749 : i32 to index
        %swap3A_757 = arith.constant 64 : index
        %swap3A_758 = tpu.vector_load %arg10[%swap3A_756, %swap3A_757] {strides = array<i32>} : memref<128x128xf32, #tpu.memory_space<vmem>>, vector<1x16xf32>,
        %swap3A_759 = vector.shape_cast %swap3A_758 : vector<1x16xf32> to vector<16xf32>
        %swap3A_760 = vector.shape_cast %get3A_755 : vector<16xf32> to vector<1x16xf32>
        tpu.vector_store %arg10[%swap3A_756, %swap3A_757], %swap3A_760 {add = true, strides = array<i32>} : memref<128x128xf32, #tpu.memory_space<vmem>>, vector<1x16xf32>,
        %add3A_761 = arith.constant 3 : i32
        %add3A_762 = arith.addi %add3A_385, %add3A_761 : i32
        %add3A_763 = arith.constant 3 : i32
        %add3A_764 = arith.addi %add3A_385, %add3A_763 : i32
        %get3A_765 = arith.index_cast %add3A_764 : i32 to index
        %get3A_766 = arith.constant 80 : index
        %get3A_767 = tpu.vector_load %arg12[%get3A_765, %get3A_766] {strides = array<i32>} : memref<128x128xf32, #tpu.memory_space<vmem>>, vector<1x16xf32>,
        %get3A_768 = vector.shape_cast %get3A_767 : vector<1x16xf32> to vector<16xf32>
        %swap3A_769 = arith.index_cast %add3A_762 : i32 to index
        %swap3A_770 = arith.constant 80 : index
        %swap3A_771 = tpu.vector_load %arg10[%swap3A_769, %swap3A_770] {strides = array<i32>} : memref<128x128xf32, #tpu.memory_space<vmem>>, vector<1x16xf32>,
        %swap3A_772 = vector.shape_cast %swap3A_771 : vector<1x16xf32> to vector<16xf32>
        %swap3A_773 = vector.shape_cast %get3A_768 : vector<16xf32> to vector<1x16xf32>
        tpu.vector_store %arg10[%swap3A_769, %swap3A_770], %swap3A_773 {add = true, strides = array<i32>} : memref<128x128xf32, #tpu.memory_space<vmem>>, vector<1x16xf32>,
        %add3A_774 = arith.constant 3 : i32
        %add3A_775 = arith.addi %add3A_385, %add3A_774 : i32
        %add3A_776 = arith.constant 3 : i32
        %add3A_777 = arith.addi %add3A_385, %add3A_776 : i32
        %get3A_778 = arith.index_cast %add3A_777 : i32 to index
        %get3A_779 = arith.constant 96 : index
        %get3A_780 = tpu.vector_load %arg12[%get3A_778, %get3A_779] {strides = array<i32>} : memref<128x128xf32, #tpu.memory_space<vmem>>, vector<1x16xf32>,
        %get3A_781 = vector.shape_cast %get3A_780 : vector<1x16xf32> to vector<16xf32>
        %swap3A_782 = arith.index_cast %add3A_775 : i32 to index
        %swap3A_783 = arith.constant 96 : index
        %swap3A_784 = tpu.vector_load %arg10[%swap3A_782, %swap3A_783] {strides = array<i32>} : memref<128x128xf32, #tpu.memory_space<vmem>>, vector<1x16xf32>,
        %swap3A_785 = vector.shape_cast %swap3A_784 : vector<1x16xf32> to vector<16xf32>
        %swap3A_786 = vector.shape_cast %get3A_781 : vector<16xf32> to vector<1x16xf32>
        tpu.vector_store %arg10[%swap3A_782, %swap3A_783], %swap3A_786 {add = true, strides = array<i32>} : memref<128x128xf32, #tpu.memory_space<vmem>>, vector<1x16xf32>,
        %add3A_787 = arith.constant 3 : i32
        %add3A_788 = arith.addi %add3A_385, %add3A_787 : i32
        %add3A_789 = arith.constant 3 : i32
        %add3A_790 = arith.addi %add3A_385, %add3A_789 : i32
        %get3A_791 = arith.index_cast %add3A_790 : i32 to index
        %get3A_792 = arith.constant 112 : index
        %get3A_793 = tpu.vector_load %arg12[%get3A_791, %get3A_792] {strides = array<i32>} : memref<128x128xf32, #tpu.memory_space<vmem>>, vector<1x16xf32>,
        %get3A_794 = vector.shape_cast %get3A_793 : vector<1x16xf32> to vector<16xf32>
        %swap3A_795 = arith.index_cast %add3A_788 : i32 to index
        %swap3A_796 = arith.constant 112 : index
        %swap3A_797 = tpu.vector_load %arg10[%swap3A_795, %swap3A_796] {strides = array<i32>} : memref<128x128xf32, #tpu.memory_space<vmem>>, vector<1x16xf32>,
        %swap3A_798 = vector.shape_cast %swap3A_797 : vector<1x16xf32> to vector<16xf32>
        %swap3A_799 = vector.shape_cast %get3A_794 : vector<16xf32> to vector<1x16xf32>
        tpu.vector_store %arg10[%swap3A_795, %swap3A_796], %swap3A_799 {add = true, strides = array<i32>} : memref<128x128xf32, #tpu.memory_space<vmem>>, vector<1x16xf32>,
      }
      %scan3A_245 = arith.constant 16 : i32
      %mul3A_246 = arith.constant 128 : i32
      %mul3A_247 = arith.muli %add3A_183, %mul3A_246 : i32
      %add3A_248 = arith.addi %mul3A_2, %mul3A_247 : i32
      %add3A_249 = arith.constant 0 : i32
      %add3A_250 = arith.addi %add3A_248, %add3A_249 : i32
      %dma_start3A_251 = arith.constant 0 : i32
      %dma_start3A_252 = arith.constant 0 : i32
      %dma_start3A_253 = tpu.memref_slice %arg10[%dma_start3A_251, %dma_start3A_252] : memref<128x128xf32, #tpu.memory_space<vmem>> -> memref<64x128xf32, #tpu.memory_space<vmem>>
      %dma_start3A_254 = arith.constant 0 : i32
      %dma_start3A_255 = tpu.memref_slice %arg6[%add3A_250, %dma_start3A_254] : memref<819200x128xf32, #tpu.memory_space<hbm>> -> memref<64x128xf32, #tpu.memory_space<hbm>>
      %dma_start3A_256 = arith.constant 0 : i32
      %dma_start3A_257 = tpu.memref_slice %arg6[%add3A_250, %dma_start3A_256] : memref<819200x128xf32, #tpu.memory_space<hbm>> -> memref<64x128xf32, #tpu.memory_space<hbm>>
      %dma_start3A_258 = arith.constant 0 : i32
      %dma_start3A_259 = arith.constant 0 : i32
      %dma_start3A_260 = tpu.memref_slice %arg10[%dma_start3A_258, %dma_start3A_259] : memref<128x128xf32, #tpu.memory_space<vmem>> -> memref<64x128xf32, #tpu.memory_space<vmem>>
      tpu.enqueue_dma source(%dma_start3A_260 : memref<64x128xf32, #tpu.memory_space<vmem>>) target(%dma_start3A_257 : memref<64x128xf32, #tpu.memory_space<hbm>>) target_semaphore(%arg19 : memref<!tpu.dma_semaphore, #tpu.memory_space<semaphore_mem>>)
      %scan3A_261 = arith.constant 0 : i32
      %scan3A_262 = arith.constant 16 : i32
      %scan3A_263 = arith.addi %scan3A_261, %scan3A_262 : i32
      %scan3A_264 = arith.constant 1 : i32
      scf.for %scan3A_381 = %scan3A_261 to %scan3A_263 step %scan3A_264  : i32 {
        %mul3A_382 = arith.constant 4 : i32
        %mul3A_383 = arith.muli %scan3A_381, %mul3A_382 : i32
        %add3A_384 = arith.constant 64 : i32
        %add3A_385 = arith.addi %add3A_384, %mul3A_383 : i32
        %add3A_386 = arith.constant 0 : i32
        %add3A_387 = arith.addi %add3A_385, %add3A_386 : i32
        %add3A_388 = arith.constant 0 : i32
        %add3A_389 = arith.addi %add3A_385, %add3A_388 : i32
        %get3A = arith.index_cast %add3A_389 : i32 to index
        %get3A_390 = arith.constant 0 : index
        %get3A_391 = tpu.vector_load %arg12[%get3A, %get3A_390] {strides = array<i32>} : memref<128x128xf32, #tpu.memory_space<vmem>>, vector<1x16xf32>,
        %get3A_392 = vector.shape_cast %get3A_391 : vector<1x16xf32> to vector<16xf32>
        %swap3A = arith.index_cast %add3A_387 : i32 to index
        %swap3A_393 = arith.constant 0 : index
        %swap3A_394 = tpu.vector_load %arg10[%swap3A, %swap3A_393] {strides = array<i32>} : memref<128x128xf32, #tpu.memory_space<vmem>>, vector<1x16xf32>,
        %swap3A_395 = vector.shape_cast %swap3A_394 : vector<1x16xf32> to vector<16xf32>
        %swap3A_396 = vector.shape_cast %get3A_392 : vector<16xf32> to vector<1x16xf32>
        tpu.vector_store %arg10[%swap3A, %swap3A_393], %swap3A_396 {add = true, strides = array<i32>} : memref<128x128xf32, #tpu.memory_space<vmem>>, vector<1x16xf32>,
        %add3A_397 = arith.constant 0 : i32
        %add3A_398 = arith.addi %add3A_385, %add3A_397 : i32
        %add3A_399 = arith.constant 0 : i32
        %add3A_400 = arith.addi %add3A_385, %add3A_399 : i32
        %get3A_401 = arith.index_cast %add3A_400 : i32 to index
        %get3A_402 = arith.constant 16 : index
        %get3A_403 = tpu.vector_load %arg12[%get3A_401, %get3A_402] {strides = array<i32>} : memref<128x128xf32, #tpu.memory_space<vmem>>, vector<1x16xf32>,
        %get3A_404 = vector.shape_cast %get3A_403 : vector<1x16xf32> to vector<16xf32>
        %swap3A_405 = arith.index_cast %add3A_398 : i32 to index
        %swap3A_406 = arith.constant 16 : index
        %swap3A_407 = tpu.vector_load %arg10[%swap3A_405, %swap3A_406] {strides = array<i32>} : memref<128x128xf32, #tpu.memory_space<vmem>>, vector<1x16xf32>,
        %swap3A_408 = vector.shape_cast %swap3A_407 : vector<1x16xf32> to vector<16xf32>
        %swap3A_409 = vector.shape_cast %get3A_404 : vector<16xf32> to vector<1x16xf32>
        tpu.vector_store %arg10[%swap3A_405, %swap3A_406], %swap3A_409 {add = true, strides = array<i32>} : memref<128x128xf32, #tpu.memory_space<vmem>>, vector<1x16xf32>,
        %add3A_410 = arith.constant 0 : i32
        %add3A_411 = arith.addi %add3A_385, %add3A_410 : i32
        %add3A_412 = arith.constant 0 : i32
        %add3A_413 = arith.addi %add3A_385, %add3A_412 : i32
        %get3A_414 = arith.index_cast %add3A_413 : i32 to index
        %get3A_415 = arith.constant 32 : index
        %get3A_416 = tpu.vector_load %arg12[%get3A_414, %get3A_415] {strides = array<i32>} : memref<128x128xf32, #tpu.memory_space<vmem>>, vector<1x16xf32>,
        %get3A_417 = vector.shape_cast %get3A_416 : vector<1x16xf32> to vector<16xf32>
        %swap3A_418 = arith.index_cast %add3A_411 : i32 to index
        %swap3A_419 = arith.constant 32 : index
        %swap3A_420 = tpu.vector_load %arg10[%swap3A_418, %swap3A_419] {strides = array<i32>} : memref<128x128xf32, #tpu.memory_space<vmem>>, vector<1x16xf32>,
        %swap3A_421 = vector.shape_cast %swap3A_420 : vector<1x16xf32> to vector<16xf32>
        %swap3A_422 = vector.shape_cast %get3A_417 : vector<16xf32> to vector<1x16xf32>
        tpu.vector_store %arg10[%swap3A_418, %swap3A_419], %swap3A_422 {add = true, strides = array<i32>} : memref<128x128xf32, #tpu.memory_space<vmem>>, vector<1x16xf32>,
        %add3A_423 = arith.constant 0 : i32
        %add3A_424 = arith.addi %add3A_385, %add3A_423 : i32
        %add3A_425 = arith.constant 0 : i32
        %add3A_426 = arith.addi %add3A_385, %add3A_425 : i32
        %get3A_427 = arith.index_cast %add3A_426 : i32 to index
        %get3A_428 = arith.constant 48 : index
        %get3A_429 = tpu.vector_load %arg12[%get3A_427, %get3A_428] {strides = array<i32>} : memref<128x128xf32, #tpu.memory_space<vmem>>, vector<1x16xf32>,
        %get3A_430 = vector.shape_cast %get3A_429 : vector<1x16xf32> to vector<16xf32>
        %swap3A_431 = arith.index_cast %add3A_424 : i32 to index
        %swap3A_432 = arith.constant 48 : index
        %swap3A_433 = tpu.vector_load %arg10[%swap3A_431, %swap3A_432] {strides = array<i32>} : memref<128x128xf32, #tpu.memory_space<vmem>>, vector<1x16xf32>,
        %swap3A_434 = vector.shape_cast %swap3A_433 : vector<1x16xf32> to vector<16xf32>
        %swap3A_435 = vector.shape_cast %get3A_430 : vector<16xf32> to vector<1x16xf32>
        tpu.vector_store %arg10[%swap3A_431, %swap3A_432], %swap3A_435 {add = true, strides = array<i32>} : memref<128x128xf32, #tpu.memory_space<vmem>>, vector<1x16xf32>,
        %add3A_436 = arith.constant 0 : i32
        %add3A_437 = arith.addi %add3A_385, %add3A_436 : i32
        %add3A_438 = arith.constant 0 : i32
        %add3A_439 = arith.addi %add3A_385, %add3A_438 : i32
        %get3A_440 = arith.index_cast %add3A_439 : i32 to index
        %get3A_441 = arith.constant 64 : index
        %get3A_442 = tpu.vector_load %arg12[%get3A_440, %get3A_441] {strides = array<i32>} : memref<128x128xf32, #tpu.memory_space<vmem>>, vector<1x16xf32>,
        %get3A_443 = vector.shape_cast %get3A_442 : vector<1x16xf32> to vector<16xf32>
        %swap3A_444 = arith.index_cast %add3A_437 : i32 to index
        %swap3A_445 = arith.constant 64 : index
        %swap3A_446 = tpu.vector_load %arg10[%swap3A_444, %swap3A_445] {strides = array<i32>} : memref<128x128xf32, #tpu.memory_space<vmem>>, vector<1x16xf32>,
        %swap3A_447 = vector.shape_cast %swap3A_446 : vector<1x16xf32> to vector<16xf32>
        %swap3A_448 = vector.shape_cast %get3A_443 : vector<16xf32> to vector<1x16xf32>
        tpu.vector_store %arg10[%swap3A_444, %swap3A_445], %swap3A_448 {add = true, strides = array<i32>} : memref<128x128xf32, #tpu.memory_space<vmem>>, vector<1x16xf32>,
        %add3A_449 = arith.constant 0 : i32
        %add3A_450 = arith.addi %add3A_385, %add3A_449 : i32
        %add3A_451 = arith.constant 0 : i32
        %add3A_452 = arith.addi %add3A_385, %add3A_451 : i32
        %get3A_453 = arith.index_cast %add3A_452 : i32 to index
        %get3A_454 = arith.constant 80 : index
        %get3A_455 = tpu.vector_load %arg12[%get3A_453, %get3A_454] {strides = array<i32>} : memref<128x128xf32, #tpu.memory_space<vmem>>, vector<1x16xf32>,
        %get3A_456 = vector.shape_cast %get3A_455 : vector<1x16xf32> to vector<16xf32>
        %swap3A_457 = arith.index_cast %add3A_450 : i32 to index
        %swap3A_458 = arith.constant 80 : index
        %swap3A_459 = tpu.vector_load %arg10[%swap3A_457, %swap3A_458] {strides = array<i32>} : memref<128x128xf32, #tpu.memory_space<vmem>>, vector<1x16xf32>,
        %swap3A_460 = vector.shape_cast %swap3A_459 : vector<1x16xf32> to vector<16xf32>
        %swap3A_461 = vector.shape_cast %get3A_456 : vector<16xf32> to vector<1x16xf32>
        tpu.vector_store %arg10[%swap3A_457, %swap3A_458], %swap3A_461 {add = true, strides = array<i32>} : memref<128x128xf32, #tpu.memory_space<vmem>>, vector<1x16xf32>,
        %add3A_462 = arith.constant 0 : i32
        %add3A_463 = arith.addi %add3A_385, %add3A_462 : i32
        %add3A_464 = arith.constant 0 : i32
        %add3A_465 = arith.addi %add3A_385, %add3A_464 : i32
        %get3A_466 = arith.index_cast %add3A_465 : i32 to index
        %get3A_467 = arith.constant 96 : index
        %get3A_468 = tpu.vector_load %arg12[%get3A_466, %get3A_467] {strides = array<i32>} : memref<128x128xf32, #tpu.memory_space<vmem>>, vector<1x16xf32>,
        %get3A_469 = vector.shape_cast %get3A_468 : vector<1x16xf32> to vector<16xf32>
        %swap3A_470 = arith.index_cast %add3A_463 : i32 to index
        %swap3A_471 = arith.constant 96 : index
        %swap3A_472 = tpu.vector_load %arg10[%swap3A_470, %swap3A_471] {strides = array<i32>} : memref<128x128xf32, #tpu.memory_space<vmem>>, vector<1x16xf32>,
        %swap3A_473 = vector.shape_cast %swap3A_472 : vector<1x16xf32> to vector<16xf32>
        %swap3A_474 = vector.shape_cast %get3A_469 : vector<16xf32> to vector<1x16xf32>
        tpu.vector_store %arg10[%swap3A_470, %swap3A_471], %swap3A_474 {add = true, strides = array<i32>} : memref<128x128xf32, #tpu.memory_space<vmem>>, vector<1x16xf32>,
        %add3A_475 = arith.constant 0 : i32
        %add3A_476 = arith.addi %add3A_385, %add3A_475 : i32
        %add3A_477 = arith.constant 0 : i32
        %add3A_478 = arith.addi %add3A_385, %add3A_477 : i32
        %get3A_479 = arith.index_cast %add3A_478 : i32 to index
        %get3A_480 = arith.constant 112 : index
        %get3A_481 = tpu.vector_load %arg12[%get3A_479, %get3A_480] {strides = array<i32>} : memref<128x128xf32, #tpu.memory_space<vmem>>, vector<1x16xf32>,
        %get3A_482 = vector.shape_cast %get3A_481 : vector<1x16xf32> to vector<16xf32>
        %swap3A_483 = arith.index_cast %add3A_476 : i32 to index
        %swap3A_484 = arith.constant 112 : index
        %swap3A_485 = tpu.vector_load %arg10[%swap3A_483, %swap3A_484] {strides = array<i32>} : memref<128x128xf32, #tpu.memory_space<vmem>>, vector<1x16xf32>,
        %swap3A_486 = vector.shape_cast %swap3A_485 : vector<1x16xf32> to vector<16xf32>
        %swap3A_487 = vector.shape_cast %get3A_482 : vector<16xf32> to vector<1x16xf32>
        tpu.vector_store %arg10[%swap3A_483, %swap3A_484], %swap3A_487 {add = true, strides = array<i32>} : memref<128x128xf32, #tpu.memory_space<vmem>>, vector<1x16xf32>,
        %add3A_488 = arith.constant 1 : i32
        %add3A_489 = arith.addi %add3A_385, %add3A_488 : i32
        %add3A_490 = arith.constant 1 : i32
        %add3A_491 = arith.addi %add3A_385, %add3A_490 : i32
        %get3A_492 = arith.index_cast %add3A_491 : i32 to index
        %get3A_493 = arith.constant 0 : index
        %get3A_494 = tpu.vector_load %arg12[%get3A_492, %get3A_493] {strides = array<i32>} : memref<128x128xf32, #tpu.memory_space<vmem>>, vector<1x16xf32>,
        %get3A_495 = vector.shape_cast %get3A_494 : vector<1x16xf32> to vector<16xf32>
        %swap3A_496 = arith.index_cast %add3A_489 : i32 to index
        %swap3A_497 = arith.constant 0 : index
        %swap3A_498 = tpu.vector_load %arg10[%swap3A_496, %swap3A_497] {strides = array<i32>} : memref<128x128xf32, #tpu.memory_space<vmem>>, vector<1x16xf32>,
        %swap3A_499 = vector.shape_cast %swap3A_498 : vector<1x16xf32> to vector<16xf32>
        %swap3A_500 = vector.shape_cast %get3A_495 : vector<16xf32> to vector<1x16xf32>
        tpu.vector_store %arg10[%swap3A_496, %swap3A_497], %swap3A_500 {add = true, strides = array<i32>} : memref<128x128xf32, #tpu.memory_space<vmem>>, vector<1x16xf32>,
        %add3A_501 = arith.constant 1 : i32
        %add3A_502 = arith.addi %add3A_385, %add3A_501 : i32
        %add3A_503 = arith.constant 1 : i32
        %add3A_504 = arith.addi %add3A_385, %add3A_503 : i32
        %get3A_505 = arith.index_cast %add3A_504 : i32 to index
        %get3A_506 = arith.constant 16 : index
        %get3A_507 = tpu.vector_load %arg12[%get3A_505, %get3A_506] {strides = array<i32>} : memref<128x128xf32, #tpu.memory_space<vmem>>, vector<1x16xf32>,
        %get3A_508 = vector.shape_cast %get3A_507 : vector<1x16xf32> to vector<16xf32>
        %swap3A_509 = arith.index_cast %add3A_502 : i32 to index
        %swap3A_510 = arith.constant 16 : index
        %swap3A_511 = tpu.vector_load %arg10[%swap3A_509, %swap3A_510] {strides = array<i32>} : memref<128x128xf32, #tpu.memory_space<vmem>>, vector<1x16xf32>,
        %swap3A_512 = vector.shape_cast %swap3A_511 : vector<1x16xf32> to vector<16xf32>
        %swap3A_513 = vector.shape_cast %get3A_508 : vector<16xf32> to vector<1x16xf32>
        tpu.vector_store %arg10[%swap3A_509, %swap3A_510], %swap3A_513 {add = true, strides = array<i32>} : memref<128x128xf32, #tpu.memory_space<vmem>>, vector<1x16xf32>,
        %add3A_514 = arith.constant 1 : i32
        %add3A_515 = arith.addi %add3A_385, %add3A_514 : i32
        %add3A_516 = arith.constant 1 : i32
        %add3A_517 = arith.addi %add3A_385, %add3A_516 : i32
        %get3A_518 = arith.index_cast %add3A_517 : i32 to index
        %get3A_519 = arith.constant 32 : index
        %get3A_520 = tpu.vector_load %arg12[%get3A_518, %get3A_519] {strides = array<i32>} : memref<128x128xf32, #tpu.memory_space<vmem>>, vector<1x16xf32>,
        %get3A_521 = vector.shape_cast %get3A_520 : vector<1x16xf32> to vector<16xf32>
        %swap3A_522 = arith.index_cast %add3A_515 : i32 to index
        %swap3A_523 = arith.constant 32 : index
        %swap3A_524 = tpu.vector_load %arg10[%swap3A_522, %swap3A_523] {strides = array<i32>} : memref<128x128xf32, #tpu.memory_space<vmem>>, vector<1x16xf32>,
        %swap3A_525 = vector.shape_cast %swap3A_524 : vector<1x16xf32> to vector<16xf32>
        %swap3A_526 = vector.shape_cast %get3A_521 : vector<16xf32> to vector<1x16xf32>
        tpu.vector_store %arg10[%swap3A_522, %swap3A_523], %swap3A_526 {add = true, strides = array<i32>} : memref<128x128xf32, #tpu.memory_space<vmem>>, vector<1x16xf32>,
        %add3A_527 = arith.constant 1 : i32
        %add3A_528 = arith.addi %add3A_385, %add3A_527 : i32
        %add3A_529 = arith.constant 1 : i32
        %add3A_530 = arith.addi %add3A_385, %add3A_529 : i32
        %get3A_531 = arith.index_cast %add3A_530 : i32 to index
        %get3A_532 = arith.constant 48 : index
        %get3A_533 = tpu.vector_load %arg12[%get3A_531, %get3A_532] {strides = array<i32>} : memref<128x128xf32, #tpu.memory_space<vmem>>, vector<1x16xf32>,
        %get3A_534 = vector.shape_cast %get3A_533 : vector<1x16xf32> to vector<16xf32>
        %swap3A_535 = arith.index_cast %add3A_528 : i32 to index
        %swap3A_536 = arith.constant 48 : index
        %swap3A_537 = tpu.vector_load %arg10[%swap3A_535, %swap3A_536] {strides = array<i32>} : memref<128x128xf32, #tpu.memory_space<vmem>>, vector<1x16xf32>,
        %swap3A_538 = vector.shape_cast %swap3A_537 : vector<1x16xf32> to vector<16xf32>
        %swap3A_539 = vector.shape_cast %get3A_534 : vector<16xf32> to vector<1x16xf32>
        tpu.vector_store %arg10[%swap3A_535, %swap3A_536], %swap3A_539 {add = true, strides = array<i32>} : memref<128x128xf32, #tpu.memory_space<vmem>>, vector<1x16xf32>,
        %add3A_540 = arith.constant 1 : i32
        %add3A_541 = arith.addi %add3A_385, %add3A_540 : i32
        %add3A_542 = arith.constant 1 : i32
        %add3A_543 = arith.addi %add3A_385, %add3A_542 : i32
        %get3A_544 = arith.index_cast %add3A_543 : i32 to index
        %get3A_545 = arith.constant 64 : index
        %get3A_546 = tpu.vector_load %arg12[%get3A_544, %get3A_545] {strides = array<i32>} : memref<128x128xf32, #tpu.memory_space<vmem>>, vector<1x16xf32>,
        %get3A_547 = vector.shape_cast %get3A_546 : vector<1x16xf32> to vector<16xf32>
        %swap3A_548 = arith.index_cast %add3A_541 : i32 to index
        %swap3A_549 = arith.constant 64 : index
        %swap3A_550 = tpu.vector_load %arg10[%swap3A_548, %swap3A_549] {strides = array<i32>} : memref<128x128xf32, #tpu.memory_space<vmem>>, vector<1x16xf32>,
        %swap3A_551 = vector.shape_cast %swap3A_550 : vector<1x16xf32> to vector<16xf32>
        %swap3A_552 = vector.shape_cast %get3A_547 : vector<16xf32> to vector<1x16xf32>
        tpu.vector_store %arg10[%swap3A_548, %swap3A_549], %swap3A_552 {add = true, strides = array<i32>} : memref<128x128xf32, #tpu.memory_space<vmem>>, vector<1x16xf32>,
        %add3A_553 = arith.constant 1 : i32
        %add3A_554 = arith.addi %add3A_385, %add3A_553 : i32
        %add3A_555 = arith.constant 1 : i32
        %add3A_556 = arith.addi %add3A_385, %add3A_555 : i32
        %get3A_557 = arith.index_cast %add3A_556 : i32 to index
        %get3A_558 = arith.constant 80 : index
        %get3A_559 = tpu.vector_load %arg12[%get3A_557, %get3A_558] {strides = array<i32>} : memref<128x128xf32, #tpu.memory_space<vmem>>, vector<1x16xf32>,
        %get3A_560 = vector.shape_cast %get3A_559 : vector<1x16xf32> to vector<16xf32>
        %swap3A_561 = arith.index_cast %add3A_554 : i32 to index
        %swap3A_562 = arith.constant 80 : index
        %swap3A_563 = tpu.vector_load %arg10[%swap3A_561, %swap3A_562] {strides = array<i32>} : memref<128x128xf32, #tpu.memory_space<vmem>>, vector<1x16xf32>,
        %swap3A_564 = vector.shape_cast %swap3A_563 : vector<1x16xf32> to vector<16xf32>
        %swap3A_565 = vector.shape_cast %get3A_560 : vector<16xf32> to vector<1x16xf32>
        tpu.vector_store %arg10[%swap3A_561, %swap3A_562], %swap3A_565 {add = true, strides = array<i32>} : memref<128x128xf32, #tpu.memory_space<vmem>>, vector<1x16xf32>,
        %add3A_566 = arith.constant 1 : i32
        %add3A_567 = arith.addi %add3A_385, %add3A_566 : i32
        %add3A_568 = arith.constant 1 : i32
        %add3A_569 = arith.addi %add3A_385, %add3A_568 : i32
        %get3A_570 = arith.index_cast %add3A_569 : i32 to index
        %get3A_571 = arith.constant 96 : index
        %get3A_572 = tpu.vector_load %arg12[%get3A_570, %get3A_571] {strides = array<i32>} : memref<128x128xf32, #tpu.memory_space<vmem>>, vector<1x16xf32>,
        %get3A_573 = vector.shape_cast %get3A_572 : vector<1x16xf32> to vector<16xf32>
        %swap3A_574 = arith.index_cast %add3A_567 : i32 to index
        %swap3A_575 = arith.constant 96 : index
        %swap3A_576 = tpu.vector_load %arg10[%swap3A_574, %swap3A_575] {strides = array<i32>} : memref<128x128xf32, #tpu.memory_space<vmem>>, vector<1x16xf32>,
        %swap3A_577 = vector.shape_cast %swap3A_576 : vector<1x16xf32> to vector<16xf32>
        %swap3A_578 = vector.shape_cast %get3A_573 : vector<16xf32> to vector<1x16xf32>
        tpu.vector_store %arg10[%swap3A_574, %swap3A_575], %swap3A_578 {add = true, strides = array<i32>} : memref<128x128xf32, #tpu.memory_space<vmem>>, vector<1x16xf32>,
        %add3A_579 = arith.constant 1 : i32
        %add3A_580 = arith.addi %add3A_385, %add3A_579 : i32
        %add3A_581 = arith.constant 1 : i32
        %add3A_582 = arith.addi %add3A_385, %add3A_581 : i32
        %get3A_583 = arith.index_cast %add3A_582 : i32 to index
        %get3A_584 = arith.constant 112 : index
        %get3A_585 = tpu.vector_load %arg12[%get3A_583, %get3A_584] {strides = array<i32>} : memref<128x128xf32, #tpu.memory_space<vmem>>, vector<1x16xf32>,
        %get3A_586 = vector.shape_cast %get3A_585 : vector<1x16xf32> to vector<16xf32>
        %swap3A_587 = arith.index_cast %add3A_580 : i32 to index
        %swap3A_588 = arith.constant 112 : index
        %swap3A_589 = tpu.vector_load %arg10[%swap3A_587, %swap3A_588] {strides = array<i32>} : memref<128x128xf32, #tpu.memory_space<vmem>>, vector<1x16xf32>,
        %swap3A_590 = vector.shape_cast %swap3A_589 : vector<1x16xf32> to vector<16xf32>
        %swap3A_591 = vector.shape_cast %get3A_586 : vector<16xf32> to vector<1x16xf32>
        tpu.vector_store %arg10[%swap3A_587, %swap3A_588], %swap3A_591 {add = true, strides = array<i32>} : memref<128x128xf32, #tpu.memory_space<vmem>>, vector<1x16xf32>,
        %add3A_592 = arith.constant 2 : i32
        %add3A_593 = arith.addi %add3A_385, %add3A_592 : i32
        %add3A_594 = arith.constant 2 : i32
        %add3A_595 = arith.addi %add3A_385, %add3A_594 : i32
        %get3A_596 = arith.index_cast %add3A_595 : i32 to index
        %get3A_597 = arith.constant 0 : index
        %get3A_598 = tpu.vector_load %arg12[%get3A_596, %get3A_597] {strides = array<i32>} : memref<128x128xf32, #tpu.memory_space<vmem>>, vector<1x16xf32>,
        %get3A_599 = vector.shape_cast %get3A_598 : vector<1x16xf32> to vector<16xf32>
        %swap3A_600 = arith.index_cast %add3A_593 : i32 to index
        %swap3A_601 = arith.constant 0 : index
        %swap3A_602 = tpu.vector_load %arg10[%swap3A_600, %swap3A_601] {strides = array<i32>} : memref<128x128xf32, #tpu.memory_space<vmem>>, vector<1x16xf32>,
        %swap3A_603 = vector.shape_cast %swap3A_602 : vector<1x16xf32> to vector<16xf32>
        %swap3A_604 = vector.shape_cast %get3A_599 : vector<16xf32> to vector<1x16xf32>
        tpu.vector_store %arg10[%swap3A_600, %swap3A_601], %swap3A_604 {add = true, strides = array<i32>} : memref<128x128xf32, #tpu.memory_space<vmem>>, vector<1x16xf32>,
        %add3A_605 = arith.constant 2 : i32
        %add3A_606 = arith.addi %add3A_385, %add3A_605 : i32
        %add3A_607 = arith.constant 2 : i32
        %add3A_608 = arith.addi %add3A_385, %add3A_607 : i32
        %get3A_609 = arith.index_cast %add3A_608 : i32 to index
        %get3A_610 = arith.constant 16 : index
        %get3A_611 = tpu.vector_load %arg12[%get3A_609, %get3A_610] {strides = array<i32>} : memref<128x128xf32, #tpu.memory_space<vmem>>, vector<1x16xf32>,
        %get3A_612 = vector.shape_cast %get3A_611 : vector<1x16xf32> to vector<16xf32>
        %swap3A_613 = arith.index_cast %add3A_606 : i32 to index
        %swap3A_614 = arith.constant 16 : index
        %swap3A_615 = tpu.vector_load %arg10[%swap3A_613, %swap3A_614] {strides = array<i32>} : memref<128x128xf32, #tpu.memory_space<vmem>>, vector<1x16xf32>,
        %swap3A_616 = vector.shape_cast %swap3A_615 : vector<1x16xf32> to vector<16xf32>
        %swap3A_617 = vector.shape_cast %get3A_612 : vector<16xf32> to vector<1x16xf32>
        tpu.vector_store %arg10[%swap3A_613, %swap3A_614], %swap3A_617 {add = true, strides = array<i32>} : memref<128x128xf32, #tpu.memory_space<vmem>>, vector<1x16xf32>,
        %add3A_618 = arith.constant 2 : i32
        %add3A_619 = arith.addi %add3A_385, %add3A_618 : i32
        %add3A_620 = arith.constant 2 : i32
        %add3A_621 = arith.addi %add3A_385, %add3A_620 : i32
        %get3A_622 = arith.index_cast %add3A_621 : i32 to index
        %get3A_623 = arith.constant 32 : index
        %get3A_624 = tpu.vector_load %arg12[%get3A_622, %get3A_623] {strides = array<i32>} : memref<128x128xf32, #tpu.memory_space<vmem>>, vector<1x16xf32>,
        %get3A_625 = vector.shape_cast %get3A_624 : vector<1x16xf32> to vector<16xf32>
        %swap3A_626 = arith.index_cast %add3A_619 : i32 to index
        %swap3A_627 = arith.constant 32 : index
        %swap3A_628 = tpu.vector_load %arg10[%swap3A_626, %swap3A_627] {strides = array<i32>} : memref<128x128xf32, #tpu.memory_space<vmem>>, vector<1x16xf32>,
        %swap3A_629 = vector.shape_cast %swap3A_628 : vector<1x16xf32> to vector<16xf32>
        %swap3A_630 = vector.shape_cast %get3A_625 : vector<16xf32> to vector<1x16xf32>
        tpu.vector_store %arg10[%swap3A_626, %swap3A_627], %swap3A_630 {add = true, strides = array<i32>} : memref<128x128xf32, #tpu.memory_space<vmem>>, vector<1x16xf32>,
        %add3A_631 = arith.constant 2 : i32
        %add3A_632 = arith.addi %add3A_385, %add3A_631 : i32
        %add3A_633 = arith.constant 2 : i32
        %add3A_634 = arith.addi %add3A_385, %add3A_633 : i32
        %get3A_635 = arith.index_cast %add3A_634 : i32 to index
        %get3A_636 = arith.constant 48 : index
        %get3A_637 = tpu.vector_load %arg12[%get3A_635, %get3A_636] {strides = array<i32>} : memref<128x128xf32, #tpu.memory_space<vmem>>, vector<1x16xf32>,
        %get3A_638 = vector.shape_cast %get3A_637 : vector<1x16xf32> to vector<16xf32>
        %swap3A_639 = arith.index_cast %add3A_632 : i32 to index
        %swap3A_640 = arith.constant 48 : index
        %swap3A_641 = tpu.vector_load %arg10[%swap3A_639, %swap3A_640] {strides = array<i32>} : memref<128x128xf32, #tpu.memory_space<vmem>>, vector<1x16xf32>,
        %swap3A_642 = vector.shape_cast %swap3A_641 : vector<1x16xf32> to vector<16xf32>
        %swap3A_643 = vector.shape_cast %get3A_638 : vector<16xf32> to vector<1x16xf32>
        tpu.vector_store %arg10[%swap3A_639, %swap3A_640], %swap3A_643 {add = true, strides = array<i32>} : memref<128x128xf32, #tpu.memory_space<vmem>>, vector<1x16xf32>,
        %add3A_644 = arith.constant 2 : i32
        %add3A_645 = arith.addi %add3A_385, %add3A_644 : i32
        %add3A_646 = arith.constant 2 : i32
        %add3A_647 = arith.addi %add3A_385, %add3A_646 : i32
        %get3A_648 = arith.index_cast %add3A_647 : i32 to index
        %get3A_649 = arith.constant 64 : index
        %get3A_650 = tpu.vector_load %arg12[%get3A_648, %get3A_649] {strides = array<i32>} : memref<128x128xf32, #tpu.memory_space<vmem>>, vector<1x16xf32>,
        %get3A_651 = vector.shape_cast %get3A_650 : vector<1x16xf32> to vector<16xf32>
        %swap3A_652 = arith.index_cast %add3A_645 : i32 to index
        %swap3A_653 = arith.constant 64 : index
        %swap3A_654 = tpu.vector_load %arg10[%swap3A_652, %swap3A_653] {strides = array<i32>} : memref<128x128xf32, #tpu.memory_space<vmem>>, vector<1x16xf32>,
        %swap3A_655 = vector.shape_cast %swap3A_654 : vector<1x16xf32> to vector<16xf32>
        %swap3A_656 = vector.shape_cast %get3A_651 : vector<16xf32> to vector<1x16xf32>
        tpu.vector_store %arg10[%swap3A_652, %swap3A_653], %swap3A_656 {add = true, strides = array<i32>} : memref<128x128xf32, #tpu.memory_space<vmem>>, vector<1x16xf32>,
        %add3A_657 = arith.constant 2 : i32
        %add3A_658 = arith.addi %add3A_385, %add3A_657 : i32
        %add3A_659 = arith.constant 2 : i32
        %add3A_660 = arith.addi %add3A_385, %add3A_659 : i32
        %get3A_661 = arith.index_cast %add3A_660 : i32 to index
        %get3A_662 = arith.constant 80 : index
        %get3A_663 = tpu.vector_load %arg12[%get3A_661, %get3A_662] {strides = array<i32>} : memref<128x128xf32, #tpu.memory_space<vmem>>, vector<1x16xf32>,
        %get3A_664 = vector.shape_cast %get3A_663 : vector<1x16xf32> to vector<16xf32>
        %swap3A_665 = arith.index_cast %add3A_658 : i32 to index
        %swap3A_666 = arith.constant 80 : index
        %swap3A_667 = tpu.vector_load %arg10[%swap3A_665, %swap3A_666] {strides = array<i32>} : memref<128x128xf32, #tpu.memory_space<vmem>>, vector<1x16xf32>,
        %swap3A_668 = vector.shape_cast %swap3A_667 : vector<1x16xf32> to vector<16xf32>
        %swap3A_669 = vector.shape_cast %get3A_664 : vector<16xf32> to vector<1x16xf32>
        tpu.vector_store %arg10[%swap3A_665, %swap3A_666], %swap3A_669 {add = true, strides = array<i32>} : memref<128x128xf32, #tpu.memory_space<vmem>>, vector<1x16xf32>,
        %add3A_670 = arith.constant 2 : i32
        %add3A_671 = arith.addi %add3A_385, %add3A_670 : i32
        %add3A_672 = arith.constant 2 : i32
        %add3A_673 = arith.addi %add3A_385, %add3A_672 : i32
        %get3A_674 = arith.index_cast %add3A_673 : i32 to index
        %get3A_675 = arith.constant 96 : index
        %get3A_676 = tpu.vector_load %arg12[%get3A_674, %get3A_675] {strides = array<i32>} : memref<128x128xf32, #tpu.memory_space<vmem>>, vector<1x16xf32>,
        %get3A_677 = vector.shape_cast %get3A_676 : vector<1x16xf32> to vector<16xf32>
        %swap3A_678 = arith.index_cast %add3A_671 : i32 to index
        %swap3A_679 = arith.constant 96 : index
        %swap3A_680 = tpu.vector_load %arg10[%swap3A_678, %swap3A_679] {strides = array<i32>} : memref<128x128xf32, #tpu.memory_space<vmem>>, vector<1x16xf32>,
        %swap3A_681 = vector.shape_cast %swap3A_680 : vector<1x16xf32> to vector<16xf32>
        %swap3A_682 = vector.shape_cast %get3A_677 : vector<16xf32> to vector<1x16xf32>
        tpu.vector_store %arg10[%swap3A_678, %swap3A_679], %swap3A_682 {add = true, strides = array<i32>} : memref<128x128xf32, #tpu.memory_space<vmem>>, vector<1x16xf32>,
        %add3A_683 = arith.constant 2 : i32
        %add3A_684 = arith.addi %add3A_385, %add3A_683 : i32
        %add3A_685 = arith.constant 2 : i32
        %add3A_686 = arith.addi %add3A_385, %add3A_685 : i32
        %get3A_687 = arith.index_cast %add3A_686 : i32 to index
        %get3A_688 = arith.constant 112 : index
        %get3A_689 = tpu.vector_load %arg12[%get3A_687, %get3A_688] {strides = array<i32>} : memref<128x128xf32, #tpu.memory_space<vmem>>, vector<1x16xf32>,
        %get3A_690 = vector.shape_cast %get3A_689 : vector<1x16xf32> to vector<16xf32>
        %swap3A_691 = arith.index_cast %add3A_684 : i32 to index
        %swap3A_692 = arith.constant 112 : index
        %swap3A_693 = tpu.vector_load %arg10[%swap3A_691, %swap3A_692] {strides = array<i32>} : memref<128x128xf32, #tpu.memory_space<vmem>>, vector<1x16xf32>,
        %swap3A_694 = vector.shape_cast %swap3A_693 : vector<1x16xf32> to vector<16xf32>
        %swap3A_695 = vector.shape_cast %get3A_690 : vector<16xf32> to vector<1x16xf32>
        tpu.vector_store %arg10[%swap3A_691, %swap3A_692], %swap3A_695 {add = true, strides = array<i32>} : memref<128x128xf32, #tpu.memory_space<vmem>>, vector<1x16xf32>,
        %add3A_696 = arith.constant 3 : i32
        %add3A_697 = arith.addi %add3A_385, %add3A_696 : i32
        %add3A_698 = arith.constant 3 : i32
        %add3A_699 = arith.addi %add3A_385, %add3A_698 : i32
        %get3A_700 = arith.index_cast %add3A_699 : i32 to index
        %get3A_701 = arith.constant 0 : index
        %get3A_702 = tpu.vector_load %arg12[%get3A_700, %get3A_701] {strides = array<i32>} : memref<128x128xf32, #tpu.memory_space<vmem>>, vector<1x16xf32>,
        %get3A_703 = vector.shape_cast %get3A_702 : vector<1x16xf32> to vector<16xf32>
        %swap3A_704 = arith.index_cast %add3A_697 : i32 to index
        %swap3A_705 = arith.constant 0 : index
        %swap3A_706 = tpu.vector_load %arg10[%swap3A_704, %swap3A_705] {strides = array<i32>} : memref<128x128xf32, #tpu.memory_space<vmem>>, vector<1x16xf32>,
        %swap3A_707 = vector.shape_cast %swap3A_706 : vector<1x16xf32> to vector<16xf32>
        %swap3A_708 = vector.shape_cast %get3A_703 : vector<16xf32> to vector<1x16xf32>
        tpu.vector_store %arg10[%swap3A_704, %swap3A_705], %swap3A_708 {add = true, strides = array<i32>} : memref<128x128xf32, #tpu.memory_space<vmem>>, vector<1x16xf32>,
        %add3A_709 = arith.constant 3 : i32
        %add3A_710 = arith.addi %add3A_385, %add3A_709 : i32
        %add3A_711 = arith.constant 3 : i32
        %add3A_712 = arith.addi %add3A_385, %add3A_711 : i32
        %get3A_713 = arith.index_cast %add3A_712 : i32 to index
        %get3A_714 = arith.constant 16 : index
        %get3A_715 = tpu.vector_load %arg12[%get3A_713, %get3A_714] {strides = array<i32>} : memref<128x128xf32, #tpu.memory_space<vmem>>, vector<1x16xf32>,
        %get3A_716 = vector.shape_cast %get3A_715 : vector<1x16xf32> to vector<16xf32>
        %swap3A_717 = arith.index_cast %add3A_710 : i32 to index
        %swap3A_718 = arith.constant 16 : index
        %swap3A_719 = tpu.vector_load %arg10[%swap3A_717, %swap3A_718] {strides = array<i32>} : memref<128x128xf32, #tpu.memory_space<vmem>>, vector<1x16xf32>,
        %swap3A_720 = vector.shape_cast %swap3A_719 : vector<1x16xf32> to vector<16xf32>
        %swap3A_721 = vector.shape_cast %get3A_716 : vector<16xf32> to vector<1x16xf32>
        tpu.vector_store %arg10[%swap3A_717, %swap3A_718], %swap3A_721 {add = true, strides = array<i32>} : memref<128x128xf32, #tpu.memory_space<vmem>>, vector<1x16xf32>,
        %add3A_722 = arith.constant 3 : i32
        %add3A_723 = arith.addi %add3A_385, %add3A_722 : i32
        %add3A_724 = arith.constant 3 : i32
        %add3A_725 = arith.addi %add3A_385, %add3A_724 : i32
        %get3A_726 = arith.index_cast %add3A_725 : i32 to index
        %get3A_727 = arith.constant 32 : index
        %get3A_728 = tpu.vector_load %arg12[%get3A_726, %get3A_727] {strides = array<i32>} : memref<128x128xf32, #tpu.memory_space<vmem>>, vector<1x16xf32>,
        %get3A_729 = vector.shape_cast %get3A_728 : vector<1x16xf32> to vector<16xf32>
        %swap3A_730 = arith.index_cast %add3A_723 : i32 to index
        %swap3A_731 = arith.constant 32 : index
        %swap3A_732 = tpu.vector_load %arg10[%swap3A_730, %swap3A_731] {strides = array<i32>} : memref<128x128xf32, #tpu.memory_space<vmem>>, vector<1x16xf32>,
        %swap3A_733 = vector.shape_cast %swap3A_732 : vector<1x16xf32> to vector<16xf32>
        %swap3A_734 = vector.shape_cast %get3A_729 : vector<16xf32> to vector<1x16xf32>
        tpu.vector_store %arg10[%swap3A_730, %swap3A_731], %swap3A_734 {add = true, strides = array<i32>} : memref<128x128xf32, #tpu.memory_space<vmem>>, vector<1x16xf32>,
        %add3A_735 = arith.constant 3 : i32
        %add3A_736 = arith.addi %add3A_385, %add3A_735 : i32
        %add3A_737 = arith.constant 3 : i32
        %add3A_738 = arith.addi %add3A_385, %add3A_737 : i32
        %get3A_739 = arith.index_cast %add3A_738 : i32 to index
        %get3A_740 = arith.constant 48 : index
        %get3A_741 = tpu.vector_load %arg12[%get3A_739, %get3A_740] {strides = array<i32>} : memref<128x128xf32, #tpu.memory_space<vmem>>, vector<1x16xf32>,
        %get3A_742 = vector.shape_cast %get3A_741 : vector<1x16xf32> to vector<16xf32>
        %swap3A_743 = arith.index_cast %add3A_736 : i32 to index
        %swap3A_744 = arith.constant 48 : index
        %swap3A_745 = tpu.vector_load %arg10[%swap3A_743, %swap3A_744] {strides = array<i32>} : memref<128x128xf32, #tpu.memory_space<vmem>>, vector<1x16xf32>,
        %swap3A_746 = vector.shape_cast %swap3A_745 : vector<1x16xf32> to vector<16xf32>
        %swap3A_747 = vector.shape_cast %get3A_742 : vector<16xf32> to vector<1x16xf32>
        tpu.vector_store %arg10[%swap3A_743, %swap3A_744], %swap3A_747 {add = true, strides = array<i32>} : memref<128x128xf32, #tpu.memory_space<vmem>>, vector<1x16xf32>,
        %add3A_748 = arith.constant 3 : i32
        %add3A_749 = arith.addi %add3A_385, %add3A_748 : i32
        %add3A_750 = arith.constant 3 : i32
        %add3A_751 = arith.addi %add3A_385, %add3A_750 : i32
        %get3A_752 = arith.index_cast %add3A_751 : i32 to index
        %get3A_753 = arith.constant 64 : index
        %get3A_754 = tpu.vector_load %arg12[%get3A_752, %get3A_753] {strides = array<i32>} : memref<128x128xf32, #tpu.memory_space<vmem>>, vector<1x16xf32>,
        %get3A_755 = vector.shape_cast %get3A_754 : vector<1x16xf32> to vector<16xf32>
        %swap3A_756 = arith.index_cast %add3A_749 : i32 to index
        %swap3A_757 = arith.constant 64 : index
        %swap3A_758 = tpu.vector_load %arg10[%swap3A_756, %swap3A_757] {strides = array<i32>} : memref<128x128xf32, #tpu.memory_space<vmem>>, vector<1x16xf32>,
        %swap3A_759 = vector.shape_cast %swap3A_758 : vector<1x16xf32> to vector<16xf32>
        %swap3A_760 = vector.shape_cast %get3A_755 : vector<16xf32> to vector<1x16xf32>
        tpu.vector_store %arg10[%swap3A_756, %swap3A_757], %swap3A_760 {add = true, strides = array<i32>} : memref<128x128xf32, #tpu.memory_space<vmem>>, vector<1x16xf32>,
        %add3A_761 = arith.constant 3 : i32
        %add3A_762 = arith.addi %add3A_385, %add3A_761 : i32
        %add3A_763 = arith.constant 3 : i32
        %add3A_764 = arith.addi %add3A_385, %add3A_763 : i32
        %get3A_765 = arith.index_cast %add3A_764 : i32 to index
        %get3A_766 = arith.constant 80 : index
        %get3A_767 = tpu.vector_load %arg12[%get3A_765, %get3A_766] {strides = array<i32>} : memref<128x128xf32, #tpu.memory_space<vmem>>, vector<1x16xf32>,
        %get3A_768 = vector.shape_cast %get3A_767 : vector<1x16xf32> to vector<16xf32>
        %swap3A_769 = arith.index_cast %add3A_762 : i32 to index
        %swap3A_770 = arith.constant 80 : index
        %swap3A_771 = tpu.vector_load %arg10[%swap3A_769, %swap3A_770] {strides = array<i32>} : memref<128x128xf32, #tpu.memory_space<vmem>>, vector<1x16xf32>,
        %swap3A_772 = vector.shape_cast %swap3A_771 : vector<1x16xf32> to vector<16xf32>
        %swap3A_773 = vector.shape_cast %get3A_768 : vector<16xf32> to vector<1x16xf32>
        tpu.vector_store %arg10[%swap3A_769, %swap3A_770], %swap3A_773 {add = true, strides = array<i32>} : memref<128x128xf32, #tpu.memory_space<vmem>>, vector<1x16xf32>,
        %add3A_774 = arith.constant 3 : i32
        %add3A_775 = arith.addi %add3A_385, %add3A_774 : i32
        %add3A_776 = arith.constant 3 : i32
        %add3A_777 = arith.addi %add3A_385, %add3A_776 : i32
        %get3A_778 = arith.index_cast %add3A_777 : i32 to index
        %get3A_779 = arith.constant 96 : index
        %get3A_780 = tpu.vector_load %arg12[%get3A_778, %get3A_779] {strides = array<i32>} : memref<128x128xf32, #tpu.memory_space<vmem>>, vector<1x16xf32>,
        %get3A_781 = vector.shape_cast %get3A_780 : vector<1x16xf32> to vector<16xf32>
        %swap3A_782 = arith.index_cast %add3A_775 : i32 to index
        %swap3A_783 = arith.constant 96 : index
        %swap3A_784 = tpu.vector_load %arg10[%swap3A_782, %swap3A_783] {strides = array<i32>} : memref<128x128xf32, #tpu.memory_space<vmem>>, vector<1x16xf32>,
        %swap3A_785 = vector.shape_cast %swap3A_784 : vector<1x16xf32> to vector<16xf32>
        %swap3A_786 = vector.shape_cast %get3A_781 : vector<16xf32> to vector<1x16xf32>
        tpu.vector_store %arg10[%swap3A_782, %swap3A_783], %swap3A_786 {add = true, strides = array<i32>} : memref<128x128xf32, #tpu.memory_space<vmem>>, vector<1x16xf32>,
        %add3A_787 = arith.constant 3 : i32
        %add3A_788 = arith.addi %add3A_385, %add3A_787 : i32
        %add3A_789 = arith.constant 3 : i32
        %add3A_790 = arith.addi %add3A_385, %add3A_789 : i32
        %get3A_791 = arith.index_cast %add3A_790 : i32 to index
        %get3A_792 = arith.constant 112 : index
        %get3A_793 = tpu.vector_load %arg12[%get3A_791, %get3A_792] {strides = array<i32>} : memref<128x128xf32, #tpu.memory_space<vmem>>, vector<1x16xf32>,
        %get3A_794 = vector.shape_cast %get3A_793 : vector<1x16xf32> to vector<16xf32>
        %swap3A_795 = arith.index_cast %add3A_788 : i32 to index
        %swap3A_796 = arith.constant 112 : index
        %swap3A_797 = tpu.vector_load %arg10[%swap3A_795, %swap3A_796] {strides = array<i32>} : memref<128x128xf32, #tpu.memory_space<vmem>>, vector<1x16xf32>,
        %swap3A_798 = vector.shape_cast %swap3A_797 : vector<1x16xf32> to vector<16xf32>
        %swap3A_799 = vector.shape_cast %get3A_794 : vector<16xf32> to vector<1x16xf32>
        tpu.vector_store %arg10[%swap3A_795, %swap3A_796], %swap3A_799 {add = true, strides = array<i32>} : memref<128x128xf32, #tpu.memory_space<vmem>>, vector<1x16xf32>,
      }
      %scan3A_265 = arith.constant 16 : i32
      %mul3A_266 = arith.constant 128 : i32
      %mul3A_267 = arith.muli %add3A_183, %mul3A_266 : i32
      %add3A_268 = arith.addi %mul3A_2, %mul3A_267 : i32
      %add3A_269 = arith.constant 64 : i32
      %add3A_270 = arith.addi %add3A_268, %add3A_269 : i32
      %dma_start3A_271 = arith.constant 64 : i32
      %dma_start3A_272 = arith.constant 0 : i32
      %dma_start3A_273 = tpu.memref_slice %arg10[%dma_start3A_271, %dma_start3A_272] : memref<128x128xf32, #tpu.memory_space<vmem>> -> memref<64x128xf32, #tpu.memory_space<vmem>>
      %dma_start3A_274 = arith.constant 0 : i32
      %dma_start3A_275 = tpu.memref_slice %arg6[%add3A_270, %dma_start3A_274] : memref<819200x128xf32, #tpu.memory_space<hbm>> -> memref<64x128xf32, #tpu.memory_space<hbm>>
      %dma_start3A_276 = arith.constant 0 : i32
      %dma_start3A_277 = tpu.memref_slice %arg6[%add3A_270, %dma_start3A_276] : memref<819200x128xf32, #tpu.memory_space<hbm>> -> memref<64x128xf32, #tpu.memory_space<hbm>>
      %dma_start3A_278 = arith.constant 64 : i32
      %dma_start3A_279 = arith.constant 0 : i32
      %dma_start3A_280 = tpu.memref_slice %arg10[%dma_start3A_278, %dma_start3A_279] : memref<128x128xf32, #tpu.memory_space<vmem>> -> memref<64x128xf32, #tpu.memory_space<vmem>>
      tpu.enqueue_dma source(%dma_start3A_280 : memref<64x128xf32, #tpu.memory_space<vmem>>) target(%dma_start3A_277 : memref<64x128xf32, #tpu.memory_space<hbm>>) target_semaphore(%arg19 : memref<!tpu.dma_semaphore, #tpu.memory_space<semaphore_mem>>)
      %add3A_281 = arith.constant 1 : i32
      %add3A_282 = arith.addi %add3A_183, %add3A_281 : i32
      %mul3A_283 = arith.constant 128 : i32
      %mul3A_284 = arith.muli %add3A_282, %mul3A_283 : i32
      %dma_wait3A_285 = tpu.memref_slice %arg7[%mul3A_284] : memref<25600xi32, #tpu.memory_space<vmem>> -> memref<128xi32, #tpu.memory_space<vmem>>
      %dma_wait3A_286 = arith.constant 0 : i32
      %dma_wait3A_287 = arith.constant 0 : i32
      %dma_wait3A_288 = tpu.memref_slice %arg4[%dma_wait3A_286, %dma_wait3A_287] : memref<100000x128xf32, #tpu.memory_space<hbm>> -> memref<100000x128xf32, #tpu.memory_space<hbm>>
      tpu.wait_indirect_dma semaphore(%arg14 : memref<!tpu.dma_semaphore, #tpu.memory_space<semaphore_mem>>) src(%dma_wait3A_288 : memref<100000x128xf32, #tpu.memory_space<hbm>>) dst(%arg9 : memref<128x128xf32, #tpu.memory_space<vmem>>)
      %mul3A_289 = arith.constant 128 : i32
      %mul3A_290 = arith.muli %add3A_282, %mul3A_289 : i32
      %dma_wait3A_291 = tpu.memref_slice %arg8[%mul3A_290] : memref<25600xi32, #tpu.memory_space<vmem>> -> memref<128xi32, #tpu.memory_space<vmem>>
      %dma_wait3A_292 = arith.constant 0 : i32
      %dma_wait3A_293 = arith.constant 0 : i32
      %dma_wait3A_294 = tpu.memref_slice %arg13[%dma_wait3A_292, %dma_wait3A_293] : memref<600x128xf32, #tpu.memory_space<vmem_shared>> -> memref<600x128xf32, #tpu.memory_space<vmem_shared>>
      tpu.wait_indirect_dma semaphore(%arg16 : memref<!tpu.dma_semaphore, #tpu.memory_space<semaphore_mem>>) src(%dma_wait3A_294 : memref<600x128xf32, #tpu.memory_space<vmem_shared>>) dst(%arg11 : memref<128x128xf32, #tpu.memory_space<vmem>>)
      %mul3A_295 = arith.constant 128 : i32
      %mul3A_296 = arith.muli %add3A_183, %mul3A_295 : i32
      %add3A_297 = arith.addi %mul3A_2, %mul3A_296 : i32
      %add3A_298 = arith.constant 0 : i32
      %add3A_299 = arith.addi %add3A_297, %add3A_298 : i32
      %dma_wait3A_300 = arith.constant 0 : i32
      %dma_wait3A_301 = arith.constant 0 : i32
      %dma_wait3A_302 = tpu.memref_slice %arg10[%dma_wait3A_300, %dma_wait3A_301] : memref<128x128xf32, #tpu.memory_space<vmem>> -> memref<64x128xf32, #tpu.memory_space<vmem>>
      %dma_wait3A_303 = arith.constant 0 : i32
      %dma_wait3A_304 = tpu.memref_slice %arg6[%add3A_299, %dma_wait3A_303] : memref<819200x128xf32, #tpu.memory_space<hbm>> -> memref<64x128xf32, #tpu.memory_space<hbm>>
      %dma_wait3A_305 = arith.constant 0 : i32
      %dma_wait3A_306 = tpu.memref_slice %arg6[%add3A_299, %dma_wait3A_305] : memref<819200x128xf32, #tpu.memory_space<hbm>> -> memref<64x128xf32, #tpu.memory_space<hbm>>
      %dma_wait3A_307 = arith.constant 0 : i32
      %dma_wait3A_308 = arith.constant 0 : i32
      %dma_wait3A_309 = tpu.memref_slice %arg10[%dma_wait3A_307, %dma_wait3A_308] : memref<128x128xf32, #tpu.memory_space<vmem>> -> memref<64x128xf32, #tpu.memory_space<vmem>>
      tpu.wait_dma2 semaphore(%arg19 : memref<!tpu.dma_semaphore, #tpu.memory_space<semaphore_mem>>) src(%dma_wait3A_309 : memref<64x128xf32, #tpu.memory_space<vmem>>) dst(%dma_wait3A_306 : memref<64x128xf32, #tpu.memory_space<hbm>>)
      %mul3A_310 = arith.constant 128 : i32
      %mul3A_311 = arith.muli %add3A_183, %mul3A_310 : i32
      %add3A_312 = arith.addi %mul3A_2, %mul3A_311 : i32
      %add3A_313 = arith.constant 64 : i32
      %add3A_314 = arith.addi %add3A_312, %add3A_313 : i32
      %dma_wait3A_315 = arith.constant 64 : i32
      %dma_wait3A_316 = arith.constant 0 : i32
      %dma_wait3A_317 = tpu.memref_slice %arg10[%dma_wait3A_315, %dma_wait3A_316] : memref<128x128xf32, #tpu.memory_space<vmem>> -> memref<64x128xf32, #tpu.memory_space<vmem>>
      %dma_wait3A_318 = arith.constant 0 : i32
      %dma_wait3A_319 = tpu.memref_slice %arg6[%add3A_314, %dma_wait3A_318] : memref<819200x128xf32, #tpu.memory_space<hbm>> -> memref<64x128xf32, #tpu.memory_space<hbm>>
      %dma_wait3A_320 = arith.constant 0 : i32
      %dma_wait3A_321 = tpu.memref_slice %arg6[%add3A_314, %dma_wait3A_320] : memref<819200x128xf32, #tpu.memory_space<hbm>> -> memref<64x128xf32, #tpu.memory_space<hbm>>
      %dma_wait3A_322 = arith.constant 64 : i32
      %dma_wait3A_323 = arith.constant 0 : i32
      %dma_wait3A_324 = tpu.memref_slice %arg10[%dma_wait3A_322, %dma_wait3A_323] : memref<128x128xf32, #tpu.memory_space<vmem>> -> memref<64x128xf32, #tpu.memory_space<vmem>>
      tpu.wait_dma2 semaphore(%arg19 : memref<!tpu.dma_semaphore, #tpu.memory_space<semaphore_mem>>) src(%dma_wait3A_324 : memref<64x128xf32, #tpu.memory_space<vmem>>) dst(%dma_wait3A_321 : memref<64x128xf32, #tpu.memory_space<hbm>>)
      %add3A_325 = arith.constant 2 : i32
      %add3A_326 = arith.addi %add3A_183, %add3A_325 : i32
      %mul3A_327 = arith.constant 128 : i32
      %mul3A_328 = arith.muli %add3A_326, %mul3A_327 : i32
      %dma_start3A_329 = tpu.memref_slice %arg7[%mul3A_328] : memref<25600xi32, #tpu.memory_space<vmem>> -> memref<128xi32, #tpu.memory_space<vmem>>
      %dma_start3A_330 = arith.constant 0 : i32
      %dma_start3A_331 = arith.constant 0 : i32
      %dma_start3A_332 = tpu.memref_slice %arg4[%dma_start3A_330, %dma_start3A_331] : memref<100000x128xf32, #tpu.memory_space<hbm>> -> memref<100000x128xf32, #tpu.memory_space<hbm>>
      tpu.enqueue_indirect_dma source(%dma_start3A_332 : memref<100000x128xf32, #tpu.memory_space<hbm>>) target(%arg10 : memref<128x128xf32, #tpu.memory_space<vmem>>) offsets(%dma_start3A_329 : memref<128xi32, #tpu.memory_space<vmem>>) semaphore(%arg15 : memref<!tpu.dma_semaphore, #tpu.memory_space<semaphore_mem>>)
      %mul3A_333 = arith.constant 128 : i32
      %mul3A_334 = arith.muli %add3A_326, %mul3A_333 : i32
      %dma_start3A_335 = tpu.memref_slice %arg8[%mul3A_334] : memref<25600xi32, #tpu.memory_space<vmem>> -> memref<128xi32, #tpu.memory_space<vmem>>
      %dma_start3A_336 = arith.constant 0 : i32
      %dma_start3A_337 = arith.constant 0 : i32
      %dma_start3A_338 = tpu.memref_slice %arg13[%dma_start3A_336, %dma_start3A_337] : memref<600x128xf32, #tpu.memory_space<vmem_shared>> -> memref<600x128xf32, #tpu.memory_space<vmem_shared>>
      tpu.enqueue_indirect_dma source(%dma_start3A_338 : memref<600x128xf32, #tpu.memory_space<vmem_shared>>) target(%arg12 : memref<128x128xf32, #tpu.memory_space<vmem>>) offsets(%dma_start3A_335 : memref<128xi32, #tpu.memory_space<vmem>>) semaphore(%arg17 : memref<!tpu.dma_semaphore, #tpu.memory_space<semaphore_mem>>)
      %add3A_339 = arith.constant 1 : i32
      %add3A_340 = arith.addi %add3A_183, %add3A_339 : i32
      %scan3A_341 = arith.constant 0 : i32
      %scan3A_342 = arith.constant 16 : i32
      %scan3A_343 = arith.addi %scan3A_341, %scan3A_342 : i32
      %scan3A_344 = arith.constant 1 : i32
      scf.for %scan3A_381 = %scan3A_341 to %scan3A_343 step %scan3A_344  : i32 {
        %mul3A_382 = arith.constant 4 : i32
        %mul3A_383 = arith.muli %scan3A_381, %mul3A_382 : i32
        %add3A_384 = arith.constant 0 : i32
        %add3A_385 = arith.addi %add3A_384, %mul3A_383 : i32
        %add3A_386 = arith.constant 0 : i32
        %add3A_387 = arith.addi %add3A_385, %add3A_386 : i32
        %add3A_388 = arith.constant 0 : i32
        %add3A_389 = arith.addi %add3A_385, %add3A_388 : i32
        %get3A = arith.index_cast %add3A_389 : i32 to index
        %get3A_390 = arith.constant 0 : index
        %get3A_391 = tpu.vector_load %arg11[%get3A, %get3A_390] {strides = array<i32>} : memref<128x128xf32, #tpu.memory_space<vmem>>, vector<1x16xf32>,
        %get3A_392 = vector.shape_cast %get3A_391 : vector<1x16xf32> to vector<16xf32>
        %swap3A = arith.index_cast %add3A_387 : i32 to index
        %swap3A_393 = arith.constant 0 : index
        %swap3A_394 = tpu.vector_load %arg9[%swap3A, %swap3A_393] {strides = array<i32>} : memref<128x128xf32, #tpu.memory_space<vmem>>, vector<1x16xf32>,
        %swap3A_395 = vector.shape_cast %swap3A_394 : vector<1x16xf32> to vector<16xf32>
        %swap3A_396 = vector.shape_cast %get3A_392 : vector<16xf32> to vector<1x16xf32>
        tpu.vector_store %arg9[%swap3A, %swap3A_393], %swap3A_396 {add = true, strides = array<i32>} : memref<128x128xf32, #tpu.memory_space<vmem>>, vector<1x16xf32>,
        %add3A_397 = arith.constant 0 : i32
        %add3A_398 = arith.addi %add3A_385, %add3A_397 : i32
        %add3A_399 = arith.constant 0 : i32
        %add3A_400 = arith.addi %add3A_385, %add3A_399 : i32
        %get3A_401 = arith.index_cast %add3A_400 : i32 to index
        %get3A_402 = arith.constant 16 : index
        %get3A_403 = tpu.vector_load %arg11[%get3A_401, %get3A_402] {strides = array<i32>} : memref<128x128xf32, #tpu.memory_space<vmem>>, vector<1x16xf32>,
        %get3A_404 = vector.shape_cast %get3A_403 : vector<1x16xf32> to vector<16xf32>
        %swap3A_405 = arith.index_cast %add3A_398 : i32 to index
        %swap3A_406 = arith.constant 16 : index
        %swap3A_407 = tpu.vector_load %arg9[%swap3A_405, %swap3A_406] {strides = array<i32>} : memref<128x128xf32, #tpu.memory_space<vmem>>, vector<1x16xf32>,
        %swap3A_408 = vector.shape_cast %swap3A_407 : vector<1x16xf32> to vector<16xf32>
        %swap3A_409 = vector.shape_cast %get3A_404 : vector<16xf32> to vector<1x16xf32>
        tpu.vector_store %arg9[%swap3A_405, %swap3A_406], %swap3A_409 {add = true, strides = array<i32>} : memref<128x128xf32, #tpu.memory_space<vmem>>, vector<1x16xf32>,
        %add3A_410 = arith.constant 0 : i32
        %add3A_411 = arith.addi %add3A_385, %add3A_410 : i32
        %add3A_412 = arith.constant 0 : i32
        %add3A_413 = arith.addi %add3A_385, %add3A_412 : i32
        %get3A_414 = arith.index_cast %add3A_413 : i32 to index
        %get3A_415 = arith.constant 32 : index
        %get3A_416 = tpu.vector_load %arg11[%get3A_414, %get3A_415] {strides = array<i32>} : memref<128x128xf32, #tpu.memory_space<vmem>>, vector<1x16xf32>,
        %get3A_417 = vector.shape_cast %get3A_416 : vector<1x16xf32> to vector<16xf32>
        %swap3A_418 = arith.index_cast %add3A_411 : i32 to index
        %swap3A_419 = arith.constant 32 : index
        %swap3A_420 = tpu.vector_load %arg9[%swap3A_418, %swap3A_419] {strides = array<i32>} : memref<128x128xf32, #tpu.memory_space<vmem>>, vector<1x16xf32>,
        %swap3A_421 = vector.shape_cast %swap3A_420 : vector<1x16xf32> to vector<16xf32>
        %swap3A_422 = vector.shape_cast %get3A_417 : vector<16xf32> to vector<1x16xf32>
        tpu.vector_store %arg9[%swap3A_418, %swap3A_419], %swap3A_422 {add = true, strides = array<i32>} : memref<128x128xf32, #tpu.memory_space<vmem>>, vector<1x16xf32>,
        %add3A_423 = arith.constant 0 : i32
        %add3A_424 = arith.addi %add3A_385, %add3A_423 : i32
        %add3A_425 = arith.constant 0 : i32
        %add3A_426 = arith.addi %add3A_385, %add3A_425 : i32
        %get3A_427 = arith.index_cast %add3A_426 : i32 to index
        %get3A_428 = arith.constant 48 : index
        %get3A_429 = tpu.vector_load %arg11[%get3A_427, %get3A_428] {strides = array<i32>} : memref<128x128xf32, #tpu.memory_space<vmem>>, vector<1x16xf32>,
        %get3A_430 = vector.shape_cast %get3A_429 : vector<1x16xf32> to vector<16xf32>
        %swap3A_431 = arith.index_cast %add3A_424 : i32 to index
        %swap3A_432 = arith.constant 48 : index
        %swap3A_433 = tpu.vector_load %arg9[%swap3A_431, %swap3A_432] {strides = array<i32>} : memref<128x128xf32, #tpu.memory_space<vmem>>, vector<1x16xf32>,
        %swap3A_434 = vector.shape_cast %swap3A_433 : vector<1x16xf32> to vector<16xf32>
        %swap3A_435 = vector.shape_cast %get3A_430 : vector<16xf32> to vector<1x16xf32>
        tpu.vector_store %arg9[%swap3A_431, %swap3A_432], %swap3A_435 {add = true, strides = array<i32>} : memref<128x128xf32, #tpu.memory_space<vmem>>, vector<1x16xf32>,
        %add3A_436 = arith.constant 0 : i32
        %add3A_437 = arith.addi %add3A_385, %add3A_436 : i32
        %add3A_438 = arith.constant 0 : i32
        %add3A_439 = arith.addi %add3A_385, %add3A_438 : i32
        %get3A_440 = arith.index_cast %add3A_439 : i32 to index
        %get3A_441 = arith.constant 64 : index
        %get3A_442 = tpu.vector_load %arg11[%get3A_440, %get3A_441] {strides = array<i32>} : memref<128x128xf32, #tpu.memory_space<vmem>>, vector<1x16xf32>,
        %get3A_443 = vector.shape_cast %get3A_442 : vector<1x16xf32> to vector<16xf32>
        %swap3A_444 = arith.index_cast %add3A_437 : i32 to index
        %swap3A_445 = arith.constant 64 : index
        %swap3A_446 = tpu.vector_load %arg9[%swap3A_444, %swap3A_445] {strides = array<i32>} : memref<128x128xf32, #tpu.memory_space<vmem>>, vector<1x16xf32>,
        %swap3A_447 = vector.shape_cast %swap3A_446 : vector<1x16xf32> to vector<16xf32>
        %swap3A_448 = vector.shape_cast %get3A_443 : vector<16xf32> to vector<1x16xf32>
        tpu.vector_store %arg9[%swap3A_444, %swap3A_445], %swap3A_448 {add = true, strides = array<i32>} : memref<128x128xf32, #tpu.memory_space<vmem>>, vector<1x16xf32>,
        %add3A_449 = arith.constant 0 : i32
        %add3A_450 = arith.addi %add3A_385, %add3A_449 : i32
        %add3A_451 = arith.constant 0 : i32
        %add3A_452 = arith.addi %add3A_385, %add3A_451 : i32
        %get3A_453 = arith.index_cast %add3A_452 : i32 to index
        %get3A_454 = arith.constant 80 : index
        %get3A_455 = tpu.vector_load %arg11[%get3A_453, %get3A_454] {strides = array<i32>} : memref<128x128xf32, #tpu.memory_space<vmem>>, vector<1x16xf32>,
        %get3A_456 = vector.shape_cast %get3A_455 : vector<1x16xf32> to vector<16xf32>
        %swap3A_457 = arith.index_cast %add3A_450 : i32 to index
        %swap3A_458 = arith.constant 80 : index
        %swap3A_459 = tpu.vector_load %arg9[%swap3A_457, %swap3A_458] {strides = array<i32>} : memref<128x128xf32, #tpu.memory_space<vmem>>, vector<1x16xf32>,
        %swap3A_460 = vector.shape_cast %swap3A_459 : vector<1x16xf32> to vector<16xf32>
        %swap3A_461 = vector.shape_cast %get3A_456 : vector<16xf32> to vector<1x16xf32>
        tpu.vector_store %arg9[%swap3A_457, %swap3A_458], %swap3A_461 {add = true, strides = array<i32>} : memref<128x128xf32, #tpu.memory_space<vmem>>, vector<1x16xf32>,
        %add3A_462 = arith.constant 0 : i32
        %add3A_463 = arith.addi %add3A_385, %add3A_462 : i32
        %add3A_464 = arith.constant 0 : i32
        %add3A_465 = arith.addi %add3A_385, %add3A_464 : i32
        %get3A_466 = arith.index_cast %add3A_465 : i32 to index
        %get3A_467 = arith.constant 96 : index
        %get3A_468 = tpu.vector_load %arg11[%get3A_466, %get3A_467] {strides = array<i32>} : memref<128x128xf32, #tpu.memory_space<vmem>>, vector<1x16xf32>,
        %get3A_469 = vector.shape_cast %get3A_468 : vector<1x16xf32> to vector<16xf32>
        %swap3A_470 = arith.index_cast %add3A_463 : i32 to index
        %swap3A_471 = arith.constant 96 : index
        %swap3A_472 = tpu.vector_load %arg9[%swap3A_470, %swap3A_471] {strides = array<i32>} : memref<128x128xf32, #tpu.memory_space<vmem>>, vector<1x16xf32>,
        %swap3A_473 = vector.shape_cast %swap3A_472 : vector<1x16xf32> to vector<16xf32>
        %swap3A_474 = vector.shape_cast %get3A_469 : vector<16xf32> to vector<1x16xf32>
        tpu.vector_store %arg9[%swap3A_470, %swap3A_471], %swap3A_474 {add = true, strides = array<i32>} : memref<128x128xf32, #tpu.memory_space<vmem>>, vector<1x16xf32>,
        %add3A_475 = arith.constant 0 : i32
        %add3A_476 = arith.addi %add3A_385, %add3A_475 : i32
        %add3A_477 = arith.constant 0 : i32
        %add3A_478 = arith.addi %add3A_385, %add3A_477 : i32
        %get3A_479 = arith.index_cast %add3A_478 : i32 to index
        %get3A_480 = arith.constant 112 : index
        %get3A_481 = tpu.vector_load %arg11[%get3A_479, %get3A_480] {strides = array<i32>} : memref<128x128xf32, #tpu.memory_space<vmem>>, vector<1x16xf32>,
        %get3A_482 = vector.shape_cast %get3A_481 : vector<1x16xf32> to vector<16xf32>
        %swap3A_483 = arith.index_cast %add3A_476 : i32 to index
        %swap3A_484 = arith.constant 112 : index
        %swap3A_485 = tpu.vector_load %arg9[%swap3A_483, %swap3A_484] {strides = array<i32>} : memref<128x128xf32, #tpu.memory_space<vmem>>, vector<1x16xf32>,
        %swap3A_486 = vector.shape_cast %swap3A_485 : vector<1x16xf32> to vector<16xf32>
        %swap3A_487 = vector.shape_cast %get3A_482 : vector<16xf32> to vector<1x16xf32>
        tpu.vector_store %arg9[%swap3A_483, %swap3A_484], %swap3A_487 {add = true, strides = array<i32>} : memref<128x128xf32, #tpu.memory_space<vmem>>, vector<1x16xf32>,
        %add3A_488 = arith.constant 1 : i32
        %add3A_489 = arith.addi %add3A_385, %add3A_488 : i32
        %add3A_490 = arith.constant 1 : i32
        %add3A_491 = arith.addi %add3A_385, %add3A_490 : i32
        %get3A_492 = arith.index_cast %add3A_491 : i32 to index
        %get3A_493 = arith.constant 0 : index
        %get3A_494 = tpu.vector_load %arg11[%get3A_492, %get3A_493] {strides = array<i32>} : memref<128x128xf32, #tpu.memory_space<vmem>>, vector<1x16xf32>,
        %get3A_495 = vector.shape_cast %get3A_494 : vector<1x16xf32> to vector<16xf32>
        %swap3A_496 = arith.index_cast %add3A_489 : i32 to index
        %swap3A_497 = arith.constant 0 : index
        %swap3A_498 = tpu.vector_load %arg9[%swap3A_496, %swap3A_497] {strides = array<i32>} : memref<128x128xf32, #tpu.memory_space<vmem>>, vector<1x16xf32>,
        %swap3A_499 = vector.shape_cast %swap3A_498 : vector<1x16xf32> to vector<16xf32>
        %swap3A_500 = vector.shape_cast %get3A_495 : vector<16xf32> to vector<1x16xf32>
        tpu.vector_store %arg9[%swap3A_496, %swap3A_497], %swap3A_500 {add = true, strides = array<i32>} : memref<128x128xf32, #tpu.memory_space<vmem>>, vector<1x16xf32>,
        %add3A_501 = arith.constant 1 : i32
        %add3A_502 = arith.addi %add3A_385, %add3A_501 : i32
        %add3A_503 = arith.constant 1 : i32
        %add3A_504 = arith.addi %add3A_385, %add3A_503 : i32
        %get3A_505 = arith.index_cast %add3A_504 : i32 to index
        %get3A_506 = arith.constant 16 : index
        %get3A_507 = tpu.vector_load %arg11[%get3A_505, %get3A_506] {strides = array<i32>} : memref<128x128xf32, #tpu.memory_space<vmem>>, vector<1x16xf32>,
        %get3A_508 = vector.shape_cast %get3A_507 : vector<1x16xf32> to vector<16xf32>
        %swap3A_509 = arith.index_cast %add3A_502 : i32 to index
        %swap3A_510 = arith.constant 16 : index
        %swap3A_511 = tpu.vector_load %arg9[%swap3A_509, %swap3A_510] {strides = array<i32>} : memref<128x128xf32, #tpu.memory_space<vmem>>, vector<1x16xf32>,
        %swap3A_512 = vector.shape_cast %swap3A_511 : vector<1x16xf32> to vector<16xf32>
        %swap3A_513 = vector.shape_cast %get3A_508 : vector<16xf32> to vector<1x16xf32>
        tpu.vector_store %arg9[%swap3A_509, %swap3A_510], %swap3A_513 {add = true, strides = array<i32>} : memref<128x128xf32, #tpu.memory_space<vmem>>, vector<1x16xf32>,
        %add3A_514 = arith.constant 1 : i32
        %add3A_515 = arith.addi %add3A_385, %add3A_514 : i32
        %add3A_516 = arith.constant 1 : i32
        %add3A_517 = arith.addi %add3A_385, %add3A_516 : i32
        %get3A_518 = arith.index_cast %add3A_517 : i32 to index
        %get3A_519 = arith.constant 32 : index
        %get3A_520 = tpu.vector_load %arg11[%get3A_518, %get3A_519] {strides = array<i32>} : memref<128x128xf32, #tpu.memory_space<vmem>>, vector<1x16xf32>,
        %get3A_521 = vector.shape_cast %get3A_520 : vector<1x16xf32> to vector<16xf32>
        %swap3A_522 = arith.index_cast %add3A_515 : i32 to index
        %swap3A_523 = arith.constant 32 : index
        %swap3A_524 = tpu.vector_load %arg9[%swap3A_522, %swap3A_523] {strides = array<i32>} : memref<128x128xf32, #tpu.memory_space<vmem>>, vector<1x16xf32>,
        %swap3A_525 = vector.shape_cast %swap3A_524 : vector<1x16xf32> to vector<16xf32>
        %swap3A_526 = vector.shape_cast %get3A_521 : vector<16xf32> to vector<1x16xf32>
        tpu.vector_store %arg9[%swap3A_522, %swap3A_523], %swap3A_526 {add = true, strides = array<i32>} : memref<128x128xf32, #tpu.memory_space<vmem>>, vector<1x16xf32>,
        %add3A_527 = arith.constant 1 : i32
        %add3A_528 = arith.addi %add3A_385, %add3A_527 : i32
        %add3A_529 = arith.constant 1 : i32
        %add3A_530 = arith.addi %add3A_385, %add3A_529 : i32
        %get3A_531 = arith.index_cast %add3A_530 : i32 to index
        %get3A_532 = arith.constant 48 : index
        %get3A_533 = tpu.vector_load %arg11[%get3A_531, %get3A_532] {strides = array<i32>} : memref<128x128xf32, #tpu.memory_space<vmem>>, vector<1x16xf32>,
        %get3A_534 = vector.shape_cast %get3A_533 : vector<1x16xf32> to vector<16xf32>
        %swap3A_535 = arith.index_cast %add3A_528 : i32 to index
        %swap3A_536 = arith.constant 48 : index
        %swap3A_537 = tpu.vector_load %arg9[%swap3A_535, %swap3A_536] {strides = array<i32>} : memref<128x128xf32, #tpu.memory_space<vmem>>, vector<1x16xf32>,
        %swap3A_538 = vector.shape_cast %swap3A_537 : vector<1x16xf32> to vector<16xf32>
        %swap3A_539 = vector.shape_cast %get3A_534 : vector<16xf32> to vector<1x16xf32>
        tpu.vector_store %arg9[%swap3A_535, %swap3A_536], %swap3A_539 {add = true, strides = array<i32>} : memref<128x128xf32, #tpu.memory_space<vmem>>, vector<1x16xf32>,
        %add3A_540 = arith.constant 1 : i32
        %add3A_541 = arith.addi %add3A_385, %add3A_540 : i32
        %add3A_542 = arith.constant 1 : i32
        %add3A_543 = arith.addi %add3A_385, %add3A_542 : i32
        %get3A_544 = arith.index_cast %add3A_543 : i32 to index
        %get3A_545 = arith.constant 64 : index
        %get3A_546 = tpu.vector_load %arg11[%get3A_544, %get3A_545] {strides = array<i32>} : memref<128x128xf32, #tpu.memory_space<vmem>>, vector<1x16xf32>,
        %get3A_547 = vector.shape_cast %get3A_546 : vector<1x16xf32> to vector<16xf32>
        %swap3A_548 = arith.index_cast %add3A_541 : i32 to index
        %swap3A_549 = arith.constant 64 : index
        %swap3A_550 = tpu.vector_load %arg9[%swap3A_548, %swap3A_549] {strides = array<i32>} : memref<128x128xf32, #tpu.memory_space<vmem>>, vector<1x16xf32>,
        %swap3A_551 = vector.shape_cast %swap3A_550 : vector<1x16xf32> to vector<16xf32>
        %swap3A_552 = vector.shape_cast %get3A_547 : vector<16xf32> to vector<1x16xf32>
        tpu.vector_store %arg9[%swap3A_548, %swap3A_549], %swap3A_552 {add = true, strides = array<i32>} : memref<128x128xf32, #tpu.memory_space<vmem>>, vector<1x16xf32>,
        %add3A_553 = arith.constant 1 : i32
        %add3A_554 = arith.addi %add3A_385, %add3A_553 : i32
        %add3A_555 = arith.constant 1 : i32
        %add3A_556 = arith.addi %add3A_385, %add3A_555 : i32
        %get3A_557 = arith.index_cast %add3A_556 : i32 to index
        %get3A_558 = arith.constant 80 : index
        %get3A_559 = tpu.vector_load %arg11[%get3A_557, %get3A_558] {strides = array<i32>} : memref<128x128xf32, #tpu.memory_space<vmem>>, vector<1x16xf32>,
        %get3A_560 = vector.shape_cast %get3A_559 : vector<1x16xf32> to vector<16xf32>
        %swap3A_561 = arith.index_cast %add3A_554 : i32 to index
        %swap3A_562 = arith.constant 80 : index
        %swap3A_563 = tpu.vector_load %arg9[%swap3A_561, %swap3A_562] {strides = array<i32>} : memref<128x128xf32, #tpu.memory_space<vmem>>, vector<1x16xf32>,
        %swap3A_564 = vector.shape_cast %swap3A_563 : vector<1x16xf32> to vector<16xf32>
        %swap3A_565 = vector.shape_cast %get3A_560 : vector<16xf32> to vector<1x16xf32>
        tpu.vector_store %arg9[%swap3A_561, %swap3A_562], %swap3A_565 {add = true, strides = array<i32>} : memref<128x128xf32, #tpu.memory_space<vmem>>, vector<1x16xf32>,
        %add3A_566 = arith.constant 1 : i32
        %add3A_567 = arith.addi %add3A_385, %add3A_566 : i32
        %add3A_568 = arith.constant 1 : i32
        %add3A_569 = arith.addi %add3A_385, %add3A_568 : i32
        %get3A_570 = arith.index_cast %add3A_569 : i32 to index
        %get3A_571 = arith.constant 96 : index
        %get3A_572 = tpu.vector_load %arg11[%get3A_570, %get3A_571] {strides = array<i32>} : memref<128x128xf32, #tpu.memory_space<vmem>>, vector<1x16xf32>,
        %get3A_573 = vector.shape_cast %get3A_572 : vector<1x16xf32> to vector<16xf32>
        %swap3A_574 = arith.index_cast %add3A_567 : i32 to index
        %swap3A_575 = arith.constant 96 : index
        %swap3A_576 = tpu.vector_load %arg9[%swap3A_574, %swap3A_575] {strides = array<i32>} : memref<128x128xf32, #tpu.memory_space<vmem>>, vector<1x16xf32>,
        %swap3A_577 = vector.shape_cast %swap3A_576 : vector<1x16xf32> to vector<16xf32>
        %swap3A_578 = vector.shape_cast %get3A_573 : vector<16xf32> to vector<1x16xf32>
        tpu.vector_store %arg9[%swap3A_574, %swap3A_575], %swap3A_578 {add = true, strides = array<i32>} : memref<128x128xf32, #tpu.memory_space<vmem>>, vector<1x16xf32>,
        %add3A_579 = arith.constant 1 : i32
        %add3A_580 = arith.addi %add3A_385, %add3A_579 : i32
        %add3A_581 = arith.constant 1 : i32
        %add3A_582 = arith.addi %add3A_385, %add3A_581 : i32
        %get3A_583 = arith.index_cast %add3A_582 : i32 to index
        %get3A_584 = arith.constant 112 : index
        %get3A_585 = tpu.vector_load %arg11[%get3A_583, %get3A_584] {strides = array<i32>} : memref<128x128xf32, #tpu.memory_space<vmem>>, vector<1x16xf32>,
        %get3A_586 = vector.shape_cast %get3A_585 : vector<1x16xf32> to vector<16xf32>
        %swap3A_587 = arith.index_cast %add3A_580 : i32 to index
        %swap3A_588 = arith.constant 112 : index
        %swap3A_589 = tpu.vector_load %arg9[%swap3A_587, %swap3A_588] {strides = array<i32>} : memref<128x128xf32, #tpu.memory_space<vmem>>, vector<1x16xf32>,
        %swap3A_590 = vector.shape_cast %swap3A_589 : vector<1x16xf32> to vector<16xf32>
        %swap3A_591 = vector.shape_cast %get3A_586 : vector<16xf32> to vector<1x16xf32>
        tpu.vector_store %arg9[%swap3A_587, %swap3A_588], %swap3A_591 {add = true, strides = array<i32>} : memref<128x128xf32, #tpu.memory_space<vmem>>, vector<1x16xf32>,
        %add3A_592 = arith.constant 2 : i32
        %add3A_593 = arith.addi %add3A_385, %add3A_592 : i32
        %add3A_594 = arith.constant 2 : i32
        %add3A_595 = arith.addi %add3A_385, %add3A_594 : i32
        %get3A_596 = arith.index_cast %add3A_595 : i32 to index
        %get3A_597 = arith.constant 0 : index
        %get3A_598 = tpu.vector_load %arg11[%get3A_596, %get3A_597] {strides = array<i32>} : memref<128x128xf32, #tpu.memory_space<vmem>>, vector<1x16xf32>,
        %get3A_599 = vector.shape_cast %get3A_598 : vector<1x16xf32> to vector<16xf32>
        %swap3A_600 = arith.index_cast %add3A_593 : i32 to index
        %swap3A_601 = arith.constant 0 : index
        %swap3A_602 = tpu.vector_load %arg9[%swap3A_600, %swap3A_601] {strides = array<i32>} : memref<128x128xf32, #tpu.memory_space<vmem>>, vector<1x16xf32>,
        %swap3A_603 = vector.shape_cast %swap3A_602 : vector<1x16xf32> to vector<16xf32>
        %swap3A_604 = vector.shape_cast %get3A_599 : vector<16xf32> to vector<1x16xf32>
        tpu.vector_store %arg9[%swap3A_600, %swap3A_601], %swap3A_604 {add = true, strides = array<i32>} : memref<128x128xf32, #tpu.memory_space<vmem>>, vector<1x16xf32>,
        %add3A_605 = arith.constant 2 : i32
        %add3A_606 = arith.addi %add3A_385, %add3A_605 : i32
        %add3A_607 = arith.constant 2 : i32
        %add3A_608 = arith.addi %add3A_385, %add3A_607 : i32
        %get3A_609 = arith.index_cast %add3A_608 : i32 to index
        %get3A_610 = arith.constant 16 : index
        %get3A_611 = tpu.vector_load %arg11[%get3A_609, %get3A_610] {strides = array<i32>} : memref<128x128xf32, #tpu.memory_space<vmem>>, vector<1x16xf32>,
        %get3A_612 = vector.shape_cast %get3A_611 : vector<1x16xf32> to vector<16xf32>
        %swap3A_613 = arith.index_cast %add3A_606 : i32 to index
        %swap3A_614 = arith.constant 16 : index
        %swap3A_615 = tpu.vector_load %arg9[%swap3A_613, %swap3A_614] {strides = array<i32>} : memref<128x128xf32, #tpu.memory_space<vmem>>, vector<1x16xf32>,
        %swap3A_616 = vector.shape_cast %swap3A_615 : vector<1x16xf32> to vector<16xf32>
        %swap3A_617 = vector.shape_cast %get3A_612 : vector<16xf32> to vector<1x16xf32>
        tpu.vector_store %arg9[%swap3A_613, %swap3A_614], %swap3A_617 {add = true, strides = array<i32>} : memref<128x128xf32, #tpu.memory_space<vmem>>, vector<1x16xf32>,
        %add3A_618 = arith.constant 2 : i32
        %add3A_619 = arith.addi %add3A_385, %add3A_618 : i32
        %add3A_620 = arith.constant 2 : i32
        %add3A_621 = arith.addi %add3A_385, %add3A_620 : i32
        %get3A_622 = arith.index_cast %add3A_621 : i32 to index
        %get3A_623 = arith.constant 32 : index
        %get3A_624 = tpu.vector_load %arg11[%get3A_622, %get3A_623] {strides = array<i32>} : memref<128x128xf32, #tpu.memory_space<vmem>>, vector<1x16xf32>,
        %get3A_625 = vector.shape_cast %get3A_624 : vector<1x16xf32> to vector<16xf32>
        %swap3A_626 = arith.index_cast %add3A_619 : i32 to index
        %swap3A_627 = arith.constant 32 : index
        %swap3A_628 = tpu.vector_load %arg9[%swap3A_626, %swap3A_627] {strides = array<i32>} : memref<128x128xf32, #tpu.memory_space<vmem>>, vector<1x16xf32>,
        %swap3A_629 = vector.shape_cast %swap3A_628 : vector<1x16xf32> to vector<16xf32>
        %swap3A_630 = vector.shape_cast %get3A_625 : vector<16xf32> to vector<1x16xf32>
        tpu.vector_store %arg9[%swap3A_626, %swap3A_627], %swap3A_630 {add = true, strides = array<i32>} : memref<128x128xf32, #tpu.memory_space<vmem>>, vector<1x16xf32>,
        %add3A_631 = arith.constant 2 : i32
        %add3A_632 = arith.addi %add3A_385, %add3A_631 : i32
        %add3A_633 = arith.constant 2 : i32
        %add3A_634 = arith.addi %add3A_385, %add3A_633 : i32
        %get3A_635 = arith.index_cast %add3A_634 : i32 to index
        %get3A_636 = arith.constant 48 : index
        %get3A_637 = tpu.vector_load %arg11[%get3A_635, %get3A_636] {strides = array<i32>} : memref<128x128xf32, #tpu.memory_space<vmem>>, vector<1x16xf32>,
        %get3A_638 = vector.shape_cast %get3A_637 : vector<1x16xf32> to vector<16xf32>
        %swap3A_639 = arith.index_cast %add3A_632 : i32 to index
        %swap3A_640 = arith.constant 48 : index
        %swap3A_641 = tpu.vector_load %arg9[%swap3A_639, %swap3A_640] {strides = array<i32>} : memref<128x128xf32, #tpu.memory_space<vmem>>, vector<1x16xf32>,
        %swap3A_642 = vector.shape_cast %swap3A_641 : vector<1x16xf32> to vector<16xf32>
        %swap3A_643 = vector.shape_cast %get3A_638 : vector<16xf32> to vector<1x16xf32>
        tpu.vector_store %arg9[%swap3A_639, %swap3A_640], %swap3A_643 {add = true, strides = array<i32>} : memref<128x128xf32, #tpu.memory_space<vmem>>, vector<1x16xf32>,
        %add3A_644 = arith.constant 2 : i32
        %add3A_645 = arith.addi %add3A_385, %add3A_644 : i32
        %add3A_646 = arith.constant 2 : i32
        %add3A_647 = arith.addi %add3A_385, %add3A_646 : i32
        %get3A_648 = arith.index_cast %add3A_647 : i32 to index
        %get3A_649 = arith.constant 64 : index
        %get3A_650 = tpu.vector_load %arg11[%get3A_648, %get3A_649] {strides = array<i32>} : memref<128x128xf32, #tpu.memory_space<vmem>>, vector<1x16xf32>,
        %get3A_651 = vector.shape_cast %get3A_650 : vector<1x16xf32> to vector<16xf32>
        %swap3A_652 = arith.index_cast %add3A_645 : i32 to index
        %swap3A_653 = arith.constant 64 : index
        %swap3A_654 = tpu.vector_load %arg9[%swap3A_652, %swap3A_653] {strides = array<i32>} : memref<128x128xf32, #tpu.memory_space<vmem>>, vector<1x16xf32>,
        %swap3A_655 = vector.shape_cast %swap3A_654 : vector<1x16xf32> to vector<16xf32>
        %swap3A_656 = vector.shape_cast %get3A_651 : vector<16xf32> to vector<1x16xf32>
        tpu.vector_store %arg9[%swap3A_652, %swap3A_653], %swap3A_656 {add = true, strides = array<i32>} : memref<128x128xf32, #tpu.memory_space<vmem>>, vector<1x16xf32>,
        %add3A_657 = arith.constant 2 : i32
        %add3A_658 = arith.addi %add3A_385, %add3A_657 : i32
        %add3A_659 = arith.constant 2 : i32
        %add3A_660 = arith.addi %add3A_385, %add3A_659 : i32
        %get3A_661 = arith.index_cast %add3A_660 : i32 to index
        %get3A_662 = arith.constant 80 : index
        %get3A_663 = tpu.vector_load %arg11[%get3A_661, %get3A_662] {strides = array<i32>} : memref<128x128xf32, #tpu.memory_space<vmem>>, vector<1x16xf32>,
        %get3A_664 = vector.shape_cast %get3A_663 : vector<1x16xf32> to vector<16xf32>
        %swap3A_665 = arith.index_cast %add3A_658 : i32 to index
        %swap3A_666 = arith.constant 80 : index
        %swap3A_667 = tpu.vector_load %arg9[%swap3A_665, %swap3A_666] {strides = array<i32>} : memref<128x128xf32, #tpu.memory_space<vmem>>, vector<1x16xf32>,
        %swap3A_668 = vector.shape_cast %swap3A_667 : vector<1x16xf32> to vector<16xf32>
        %swap3A_669 = vector.shape_cast %get3A_664 : vector<16xf32> to vector<1x16xf32>
        tpu.vector_store %arg9[%swap3A_665, %swap3A_666], %swap3A_669 {add = true, strides = array<i32>} : memref<128x128xf32, #tpu.memory_space<vmem>>, vector<1x16xf32>,
        %add3A_670 = arith.constant 2 : i32
        %add3A_671 = arith.addi %add3A_385, %add3A_670 : i32
        %add3A_672 = arith.constant 2 : i32
        %add3A_673 = arith.addi %add3A_385, %add3A_672 : i32
        %get3A_674 = arith.index_cast %add3A_673 : i32 to index
        %get3A_675 = arith.constant 96 : index
        %get3A_676 = tpu.vector_load %arg11[%get3A_674, %get3A_675] {strides = array<i32>} : memref<128x128xf32, #tpu.memory_space<vmem>>, vector<1x16xf32>,
        %get3A_677 = vector.shape_cast %get3A_676 : vector<1x16xf32> to vector<16xf32>
        %swap3A_678 = arith.index_cast %add3A_671 : i32 to index
        %swap3A_679 = arith.constant 96 : index
        %swap3A_680 = tpu.vector_load %arg9[%swap3A_678, %swap3A_679] {strides = array<i32>} : memref<128x128xf32, #tpu.memory_space<vmem>>, vector<1x16xf32>,
        %swap3A_681 = vector.shape_cast %swap3A_680 : vector<1x16xf32> to vector<16xf32>
        %swap3A_682 = vector.shape_cast %get3A_677 : vector<16xf32> to vector<1x16xf32>
        tpu.vector_store %arg9[%swap3A_678, %swap3A_679], %swap3A_682 {add = true, strides = array<i32>} : memref<128x128xf32, #tpu.memory_space<vmem>>, vector<1x16xf32>,
        %add3A_683 = arith.constant 2 : i32
        %add3A_684 = arith.addi %add3A_385, %add3A_683 : i32
        %add3A_685 = arith.constant 2 : i32
        %add3A_686 = arith.addi %add3A_385, %add3A_685 : i32
        %get3A_687 = arith.index_cast %add3A_686 : i32 to index
        %get3A_688 = arith.constant 112 : index
        %get3A_689 = tpu.vector_load %arg11[%get3A_687, %get3A_688] {strides = array<i32>} : memref<128x128xf32, #tpu.memory_space<vmem>>, vector<1x16xf32>,
        %get3A_690 = vector.shape_cast %get3A_689 : vector<1x16xf32> to vector<16xf32>
        %swap3A_691 = arith.index_cast %add3A_684 : i32 to index
        %swap3A_692 = arith.constant 112 : index
        %swap3A_693 = tpu.vector_load %arg9[%swap3A_691, %swap3A_692] {strides = array<i32>} : memref<128x128xf32, #tpu.memory_space<vmem>>, vector<1x16xf32>,
        %swap3A_694 = vector.shape_cast %swap3A_693 : vector<1x16xf32> to vector<16xf32>
        %swap3A_695 = vector.shape_cast %get3A_690 : vector<16xf32> to vector<1x16xf32>
        tpu.vector_store %arg9[%swap3A_691, %swap3A_692], %swap3A_695 {add = true, strides = array<i32>} : memref<128x128xf32, #tpu.memory_space<vmem>>, vector<1x16xf32>,
        %add3A_696 = arith.constant 3 : i32
        %add3A_697 = arith.addi %add3A_385, %add3A_696 : i32
        %add3A_698 = arith.constant 3 : i32
        %add3A_699 = arith.addi %add3A_385, %add3A_698 : i32
        %get3A_700 = arith.index_cast %add3A_699 : i32 to index
        %get3A_701 = arith.constant 0 : index
        %get3A_702 = tpu.vector_load %arg11[%get3A_700, %get3A_701] {strides = array<i32>} : memref<128x128xf32, #tpu.memory_space<vmem>>, vector<1x16xf32>,
        %get3A_703 = vector.shape_cast %get3A_702 : vector<1x16xf32> to vector<16xf32>
        %swap3A_704 = arith.index_cast %add3A_697 : i32 to index
        %swap3A_705 = arith.constant 0 : index
        %swap3A_706 = tpu.vector_load %arg9[%swap3A_704, %swap3A_705] {strides = array<i32>} : memref<128x128xf32, #tpu.memory_space<vmem>>, vector<1x16xf32>,
        %swap3A_707 = vector.shape_cast %swap3A_706 : vector<1x16xf32> to vector<16xf32>
        %swap3A_708 = vector.shape_cast %get3A_703 : vector<16xf32> to vector<1x16xf32>
        tpu.vector_store %arg9[%swap3A_704, %swap3A_705], %swap3A_708 {add = true, strides = array<i32>} : memref<128x128xf32, #tpu.memory_space<vmem>>, vector<1x16xf32>,
        %add3A_709 = arith.constant 3 : i32
        %add3A_710 = arith.addi %add3A_385, %add3A_709 : i32
        %add3A_711 = arith.constant 3 : i32
        %add3A_712 = arith.addi %add3A_385, %add3A_711 : i32
        %get3A_713 = arith.index_cast %add3A_712 : i32 to index
        %get3A_714 = arith.constant 16 : index
        %get3A_715 = tpu.vector_load %arg11[%get3A_713, %get3A_714] {strides = array<i32>} : memref<128x128xf32, #tpu.memory_space<vmem>>, vector<1x16xf32>,
        %get3A_716 = vector.shape_cast %get3A_715 : vector<1x16xf32> to vector<16xf32>
        %swap3A_717 = arith.index_cast %add3A_710 : i32 to index
        %swap3A_718 = arith.constant 16 : index
        %swap3A_719 = tpu.vector_load %arg9[%swap3A_717, %swap3A_718] {strides = array<i32>} : memref<128x128xf32, #tpu.memory_space<vmem>>, vector<1x16xf32>,
        %swap3A_720 = vector.shape_cast %swap3A_719 : vector<1x16xf32> to vector<16xf32>
        %swap3A_721 = vector.shape_cast %get3A_716 : vector<16xf32> to vector<1x16xf32>
        tpu.vector_store %arg9[%swap3A_717, %swap3A_718], %swap3A_721 {add = true, strides = array<i32>} : memref<128x128xf32, #tpu.memory_space<vmem>>, vector<1x16xf32>,
        %add3A_722 = arith.constant 3 : i32
        %add3A_723 = arith.addi %add3A_385, %add3A_722 : i32
        %add3A_724 = arith.constant 3 : i32
        %add3A_725 = arith.addi %add3A_385, %add3A_724 : i32
        %get3A_726 = arith.index_cast %add3A_725 : i32 to index
        %get3A_727 = arith.constant 32 : index
        %get3A_728 = tpu.vector_load %arg11[%get3A_726, %get3A_727] {strides = array<i32>} : memref<128x128xf32, #tpu.memory_space<vmem>>, vector<1x16xf32>,
        %get3A_729 = vector.shape_cast %get3A_728 : vector<1x16xf32> to vector<16xf32>
        %swap3A_730 = arith.index_cast %add3A_723 : i32 to index
        %swap3A_731 = arith.constant 32 : index
        %swap3A_732 = tpu.vector_load %arg9[%swap3A_730, %swap3A_731] {strides = array<i32>} : memref<128x128xf32, #tpu.memory_space<vmem>>, vector<1x16xf32>,
        %swap3A_733 = vector.shape_cast %swap3A_732 : vector<1x16xf32> to vector<16xf32>
        %swap3A_734 = vector.shape_cast %get3A_729 : vector<16xf32> to vector<1x16xf32>
        tpu.vector_store %arg9[%swap3A_730, %swap3A_731], %swap3A_734 {add = true, strides = array<i32>} : memref<128x128xf32, #tpu.memory_space<vmem>>, vector<1x16xf32>,
        %add3A_735 = arith.constant 3 : i32
        %add3A_736 = arith.addi %add3A_385, %add3A_735 : i32
        %add3A_737 = arith.constant 3 : i32
        %add3A_738 = arith.addi %add3A_385, %add3A_737 : i32
        %get3A_739 = arith.index_cast %add3A_738 : i32 to index
        %get3A_740 = arith.constant 48 : index
        %get3A_741 = tpu.vector_load %arg11[%get3A_739, %get3A_740] {strides = array<i32>} : memref<128x128xf32, #tpu.memory_space<vmem>>, vector<1x16xf32>,
        %get3A_742 = vector.shape_cast %get3A_741 : vector<1x16xf32> to vector<16xf32>
        %swap3A_743 = arith.index_cast %add3A_736 : i32 to index
        %swap3A_744 = arith.constant 48 : index
        %swap3A_745 = tpu.vector_load %arg9[%swap3A_743, %swap3A_744] {strides = array<i32>} : memref<128x128xf32, #tpu.memory_space<vmem>>, vector<1x16xf32>,
        %swap3A_746 = vector.shape_cast %swap3A_745 : vector<1x16xf32> to vector<16xf32>
        %swap3A_747 = vector.shape_cast %get3A_742 : vector<16xf32> to vector<1x16xf32>
        tpu.vector_store %arg9[%swap3A_743, %swap3A_744], %swap3A_747 {add = true, strides = array<i32>} : memref<128x128xf32, #tpu.memory_space<vmem>>, vector<1x16xf32>,
        %add3A_748 = arith.constant 3 : i32
        %add3A_749 = arith.addi %add3A_385, %add3A_748 : i32
        %add3A_750 = arith.constant 3 : i32
        %add3A_751 = arith.addi %add3A_385, %add3A_750 : i32
        %get3A_752 = arith.index_cast %add3A_751 : i32 to index
        %get3A_753 = arith.constant 64 : index
        %get3A_754 = tpu.vector_load %arg11[%get3A_752, %get3A_753] {strides = array<i32>} : memref<128x128xf32, #tpu.memory_space<vmem>>, vector<1x16xf32>,
        %get3A_755 = vector.shape_cast %get3A_754 : vector<1x16xf32> to vector<16xf32>
        %swap3A_756 = arith.index_cast %add3A_749 : i32 to index
        %swap3A_757 = arith.constant 64 : index
        %swap3A_758 = tpu.vector_load %arg9[%swap3A_756, %swap3A_757] {strides = array<i32>} : memref<128x128xf32, #tpu.memory_space<vmem>>, vector<1x16xf32>,
        %swap3A_759 = vector.shape_cast %swap3A_758 : vector<1x16xf32> to vector<16xf32>
        %swap3A_760 = vector.shape_cast %get3A_755 : vector<16xf32> to vector<1x16xf32>
        tpu.vector_store %arg9[%swap3A_756, %swap3A_757], %swap3A_760 {add = true, strides = array<i32>} : memref<128x128xf32, #tpu.memory_space<vmem>>, vector<1x16xf32>,
        %add3A_761 = arith.constant 3 : i32
        %add3A_762 = arith.addi %add3A_385, %add3A_761 : i32
        %add3A_763 = arith.constant 3 : i32
        %add3A_764 = arith.addi %add3A_385, %add3A_763 : i32
        %get3A_765 = arith.index_cast %add3A_764 : i32 to index
        %get3A_766 = arith.constant 80 : index
        %get3A_767 = tpu.vector_load %arg11[%get3A_765, %get3A_766] {strides = array<i32>} : memref<128x128xf32, #tpu.memory_space<vmem>>, vector<1x16xf32>,
        %get3A_768 = vector.shape_cast %get3A_767 : vector<1x16xf32> to vector<16xf32>
        %swap3A_769 = arith.index_cast %add3A_762 : i32 to index
        %swap3A_770 = arith.constant 80 : index
        %swap3A_771 = tpu.vector_load %arg9[%swap3A_769, %swap3A_770] {strides = array<i32>} : memref<128x128xf32, #tpu.memory_space<vmem>>, vector<1x16xf32>,
        %swap3A_772 = vector.shape_cast %swap3A_771 : vector<1x16xf32> to vector<16xf32>
        %swap3A_773 = vector.shape_cast %get3A_768 : vector<16xf32> to vector<1x16xf32>
        tpu.vector_store %arg9[%swap3A_769, %swap3A_770], %swap3A_773 {add = true, strides = array<i32>} : memref<128x128xf32, #tpu.memory_space<vmem>>, vector<1x16xf32>,
        %add3A_774 = arith.constant 3 : i32
        %add3A_775 = arith.addi %add3A_385, %add3A_774 : i32
        %add3A_776 = arith.constant 3 : i32
        %add3A_777 = arith.addi %add3A_385, %add3A_776 : i32
        %get3A_778 = arith.index_cast %add3A_777 : i32 to index
        %get3A_779 = arith.constant 96 : index
        %get3A_780 = tpu.vector_load %arg11[%get3A_778, %get3A_779] {strides = array<i32>} : memref<128x128xf32, #tpu.memory_space<vmem>>, vector<1x16xf32>,
        %get3A_781 = vector.shape_cast %get3A_780 : vector<1x16xf32> to vector<16xf32>
        %swap3A_782 = arith.index_cast %add3A_775 : i32 to index
        %swap3A_783 = arith.constant 96 : index
        %swap3A_784 = tpu.vector_load %arg9[%swap3A_782, %swap3A_783] {strides = array<i32>} : memref<128x128xf32, #tpu.memory_space<vmem>>, vector<1x16xf32>,
        %swap3A_785 = vector.shape_cast %swap3A_784 : vector<1x16xf32> to vector<16xf32>
        %swap3A_786 = vector.shape_cast %get3A_781 : vector<16xf32> to vector<1x16xf32>
        tpu.vector_store %arg9[%swap3A_782, %swap3A_783], %swap3A_786 {add = true, strides = array<i32>} : memref<128x128xf32, #tpu.memory_space<vmem>>, vector<1x16xf32>,
        %add3A_787 = arith.constant 3 : i32
        %add3A_788 = arith.addi %add3A_385, %add3A_787 : i32
        %add3A_789 = arith.constant 3 : i32
        %add3A_790 = arith.addi %add3A_385, %add3A_789 : i32
        %get3A_791 = arith.index_cast %add3A_790 : i32 to index
        %get3A_792 = arith.constant 112 : index
        %get3A_793 = tpu.vector_load %arg11[%get3A_791, %get3A_792] {strides = array<i32>} : memref<128x128xf32, #tpu.memory_space<vmem>>, vector<1x16xf32>,
        %get3A_794 = vector.shape_cast %get3A_793 : vector<1x16xf32> to vector<16xf32>
        %swap3A_795 = arith.index_cast %add3A_788 : i32 to index
        %swap3A_796 = arith.constant 112 : index
        %swap3A_797 = tpu.vector_load %arg9[%swap3A_795, %swap3A_796] {strides = array<i32>} : memref<128x128xf32, #tpu.memory_space<vmem>>, vector<1x16xf32>,
        %swap3A_798 = vector.shape_cast %swap3A_797 : vector<1x16xf32> to vector<16xf32>
        %swap3A_799 = vector.shape_cast %get3A_794 : vector<16xf32> to vector<1x16xf32>
        tpu.vector_store %arg9[%swap3A_795, %swap3A_796], %swap3A_799 {add = true, strides = array<i32>} : memref<128x128xf32, #tpu.memory_space<vmem>>, vector<1x16xf32>,
      }
      %scan3A_345 = arith.constant 16 : i32
      %mul3A_346 = arith.constant 128 : i32
      %mul3A_347 = arith.muli %add3A_340, %mul3A_346 : i32
      %add3A_348 = arith.addi %mul3A_2, %mul3A_347 : i32
      %add3A_349 = arith.constant 0 : i32
      %add3A_350 = arith.addi %add3A_348, %add3A_349 : i32
      %dma_start3A_351 = arith.constant 0 : i32
      %dma_start3A_352 = arith.constant 0 : i32
      %dma_start3A_353 = tpu.memref_slice %arg9[%dma_start3A_351, %dma_start3A_352] : memref<128x128xf32, #tpu.memory_space<vmem>> -> memref<64x128xf32, #tpu.memory_space<vmem>>
      %dma_start3A_354 = arith.constant 0 : i32
      %dma_start3A_355 = tpu.memref_slice %arg6[%add3A_350, %dma_start3A_354] : memref<819200x128xf32, #tpu.memory_space<hbm>> -> memref<64x128xf32, #tpu.memory_space<hbm>>
      %dma_start3A_356 = arith.constant 0 : i32
      %dma_start3A_357 = tpu.memref_slice %arg6[%add3A_350, %dma_start3A_356] : memref<819200x128xf32, #tpu.memory_space<hbm>> -> memref<64x128xf32, #tpu.memory_space<hbm>>
      %dma_start3A_358 = arith.constant 0 : i32
      %dma_start3A_359 = arith.constant 0 : i32
      %dma_start3A_360 = tpu.memref_slice %arg9[%dma_start3A_358, %dma_start3A_359] : memref<128x128xf32, #tpu.memory_space<vmem>> -> memref<64x128xf32, #tpu.memory_space<vmem>>
      tpu.enqueue_dma source(%dma_start3A_360 : memref<64x128xf32, #tpu.memory_space<vmem>>) target(%dma_start3A_357 : memref<64x128xf32, #tpu.memory_space<hbm>>) target_semaphore(%arg18 : memref<!tpu.dma_semaphore, #tpu.memory_space<semaphore_mem>>)
      %scan3A_361 = arith.constant 0 : i32
      %scan3A_362 = arith.constant 16 : i32
      %scan3A_363 = arith.addi %scan3A_361, %scan3A_362 : i32
      %scan3A_364 = arith.constant 1 : i32
      scf.for %scan3A_381 = %scan3A_361 to %scan3A_363 step %scan3A_364  : i32 {
        %mul3A_382 = arith.constant 4 : i32
        %mul3A_383 = arith.muli %scan3A_381, %mul3A_382 : i32
        %add3A_384 = arith.constant 64 : i32
        %add3A_385 = arith.addi %add3A_384, %mul3A_383 : i32
        %add3A_386 = arith.constant 0 : i32
        %add3A_387 = arith.addi %add3A_385, %add3A_386 : i32
        %add3A_388 = arith.constant 0 : i32
        %add3A_389 = arith.addi %add3A_385, %add3A_388 : i32
        %get3A = arith.index_cast %add3A_389 : i32 to index
        %get3A_390 = arith.constant 0 : index
        %get3A_391 = tpu.vector_load %arg11[%get3A, %get3A_390] {strides = array<i32>} : memref<128x128xf32, #tpu.memory_space<vmem>>, vector<1x16xf32>,
        %get3A_392 = vector.shape_cast %get3A_391 : vector<1x16xf32> to vector<16xf32>
        %swap3A = arith.index_cast %add3A_387 : i32 to index
        %swap3A_393 = arith.constant 0 : index
        %swap3A_394 = tpu.vector_load %arg9[%swap3A, %swap3A_393] {strides = array<i32>} : memref<128x128xf32, #tpu.memory_space<vmem>>, vector<1x16xf32>,
        %swap3A_395 = vector.shape_cast %swap3A_394 : vector<1x16xf32> to vector<16xf32>
        %swap3A_396 = vector.shape_cast %get3A_392 : vector<16xf32> to vector<1x16xf32>
        tpu.vector_store %arg9[%swap3A, %swap3A_393], %swap3A_396 {add = true, strides = array<i32>} : memref<128x128xf32, #tpu.memory_space<vmem>>, vector<1x16xf32>,
        %add3A_397 = arith.constant 0 : i32
        %add3A_398 = arith.addi %add3A_385, %add3A_397 : i32
        %add3A_399 = arith.constant 0 : i32
        %add3A_400 = arith.addi %add3A_385, %add3A_399 : i32
        %get3A_401 = arith.index_cast %add3A_400 : i32 to index
        %get3A_402 = arith.constant 16 : index
        %get3A_403 = tpu.vector_load %arg11[%get3A_401, %get3A_402] {strides = array<i32>} : memref<128x128xf32, #tpu.memory_space<vmem>>, vector<1x16xf32>,
        %get3A_404 = vector.shape_cast %get3A_403 : vector<1x16xf32> to vector<16xf32>
        %swap3A_405 = arith.index_cast %add3A_398 : i32 to index
        %swap3A_406 = arith.constant 16 : index
        %swap3A_407 = tpu.vector_load %arg9[%swap3A_405, %swap3A_406] {strides = array<i32>} : memref<128x128xf32, #tpu.memory_space<vmem>>, vector<1x16xf32>,
        %swap3A_408 = vector.shape_cast %swap3A_407 : vector<1x16xf32> to vector<16xf32>
        %swap3A_409 = vector.shape_cast %get3A_404 : vector<16xf32> to vector<1x16xf32>
        tpu.vector_store %arg9[%swap3A_405, %swap3A_406], %swap3A_409 {add = true, strides = array<i32>} : memref<128x128xf32, #tpu.memory_space<vmem>>, vector<1x16xf32>,
        %add3A_410 = arith.constant 0 : i32
        %add3A_411 = arith.addi %add3A_385, %add3A_410 : i32
        %add3A_412 = arith.constant 0 : i32
        %add3A_413 = arith.addi %add3A_385, %add3A_412 : i32
        %get3A_414 = arith.index_cast %add3A_413 : i32 to index
        %get3A_415 = arith.constant 32 : index
        %get3A_416 = tpu.vector_load %arg11[%get3A_414, %get3A_415] {strides = array<i32>} : memref<128x128xf32, #tpu.memory_space<vmem>>, vector<1x16xf32>,
        %get3A_417 = vector.shape_cast %get3A_416 : vector<1x16xf32> to vector<16xf32>
        %swap3A_418 = arith.index_cast %add3A_411 : i32 to index
        %swap3A_419 = arith.constant 32 : index
        %swap3A_420 = tpu.vector_load %arg9[%swap3A_418, %swap3A_419] {strides = array<i32>} : memref<128x128xf32, #tpu.memory_space<vmem>>, vector<1x16xf32>,
        %swap3A_421 = vector.shape_cast %swap3A_420 : vector<1x16xf32> to vector<16xf32>
        %swap3A_422 = vector.shape_cast %get3A_417 : vector<16xf32> to vector<1x16xf32>
        tpu.vector_store %arg9[%swap3A_418, %swap3A_419], %swap3A_422 {add = true, strides = array<i32>} : memref<128x128xf32, #tpu.memory_space<vmem>>, vector<1x16xf32>,
        %add3A_423 = arith.constant 0 : i32
        %add3A_424 = arith.addi %add3A_385, %add3A_423 : i32
        %add3A_425 = arith.constant 0 : i32
        %add3A_426 = arith.addi %add3A_385, %add3A_425 : i32
        %get3A_427 = arith.index_cast %add3A_426 : i32 to index
        %get3A_428 = arith.constant 48 : index
        %get3A_429 = tpu.vector_load %arg11[%get3A_427, %get3A_428] {strides = array<i32>} : memref<128x128xf32, #tpu.memory_space<vmem>>, vector<1x16xf32>,
        %get3A_430 = vector.shape_cast %get3A_429 : vector<1x16xf32> to vector<16xf32>
        %swap3A_431 = arith.index_cast %add3A_424 : i32 to index
        %swap3A_432 = arith.constant 48 : index
        %swap3A_433 = tpu.vector_load %arg9[%swap3A_431, %swap3A_432] {strides = array<i32>} : memref<128x128xf32, #tpu.memory_space<vmem>>, vector<1x16xf32>,
        %swap3A_434 = vector.shape_cast %swap3A_433 : vector<1x16xf32> to vector<16xf32>
        %swap3A_435 = vector.shape_cast %get3A_430 : vector<16xf32> to vector<1x16xf32>
        tpu.vector_store %arg9[%swap3A_431, %swap3A_432], %swap3A_435 {add = true, strides = array<i32>} : memref<128x128xf32, #tpu.memory_space<vmem>>, vector<1x16xf32>,
        %add3A_436 = arith.constant 0 : i32
        %add3A_437 = arith.addi %add3A_385, %add3A_436 : i32
        %add3A_438 = arith.constant 0 : i32
        %add3A_439 = arith.addi %add3A_385, %add3A_438 : i32
        %get3A_440 = arith.index_cast %add3A_439 : i32 to index
        %get3A_441 = arith.constant 64 : index
        %get3A_442 = tpu.vector_load %arg11[%get3A_440, %get3A_441] {strides = array<i32>} : memref<128x128xf32, #tpu.memory_space<vmem>>, vector<1x16xf32>,
        %get3A_443 = vector.shape_cast %get3A_442 : vector<1x16xf32> to vector<16xf32>
        %swap3A_444 = arith.index_cast %add3A_437 : i32 to index
        %swap3A_445 = arith.constant 64 : index
        %swap3A_446 = tpu.vector_load %arg9[%swap3A_444, %swap3A_445] {strides = array<i32>} : memref<128x128xf32, #tpu.memory_space<vmem>>, vector<1x16xf32>,
        %swap3A_447 = vector.shape_cast %swap3A_446 : vector<1x16xf32> to vector<16xf32>
        %swap3A_448 = vector.shape_cast %get3A_443 : vector<16xf32> to vector<1x16xf32>
        tpu.vector_store %arg9[%swap3A_444, %swap3A_445], %swap3A_448 {add = true, strides = array<i32>} : memref<128x128xf32, #tpu.memory_space<vmem>>, vector<1x16xf32>,
        %add3A_449 = arith.constant 0 : i32
        %add3A_450 = arith.addi %add3A_385, %add3A_449 : i32
        %add3A_451 = arith.constant 0 : i32
        %add3A_452 = arith.addi %add3A_385, %add3A_451 : i32
        %get3A_453 = arith.index_cast %add3A_452 : i32 to index
        %get3A_454 = arith.constant 80 : index
        %get3A_455 = tpu.vector_load %arg11[%get3A_453, %get3A_454] {strides = array<i32>} : memref<128x128xf32, #tpu.memory_space<vmem>>, vector<1x16xf32>,
        %get3A_456 = vector.shape_cast %get3A_455 : vector<1x16xf32> to vector<16xf32>
        %swap3A_457 = arith.index_cast %add3A_450 : i32 to index
        %swap3A_458 = arith.constant 80 : index
        %swap3A_459 = tpu.vector_load %arg9[%swap3A_457, %swap3A_458] {strides = array<i32>} : memref<128x128xf32, #tpu.memory_space<vmem>>, vector<1x16xf32>,
        %swap3A_460 = vector.shape_cast %swap3A_459 : vector<1x16xf32> to vector<16xf32>
        %swap3A_461 = vector.shape_cast %get3A_456 : vector<16xf32> to vector<1x16xf32>
        tpu.vector_store %arg9[%swap3A_457, %swap3A_458], %swap3A_461 {add = true, strides = array<i32>} : memref<128x128xf32, #tpu.memory_space<vmem>>, vector<1x16xf32>,
        %add3A_462 = arith.constant 0 : i32
        %add3A_463 = arith.addi %add3A_385, %add3A_462 : i32
        %add3A_464 = arith.constant 0 : i32
        %add3A_465 = arith.addi %add3A_385, %add3A_464 : i32
        %get3A_466 = arith.index_cast %add3A_465 : i32 to index
        %get3A_467 = arith.constant 96 : index
        %get3A_468 = tpu.vector_load %arg11[%get3A_466, %get3A_467] {strides = array<i32>} : memref<128x128xf32, #tpu.memory_space<vmem>>, vector<1x16xf32>,
        %get3A_469 = vector.shape_cast %get3A_468 : vector<1x16xf32> to vector<16xf32>
        %swap3A_470 = arith.index_cast %add3A_463 : i32 to index
        %swap3A_471 = arith.constant 96 : index
        %swap3A_472 = tpu.vector_load %arg9[%swap3A_470, %swap3A_471] {strides = array<i32>} : memref<128x128xf32, #tpu.memory_space<vmem>>, vector<1x16xf32>,
        %swap3A_473 = vector.shape_cast %swap3A_472 : vector<1x16xf32> to vector<16xf32>
        %swap3A_474 = vector.shape_cast %get3A_469 : vector<16xf32> to vector<1x16xf32>
        tpu.vector_store %arg9[%swap3A_470, %swap3A_471], %swap3A_474 {add = true, strides = array<i32>} : memref<128x128xf32, #tpu.memory_space<vmem>>, vector<1x16xf32>,
        %add3A_475 = arith.constant 0 : i32
        %add3A_476 = arith.addi %add3A_385, %add3A_475 : i32
        %add3A_477 = arith.constant 0 : i32
        %add3A_478 = arith.addi %add3A_385, %add3A_477 : i32
        %get3A_479 = arith.index_cast %add3A_478 : i32 to index
        %get3A_480 = arith.constant 112 : index
        %get3A_481 = tpu.vector_load %arg11[%get3A_479, %get3A_480] {strides = array<i32>} : memref<128x128xf32, #tpu.memory_space<vmem>>, vector<1x16xf32>,
        %get3A_482 = vector.shape_cast %get3A_481 : vector<1x16xf32> to vector<16xf32>
        %swap3A_483 = arith.index_cast %add3A_476 : i32 to index
        %swap3A_484 = arith.constant 112 : index
        %swap3A_485 = tpu.vector_load %arg9[%swap3A_483, %swap3A_484] {strides = array<i32>} : memref<128x128xf32, #tpu.memory_space<vmem>>, vector<1x16xf32>,
        %swap3A_486 = vector.shape_cast %swap3A_485 : vector<1x16xf32> to vector<16xf32>
        %swap3A_487 = vector.shape_cast %get3A_482 : vector<16xf32> to vector<1x16xf32>
        tpu.vector_store %arg9[%swap3A_483, %swap3A_484], %swap3A_487 {add = true, strides = array<i32>} : memref<128x128xf32, #tpu.memory_space<vmem>>, vector<1x16xf32>,
        %add3A_488 = arith.constant 1 : i32
        %add3A_489 = arith.addi %add3A_385, %add3A_488 : i32
        %add3A_490 = arith.constant 1 : i32
        %add3A_491 = arith.addi %add3A_385, %add3A_490 : i32
        %get3A_492 = arith.index_cast %add3A_491 : i32 to index
        %get3A_493 = arith.constant 0 : index
        %get3A_494 = tpu.vector_load %arg11[%get3A_492, %get3A_493] {strides = array<i32>} : memref<128x128xf32, #tpu.memory_space<vmem>>, vector<1x16xf32>,
        %get3A_495 = vector.shape_cast %get3A_494 : vector<1x16xf32> to vector<16xf32>
        %swap3A_496 = arith.index_cast %add3A_489 : i32 to index
        %swap3A_497 = arith.constant 0 : index
        %swap3A_498 = tpu.vector_load %arg9[%swap3A_496, %swap3A_497] {strides = array<i32>} : memref<128x128xf32, #tpu.memory_space<vmem>>, vector<1x16xf32>,
        %swap3A_499 = vector.shape_cast %swap3A_498 : vector<1x16xf32> to vector<16xf32>
        %swap3A_500 = vector.shape_cast %get3A_495 : vector<16xf32> to vector<1x16xf32>
        tpu.vector_store %arg9[%swap3A_496, %swap3A_497], %swap3A_500 {add = true, strides = array<i32>} : memref<128x128xf32, #tpu.memory_space<vmem>>, vector<1x16xf32>,
        %add3A_501 = arith.constant 1 : i32
        %add3A_502 = arith.addi %add3A_385, %add3A_501 : i32
        %add3A_503 = arith.constant 1 : i32
        %add3A_504 = arith.addi %add3A_385, %add3A_503 : i32
        %get3A_505 = arith.index_cast %add3A_504 : i32 to index
        %get3A_506 = arith.constant 16 : index
        %get3A_507 = tpu.vector_load %arg11[%get3A_505, %get3A_506] {strides = array<i32>} : memref<128x128xf32, #tpu.memory_space<vmem>>, vector<1x16xf32>,
        %get3A_508 = vector.shape_cast %get3A_507 : vector<1x16xf32> to vector<16xf32>
        %swap3A_509 = arith.index_cast %add3A_502 : i32 to index
        %swap3A_510 = arith.constant 16 : index
        %swap3A_511 = tpu.vector_load %arg9[%swap3A_509, %swap3A_510] {strides = array<i32>} : memref<128x128xf32, #tpu.memory_space<vmem>>, vector<1x16xf32>,
        %swap3A_512 = vector.shape_cast %swap3A_511 : vector<1x16xf32> to vector<16xf32>
        %swap3A_513 = vector.shape_cast %get3A_508 : vector<16xf32> to vector<1x16xf32>
        tpu.vector_store %arg9[%swap3A_509, %swap3A_510], %swap3A_513 {add = true, strides = array<i32>} : memref<128x128xf32, #tpu.memory_space<vmem>>, vector<1x16xf32>,
        %add3A_514 = arith.constant 1 : i32
        %add3A_515 = arith.addi %add3A_385, %add3A_514 : i32
        %add3A_516 = arith.constant 1 : i32
        %add3A_517 = arith.addi %add3A_385, %add3A_516 : i32
        %get3A_518 = arith.index_cast %add3A_517 : i32 to index
        %get3A_519 = arith.constant 32 : index
        %get3A_520 = tpu.vector_load %arg11[%get3A_518, %get3A_519] {strides = array<i32>} : memref<128x128xf32, #tpu.memory_space<vmem>>, vector<1x16xf32>,
        %get3A_521 = vector.shape_cast %get3A_520 : vector<1x16xf32> to vector<16xf32>
        %swap3A_522 = arith.index_cast %add3A_515 : i32 to index
        %swap3A_523 = arith.constant 32 : index
        %swap3A_524 = tpu.vector_load %arg9[%swap3A_522, %swap3A_523] {strides = array<i32>} : memref<128x128xf32, #tpu.memory_space<vmem>>, vector<1x16xf32>,
        %swap3A_525 = vector.shape_cast %swap3A_524 : vector<1x16xf32> to vector<16xf32>
        %swap3A_526 = vector.shape_cast %get3A_521 : vector<16xf32> to vector<1x16xf32>
        tpu.vector_store %arg9[%swap3A_522, %swap3A_523], %swap3A_526 {add = true, strides = array<i32>} : memref<128x128xf32, #tpu.memory_space<vmem>>, vector<1x16xf32>,
        %add3A_527 = arith.constant 1 : i32
        %add3A_528 = arith.addi %add3A_385, %add3A_527 : i32
        %add3A_529 = arith.constant 1 : i32
        %add3A_530 = arith.addi %add3A_385, %add3A_529 : i32
        %get3A_531 = arith.index_cast %add3A_530 : i32 to index
        %get3A_532 = arith.constant 48 : index
        %get3A_533 = tpu.vector_load %arg11[%get3A_531, %get3A_532] {strides = array<i32>} : memref<128x128xf32, #tpu.memory_space<vmem>>, vector<1x16xf32>,
        %get3A_534 = vector.shape_cast %get3A_533 : vector<1x16xf32> to vector<16xf32>
        %swap3A_535 = arith.index_cast %add3A_528 : i32 to index
        %swap3A_536 = arith.constant 48 : index
        %swap3A_537 = tpu.vector_load %arg9[%swap3A_535, %swap3A_536] {strides = array<i32>} : memref<128x128xf32, #tpu.memory_space<vmem>>, vector<1x16xf32>,
        %swap3A_538 = vector.shape_cast %swap3A_537 : vector<1x16xf32> to vector<16xf32>
        %swap3A_539 = vector.shape_cast %get3A_534 : vector<16xf32> to vector<1x16xf32>
        tpu.vector_store %arg9[%swap3A_535, %swap3A_536], %swap3A_539 {add = true, strides = array<i32>} : memref<128x128xf32, #tpu.memory_space<vmem>>, vector<1x16xf32>,
        %add3A_540 = arith.constant 1 : i32
        %add3A_541 = arith.addi %add3A_385, %add3A_540 : i32
        %add3A_542 = arith.constant 1 : i32
        %add3A_543 = arith.addi %add3A_385, %add3A_542 : i32
        %get3A_544 = arith.index_cast %add3A_543 : i32 to index
        %get3A_545 = arith.constant 64 : index
        %get3A_546 = tpu.vector_load %arg11[%get3A_544, %get3A_545] {strides = array<i32>} : memref<128x128xf32, #tpu.memory_space<vmem>>, vector<1x16xf32>,
        %get3A_547 = vector.shape_cast %get3A_546 : vector<1x16xf32> to vector<16xf32>
        %swap3A_548 = arith.index_cast %add3A_541 : i32 to index
        %swap3A_549 = arith.constant 64 : index
        %swap3A_550 = tpu.vector_load %arg9[%swap3A_548, %swap3A_549] {strides = array<i32>} : memref<128x128xf32, #tpu.memory_space<vmem>>, vector<1x16xf32>,
        %swap3A_551 = vector.shape_cast %swap3A_550 : vector<1x16xf32> to vector<16xf32>
        %swap3A_552 = vector.shape_cast %get3A_547 : vector<16xf32> to vector<1x16xf32>
        tpu.vector_store %arg9[%swap3A_548, %swap3A_549], %swap3A_552 {add = true, strides = array<i32>} : memref<128x128xf32, #tpu.memory_space<vmem>>, vector<1x16xf32>,
        %add3A_553 = arith.constant 1 : i32
        %add3A_554 = arith.addi %add3A_385, %add3A_553 : i32
        %add3A_555 = arith.constant 1 : i32
        %add3A_556 = arith.addi %add3A_385, %add3A_555 : i32
        %get3A_557 = arith.index_cast %add3A_556 : i32 to index
        %get3A_558 = arith.constant 80 : index
        %get3A_559 = tpu.vector_load %arg11[%get3A_557, %get3A_558] {strides = array<i32>} : memref<128x128xf32, #tpu.memory_space<vmem>>, vector<1x16xf32>,
        %get3A_560 = vector.shape_cast %get3A_559 : vector<1x16xf32> to vector<16xf32>
        %swap3A_561 = arith.index_cast %add3A_554 : i32 to index
        %swap3A_562 = arith.constant 80 : index
        %swap3A_563 = tpu.vector_load %arg9[%swap3A_561, %swap3A_562] {strides = array<i32>} : memref<128x128xf32, #tpu.memory_space<vmem>>, vector<1x16xf32>,
        %swap3A_564 = vector.shape_cast %swap3A_563 : vector<1x16xf32> to vector<16xf32>
        %swap3A_565 = vector.shape_cast %get3A_560 : vector<16xf32> to vector<1x16xf32>
        tpu.vector_store %arg9[%swap3A_561, %swap3A_562], %swap3A_565 {add = true, strides = array<i32>} : memref<128x128xf32, #tpu.memory_space<vmem>>, vector<1x16xf32>,
        %add3A_566 = arith.constant 1 : i32
        %add3A_567 = arith.addi %add3A_385, %add3A_566 : i32
        %add3A_568 = arith.constant 1 : i32
        %add3A_569 = arith.addi %add3A_385, %add3A_568 : i32
        %get3A_570 = arith.index_cast %add3A_569 : i32 to index
        %get3A_571 = arith.constant 96 : index
        %get3A_572 = tpu.vector_load %arg11[%get3A_570, %get3A_571] {strides = array<i32>} : memref<128x128xf32, #tpu.memory_space<vmem>>, vector<1x16xf32>,
        %get3A_573 = vector.shape_cast %get3A_572 : vector<1x16xf32> to vector<16xf32>
        %swap3A_574 = arith.index_cast %add3A_567 : i32 to index
        %swap3A_575 = arith.constant 96 : index
        %swap3A_576 = tpu.vector_load %arg9[%swap3A_574, %swap3A_575] {strides = array<i32>} : memref<128x128xf32, #tpu.memory_space<vmem>>, vector<1x16xf32>,
        %swap3A_577 = vector.shape_cast %swap3A_576 : vector<1x16xf32> to vector<16xf32>
        %swap3A_578 = vector.shape_cast %get3A_573 : vector<16xf32> to vector<1x16xf32>
        tpu.vector_store %arg9[%swap3A_574, %swap3A_575], %swap3A_578 {add = true, strides = array<i32>} : memref<128x128xf32, #tpu.memory_space<vmem>>, vector<1x16xf32>,
        %add3A_579 = arith.constant 1 : i32
        %add3A_580 = arith.addi %add3A_385, %add3A_579 : i32
        %add3A_581 = arith.constant 1 : i32
        %add3A_582 = arith.addi %add3A_385, %add3A_581 : i32
        %get3A_583 = arith.index_cast %add3A_582 : i32 to index
        %get3A_584 = arith.constant 112 : index
        %get3A_585 = tpu.vector_load %arg11[%get3A_583, %get3A_584] {strides = array<i32>} : memref<128x128xf32, #tpu.memory_space<vmem>>, vector<1x16xf32>,
        %get3A_586 = vector.shape_cast %get3A_585 : vector<1x16xf32> to vector<16xf32>
        %swap3A_587 = arith.index_cast %add3A_580 : i32 to index
        %swap3A_588 = arith.constant 112 : index
        %swap3A_589 = tpu.vector_load %arg9[%swap3A_587, %swap3A_588] {strides = array<i32>} : memref<128x128xf32, #tpu.memory_space<vmem>>, vector<1x16xf32>,
        %swap3A_590 = vector.shape_cast %swap3A_589 : vector<1x16xf32> to vector<16xf32>
        %swap3A_591 = vector.shape_cast %get3A_586 : vector<16xf32> to vector<1x16xf32>
        tpu.vector_store %arg9[%swap3A_587, %swap3A_588], %swap3A_591 {add = true, strides = array<i32>} : memref<128x128xf32, #tpu.memory_space<vmem>>, vector<1x16xf32>,
        %add3A_592 = arith.constant 2 : i32
        %add3A_593 = arith.addi %add3A_385, %add3A_592 : i32
        %add3A_594 = arith.constant 2 : i32
        %add3A_595 = arith.addi %add3A_385, %add3A_594 : i32
        %get3A_596 = arith.index_cast %add3A_595 : i32 to index
        %get3A_597 = arith.constant 0 : index
        %get3A_598 = tpu.vector_load %arg11[%get3A_596, %get3A_597] {strides = array<i32>} : memref<128x128xf32, #tpu.memory_space<vmem>>, vector<1x16xf32>,
        %get3A_599 = vector.shape_cast %get3A_598 : vector<1x16xf32> to vector<16xf32>
        %swap3A_600 = arith.index_cast %add3A_593 : i32 to index
        %swap3A_601 = arith.constant 0 : index
        %swap3A_602 = tpu.vector_load %arg9[%swap3A_600, %swap3A_601] {strides = array<i32>} : memref<128x128xf32, #tpu.memory_space<vmem>>, vector<1x16xf32>,
        %swap3A_603 = vector.shape_cast %swap3A_602 : vector<1x16xf32> to vector<16xf32>
        %swap3A_604 = vector.shape_cast %get3A_599 : vector<16xf32> to vector<1x16xf32>
        tpu.vector_store %arg9[%swap3A_600, %swap3A_601], %swap3A_604 {add = true, strides = array<i32>} : memref<128x128xf32, #tpu.memory_space<vmem>>, vector<1x16xf32>,
        %add3A_605 = arith.constant 2 : i32
        %add3A_606 = arith.addi %add3A_385, %add3A_605 : i32
        %add3A_607 = arith.constant 2 : i32
        %add3A_608 = arith.addi %add3A_385, %add3A_607 : i32
        %get3A_609 = arith.index_cast %add3A_608 : i32 to index
        %get3A_610 = arith.constant 16 : index
        %get3A_611 = tpu.vector_load %arg11[%get3A_609, %get3A_610] {strides = array<i32>} : memref<128x128xf32, #tpu.memory_space<vmem>>, vector<1x16xf32>,
        %get3A_612 = vector.shape_cast %get3A_611 : vector<1x16xf32> to vector<16xf32>
        %swap3A_613 = arith.index_cast %add3A_606 : i32 to index
        %swap3A_614 = arith.constant 16 : index
        %swap3A_615 = tpu.vector_load %arg9[%swap3A_613, %swap3A_614] {strides = array<i32>} : memref<128x128xf32, #tpu.memory_space<vmem>>, vector<1x16xf32>,
        %swap3A_616 = vector.shape_cast %swap3A_615 : vector<1x16xf32> to vector<16xf32>
        %swap3A_617 = vector.shape_cast %get3A_612 : vector<16xf32> to vector<1x16xf32>
        tpu.vector_store %arg9[%swap3A_613, %swap3A_614], %swap3A_617 {add = true, strides = array<i32>} : memref<128x128xf32, #tpu.memory_space<vmem>>, vector<1x16xf32>,
        %add3A_618 = arith.constant 2 : i32
        %add3A_619 = arith.addi %add3A_385, %add3A_618 : i32
        %add3A_620 = arith.constant 2 : i32
        %add3A_621 = arith.addi %add3A_385, %add3A_620 : i32
        %get3A_622 = arith.index_cast %add3A_621 : i32 to index
        %get3A_623 = arith.constant 32 : index
        %get3A_624 = tpu.vector_load %arg11[%get3A_622, %get3A_623] {strides = array<i32>} : memref<128x128xf32, #tpu.memory_space<vmem>>, vector<1x16xf32>,
        %get3A_625 = vector.shape_cast %get3A_624 : vector<1x16xf32> to vector<16xf32>
        %swap3A_626 = arith.index_cast %add3A_619 : i32 to index
        %swap3A_627 = arith.constant 32 : index
        %swap3A_628 = tpu.vector_load %arg9[%swap3A_626, %swap3A_627] {strides = array<i32>} : memref<128x128xf32, #tpu.memory_space<vmem>>, vector<1x16xf32>,
        %swap3A_629 = vector.shape_cast %swap3A_628 : vector<1x16xf32> to vector<16xf32>
        %swap3A_630 = vector.shape_cast %get3A_625 : vector<16xf32> to vector<1x16xf32>
        tpu.vector_store %arg9[%swap3A_626, %swap3A_627], %swap3A_630 {add = true, strides = array<i32>} : memref<128x128xf32, #tpu.memory_space<vmem>>, vector<1x16xf32>,
        %add3A_631 = arith.constant 2 : i32
        %add3A_632 = arith.addi %add3A_385, %add3A_631 : i32
        %add3A_633 = arith.constant 2 : i32
        %add3A_634 = arith.addi %add3A_385, %add3A_633 : i32
        %get3A_635 = arith.index_cast %add3A_634 : i32 to index
        %get3A_636 = arith.constant 48 : index
        %get3A_637 = tpu.vector_load %arg11[%get3A_635, %get3A_636] {strides = array<i32>} : memref<128x128xf32, #tpu.memory_space<vmem>>, vector<1x16xf32>,
        %get3A_638 = vector.shape_cast %get3A_637 : vector<1x16xf32> to vector<16xf32>
        %swap3A_639 = arith.index_cast %add3A_632 : i32 to index
        %swap3A_640 = arith.constant 48 : index
        %swap3A_641 = tpu.vector_load %arg9[%swap3A_639, %swap3A_640] {strides = array<i32>} : memref<128x128xf32, #tpu.memory_space<vmem>>, vector<1x16xf32>,
        %swap3A_642 = vector.shape_cast %swap3A_641 : vector<1x16xf32> to vector<16xf32>
        %swap3A_643 = vector.shape_cast %get3A_638 : vector<16xf32> to vector<1x16xf32>
        tpu.vector_store %arg9[%swap3A_639, %swap3A_640], %swap3A_643 {add = true, strides = array<i32>} : memref<128x128xf32, #tpu.memory_space<vmem>>, vector<1x16xf32>,
        %add3A_644 = arith.constant 2 : i32
        %add3A_645 = arith.addi %add3A_385, %add3A_644 : i32
        %add3A_646 = arith.constant 2 : i32
        %add3A_647 = arith.addi %add3A_385, %add3A_646 : i32
        %get3A_648 = arith.index_cast %add3A_647 : i32 to index
        %get3A_649 = arith.constant 64 : index
        %get3A_650 = tpu.vector_load %arg11[%get3A_648, %get3A_649] {strides = array<i32>} : memref<128x128xf32, #tpu.memory_space<vmem>>, vector<1x16xf32>,
        %get3A_651 = vector.shape_cast %get3A_650 : vector<1x16xf32> to vector<16xf32>
        %swap3A_652 = arith.index_cast %add3A_645 : i32 to index
        %swap3A_653 = arith.constant 64 : index
        %swap3A_654 = tpu.vector_load %arg9[%swap3A_652, %swap3A_653] {strides = array<i32>} : memref<128x128xf32, #tpu.memory_space<vmem>>, vector<1x16xf32>,
        %swap3A_655 = vector.shape_cast %swap3A_654 : vector<1x16xf32> to vector<16xf32>
        %swap3A_656 = vector.shape_cast %get3A_651 : vector<16xf32> to vector<1x16xf32>
        tpu.vector_store %arg9[%swap3A_652, %swap3A_653], %swap3A_656 {add = true, strides = array<i32>} : memref<128x128xf32, #tpu.memory_space<vmem>>, vector<1x16xf32>,
        %add3A_657 = arith.constant 2 : i32
        %add3A_658 = arith.addi %add3A_385, %add3A_657 : i32
        %add3A_659 = arith.constant 2 : i32
        %add3A_660 = arith.addi %add3A_385, %add3A_659 : i32
        %get3A_661 = arith.index_cast %add3A_660 : i32 to index
        %get3A_662 = arith.constant 80 : index
        %get3A_663 = tpu.vector_load %arg11[%get3A_661, %get3A_662] {strides = array<i32>} : memref<128x128xf32, #tpu.memory_space<vmem>>, vector<1x16xf32>,
        %get3A_664 = vector.shape_cast %get3A_663 : vector<1x16xf32> to vector<16xf32>
        %swap3A_665 = arith.index_cast %add3A_658 : i32 to index
        %swap3A_666 = arith.constant 80 : index
        %swap3A_667 = tpu.vector_load %arg9[%swap3A_665, %swap3A_666] {strides = array<i32>} : memref<128x128xf32, #tpu.memory_space<vmem>>, vector<1x16xf32>,
        %swap3A_668 = vector.shape_cast %swap3A_667 : vector<1x16xf32> to vector<16xf32>
        %swap3A_669 = vector.shape_cast %get3A_664 : vector<16xf32> to vector<1x16xf32>
        tpu.vector_store %arg9[%swap3A_665, %swap3A_666], %swap3A_669 {add = true, strides = array<i32>} : memref<128x128xf32, #tpu.memory_space<vmem>>, vector<1x16xf32>,
        %add3A_670 = arith.constant 2 : i32
        %add3A_671 = arith.addi %add3A_385, %add3A_670 : i32
        %add3A_672 = arith.constant 2 : i32
        %add3A_673 = arith.addi %add3A_385, %add3A_672 : i32
        %get3A_674 = arith.index_cast %add3A_673 : i32 to index
        %get3A_675 = arith.constant 96 : index
        %get3A_676 = tpu.vector_load %arg11[%get3A_674, %get3A_675] {strides = array<i32>} : memref<128x128xf32, #tpu.memory_space<vmem>>, vector<1x16xf32>,
        %get3A_677 = vector.shape_cast %get3A_676 : vector<1x16xf32> to vector<16xf32>
        %swap3A_678 = arith.index_cast %add3A_671 : i32 to index
        %swap3A_679 = arith.constant 96 : index
        %swap3A_680 = tpu.vector_load %arg9[%swap3A_678, %swap3A_679] {strides = array<i32>} : memref<128x128xf32, #tpu.memory_space<vmem>>, vector<1x16xf32>,
        %swap3A_681 = vector.shape_cast %swap3A_680 : vector<1x16xf32> to vector<16xf32>
        %swap3A_682 = vector.shape_cast %get3A_677 : vector<16xf32> to vector<1x16xf32>
        tpu.vector_store %arg9[%swap3A_678, %swap3A_679], %swap3A_682 {add = true, strides = array<i32>} : memref<128x128xf32, #tpu.memory_space<vmem>>, vector<1x16xf32>,
        %add3A_683 = arith.constant 2 : i32
        %add3A_684 = arith.addi %add3A_385, %add3A_683 : i32
        %add3A_685 = arith.constant 2 : i32
        %add3A_686 = arith.addi %add3A_385, %add3A_685 : i32
        %get3A_687 = arith.index_cast %add3A_686 : i32 to index
        %get3A_688 = arith.constant 112 : index
        %get3A_689 = tpu.vector_load %arg11[%get3A_687, %get3A_688] {strides = array<i32>} : memref<128x128xf32, #tpu.memory_space<vmem>>, vector<1x16xf32>,
        %get3A_690 = vector.shape_cast %get3A_689 : vector<1x16xf32> to vector<16xf32>
        %swap3A_691 = arith.index_cast %add3A_684 : i32 to index
        %swap3A_692 = arith.constant 112 : index
        %swap3A_693 = tpu.vector_load %arg9[%swap3A_691, %swap3A_692] {strides = array<i32>} : memref<128x128xf32, #tpu.memory_space<vmem>>, vector<1x16xf32>,
        %swap3A_694 = vector.shape_cast %swap3A_693 : vector<1x16xf32> to vector<16xf32>
        %swap3A_695 = vector.shape_cast %get3A_690 : vector<16xf32> to vector<1x16xf32>
        tpu.vector_store %arg9[%swap3A_691, %swap3A_692], %swap3A_695 {add = true, strides = array<i32>} : memref<128x128xf32, #tpu.memory_space<vmem>>, vector<1x16xf32>,
        %add3A_696 = arith.constant 3 : i32
        %add3A_697 = arith.addi %add3A_385, %add3A_696 : i32
        %add3A_698 = arith.constant 3 : i32
        %add3A_699 = arith.addi %add3A_385, %add3A_698 : i32
        %get3A_700 = arith.index_cast %add3A_699 : i32 to index
        %get3A_701 = arith.constant 0 : index
        %get3A_702 = tpu.vector_load %arg11[%get3A_700, %get3A_701] {strides = array<i32>} : memref<128x128xf32, #tpu.memory_space<vmem>>, vector<1x16xf32>,
        %get3A_703 = vector.shape_cast %get3A_702 : vector<1x16xf32> to vector<16xf32>
        %swap3A_704 = arith.index_cast %add3A_697 : i32 to index
        %swap3A_705 = arith.constant 0 : index
        %swap3A_706 = tpu.vector_load %arg9[%swap3A_704, %swap3A_705] {strides = array<i32>} : memref<128x128xf32, #tpu.memory_space<vmem>>, vector<1x16xf32>,
        %swap3A_707 = vector.shape_cast %swap3A_706 : vector<1x16xf32> to vector<16xf32>
        %swap3A_708 = vector.shape_cast %get3A_703 : vector<16xf32> to vector<1x16xf32>
        tpu.vector_store %arg9[%swap3A_704, %swap3A_705], %swap3A_708 {add = true, strides = array<i32>} : memref<128x128xf32, #tpu.memory_space<vmem>>, vector<1x16xf32>,
        %add3A_709 = arith.constant 3 : i32
        %add3A_710 = arith.addi %add3A_385, %add3A_709 : i32
        %add3A_711 = arith.constant 3 : i32
        %add3A_712 = arith.addi %add3A_385, %add3A_711 : i32
        %get3A_713 = arith.index_cast %add3A_712 : i32 to index
        %get3A_714 = arith.constant 16 : index
        %get3A_715 = tpu.vector_load %arg11[%get3A_713, %get3A_714] {strides = array<i32>} : memref<128x128xf32, #tpu.memory_space<vmem>>, vector<1x16xf32>,
        %get3A_716 = vector.shape_cast %get3A_715 : vector<1x16xf32> to vector<16xf32>
        %swap3A_717 = arith.index_cast %add3A_710 : i32 to index
        %swap3A_718 = arith.constant 16 : index
        %swap3A_719 = tpu.vector_load %arg9[%swap3A_717, %swap3A_718] {strides = array<i32>} : memref<128x128xf32, #tpu.memory_space<vmem>>, vector<1x16xf32>,
        %swap3A_720 = vector.shape_cast %swap3A_719 : vector<1x16xf32> to vector<16xf32>
        %swap3A_721 = vector.shape_cast %get3A_716 : vector<16xf32> to vector<1x16xf32>
        tpu.vector_store %arg9[%swap3A_717, %swap3A_718], %swap3A_721 {add = true, strides = array<i32>} : memref<128x128xf32, #tpu.memory_space<vmem>>, vector<1x16xf32>,
        %add3A_722 = arith.constant 3 : i32
        %add3A_723 = arith.addi %add3A_385, %add3A_722 : i32
        %add3A_724 = arith.constant 3 : i32
        %add3A_725 = arith.addi %add3A_385, %add3A_724 : i32
        %get3A_726 = arith.index_cast %add3A_725 : i32 to index
        %get3A_727 = arith.constant 32 : index
        %get3A_728 = tpu.vector_load %arg11[%get3A_726, %get3A_727] {strides = array<i32>} : memref<128x128xf32, #tpu.memory_space<vmem>>, vector<1x16xf32>,
        %get3A_729 = vector.shape_cast %get3A_728 : vector<1x16xf32> to vector<16xf32>
        %swap3A_730 = arith.index_cast %add3A_723 : i32 to index
        %swap3A_731 = arith.constant 32 : index
        %swap3A_732 = tpu.vector_load %arg9[%swap3A_730, %swap3A_731] {strides = array<i32>} : memref<128x128xf32, #tpu.memory_space<vmem>>, vector<1x16xf32>,
        %swap3A_733 = vector.shape_cast %swap3A_732 : vector<1x16xf32> to vector<16xf32>
        %swap3A_734 = vector.shape_cast %get3A_729 : vector<16xf32> to vector<1x16xf32>
        tpu.vector_store %arg9[%swap3A_730, %swap3A_731], %swap3A_734 {add = true, strides = array<i32>} : memref<128x128xf32, #tpu.memory_space<vmem>>, vector<1x16xf32>,
        %add3A_735 = arith.constant 3 : i32
        %add3A_736 = arith.addi %add3A_385, %add3A_735 : i32
        %add3A_737 = arith.constant 3 : i32
        %add3A_738 = arith.addi %add3A_385, %add3A_737 : i32
        %get3A_739 = arith.index_cast %add3A_738 : i32 to index
        %get3A_740 = arith.constant 48 : index
        %get3A_741 = tpu.vector_load %arg11[%get3A_739, %get3A_740] {strides = array<i32>} : memref<128x128xf32, #tpu.memory_space<vmem>>, vector<1x16xf32>,
        %get3A_742 = vector.shape_cast %get3A_741 : vector<1x16xf32> to vector<16xf32>
        %swap3A_743 = arith.index_cast %add3A_736 : i32 to index
        %swap3A_744 = arith.constant 48 : index
        %swap3A_745 = tpu.vector_load %arg9[%swap3A_743, %swap3A_744] {strides = array<i32>} : memref<128x128xf32, #tpu.memory_space<vmem>>, vector<1x16xf32>,
        %swap3A_746 = vector.shape_cast %swap3A_745 : vector<1x16xf32> to vector<16xf32>
        %swap3A_747 = vector.shape_cast %get3A_742 : vector<16xf32> to vector<1x16xf32>
        tpu.vector_store %arg9[%swap3A_743, %swap3A_744], %swap3A_747 {add = true, strides = array<i32>} : memref<128x128xf32, #tpu.memory_space<vmem>>, vector<1x16xf32>,
        %add3A_748 = arith.constant 3 : i32
        %add3A_749 = arith.addi %add3A_385, %add3A_748 : i32
        %add3A_750 = arith.constant 3 : i32
        %add3A_751 = arith.addi %add3A_385, %add3A_750 : i32
        %get3A_752 = arith.index_cast %add3A_751 : i32 to index
        %get3A_753 = arith.constant 64 : index
        %get3A_754 = tpu.vector_load %arg11[%get3A_752, %get3A_753] {strides = array<i32>} : memref<128x128xf32, #tpu.memory_space<vmem>>, vector<1x16xf32>,
        %get3A_755 = vector.shape_cast %get3A_754 : vector<1x16xf32> to vector<16xf32>
        %swap3A_756 = arith.index_cast %add3A_749 : i32 to index
        %swap3A_757 = arith.constant 64 : index
        %swap3A_758 = tpu.vector_load %arg9[%swap3A_756, %swap3A_757] {strides = array<i32>} : memref<128x128xf32, #tpu.memory_space<vmem>>, vector<1x16xf32>,
        %swap3A_759 = vector.shape_cast %swap3A_758 : vector<1x16xf32> to vector<16xf32>
        %swap3A_760 = vector.shape_cast %get3A_755 : vector<16xf32> to vector<1x16xf32>
        tpu.vector_store %arg9[%swap3A_756, %swap3A_757], %swap3A_760 {add = true, strides = array<i32>} : memref<128x128xf32, #tpu.memory_space<vmem>>, vector<1x16xf32>,
        %add3A_761 = arith.constant 3 : i32
        %add3A_762 = arith.addi %add3A_385, %add3A_761 : i32
        %add3A_763 = arith.constant 3 : i32
        %add3A_764 = arith.addi %add3A_385, %add3A_763 : i32
        %get3A_765 = arith.index_cast %add3A_764 : i32 to index
        %get3A_766 = arith.constant 80 : index
        %get3A_767 = tpu.vector_load %arg11[%get3A_765, %get3A_766] {strides = array<i32>} : memref<128x128xf32, #tpu.memory_space<vmem>>, vector<1x16xf32>,
        %get3A_768 = vector.shape_cast %get3A_767 : vector<1x16xf32> to vector<16xf32>
        %swap3A_769 = arith.index_cast %add3A_762 : i32 to index
        %swap3A_770 = arith.constant 80 : index
        %swap3A_771 = tpu.vector_load %arg9[%swap3A_769, %swap3A_770] {strides = array<i32>} : memref<128x128xf32, #tpu.memory_space<vmem>>, vector<1x16xf32>,
        %swap3A_772 = vector.shape_cast %swap3A_771 : vector<1x16xf32> to vector<16xf32>
        %swap3A_773 = vector.shape_cast %get3A_768 : vector<16xf32> to vector<1x16xf32>
        tpu.vector_store %arg9[%swap3A_769, %swap3A_770], %swap3A_773 {add = true, strides = array<i32>} : memref<128x128xf32, #tpu.memory_space<vmem>>, vector<1x16xf32>,
        %add3A_774 = arith.constant 3 : i32
        %add3A_775 = arith.addi %add3A_385, %add3A_774 : i32
        %add3A_776 = arith.constant 3 : i32
        %add3A_777 = arith.addi %add3A_385, %add3A_776 : i32
        %get3A_778 = arith.index_cast %add3A_777 : i32 to index
        %get3A_779 = arith.constant 96 : index
        %get3A_780 = tpu.vector_load %arg11[%get3A_778, %get3A_779] {strides = array<i32>} : memref<128x128xf32, #tpu.memory_space<vmem>>, vector<1x16xf32>,
        %get3A_781 = vector.shape_cast %get3A_780 : vector<1x16xf32> to vector<16xf32>
        %swap3A_782 = arith.index_cast %add3A_775 : i32 to index
        %swap3A_783 = arith.constant 96 : index
        %swap3A_784 = tpu.vector_load %arg9[%swap3A_782, %swap3A_783] {strides = array<i32>} : memref<128x128xf32, #tpu.memory_space<vmem>>, vector<1x16xf32>,
        %swap3A_785 = vector.shape_cast %swap3A_784 : vector<1x16xf32> to vector<16xf32>
        %swap3A_786 = vector.shape_cast %get3A_781 : vector<16xf32> to vector<1x16xf32>
        tpu.vector_store %arg9[%swap3A_782, %swap3A_783], %swap3A_786 {add = true, strides = array<i32>} : memref<128x128xf32, #tpu.memory_space<vmem>>, vector<1x16xf32>,
        %add3A_787 = arith.constant 3 : i32
        %add3A_788 = arith.addi %add3A_385, %add3A_787 : i32
        %add3A_789 = arith.constant 3 : i32
        %add3A_790 = arith.addi %add3A_385, %add3A_789 : i32
        %get3A_791 = arith.index_cast %add3A_790 : i32 to index
        %get3A_792 = arith.constant 112 : index
        %get3A_793 = tpu.vector_load %arg11[%get3A_791, %get3A_792] {strides = array<i32>} : memref<128x128xf32, #tpu.memory_space<vmem>>, vector<1x16xf32>,
        %get3A_794 = vector.shape_cast %get3A_793 : vector<1x16xf32> to vector<16xf32>
        %swap3A_795 = arith.index_cast %add3A_788 : i32 to index
        %swap3A_796 = arith.constant 112 : index
        %swap3A_797 = tpu.vector_load %arg9[%swap3A_795, %swap3A_796] {strides = array<i32>} : memref<128x128xf32, #tpu.memory_space<vmem>>, vector<1x16xf32>,
        %swap3A_798 = vector.shape_cast %swap3A_797 : vector<1x16xf32> to vector<16xf32>
        %swap3A_799 = vector.shape_cast %get3A_794 : vector<16xf32> to vector<1x16xf32>
        tpu.vector_store %arg9[%swap3A_795, %swap3A_796], %swap3A_799 {add = true, strides = array<i32>} : memref<128x128xf32, #tpu.memory_space<vmem>>, vector<1x16xf32>,
      }
      %scan3A_365 = arith.constant 16 : i32
      %mul3A_366 = arith.constant 128 : i32
      %mul3A_367 = arith.muli %add3A_340, %mul3A_366 : i32
      %add3A_368 = arith.addi %mul3A_2, %mul3A_367 : i32
      %add3A_369 = arith.constant 64 : i32
      %add3A_370 = arith.addi %add3A_368, %add3A_369 : i32
      %dma_start3A_371 = arith.constant 64 : i32
      %dma_start3A_372 = arith.constant 0 : i32
      %dma_start3A_373 = tpu.memref_slice %arg9[%dma_start3A_371, %dma_start3A_372] : memref<128x128xf32, #tpu.memory_space<vmem>> -> memref<64x128xf32, #tpu.memory_space<vmem>>
      %dma_start3A_374 = arith.constant 0 : i32
      %dma_start3A_375 = tpu.memref_slice %arg6[%add3A_370, %dma_start3A_374] : memref<819200x128xf32, #tpu.memory_space<hbm>> -> memref<64x128xf32, #tpu.memory_space<hbm>>
      %dma_start3A_376 = arith.constant 0 : i32
      %dma_start3A_377 = tpu.memref_slice %arg6[%add3A_370, %dma_start3A_376] : memref<819200x128xf32, #tpu.memory_space<hbm>> -> memref<64x128xf32, #tpu.memory_space<hbm>>
      %dma_start3A_378 = arith.constant 64 : i32
      %dma_start3A_379 = arith.constant 0 : i32
      %dma_start3A_380 = tpu.memref_slice %arg9[%dma_start3A_378, %dma_start3A_379] : memref<128x128xf32, #tpu.memory_space<vmem>> -> memref<64x128xf32, #tpu.memory_space<vmem>>
      tpu.enqueue_dma source(%dma_start3A_380 : memref<64x128xf32, #tpu.memory_space<vmem>>) target(%dma_start3A_377 : memref<64x128xf32, #tpu.memory_space<hbm>>) target_semaphore(%arg18 : memref<!tpu.dma_semaphore, #tpu.memory_space<semaphore_mem>>)
    }
    %scan3A_74 = arith.constant 99 : i32
    %dma_wait3A_75 = arith.constant 25472 : i32
    %dma_wait3A_76 = tpu.memref_slice %arg7[%dma_wait3A_75] : memref<25600xi32, #tpu.memory_space<vmem>> -> memref<128xi32, #tpu.memory_space<vmem>>
    %dma_wait3A_77 = arith.constant 0 : i32
    %dma_wait3A_78 = arith.constant 0 : i32
    %dma_wait3A_79 = tpu.memref_slice %arg4[%dma_wait3A_77, %dma_wait3A_78] : memref<100000x128xf32, #tpu.memory_space<hbm>> -> memref<100000x128xf32, #tpu.memory_space<hbm>>
    tpu.wait_indirect_dma semaphore(%arg15 : memref<!tpu.dma_semaphore, #tpu.memory_space<semaphore_mem>>) src(%dma_wait3A_79 : memref<100000x128xf32, #tpu.memory_space<hbm>>) dst(%arg10 : memref<128x128xf32, #tpu.memory_space<vmem>>)
    %dma_wait3A_80 = arith.constant 25472 : i32
    %dma_wait3A_81 = tpu.memref_slice %arg8[%dma_wait3A_80] : memref<25600xi32, #tpu.memory_space<vmem>> -> memref<128xi32, #tpu.memory_space<vmem>>
    %dma_wait3A_82 = arith.constant 0 : i32
    %dma_wait3A_83 = arith.constant 0 : i32
    %dma_wait3A_84 = tpu.memref_slice %arg13[%dma_wait3A_82, %dma_wait3A_83] : memref<600x128xf32, #tpu.memory_space<vmem_shared>> -> memref<600x128xf32, #tpu.memory_space<vmem_shared>>
    tpu.wait_indirect_dma semaphore(%arg17 : memref<!tpu.dma_semaphore, #tpu.memory_space<semaphore_mem>>) src(%dma_wait3A_84 : memref<600x128xf32, #tpu.memory_space<vmem_shared>>) dst(%arg12 : memref<128x128xf32, #tpu.memory_space<vmem>>)
    %scan3A_85 = arith.constant 0 : i32
    %scan3A_86 = arith.constant 16 : i32
    %scan3A_87 = arith.addi %scan3A_85, %scan3A_86 : i32
    %scan3A_88 = arith.constant 1 : i32
    scf.for %scan3A_179 = %scan3A_85 to %scan3A_87 step %scan3A_88  : i32 {
      %mul3A_180 = arith.constant 4 : i32
      %mul3A_181 = arith.muli %scan3A_179, %mul3A_180 : i32
      %add3A_182 = arith.constant 0 : i32
      %add3A_183 = arith.addi %add3A_182, %mul3A_181 : i32
      %add3A_184 = arith.constant 0 : i32
      %add3A_185 = arith.addi %add3A_183, %add3A_184 : i32
      %add3A_186 = arith.constant 0 : i32
      %add3A_187 = arith.addi %add3A_183, %add3A_186 : i32
      %get3A = arith.index_cast %add3A_187 : i32 to index
      %get3A_188 = arith.constant 0 : index
      %get3A_189 = tpu.vector_load %arg12[%get3A, %get3A_188] {strides = array<i32>} : memref<128x128xf32, #tpu.memory_space<vmem>>, vector<1x16xf32>,
      %get3A_190 = vector.shape_cast %get3A_189 : vector<1x16xf32> to vector<16xf32>
      %swap3A = arith.index_cast %add3A_185 : i32 to index
      %swap3A_191 = arith.constant 0 : index
      %swap3A_192 = tpu.vector_load %arg10[%swap3A, %swap3A_191] {strides = array<i32>} : memref<128x128xf32, #tpu.memory_space<vmem>>, vector<1x16xf32>,
      %swap3A_193 = vector.shape_cast %swap3A_192 : vector<1x16xf32> to vector<16xf32>
      %swap3A_194 = vector.shape_cast %get3A_190 : vector<16xf32> to vector<1x16xf32>
      tpu.vector_store %arg10[%swap3A, %swap3A_191], %swap3A_194 {add = true, strides = array<i32>} : memref<128x128xf32, #tpu.memory_space<vmem>>, vector<1x16xf32>,
      %add3A_195 = arith.constant 0 : i32
      %add3A_196 = arith.addi %add3A_183, %add3A_195 : i32
      %add3A_197 = arith.constant 0 : i32
      %add3A_198 = arith.addi %add3A_183, %add3A_197 : i32
      %get3A_199 = arith.index_cast %add3A_198 : i32 to index
      %get3A_200 = arith.constant 16 : index
      %get3A_201 = tpu.vector_load %arg12[%get3A_199, %get3A_200] {strides = array<i32>} : memref<128x128xf32, #tpu.memory_space<vmem>>, vector<1x16xf32>,
      %get3A_202 = vector.shape_cast %get3A_201 : vector<1x16xf32> to vector<16xf32>
      %swap3A_203 = arith.index_cast %add3A_196 : i32 to index
      %swap3A_204 = arith.constant 16 : index
      %swap3A_205 = tpu.vector_load %arg10[%swap3A_203, %swap3A_204] {strides = array<i32>} : memref<128x128xf32, #tpu.memory_space<vmem>>, vector<1x16xf32>,
      %swap3A_206 = vector.shape_cast %swap3A_205 : vector<1x16xf32> to vector<16xf32>
      %swap3A_207 = vector.shape_cast %get3A_202 : vector<16xf32> to vector<1x16xf32>
      tpu.vector_store %arg10[%swap3A_203, %swap3A_204], %swap3A_207 {add = true, strides = array<i32>} : memref<128x128xf32, #tpu.memory_space<vmem>>, vector<1x16xf32>,
      %add3A_208 = arith.constant 0 : i32
      %add3A_209 = arith.addi %add3A_183, %add3A_208 : i32
      %add3A_210 = arith.constant 0 : i32
      %add3A_211 = arith.addi %add3A_183, %add3A_210 : i32
      %get3A_212 = arith.index_cast %add3A_211 : i32 to index
      %get3A_213 = arith.constant 32 : index
      %get3A_214 = tpu.vector_load %arg12[%get3A_212, %get3A_213] {strides = array<i32>} : memref<128x128xf32, #tpu.memory_space<vmem>>, vector<1x16xf32>,
      %get3A_215 = vector.shape_cast %get3A_214 : vector<1x16xf32> to vector<16xf32>
      %swap3A_216 = arith.index_cast %add3A_209 : i32 to index
      %swap3A_217 = arith.constant 32 : index
      %swap3A_218 = tpu.vector_load %arg10[%swap3A_216, %swap3A_217] {strides = array<i32>} : memref<128x128xf32, #tpu.memory_space<vmem>>, vector<1x16xf32>,
      %swap3A_219 = vector.shape_cast %swap3A_218 : vector<1x16xf32> to vector<16xf32>
      %swap3A_220 = vector.shape_cast %get3A_215 : vector<16xf32> to vector<1x16xf32>
      tpu.vector_store %arg10[%swap3A_216, %swap3A_217], %swap3A_220 {add = true, strides = array<i32>} : memref<128x128xf32, #tpu.memory_space<vmem>>, vector<1x16xf32>,
      %add3A_221 = arith.constant 0 : i32
      %add3A_222 = arith.addi %add3A_183, %add3A_221 : i32
      %add3A_223 = arith.constant 0 : i32
      %add3A_224 = arith.addi %add3A_183, %add3A_223 : i32
      %get3A_225 = arith.index_cast %add3A_224 : i32 to index
      %get3A_226 = arith.constant 48 : index
      %get3A_227 = tpu.vector_load %arg12[%get3A_225, %get3A_226] {strides = array<i32>} : memref<128x128xf32, #tpu.memory_space<vmem>>, vector<1x16xf32>,
      %get3A_228 = vector.shape_cast %get3A_227 : vector<1x16xf32> to vector<16xf32>
      %swap3A_229 = arith.index_cast %add3A_222 : i32 to index
      %swap3A_230 = arith.constant 48 : index
      %swap3A_231 = tpu.vector_load %arg10[%swap3A_229, %swap3A_230] {strides = array<i32>} : memref<128x128xf32, #tpu.memory_space<vmem>>, vector<1x16xf32>,
      %swap3A_232 = vector.shape_cast %swap3A_231 : vector<1x16xf32> to vector<16xf32>
      %swap3A_233 = vector.shape_cast %get3A_228 : vector<16xf32> to vector<1x16xf32>
      tpu.vector_store %arg10[%swap3A_229, %swap3A_230], %swap3A_233 {add = true, strides = array<i32>} : memref<128x128xf32, #tpu.memory_space<vmem>>, vector<1x16xf32>,
      %add3A_234 = arith.constant 0 : i32
      %add3A_235 = arith.addi %add3A_183, %add3A_234 : i32
      %add3A_236 = arith.constant 0 : i32
      %add3A_237 = arith.addi %add3A_183, %add3A_236 : i32
      %get3A_238 = arith.index_cast %add3A_237 : i32 to index
      %get3A_239 = arith.constant 64 : index
      %get3A_240 = tpu.vector_load %arg12[%get3A_238, %get3A_239] {strides = array<i32>} : memref<128x128xf32, #tpu.memory_space<vmem>>, vector<1x16xf32>,
      %get3A_241 = vector.shape_cast %get3A_240 : vector<1x16xf32> to vector<16xf32>
      %swap3A_242 = arith.index_cast %add3A_235 : i32 to index
      %swap3A_243 = arith.constant 64 : index
      %swap3A_244 = tpu.vector_load %arg10[%swap3A_242, %swap3A_243] {strides = array<i32>} : memref<128x128xf32, #tpu.memory_space<vmem>>, vector<1x16xf32>,
      %swap3A_245 = vector.shape_cast %swap3A_244 : vector<1x16xf32> to vector<16xf32>
      %swap3A_246 = vector.shape_cast %get3A_241 : vector<16xf32> to vector<1x16xf32>
      tpu.vector_store %arg10[%swap3A_242, %swap3A_243], %swap3A_246 {add = true, strides = array<i32>} : memref<128x128xf32, #tpu.memory_space<vmem>>, vector<1x16xf32>,
      %add3A_247 = arith.constant 0 : i32
      %add3A_248 = arith.addi %add3A_183, %add3A_247 : i32
      %add3A_249 = arith.constant 0 : i32
      %add3A_250 = arith.addi %add3A_183, %add3A_249 : i32
      %get3A_251 = arith.index_cast %add3A_250 : i32 to index
      %get3A_252 = arith.constant 80 : index
      %get3A_253 = tpu.vector_load %arg12[%get3A_251, %get3A_252] {strides = array<i32>} : memref<128x128xf32, #tpu.memory_space<vmem>>, vector<1x16xf32>,
      %get3A_254 = vector.shape_cast %get3A_253 : vector<1x16xf32> to vector<16xf32>
      %swap3A_255 = arith.index_cast %add3A_248 : i32 to index
      %swap3A_256 = arith.constant 80 : index
      %swap3A_257 = tpu.vector_load %arg10[%swap3A_255, %swap3A_256] {strides = array<i32>} : memref<128x128xf32, #tpu.memory_space<vmem>>, vector<1x16xf32>,
      %swap3A_258 = vector.shape_cast %swap3A_257 : vector<1x16xf32> to vector<16xf32>
      %swap3A_259 = vector.shape_cast %get3A_254 : vector<16xf32> to vector<1x16xf32>
      tpu.vector_store %arg10[%swap3A_255, %swap3A_256], %swap3A_259 {add = true, strides = array<i32>} : memref<128x128xf32, #tpu.memory_space<vmem>>, vector<1x16xf32>,
      %add3A_260 = arith.constant 0 : i32
      %add3A_261 = arith.addi %add3A_183, %add3A_260 : i32
      %add3A_262 = arith.constant 0 : i32
      %add3A_263 = arith.addi %add3A_183, %add3A_262 : i32
      %get3A_264 = arith.index_cast %add3A_263 : i32 to index
      %get3A_265 = arith.constant 96 : index
      %get3A_266 = tpu.vector_load %arg12[%get3A_264, %get3A_265] {strides = array<i32>} : memref<128x128xf32, #tpu.memory_space<vmem>>, vector<1x16xf32>,
      %get3A_267 = vector.shape_cast %get3A_266 : vector<1x16xf32> to vector<16xf32>
      %swap3A_268 = arith.index_cast %add3A_261 : i32 to index
      %swap3A_269 = arith.constant 96 : index
      %swap3A_270 = tpu.vector_load %arg10[%swap3A_268, %swap3A_269] {strides = array<i32>} : memref<128x128xf32, #tpu.memory_space<vmem>>, vector<1x16xf32>,
      %swap3A_271 = vector.shape_cast %swap3A_270 : vector<1x16xf32> to vector<16xf32>
      %swap3A_272 = vector.shape_cast %get3A_267 : vector<16xf32> to vector<1x16xf32>
      tpu.vector_store %arg10[%swap3A_268, %swap3A_269], %swap3A_272 {add = true, strides = array<i32>} : memref<128x128xf32, #tpu.memory_space<vmem>>, vector<1x16xf32>,
      %add3A_273 = arith.constant 0 : i32
      %add3A_274 = arith.addi %add3A_183, %add3A_273 : i32
      %add3A_275 = arith.constant 0 : i32
      %add3A_276 = arith.addi %add3A_183, %add3A_275 : i32
      %get3A_277 = arith.index_cast %add3A_276 : i32 to index
      %get3A_278 = arith.constant 112 : index
      %get3A_279 = tpu.vector_load %arg12[%get3A_277, %get3A_278] {strides = array<i32>} : memref<128x128xf32, #tpu.memory_space<vmem>>, vector<1x16xf32>,
      %get3A_280 = vector.shape_cast %get3A_279 : vector<1x16xf32> to vector<16xf32>
      %swap3A_281 = arith.index_cast %add3A_274 : i32 to index
      %swap3A_282 = arith.constant 112 : index
      %swap3A_283 = tpu.vector_load %arg10[%swap3A_281, %swap3A_282] {strides = array<i32>} : memref<128x128xf32, #tpu.memory_space<vmem>>, vector<1x16xf32>,
      %swap3A_284 = vector.shape_cast %swap3A_283 : vector<1x16xf32> to vector<16xf32>
      %swap3A_285 = vector.shape_cast %get3A_280 : vector<16xf32> to vector<1x16xf32>
      tpu.vector_store %arg10[%swap3A_281, %swap3A_282], %swap3A_285 {add = true, strides = array<i32>} : memref<128x128xf32, #tpu.memory_space<vmem>>, vector<1x16xf32>,
      %add3A_286 = arith.constant 1 : i32
      %add3A_287 = arith.addi %add3A_183, %add3A_286 : i32
      %add3A_288 = arith.constant 1 : i32
      %add3A_289 = arith.addi %add3A_183, %add3A_288 : i32
      %get3A_290 = arith.index_cast %add3A_289 : i32 to index
      %get3A_291 = arith.constant 0 : index
      %get3A_292 = tpu.vector_load %arg12[%get3A_290, %get3A_291] {strides = array<i32>} : memref<128x128xf32, #tpu.memory_space<vmem>>, vector<1x16xf32>,
      %get3A_293 = vector.shape_cast %get3A_292 : vector<1x16xf32> to vector<16xf32>
      %swap3A_294 = arith.index_cast %add3A_287 : i32 to index
      %swap3A_295 = arith.constant 0 : index
      %swap3A_296 = tpu.vector_load %arg10[%swap3A_294, %swap3A_295] {strides = array<i32>} : memref<128x128xf32, #tpu.memory_space<vmem>>, vector<1x16xf32>,
      %swap3A_297 = vector.shape_cast %swap3A_296 : vector<1x16xf32> to vector<16xf32>
      %swap3A_298 = vector.shape_cast %get3A_293 : vector<16xf32> to vector<1x16xf32>
      tpu.vector_store %arg10[%swap3A_294, %swap3A_295], %swap3A_298 {add = true, strides = array<i32>} : memref<128x128xf32, #tpu.memory_space<vmem>>, vector<1x16xf32>,
      %add3A_299 = arith.constant 1 : i32
      %add3A_300 = arith.addi %add3A_183, %add3A_299 : i32
      %add3A_301 = arith.constant 1 : i32
      %add3A_302 = arith.addi %add3A_183, %add3A_301 : i32
      %get3A_303 = arith.index_cast %add3A_302 : i32 to index
      %get3A_304 = arith.constant 16 : index
      %get3A_305 = tpu.vector_load %arg12[%get3A_303, %get3A_304] {strides = array<i32>} : memref<128x128xf32, #tpu.memory_space<vmem>>, vector<1x16xf32>,
      %get3A_306 = vector.shape_cast %get3A_305 : vector<1x16xf32> to vector<16xf32>
      %swap3A_307 = arith.index_cast %add3A_300 : i32 to index
      %swap3A_308 = arith.constant 16 : index
      %swap3A_309 = tpu.vector_load %arg10[%swap3A_307, %swap3A_308] {strides = array<i32>} : memref<128x128xf32, #tpu.memory_space<vmem>>, vector<1x16xf32>,
      %swap3A_310 = vector.shape_cast %swap3A_309 : vector<1x16xf32> to vector<16xf32>
      %swap3A_311 = vector.shape_cast %get3A_306 : vector<16xf32> to vector<1x16xf32>
      tpu.vector_store %arg10[%swap3A_307, %swap3A_308], %swap3A_311 {add = true, strides = array<i32>} : memref<128x128xf32, #tpu.memory_space<vmem>>, vector<1x16xf32>,
      %add3A_312 = arith.constant 1 : i32
      %add3A_313 = arith.addi %add3A_183, %add3A_312 : i32
      %add3A_314 = arith.constant 1 : i32
      %add3A_315 = arith.addi %add3A_183, %add3A_314 : i32
      %get3A_316 = arith.index_cast %add3A_315 : i32 to index
      %get3A_317 = arith.constant 32 : index
      %get3A_318 = tpu.vector_load %arg12[%get3A_316, %get3A_317] {strides = array<i32>} : memref<128x128xf32, #tpu.memory_space<vmem>>, vector<1x16xf32>,
      %get3A_319 = vector.shape_cast %get3A_318 : vector<1x16xf32> to vector<16xf32>
      %swap3A_320 = arith.index_cast %add3A_313 : i32 to index
      %swap3A_321 = arith.constant 32 : index
      %swap3A_322 = tpu.vector_load %arg10[%swap3A_320, %swap3A_321] {strides = array<i32>} : memref<128x128xf32, #tpu.memory_space<vmem>>, vector<1x16xf32>,
      %swap3A_323 = vector.shape_cast %swap3A_322 : vector<1x16xf32> to vector<16xf32>
      %swap3A_324 = vector.shape_cast %get3A_319 : vector<16xf32> to vector<1x16xf32>
      tpu.vector_store %arg10[%swap3A_320, %swap3A_321], %swap3A_324 {add = true, strides = array<i32>} : memref<128x128xf32, #tpu.memory_space<vmem>>, vector<1x16xf32>,
      %add3A_325 = arith.constant 1 : i32
      %add3A_326 = arith.addi %add3A_183, %add3A_325 : i32
      %add3A_327 = arith.constant 1 : i32
      %add3A_328 = arith.addi %add3A_183, %add3A_327 : i32
      %get3A_329 = arith.index_cast %add3A_328 : i32 to index
      %get3A_330 = arith.constant 48 : index
      %get3A_331 = tpu.vector_load %arg12[%get3A_329, %get3A_330] {strides = array<i32>} : memref<128x128xf32, #tpu.memory_space<vmem>>, vector<1x16xf32>,
      %get3A_332 = vector.shape_cast %get3A_331 : vector<1x16xf32> to vector<16xf32>
      %swap3A_333 = arith.index_cast %add3A_326 : i32 to index
      %swap3A_334 = arith.constant 48 : index
      %swap3A_335 = tpu.vector_load %arg10[%swap3A_333, %swap3A_334] {strides = array<i32>} : memref<128x128xf32, #tpu.memory_space<vmem>>, vector<1x16xf32>,
      %swap3A_336 = vector.shape_cast %swap3A_335 : vector<1x16xf32> to vector<16xf32>
      %swap3A_337 = vector.shape_cast %get3A_332 : vector<16xf32> to vector<1x16xf32>
      tpu.vector_store %arg10[%swap3A_333, %swap3A_334], %swap3A_337 {add = true, strides = array<i32>} : memref<128x128xf32, #tpu.memory_space<vmem>>, vector<1x16xf32>,
      %add3A_338 = arith.constant 1 : i32
      %add3A_339 = arith.addi %add3A_183, %add3A_338 : i32
      %add3A_340 = arith.constant 1 : i32
      %add3A_341 = arith.addi %add3A_183, %add3A_340 : i32
      %get3A_342 = arith.index_cast %add3A_341 : i32 to index
      %get3A_343 = arith.constant 64 : index
      %get3A_344 = tpu.vector_load %arg12[%get3A_342, %get3A_343] {strides = array<i32>} : memref<128x128xf32, #tpu.memory_space<vmem>>, vector<1x16xf32>,
      %get3A_345 = vector.shape_cast %get3A_344 : vector<1x16xf32> to vector<16xf32>
      %swap3A_346 = arith.index_cast %add3A_339 : i32 to index
      %swap3A_347 = arith.constant 64 : index
      %swap3A_348 = tpu.vector_load %arg10[%swap3A_346, %swap3A_347] {strides = array<i32>} : memref<128x128xf32, #tpu.memory_space<vmem>>, vector<1x16xf32>,
      %swap3A_349 = vector.shape_cast %swap3A_348 : vector<1x16xf32> to vector<16xf32>
      %swap3A_350 = vector.shape_cast %get3A_345 : vector<16xf32> to vector<1x16xf32>
      tpu.vector_store %arg10[%swap3A_346, %swap3A_347], %swap3A_350 {add = true, strides = array<i32>} : memref<128x128xf32, #tpu.memory_space<vmem>>, vector<1x16xf32>,
      %add3A_351 = arith.constant 1 : i32
      %add3A_352 = arith.addi %add3A_183, %add3A_351 : i32
      %add3A_353 = arith.constant 1 : i32
      %add3A_354 = arith.addi %add3A_183, %add3A_353 : i32
      %get3A_355 = arith.index_cast %add3A_354 : i32 to index
      %get3A_356 = arith.constant 80 : index
      %get3A_357 = tpu.vector_load %arg12[%get3A_355, %get3A_356] {strides = array<i32>} : memref<128x128xf32, #tpu.memory_space<vmem>>, vector<1x16xf32>,
      %get3A_358 = vector.shape_cast %get3A_357 : vector<1x16xf32> to vector<16xf32>
      %swap3A_359 = arith.index_cast %add3A_352 : i32 to index
      %swap3A_360 = arith.constant 80 : index
      %swap3A_361 = tpu.vector_load %arg10[%swap3A_359, %swap3A_360] {strides = array<i32>} : memref<128x128xf32, #tpu.memory_space<vmem>>, vector<1x16xf32>,
      %swap3A_362 = vector.shape_cast %swap3A_361 : vector<1x16xf32> to vector<16xf32>
      %swap3A_363 = vector.shape_cast %get3A_358 : vector<16xf32> to vector<1x16xf32>
      tpu.vector_store %arg10[%swap3A_359, %swap3A_360], %swap3A_363 {add = true, strides = array<i32>} : memref<128x128xf32, #tpu.memory_space<vmem>>, vector<1x16xf32>,
      %add3A_364 = arith.constant 1 : i32
      %add3A_365 = arith.addi %add3A_183, %add3A_364 : i32
      %add3A_366 = arith.constant 1 : i32
      %add3A_367 = arith.addi %add3A_183, %add3A_366 : i32
      %get3A_368 = arith.index_cast %add3A_367 : i32 to index
      %get3A_369 = arith.constant 96 : index
      %get3A_370 = tpu.vector_load %arg12[%get3A_368, %get3A_369] {strides = array<i32>} : memref<128x128xf32, #tpu.memory_space<vmem>>, vector<1x16xf32>,
      %get3A_371 = vector.shape_cast %get3A_370 : vector<1x16xf32> to vector<16xf32>
      %swap3A_372 = arith.index_cast %add3A_365 : i32 to index
      %swap3A_373 = arith.constant 96 : index
      %swap3A_374 = tpu.vector_load %arg10[%swap3A_372, %swap3A_373] {strides = array<i32>} : memref<128x128xf32, #tpu.memory_space<vmem>>, vector<1x16xf32>,
      %swap3A_375 = vector.shape_cast %swap3A_374 : vector<1x16xf32> to vector<16xf32>
      %swap3A_376 = vector.shape_cast %get3A_371 : vector<16xf32> to vector<1x16xf32>
      tpu.vector_store %arg10[%swap3A_372, %swap3A_373], %swap3A_376 {add = true, strides = array<i32>} : memref<128x128xf32, #tpu.memory_space<vmem>>, vector<1x16xf32>,
      %add3A_377 = arith.constant 1 : i32
      %add3A_378 = arith.addi %add3A_183, %add3A_377 : i32
      %add3A_379 = arith.constant 1 : i32
      %add3A_380 = arith.addi %add3A_183, %add3A_379 : i32
      %get3A_381 = arith.index_cast %add3A_380 : i32 to index
      %get3A_382 = arith.constant 112 : index
      %get3A_383 = tpu.vector_load %arg12[%get3A_381, %get3A_382] {strides = array<i32>} : memref<128x128xf32, #tpu.memory_space<vmem>>, vector<1x16xf32>,
      %get3A_384 = vector.shape_cast %get3A_383 : vector<1x16xf32> to vector<16xf32>
      %swap3A_385 = arith.index_cast %add3A_378 : i32 to index
      %swap3A_386 = arith.constant 112 : index
      %swap3A_387 = tpu.vector_load %arg10[%swap3A_385, %swap3A_386] {strides = array<i32>} : memref<128x128xf32, #tpu.memory_space<vmem>>, vector<1x16xf32>,
      %swap3A_388 = vector.shape_cast %swap3A_387 : vector<1x16xf32> to vector<16xf32>
      %swap3A_389 = vector.shape_cast %get3A_384 : vector<16xf32> to vector<1x16xf32>
      tpu.vector_store %arg10[%swap3A_385, %swap3A_386], %swap3A_389 {add = true, strides = array<i32>} : memref<128x128xf32, #tpu.memory_space<vmem>>, vector<1x16xf32>,
      %add3A_390 = arith.constant 2 : i32
      %add3A_391 = arith.addi %add3A_183, %add3A_390 : i32
      %add3A_392 = arith.constant 2 : i32
      %add3A_393 = arith.addi %add3A_183, %add3A_392 : i32
      %get3A_394 = arith.index_cast %add3A_393 : i32 to index
      %get3A_395 = arith.constant 0 : index
      %get3A_396 = tpu.vector_load %arg12[%get3A_394, %get3A_395] {strides = array<i32>} : memref<128x128xf32, #tpu.memory_space<vmem>>, vector<1x16xf32>,
      %get3A_397 = vector.shape_cast %get3A_396 : vector<1x16xf32> to vector<16xf32>
      %swap3A_398 = arith.index_cast %add3A_391 : i32 to index
      %swap3A_399 = arith.constant 0 : index
      %swap3A_400 = tpu.vector_load %arg10[%swap3A_398, %swap3A_399] {strides = array<i32>} : memref<128x128xf32, #tpu.memory_space<vmem>>, vector<1x16xf32>,
      %swap3A_401 = vector.shape_cast %swap3A_400 : vector<1x16xf32> to vector<16xf32>
      %swap3A_402 = vector.shape_cast %get3A_397 : vector<16xf32> to vector<1x16xf32>
      tpu.vector_store %arg10[%swap3A_398, %swap3A_399], %swap3A_402 {add = true, strides = array<i32>} : memref<128x128xf32, #tpu.memory_space<vmem>>, vector<1x16xf32>,
      %add3A_403 = arith.constant 2 : i32
      %add3A_404 = arith.addi %add3A_183, %add3A_403 : i32
      %add3A_405 = arith.constant 2 : i32
      %add3A_406 = arith.addi %add3A_183, %add3A_405 : i32
      %get3A_407 = arith.index_cast %add3A_406 : i32 to index
      %get3A_408 = arith.constant 16 : index
      %get3A_409 = tpu.vector_load %arg12[%get3A_407, %get3A_408] {strides = array<i32>} : memref<128x128xf32, #tpu.memory_space<vmem>>, vector<1x16xf32>,
      %get3A_410 = vector.shape_cast %get3A_409 : vector<1x16xf32> to vector<16xf32>
      %swap3A_411 = arith.index_cast %add3A_404 : i32 to index
      %swap3A_412 = arith.constant 16 : index
      %swap3A_413 = tpu.vector_load %arg10[%swap3A_411, %swap3A_412] {strides = array<i32>} : memref<128x128xf32, #tpu.memory_space<vmem>>, vector<1x16xf32>,
      %swap3A_414 = vector.shape_cast %swap3A_413 : vector<1x16xf32> to vector<16xf32>
      %swap3A_415 = vector.shape_cast %get3A_410 : vector<16xf32> to vector<1x16xf32>
      tpu.vector_store %arg10[%swap3A_411, %swap3A_412], %swap3A_415 {add = true, strides = array<i32>} : memref<128x128xf32, #tpu.memory_space<vmem>>, vector<1x16xf32>,
      %add3A_416 = arith.constant 2 : i32
      %add3A_417 = arith.addi %add3A_183, %add3A_416 : i32
      %add3A_418 = arith.constant 2 : i32
      %add3A_419 = arith.addi %add3A_183, %add3A_418 : i32
      %get3A_420 = arith.index_cast %add3A_419 : i32 to index
      %get3A_421 = arith.constant 32 : index
      %get3A_422 = tpu.vector_load %arg12[%get3A_420, %get3A_421] {strides = array<i32>} : memref<128x128xf32, #tpu.memory_space<vmem>>, vector<1x16xf32>,
      %get3A_423 = vector.shape_cast %get3A_422 : vector<1x16xf32> to vector<16xf32>
      %swap3A_424 = arith.index_cast %add3A_417 : i32 to index
      %swap3A_425 = arith.constant 32 : index
      %swap3A_426 = tpu.vector_load %arg10[%swap3A_424, %swap3A_425] {strides = array<i32>} : memref<128x128xf32, #tpu.memory_space<vmem>>, vector<1x16xf32>,
      %swap3A_427 = vector.shape_cast %swap3A_426 : vector<1x16xf32> to vector<16xf32>
      %swap3A_428 = vector.shape_cast %get3A_423 : vector<16xf32> to vector<1x16xf32>
      tpu.vector_store %arg10[%swap3A_424, %swap3A_425], %swap3A_428 {add = true, strides = array<i32>} : memref<128x128xf32, #tpu.memory_space<vmem>>, vector<1x16xf32>,
      %add3A_429 = arith.constant 2 : i32
      %add3A_430 = arith.addi %add3A_183, %add3A_429 : i32
      %add3A_431 = arith.constant 2 : i32
      %add3A_432 = arith.addi %add3A_183, %add3A_431 : i32
      %get3A_433 = arith.index_cast %add3A_432 : i32 to index
      %get3A_434 = arith.constant 48 : index
      %get3A_435 = tpu.vector_load %arg12[%get3A_433, %get3A_434] {strides = array<i32>} : memref<128x128xf32, #tpu.memory_space<vmem>>, vector<1x16xf32>,
      %get3A_436 = vector.shape_cast %get3A_435 : vector<1x16xf32> to vector<16xf32>
      %swap3A_437 = arith.index_cast %add3A_430 : i32 to index
      %swap3A_438 = arith.constant 48 : index
      %swap3A_439 = tpu.vector_load %arg10[%swap3A_437, %swap3A_438] {strides = array<i32>} : memref<128x128xf32, #tpu.memory_space<vmem>>, vector<1x16xf32>,
      %swap3A_440 = vector.shape_cast %swap3A_439 : vector<1x16xf32> to vector<16xf32>
      %swap3A_441 = vector.shape_cast %get3A_436 : vector<16xf32> to vector<1x16xf32>
      tpu.vector_store %arg10[%swap3A_437, %swap3A_438], %swap3A_441 {add = true, strides = array<i32>} : memref<128x128xf32, #tpu.memory_space<vmem>>, vector<1x16xf32>,
      %add3A_442 = arith.constant 2 : i32
      %add3A_443 = arith.addi %add3A_183, %add3A_442 : i32
      %add3A_444 = arith.constant 2 : i32
      %add3A_445 = arith.addi %add3A_183, %add3A_444 : i32
      %get3A_446 = arith.index_cast %add3A_445 : i32 to index
      %get3A_447 = arith.constant 64 : index
      %get3A_448 = tpu.vector_load %arg12[%get3A_446, %get3A_447] {strides = array<i32>} : memref<128x128xf32, #tpu.memory_space<vmem>>, vector<1x16xf32>,
      %get3A_449 = vector.shape_cast %get3A_448 : vector<1x16xf32> to vector<16xf32>
      %swap3A_450 = arith.index_cast %add3A_443 : i32 to index
      %swap3A_451 = arith.constant 64 : index
      %swap3A_452 = tpu.vector_load %arg10[%swap3A_450, %swap3A_451] {strides = array<i32>} : memref<128x128xf32, #tpu.memory_space<vmem>>, vector<1x16xf32>,
      %swap3A_453 = vector.shape_cast %swap3A_452 : vector<1x16xf32> to vector<16xf32>
      %swap3A_454 = vector.shape_cast %get3A_449 : vector<16xf32> to vector<1x16xf32>
      tpu.vector_store %arg10[%swap3A_450, %swap3A_451], %swap3A_454 {add = true, strides = array<i32>} : memref<128x128xf32, #tpu.memory_space<vmem>>, vector<1x16xf32>,
      %add3A_455 = arith.constant 2 : i32
      %add3A_456 = arith.addi %add3A_183, %add3A_455 : i32
      %add3A_457 = arith.constant 2 : i32
      %add3A_458 = arith.addi %add3A_183, %add3A_457 : i32
      %get3A_459 = arith.index_cast %add3A_458 : i32 to index
      %get3A_460 = arith.constant 80 : index
      %get3A_461 = tpu.vector_load %arg12[%get3A_459, %get3A_460] {strides = array<i32>} : memref<128x128xf32, #tpu.memory_space<vmem>>, vector<1x16xf32>,
      %get3A_462 = vector.shape_cast %get3A_461 : vector<1x16xf32> to vector<16xf32>
      %swap3A_463 = arith.index_cast %add3A_456 : i32 to index
      %swap3A_464 = arith.constant 80 : index
      %swap3A_465 = tpu.vector_load %arg10[%swap3A_463, %swap3A_464] {strides = array<i32>} : memref<128x128xf32, #tpu.memory_space<vmem>>, vector<1x16xf32>,
      %swap3A_466 = vector.shape_cast %swap3A_465 : vector<1x16xf32> to vector<16xf32>
      %swap3A_467 = vector.shape_cast %get3A_462 : vector<16xf32> to vector<1x16xf32>
      tpu.vector_store %arg10[%swap3A_463, %swap3A_464], %swap3A_467 {add = true, strides = array<i32>} : memref<128x128xf32, #tpu.memory_space<vmem>>, vector<1x16xf32>,
      %add3A_468 = arith.constant 2 : i32
      %add3A_469 = arith.addi %add3A_183, %add3A_468 : i32
      %add3A_470 = arith.constant 2 : i32
      %add3A_471 = arith.addi %add3A_183, %add3A_470 : i32
      %get3A_472 = arith.index_cast %add3A_471 : i32 to index
      %get3A_473 = arith.constant 96 : index
      %get3A_474 = tpu.vector_load %arg12[%get3A_472, %get3A_473] {strides = array<i32>} : memref<128x128xf32, #tpu.memory_space<vmem>>, vector<1x16xf32>,
      %get3A_475 = vector.shape_cast %get3A_474 : vector<1x16xf32> to vector<16xf32>
      %swap3A_476 = arith.index_cast %add3A_469 : i32 to index
      %swap3A_477 = arith.constant 96 : index
      %swap3A_478 = tpu.vector_load %arg10[%swap3A_476, %swap3A_477] {strides = array<i32>} : memref<128x128xf32, #tpu.memory_space<vmem>>, vector<1x16xf32>,
      %swap3A_479 = vector.shape_cast %swap3A_478 : vector<1x16xf32> to vector<16xf32>
      %swap3A_480 = vector.shape_cast %get3A_475 : vector<16xf32> to vector<1x16xf32>
      tpu.vector_store %arg10[%swap3A_476, %swap3A_477], %swap3A_480 {add = true, strides = array<i32>} : memref<128x128xf32, #tpu.memory_space<vmem>>, vector<1x16xf32>,
      %add3A_481 = arith.constant 2 : i32
      %add3A_482 = arith.addi %add3A_183, %add3A_481 : i32
      %add3A_483 = arith.constant 2 : i32
      %add3A_484 = arith.addi %add3A_183, %add3A_483 : i32
      %get3A_485 = arith.index_cast %add3A_484 : i32 to index
      %get3A_486 = arith.constant 112 : index
      %get3A_487 = tpu.vector_load %arg12[%get3A_485, %get3A_486] {strides = array<i32>} : memref<128x128xf32, #tpu.memory_space<vmem>>, vector<1x16xf32>,
      %get3A_488 = vector.shape_cast %get3A_487 : vector<1x16xf32> to vector<16xf32>
      %swap3A_489 = arith.index_cast %add3A_482 : i32 to index
      %swap3A_490 = arith.constant 112 : index
      %swap3A_491 = tpu.vector_load %arg10[%swap3A_489, %swap3A_490] {strides = array<i32>} : memref<128x128xf32, #tpu.memory_space<vmem>>, vector<1x16xf32>,
      %swap3A_492 = vector.shape_cast %swap3A_491 : vector<1x16xf32> to vector<16xf32>
      %swap3A_493 = vector.shape_cast %get3A_488 : vector<16xf32> to vector<1x16xf32>
      tpu.vector_store %arg10[%swap3A_489, %swap3A_490], %swap3A_493 {add = true, strides = array<i32>} : memref<128x128xf32, #tpu.memory_space<vmem>>, vector<1x16xf32>,
      %add3A_494 = arith.constant 3 : i32
      %add3A_495 = arith.addi %add3A_183, %add3A_494 : i32
      %add3A_496 = arith.constant 3 : i32
      %add3A_497 = arith.addi %add3A_183, %add3A_496 : i32
      %get3A_498 = arith.index_cast %add3A_497 : i32 to index
      %get3A_499 = arith.constant 0 : index
      %get3A_500 = tpu.vector_load %arg12[%get3A_498, %get3A_499] {strides = array<i32>} : memref<128x128xf32, #tpu.memory_space<vmem>>, vector<1x16xf32>,
      %get3A_501 = vector.shape_cast %get3A_500 : vector<1x16xf32> to vector<16xf32>
      %swap3A_502 = arith.index_cast %add3A_495 : i32 to index
      %swap3A_503 = arith.constant 0 : index
      %swap3A_504 = tpu.vector_load %arg10[%swap3A_502, %swap3A_503] {strides = array<i32>} : memref<128x128xf32, #tpu.memory_space<vmem>>, vector<1x16xf32>,
      %swap3A_505 = vector.shape_cast %swap3A_504 : vector<1x16xf32> to vector<16xf32>
      %swap3A_506 = vector.shape_cast %get3A_501 : vector<16xf32> to vector<1x16xf32>
      tpu.vector_store %arg10[%swap3A_502, %swap3A_503], %swap3A_506 {add = true, strides = array<i32>} : memref<128x128xf32, #tpu.memory_space<vmem>>, vector<1x16xf32>,
      %add3A_507 = arith.constant 3 : i32
      %add3A_508 = arith.addi %add3A_183, %add3A_507 : i32
      %add3A_509 = arith.constant 3 : i32
      %add3A_510 = arith.addi %add3A_183, %add3A_509 : i32
      %get3A_511 = arith.index_cast %add3A_510 : i32 to index
      %get3A_512 = arith.constant 16 : index
      %get3A_513 = tpu.vector_load %arg12[%get3A_511, %get3A_512] {strides = array<i32>} : memref<128x128xf32, #tpu.memory_space<vmem>>, vector<1x16xf32>,
      %get3A_514 = vector.shape_cast %get3A_513 : vector<1x16xf32> to vector<16xf32>
      %swap3A_515 = arith.index_cast %add3A_508 : i32 to index
      %swap3A_516 = arith.constant 16 : index
      %swap3A_517 = tpu.vector_load %arg10[%swap3A_515, %swap3A_516] {strides = array<i32>} : memref<128x128xf32, #tpu.memory_space<vmem>>, vector<1x16xf32>,
      %swap3A_518 = vector.shape_cast %swap3A_517 : vector<1x16xf32> to vector<16xf32>
      %swap3A_519 = vector.shape_cast %get3A_514 : vector<16xf32> to vector<1x16xf32>
      tpu.vector_store %arg10[%swap3A_515, %swap3A_516], %swap3A_519 {add = true, strides = array<i32>} : memref<128x128xf32, #tpu.memory_space<vmem>>, vector<1x16xf32>,
      %add3A_520 = arith.constant 3 : i32
      %add3A_521 = arith.addi %add3A_183, %add3A_520 : i32
      %add3A_522 = arith.constant 3 : i32
      %add3A_523 = arith.addi %add3A_183, %add3A_522 : i32
      %get3A_524 = arith.index_cast %add3A_523 : i32 to index
      %get3A_525 = arith.constant 32 : index
      %get3A_526 = tpu.vector_load %arg12[%get3A_524, %get3A_525] {strides = array<i32>} : memref<128x128xf32, #tpu.memory_space<vmem>>, vector<1x16xf32>,
      %get3A_527 = vector.shape_cast %get3A_526 : vector<1x16xf32> to vector<16xf32>
      %swap3A_528 = arith.index_cast %add3A_521 : i32 to index
      %swap3A_529 = arith.constant 32 : index
      %swap3A_530 = tpu.vector_load %arg10[%swap3A_528, %swap3A_529] {strides = array<i32>} : memref<128x128xf32, #tpu.memory_space<vmem>>, vector<1x16xf32>,
      %swap3A_531 = vector.shape_cast %swap3A_530 : vector<1x16xf32> to vector<16xf32>
      %swap3A_532 = vector.shape_cast %get3A_527 : vector<16xf32> to vector<1x16xf32>
      tpu.vector_store %arg10[%swap3A_528, %swap3A_529], %swap3A_532 {add = true, strides = array<i32>} : memref<128x128xf32, #tpu.memory_space<vmem>>, vector<1x16xf32>,
      %add3A_533 = arith.constant 3 : i32
      %add3A_534 = arith.addi %add3A_183, %add3A_533 : i32
      %add3A_535 = arith.constant 3 : i32
      %add3A_536 = arith.addi %add3A_183, %add3A_535 : i32
      %get3A_537 = arith.index_cast %add3A_536 : i32 to index
      %get3A_538 = arith.constant 48 : index
      %get3A_539 = tpu.vector_load %arg12[%get3A_537, %get3A_538] {strides = array<i32>} : memref<128x128xf32, #tpu.memory_space<vmem>>, vector<1x16xf32>,
      %get3A_540 = vector.shape_cast %get3A_539 : vector<1x16xf32> to vector<16xf32>
      %swap3A_541 = arith.index_cast %add3A_534 : i32 to index
      %swap3A_542 = arith.constant 48 : index
      %swap3A_543 = tpu.vector_load %arg10[%swap3A_541, %swap3A_542] {strides = array<i32>} : memref<128x128xf32, #tpu.memory_space<vmem>>, vector<1x16xf32>,
      %swap3A_544 = vector.shape_cast %swap3A_543 : vector<1x16xf32> to vector<16xf32>
      %swap3A_545 = vector.shape_cast %get3A_540 : vector<16xf32> to vector<1x16xf32>
      tpu.vector_store %arg10[%swap3A_541, %swap3A_542], %swap3A_545 {add = true, strides = array<i32>} : memref<128x128xf32, #tpu.memory_space<vmem>>, vector<1x16xf32>,
      %add3A_546 = arith.constant 3 : i32
      %add3A_547 = arith.addi %add3A_183, %add3A_546 : i32
      %add3A_548 = arith.constant 3 : i32
      %add3A_549 = arith.addi %add3A_183, %add3A_548 : i32
      %get3A_550 = arith.index_cast %add3A_549 : i32 to index
      %get3A_551 = arith.constant 64 : index
      %get3A_552 = tpu.vector_load %arg12[%get3A_550, %get3A_551] {strides = array<i32>} : memref<128x128xf32, #tpu.memory_space<vmem>>, vector<1x16xf32>,
      %get3A_553 = vector.shape_cast %get3A_552 : vector<1x16xf32> to vector<16xf32>
      %swap3A_554 = arith.index_cast %add3A_547 : i32 to index
      %swap3A_555 = arith.constant 64 : index
      %swap3A_556 = tpu.vector_load %arg10[%swap3A_554, %swap3A_555] {strides = array<i32>} : memref<128x128xf32, #tpu.memory_space<vmem>>, vector<1x16xf32>,
      %swap3A_557 = vector.shape_cast %swap3A_556 : vector<1x16xf32> to vector<16xf32>
      %swap3A_558 = vector.shape_cast %get3A_553 : vector<16xf32> to vector<1x16xf32>
      tpu.vector_store %arg10[%swap3A_554, %swap3A_555], %swap3A_558 {add = true, strides = array<i32>} : memref<128x128xf32, #tpu.memory_space<vmem>>, vector<1x16xf32>,
      %add3A_559 = arith.constant 3 : i32
      %add3A_560 = arith.addi %add3A_183, %add3A_559 : i32
      %add3A_561 = arith.constant 3 : i32
      %add3A_562 = arith.addi %add3A_183, %add3A_561 : i32
      %get3A_563 = arith.index_cast %add3A_562 : i32 to index
      %get3A_564 = arith.constant 80 : index
      %get3A_565 = tpu.vector_load %arg12[%get3A_563, %get3A_564] {strides = array<i32>} : memref<128x128xf32, #tpu.memory_space<vmem>>, vector<1x16xf32>,
      %get3A_566 = vector.shape_cast %get3A_565 : vector<1x16xf32> to vector<16xf32>
      %swap3A_567 = arith.index_cast %add3A_560 : i32 to index
      %swap3A_568 = arith.constant 80 : index
      %swap3A_569 = tpu.vector_load %arg10[%swap3A_567, %swap3A_568] {strides = array<i32>} : memref<128x128xf32, #tpu.memory_space<vmem>>, vector<1x16xf32>,
      %swap3A_570 = vector.shape_cast %swap3A_569 : vector<1x16xf32> to vector<16xf32>
      %swap3A_571 = vector.shape_cast %get3A_566 : vector<16xf32> to vector<1x16xf32>
      tpu.vector_store %arg10[%swap3A_567, %swap3A_568], %swap3A_571 {add = true, strides = array<i32>} : memref<128x128xf32, #tpu.memory_space<vmem>>, vector<1x16xf32>,
      %add3A_572 = arith.constant 3 : i32
      %add3A_573 = arith.addi %add3A_183, %add3A_572 : i32
      %add3A_574 = arith.constant 3 : i32
      %add3A_575 = arith.addi %add3A_183, %add3A_574 : i32
      %get3A_576 = arith.index_cast %add3A_575 : i32 to index
      %get3A_577 = arith.constant 96 : index
      %get3A_578 = tpu.vector_load %arg12[%get3A_576, %get3A_577] {strides = array<i32>} : memref<128x128xf32, #tpu.memory_space<vmem>>, vector<1x16xf32>,
      %get3A_579 = vector.shape_cast %get3A_578 : vector<1x16xf32> to vector<16xf32>
      %swap3A_580 = arith.index_cast %add3A_573 : i32 to index
      %swap3A_581 = arith.constant 96 : index
      %swap3A_582 = tpu.vector_load %arg10[%swap3A_580, %swap3A_581] {strides = array<i32>} : memref<128x128xf32, #tpu.memory_space<vmem>>, vector<1x16xf32>,
      %swap3A_583 = vector.shape_cast %swap3A_582 : vector<1x16xf32> to vector<16xf32>
      %swap3A_584 = vector.shape_cast %get3A_579 : vector<16xf32> to vector<1x16xf32>
      tpu.vector_store %arg10[%swap3A_580, %swap3A_581], %swap3A_584 {add = true, strides = array<i32>} : memref<128x128xf32, #tpu.memory_space<vmem>>, vector<1x16xf32>,
      %add3A_585 = arith.constant 3 : i32
      %add3A_586 = arith.addi %add3A_183, %add3A_585 : i32
      %add3A_587 = arith.constant 3 : i32
      %add3A_588 = arith.addi %add3A_183, %add3A_587 : i32
      %get3A_589 = arith.index_cast %add3A_588 : i32 to index
      %get3A_590 = arith.constant 112 : index
      %get3A_591 = tpu.vector_load %arg12[%get3A_589, %get3A_590] {strides = array<i32>} : memref<128x128xf32, #tpu.memory_space<vmem>>, vector<1x16xf32>,
      %get3A_592 = vector.shape_cast %get3A_591 : vector<1x16xf32> to vector<16xf32>
      %swap3A_593 = arith.index_cast %add3A_586 : i32 to index
      %swap3A_594 = arith.constant 112 : index
      %swap3A_595 = tpu.vector_load %arg10[%swap3A_593, %swap3A_594] {strides = array<i32>} : memref<128x128xf32, #tpu.memory_space<vmem>>, vector<1x16xf32>,
      %swap3A_596 = vector.shape_cast %swap3A_595 : vector<1x16xf32> to vector<16xf32>
      %swap3A_597 = vector.shape_cast %get3A_592 : vector<16xf32> to vector<1x16xf32>
      tpu.vector_store %arg10[%swap3A_593, %swap3A_594], %swap3A_597 {add = true, strides = array<i32>} : memref<128x128xf32, #tpu.memory_space<vmem>>, vector<1x16xf32>,
    }
    %scan3A_89 = arith.constant 16 : i32
    %add3A_90 = arith.constant 25472 : i32
    %add3A_91 = arith.addi %mul3A_2, %add3A_90 : i32
    %add3A_92 = arith.constant 0 : i32
    %add3A_93 = arith.addi %add3A_91, %add3A_92 : i32
    %dma_start3A_94 = arith.constant 0 : i32
    %dma_start3A_95 = arith.constant 0 : i32
    %dma_start3A_96 = tpu.memref_slice %arg10[%dma_start3A_94, %dma_start3A_95] : memref<128x128xf32, #tpu.memory_space<vmem>> -> memref<64x128xf32, #tpu.memory_space<vmem>>
    %dma_start3A_97 = arith.constant 0 : i32
    %dma_start3A_98 = tpu.memref_slice %arg6[%add3A_93, %dma_start3A_97] : memref<819200x128xf32, #tpu.memory_space<hbm>> -> memref<64x128xf32, #tpu.memory_space<hbm>>
    %dma_start3A_99 = arith.constant 0 : i32
    %dma_start3A_100 = tpu.memref_slice %arg6[%add3A_93, %dma_start3A_99] : memref<819200x128xf32, #tpu.memory_space<hbm>> -> memref<64x128xf32, #tpu.memory_space<hbm>>
    %dma_start3A_101 = arith.constant 0 : i32
    %dma_start3A_102 = arith.constant 0 : i32
    %dma_start3A_103 = tpu.memref_slice %arg10[%dma_start3A_101, %dma_start3A_102] : memref<128x128xf32, #tpu.memory_space<vmem>> -> memref<64x128xf32, #tpu.memory_space<vmem>>
    tpu.enqueue_dma source(%dma_start3A_103 : memref<64x128xf32, #tpu.memory_space<vmem>>) target(%dma_start3A_100 : memref<64x128xf32, #tpu.memory_space<hbm>>) target_semaphore(%arg19 : memref<!tpu.dma_semaphore, #tpu.memory_space<semaphore_mem>>)
    %scan3A_104 = arith.constant 0 : i32
    %scan3A_105 = arith.constant 16 : i32
    %scan3A_106 = arith.addi %scan3A_104, %scan3A_105 : i32
    %scan3A_107 = arith.constant 1 : i32
    scf.for %scan3A_179 = %scan3A_104 to %scan3A_106 step %scan3A_107  : i32 {
      %mul3A_180 = arith.constant 4 : i32
      %mul3A_181 = arith.muli %scan3A_179, %mul3A_180 : i32
      %add3A_182 = arith.constant 64 : i32
      %add3A_183 = arith.addi %add3A_182, %mul3A_181 : i32
      %add3A_184 = arith.constant 0 : i32
      %add3A_185 = arith.addi %add3A_183, %add3A_184 : i32
      %add3A_186 = arith.constant 0 : i32
      %add3A_187 = arith.addi %add3A_183, %add3A_186 : i32
      %get3A = arith.index_cast %add3A_187 : i32 to index
      %get3A_188 = arith.constant 0 : index
      %get3A_189 = tpu.vector_load %arg12[%get3A, %get3A_188] {strides = array<i32>} : memref<128x128xf32, #tpu.memory_space<vmem>>, vector<1x16xf32>,
      %get3A_190 = vector.shape_cast %get3A_189 : vector<1x16xf32> to vector<16xf32>
      %swap3A = arith.index_cast %add3A_185 : i32 to index
      %swap3A_191 = arith.constant 0 : index
      %swap3A_192 = tpu.vector_load %arg10[%swap3A, %swap3A_191] {strides = array<i32>} : memref<128x128xf32, #tpu.memory_space<vmem>>, vector<1x16xf32>,
      %swap3A_193 = vector.shape_cast %swap3A_192 : vector<1x16xf32> to vector<16xf32>
      %swap3A_194 = vector.shape_cast %get3A_190 : vector<16xf32> to vector<1x16xf32>
      tpu.vector_store %arg10[%swap3A, %swap3A_191], %swap3A_194 {add = true, strides = array<i32>} : memref<128x128xf32, #tpu.memory_space<vmem>>, vector<1x16xf32>,
      %add3A_195 = arith.constant 0 : i32
      %add3A_196 = arith.addi %add3A_183, %add3A_195 : i32
      %add3A_197 = arith.constant 0 : i32
      %add3A_198 = arith.addi %add3A_183, %add3A_197 : i32
      %get3A_199 = arith.index_cast %add3A_198 : i32 to index
      %get3A_200 = arith.constant 16 : index
      %get3A_201 = tpu.vector_load %arg12[%get3A_199, %get3A_200] {strides = array<i32>} : memref<128x128xf32, #tpu.memory_space<vmem>>, vector<1x16xf32>,
      %get3A_202 = vector.shape_cast %get3A_201 : vector<1x16xf32> to vector<16xf32>
      %swap3A_203 = arith.index_cast %add3A_196 : i32 to index
      %swap3A_204 = arith.constant 16 : index
      %swap3A_205 = tpu.vector_load %arg10[%swap3A_203, %swap3A_204] {strides = array<i32>} : memref<128x128xf32, #tpu.memory_space<vmem>>, vector<1x16xf32>,
      %swap3A_206 = vector.shape_cast %swap3A_205 : vector<1x16xf32> to vector<16xf32>
      %swap3A_207 = vector.shape_cast %get3A_202 : vector<16xf32> to vector<1x16xf32>
      tpu.vector_store %arg10[%swap3A_203, %swap3A_204], %swap3A_207 {add = true, strides = array<i32>} : memref<128x128xf32, #tpu.memory_space<vmem>>, vector<1x16xf32>,
      %add3A_208 = arith.constant 0 : i32
      %add3A_209 = arith.addi %add3A_183, %add3A_208 : i32
      %add3A_210 = arith.constant 0 : i32
      %add3A_211 = arith.addi %add3A_183, %add3A_210 : i32
      %get3A_212 = arith.index_cast %add3A_211 : i32 to index
      %get3A_213 = arith.constant 32 : index
      %get3A_214 = tpu.vector_load %arg12[%get3A_212, %get3A_213] {strides = array<i32>} : memref<128x128xf32, #tpu.memory_space<vmem>>, vector<1x16xf32>,
      %get3A_215 = vector.shape_cast %get3A_214 : vector<1x16xf32> to vector<16xf32>
      %swap3A_216 = arith.index_cast %add3A_209 : i32 to index
      %swap3A_217 = arith.constant 32 : index
      %swap3A_218 = tpu.vector_load %arg10[%swap3A_216, %swap3A_217] {strides = array<i32>} : memref<128x128xf32, #tpu.memory_space<vmem>>, vector<1x16xf32>,
      %swap3A_219 = vector.shape_cast %swap3A_218 : vector<1x16xf32> to vector<16xf32>
      %swap3A_220 = vector.shape_cast %get3A_215 : vector<16xf32> to vector<1x16xf32>
      tpu.vector_store %arg10[%swap3A_216, %swap3A_217], %swap3A_220 {add = true, strides = array<i32>} : memref<128x128xf32, #tpu.memory_space<vmem>>, vector<1x16xf32>,
      %add3A_221 = arith.constant 0 : i32
      %add3A_222 = arith.addi %add3A_183, %add3A_221 : i32
      %add3A_223 = arith.constant 0 : i32
      %add3A_224 = arith.addi %add3A_183, %add3A_223 : i32
      %get3A_225 = arith.index_cast %add3A_224 : i32 to index
      %get3A_226 = arith.constant 48 : index
      %get3A_227 = tpu.vector_load %arg12[%get3A_225, %get3A_226] {strides = array<i32>} : memref<128x128xf32, #tpu.memory_space<vmem>>, vector<1x16xf32>,
      %get3A_228 = vector.shape_cast %get3A_227 : vector<1x16xf32> to vector<16xf32>
      %swap3A_229 = arith.index_cast %add3A_222 : i32 to index
      %swap3A_230 = arith.constant 48 : index
      %swap3A_231 = tpu.vector_load %arg10[%swap3A_229, %swap3A_230] {strides = array<i32>} : memref<128x128xf32, #tpu.memory_space<vmem>>, vector<1x16xf32>,
      %swap3A_232 = vector.shape_cast %swap3A_231 : vector<1x16xf32> to vector<16xf32>
      %swap3A_233 = vector.shape_cast %get3A_228 : vector<16xf32> to vector<1x16xf32>
      tpu.vector_store %arg10[%swap3A_229, %swap3A_230], %swap3A_233 {add = true, strides = array<i32>} : memref<128x128xf32, #tpu.memory_space<vmem>>, vector<1x16xf32>,
      %add3A_234 = arith.constant 0 : i32
      %add3A_235 = arith.addi %add3A_183, %add3A_234 : i32
      %add3A_236 = arith.constant 0 : i32
      %add3A_237 = arith.addi %add3A_183, %add3A_236 : i32
      %get3A_238 = arith.index_cast %add3A_237 : i32 to index
      %get3A_239 = arith.constant 64 : index
      %get3A_240 = tpu.vector_load %arg12[%get3A_238, %get3A_239] {strides = array<i32>} : memref<128x128xf32, #tpu.memory_space<vmem>>, vector<1x16xf32>,
      %get3A_241 = vector.shape_cast %get3A_240 : vector<1x16xf32> to vector<16xf32>
      %swap3A_242 = arith.index_cast %add3A_235 : i32 to index
      %swap3A_243 = arith.constant 64 : index
      %swap3A_244 = tpu.vector_load %arg10[%swap3A_242, %swap3A_243] {strides = array<i32>} : memref<128x128xf32, #tpu.memory_space<vmem>>, vector<1x16xf32>,
      %swap3A_245 = vector.shape_cast %swap3A_244 : vector<1x16xf32> to vector<16xf32>
      %swap3A_246 = vector.shape_cast %get3A_241 : vector<16xf32> to vector<1x16xf32>
      tpu.vector_store %arg10[%swap3A_242, %swap3A_243], %swap3A_246 {add = true, strides = array<i32>} : memref<128x128xf32, #tpu.memory_space<vmem>>, vector<1x16xf32>,
      %add3A_247 = arith.constant 0 : i32
      %add3A_248 = arith.addi %add3A_183, %add3A_247 : i32
      %add3A_249 = arith.constant 0 : i32
      %add3A_250 = arith.addi %add3A_183, %add3A_249 : i32
      %get3A_251 = arith.index_cast %add3A_250 : i32 to index
      %get3A_252 = arith.constant 80 : index
      %get3A_253 = tpu.vector_load %arg12[%get3A_251, %get3A_252] {strides = array<i32>} : memref<128x128xf32, #tpu.memory_space<vmem>>, vector<1x16xf32>,
      %get3A_254 = vector.shape_cast %get3A_253 : vector<1x16xf32> to vector<16xf32>
      %swap3A_255 = arith.index_cast %add3A_248 : i32 to index
      %swap3A_256 = arith.constant 80 : index
      %swap3A_257 = tpu.vector_load %arg10[%swap3A_255, %swap3A_256] {strides = array<i32>} : memref<128x128xf32, #tpu.memory_space<vmem>>, vector<1x16xf32>,
      %swap3A_258 = vector.shape_cast %swap3A_257 : vector<1x16xf32> to vector<16xf32>
      %swap3A_259 = vector.shape_cast %get3A_254 : vector<16xf32> to vector<1x16xf32>
      tpu.vector_store %arg10[%swap3A_255, %swap3A_256], %swap3A_259 {add = true, strides = array<i32>} : memref<128x128xf32, #tpu.memory_space<vmem>>, vector<1x16xf32>,
      %add3A_260 = arith.constant 0 : i32
      %add3A_261 = arith.addi %add3A_183, %add3A_260 : i32
      %add3A_262 = arith.constant 0 : i32
      %add3A_263 = arith.addi %add3A_183, %add3A_262 : i32
      %get3A_264 = arith.index_cast %add3A_263 : i32 to index
      %get3A_265 = arith.constant 96 : index
      %get3A_266 = tpu.vector_load %arg12[%get3A_264, %get3A_265] {strides = array<i32>} : memref<128x128xf32, #tpu.memory_space<vmem>>, vector<1x16xf32>,
      %get3A_267 = vector.shape_cast %get3A_266 : vector<1x16xf32> to vector<16xf32>
      %swap3A_268 = arith.index_cast %add3A_261 : i32 to index
      %swap3A_269 = arith.constant 96 : index
      %swap3A_270 = tpu.vector_load %arg10[%swap3A_268, %swap3A_269] {strides = array<i32>} : memref<128x128xf32, #tpu.memory_space<vmem>>, vector<1x16xf32>,
      %swap3A_271 = vector.shape_cast %swap3A_270 : vector<1x16xf32> to vector<16xf32>
      %swap3A_272 = vector.shape_cast %get3A_267 : vector<16xf32> to vector<1x16xf32>
      tpu.vector_store %arg10[%swap3A_268, %swap3A_269], %swap3A_272 {add = true, strides = array<i32>} : memref<128x128xf32, #tpu.memory_space<vmem>>, vector<1x16xf32>,
      %add3A_273 = arith.constant 0 : i32
      %add3A_274 = arith.addi %add3A_183, %add3A_273 : i32
      %add3A_275 = arith.constant 0 : i32
      %add3A_276 = arith.addi %add3A_183, %add3A_275 : i32
      %get3A_277 = arith.index_cast %add3A_276 : i32 to index
      %get3A_278 = arith.constant 112 : index
      %get3A_279 = tpu.vector_load %arg12[%get3A_277, %get3A_278] {strides = array<i32>} : memref<128x128xf32, #tpu.memory_space<vmem>>, vector<1x16xf32>,
      %get3A_280 = vector.shape_cast %get3A_279 : vector<1x16xf32> to vector<16xf32>
      %swap3A_281 = arith.index_cast %add3A_274 : i32 to index
      %swap3A_282 = arith.constant 112 : index
      %swap3A_283 = tpu.vector_load %arg10[%swap3A_281, %swap3A_282] {strides = array<i32>} : memref<128x128xf32, #tpu.memory_space<vmem>>, vector<1x16xf32>,
      %swap3A_284 = vector.shape_cast %swap3A_283 : vector<1x16xf32> to vector<16xf32>
      %swap3A_285 = vector.shape_cast %get3A_280 : vector<16xf32> to vector<1x16xf32>
      tpu.vector_store %arg10[%swap3A_281, %swap3A_282], %swap3A_285 {add = true, strides = array<i32>} : memref<128x128xf32, #tpu.memory_space<vmem>>, vector<1x16xf32>,
      %add3A_286 = arith.constant 1 : i32
      %add3A_287 = arith.addi %add3A_183, %add3A_286 : i32
      %add3A_288 = arith.constant 1 : i32
      %add3A_289 = arith.addi %add3A_183, %add3A_288 : i32
      %get3A_290 = arith.index_cast %add3A_289 : i32 to index
      %get3A_291 = arith.constant 0 : index
      %get3A_292 = tpu.vector_load %arg12[%get3A_290, %get3A_291] {strides = array<i32>} : memref<128x128xf32, #tpu.memory_space<vmem>>, vector<1x16xf32>,
      %get3A_293 = vector.shape_cast %get3A_292 : vector<1x16xf32> to vector<16xf32>
      %swap3A_294 = arith.index_cast %add3A_287 : i32 to index
      %swap3A_295 = arith.constant 0 : index
      %swap3A_296 = tpu.vector_load %arg10[%swap3A_294, %swap3A_295] {strides = array<i32>} : memref<128x128xf32, #tpu.memory_space<vmem>>, vector<1x16xf32>,
      %swap3A_297 = vector.shape_cast %swap3A_296 : vector<1x16xf32> to vector<16xf32>
      %swap3A_298 = vector.shape_cast %get3A_293 : vector<16xf32> to vector<1x16xf32>
      tpu.vector_store %arg10[%swap3A_294, %swap3A_295], %swap3A_298 {add = true, strides = array<i32>} : memref<128x128xf32, #tpu.memory_space<vmem>>, vector<1x16xf32>,
      %add3A_299 = arith.constant 1 : i32
      %add3A_300 = arith.addi %add3A_183, %add3A_299 : i32
      %add3A_301 = arith.constant 1 : i32
      %add3A_302 = arith.addi %add3A_183, %add3A_301 : i32
      %get3A_303 = arith.index_cast %add3A_302 : i32 to index
      %get3A_304 = arith.constant 16 : index
      %get3A_305 = tpu.vector_load %arg12[%get3A_303, %get3A_304] {strides = array<i32>} : memref<128x128xf32, #tpu.memory_space<vmem>>, vector<1x16xf32>,
      %get3A_306 = vector.shape_cast %get3A_305 : vector<1x16xf32> to vector<16xf32>
      %swap3A_307 = arith.index_cast %add3A_300 : i32 to index
      %swap3A_308 = arith.constant 16 : index
      %swap3A_309 = tpu.vector_load %arg10[%swap3A_307, %swap3A_308] {strides = array<i32>} : memref<128x128xf32, #tpu.memory_space<vmem>>, vector<1x16xf32>,
      %swap3A_310 = vector.shape_cast %swap3A_309 : vector<1x16xf32> to vector<16xf32>
      %swap3A_311 = vector.shape_cast %get3A_306 : vector<16xf32> to vector<1x16xf32>
      tpu.vector_store %arg10[%swap3A_307, %swap3A_308], %swap3A_311 {add = true, strides = array<i32>} : memref<128x128xf32, #tpu.memory_space<vmem>>, vector<1x16xf32>,
      %add3A_312 = arith.constant 1 : i32
      %add3A_313 = arith.addi %add3A_183, %add3A_312 : i32
      %add3A_314 = arith.constant 1 : i32
      %add3A_315 = arith.addi %add3A_183, %add3A_314 : i32
      %get3A_316 = arith.index_cast %add3A_315 : i32 to index
      %get3A_317 = arith.constant 32 : index
      %get3A_318 = tpu.vector_load %arg12[%get3A_316, %get3A_317] {strides = array<i32>} : memref<128x128xf32, #tpu.memory_space<vmem>>, vector<1x16xf32>,
      %get3A_319 = vector.shape_cast %get3A_318 : vector<1x16xf32> to vector<16xf32>
      %swap3A_320 = arith.index_cast %add3A_313 : i32 to index
      %swap3A_321 = arith.constant 32 : index
      %swap3A_322 = tpu.vector_load %arg10[%swap3A_320, %swap3A_321] {strides = array<i32>} : memref<128x128xf32, #tpu.memory_space<vmem>>, vector<1x16xf32>,
      %swap3A_323 = vector.shape_cast %swap3A_322 : vector<1x16xf32> to vector<16xf32>
      %swap3A_324 = vector.shape_cast %get3A_319 : vector<16xf32> to vector<1x16xf32>
      tpu.vector_store %arg10[%swap3A_320, %swap3A_321], %swap3A_324 {add = true, strides = array<i32>} : memref<128x128xf32, #tpu.memory_space<vmem>>, vector<1x16xf32>,
      %add3A_325 = arith.constant 1 : i32
      %add3A_326 = arith.addi %add3A_183, %add3A_325 : i32
      %add3A_327 = arith.constant 1 : i32
      %add3A_328 = arith.addi %add3A_183, %add3A_327 : i32
      %get3A_329 = arith.index_cast %add3A_328 : i32 to index
      %get3A_330 = arith.constant 48 : index
      %get3A_331 = tpu.vector_load %arg12[%get3A_329, %get3A_330] {strides = array<i32>} : memref<128x128xf32, #tpu.memory_space<vmem>>, vector<1x16xf32>,
      %get3A_332 = vector.shape_cast %get3A_331 : vector<1x16xf32> to vector<16xf32>
      %swap3A_333 = arith.index_cast %add3A_326 : i32 to index
      %swap3A_334 = arith.constant 48 : index
      %swap3A_335 = tpu.vector_load %arg10[%swap3A_333, %swap3A_334] {strides = array<i32>} : memref<128x128xf32, #tpu.memory_space<vmem>>, vector<1x16xf32>,
      %swap3A_336 = vector.shape_cast %swap3A_335 : vector<1x16xf32> to vector<16xf32>
      %swap3A_337 = vector.shape_cast %get3A_332 : vector<16xf32> to vector<1x16xf32>
      tpu.vector_store %arg10[%swap3A_333, %swap3A_334], %swap3A_337 {add = true, strides = array<i32>} : memref<128x128xf32, #tpu.memory_space<vmem>>, vector<1x16xf32>,
      %add3A_338 = arith.constant 1 : i32
      %add3A_339 = arith.addi %add3A_183, %add3A_338 : i32
      %add3A_340 = arith.constant 1 : i32
      %add3A_341 = arith.addi %add3A_183, %add3A_340 : i32
      %get3A_342 = arith.index_cast %add3A_341 : i32 to index
      %get3A_343 = arith.constant 64 : index
      %get3A_344 = tpu.vector_load %arg12[%get3A_342, %get3A_343] {strides = array<i32>} : memref<128x128xf32, #tpu.memory_space<vmem>>, vector<1x16xf32>,
      %get3A_345 = vector.shape_cast %get3A_344 : vector<1x16xf32> to vector<16xf32>
      %swap3A_346 = arith.index_cast %add3A_339 : i32 to index
      %swap3A_347 = arith.constant 64 : index
      %swap3A_348 = tpu.vector_load %arg10[%swap3A_346, %swap3A_347] {strides = array<i32>} : memref<128x128xf32, #tpu.memory_space<vmem>>, vector<1x16xf32>,
      %swap3A_349 = vector.shape_cast %swap3A_348 : vector<1x16xf32> to vector<16xf32>
      %swap3A_350 = vector.shape_cast %get3A_345 : vector<16xf32> to vector<1x16xf32>
      tpu.vector_store %arg10[%swap3A_346, %swap3A_347], %swap3A_350 {add = true, strides = array<i32>} : memref<128x128xf32, #tpu.memory_space<vmem>>, vector<1x16xf32>,
      %add3A_351 = arith.constant 1 : i32
      %add3A_352 = arith.addi %add3A_183, %add3A_351 : i32
      %add3A_353 = arith.constant 1 : i32
      %add3A_354 = arith.addi %add3A_183, %add3A_353 : i32
      %get3A_355 = arith.index_cast %add3A_354 : i32 to index
      %get3A_356 = arith.constant 80 : index
      %get3A_357 = tpu.vector_load %arg12[%get3A_355, %get3A_356] {strides = array<i32>} : memref<128x128xf32, #tpu.memory_space<vmem>>, vector<1x16xf32>,
      %get3A_358 = vector.shape_cast %get3A_357 : vector<1x16xf32> to vector<16xf32>
      %swap3A_359 = arith.index_cast %add3A_352 : i32 to index
      %swap3A_360 = arith.constant 80 : index
      %swap3A_361 = tpu.vector_load %arg10[%swap3A_359, %swap3A_360] {strides = array<i32>} : memref<128x128xf32, #tpu.memory_space<vmem>>, vector<1x16xf32>,
      %swap3A_362 = vector.shape_cast %swap3A_361 : vector<1x16xf32> to vector<16xf32>
      %swap3A_363 = vector.shape_cast %get3A_358 : vector<16xf32> to vector<1x16xf32>
      tpu.vector_store %arg10[%swap3A_359, %swap3A_360], %swap3A_363 {add = true, strides = array<i32>} : memref<128x128xf32, #tpu.memory_space<vmem>>, vector<1x16xf32>,
      %add3A_364 = arith.constant 1 : i32
      %add3A_365 = arith.addi %add3A_183, %add3A_364 : i32
      %add3A_366 = arith.constant 1 : i32
      %add3A_367 = arith.addi %add3A_183, %add3A_366 : i32
      %get3A_368 = arith.index_cast %add3A_367 : i32 to index
      %get3A_369 = arith.constant 96 : index
      %get3A_370 = tpu.vector_load %arg12[%get3A_368, %get3A_369] {strides = array<i32>} : memref<128x128xf32, #tpu.memory_space<vmem>>, vector<1x16xf32>,
      %get3A_371 = vector.shape_cast %get3A_370 : vector<1x16xf32> to vector<16xf32>
      %swap3A_372 = arith.index_cast %add3A_365 : i32 to index
      %swap3A_373 = arith.constant 96 : index
      %swap3A_374 = tpu.vector_load %arg10[%swap3A_372, %swap3A_373] {strides = array<i32>} : memref<128x128xf32, #tpu.memory_space<vmem>>, vector<1x16xf32>,
      %swap3A_375 = vector.shape_cast %swap3A_374 : vector<1x16xf32> to vector<16xf32>
      %swap3A_376 = vector.shape_cast %get3A_371 : vector<16xf32> to vector<1x16xf32>
      tpu.vector_store %arg10[%swap3A_372, %swap3A_373], %swap3A_376 {add = true, strides = array<i32>} : memref<128x128xf32, #tpu.memory_space<vmem>>, vector<1x16xf32>,
      %add3A_377 = arith.constant 1 : i32
      %add3A_378 = arith.addi %add3A_183, %add3A_377 : i32
      %add3A_379 = arith.constant 1 : i32
      %add3A_380 = arith.addi %add3A_183, %add3A_379 : i32
      %get3A_381 = arith.index_cast %add3A_380 : i32 to index
      %get3A_382 = arith.constant 112 : index
      %get3A_383 = tpu.vector_load %arg12[%get3A_381, %get3A_382] {strides = array<i32>} : memref<128x128xf32, #tpu.memory_space<vmem>>, vector<1x16xf32>,
      %get3A_384 = vector.shape_cast %get3A_383 : vector<1x16xf32> to vector<16xf32>
      %swap3A_385 = arith.index_cast %add3A_378 : i32 to index
      %swap3A_386 = arith.constant 112 : index
      %swap3A_387 = tpu.vector_load %arg10[%swap3A_385, %swap3A_386] {strides = array<i32>} : memref<128x128xf32, #tpu.memory_space<vmem>>, vector<1x16xf32>,
      %swap3A_388 = vector.shape_cast %swap3A_387 : vector<1x16xf32> to vector<16xf32>
      %swap3A_389 = vector.shape_cast %get3A_384 : vector<16xf32> to vector<1x16xf32>
      tpu.vector_store %arg10[%swap3A_385, %swap3A_386], %swap3A_389 {add = true, strides = array<i32>} : memref<128x128xf32, #tpu.memory_space<vmem>>, vector<1x16xf32>,
      %add3A_390 = arith.constant 2 : i32
      %add3A_391 = arith.addi %add3A_183, %add3A_390 : i32
      %add3A_392 = arith.constant 2 : i32
      %add3A_393 = arith.addi %add3A_183, %add3A_392 : i32
      %get3A_394 = arith.index_cast %add3A_393 : i32 to index
      %get3A_395 = arith.constant 0 : index
      %get3A_396 = tpu.vector_load %arg12[%get3A_394, %get3A_395] {strides = array<i32>} : memref<128x128xf32, #tpu.memory_space<vmem>>, vector<1x16xf32>,
      %get3A_397 = vector.shape_cast %get3A_396 : vector<1x16xf32> to vector<16xf32>
      %swap3A_398 = arith.index_cast %add3A_391 : i32 to index
      %swap3A_399 = arith.constant 0 : index
      %swap3A_400 = tpu.vector_load %arg10[%swap3A_398, %swap3A_399] {strides = array<i32>} : memref<128x128xf32, #tpu.memory_space<vmem>>, vector<1x16xf32>,
      %swap3A_401 = vector.shape_cast %swap3A_400 : vector<1x16xf32> to vector<16xf32>
      %swap3A_402 = vector.shape_cast %get3A_397 : vector<16xf32> to vector<1x16xf32>
      tpu.vector_store %arg10[%swap3A_398, %swap3A_399], %swap3A_402 {add = true, strides = array<i32>} : memref<128x128xf32, #tpu.memory_space<vmem>>, vector<1x16xf32>,
      %add3A_403 = arith.constant 2 : i32
      %add3A_404 = arith.addi %add3A_183, %add3A_403 : i32
      %add3A_405 = arith.constant 2 : i32
      %add3A_406 = arith.addi %add3A_183, %add3A_405 : i32
      %get3A_407 = arith.index_cast %add3A_406 : i32 to index
      %get3A_408 = arith.constant 16 : index
      %get3A_409 = tpu.vector_load %arg12[%get3A_407, %get3A_408] {strides = array<i32>} : memref<128x128xf32, #tpu.memory_space<vmem>>, vector<1x16xf32>,
      %get3A_410 = vector.shape_cast %get3A_409 : vector<1x16xf32> to vector<16xf32>
      %swap3A_411 = arith.index_cast %add3A_404 : i32 to index
      %swap3A_412 = arith.constant 16 : index
      %swap3A_413 = tpu.vector_load %arg10[%swap3A_411, %swap3A_412] {strides = array<i32>} : memref<128x128xf32, #tpu.memory_space<vmem>>, vector<1x16xf32>,
      %swap3A_414 = vector.shape_cast %swap3A_413 : vector<1x16xf32> to vector<16xf32>
      %swap3A_415 = vector.shape_cast %get3A_410 : vector<16xf32> to vector<1x16xf32>
      tpu.vector_store %arg10[%swap3A_411, %swap3A_412], %swap3A_415 {add = true, strides = array<i32>} : memref<128x128xf32, #tpu.memory_space<vmem>>, vector<1x16xf32>,
      %add3A_416 = arith.constant 2 : i32
      %add3A_417 = arith.addi %add3A_183, %add3A_416 : i32
      %add3A_418 = arith.constant 2 : i32
      %add3A_419 = arith.addi %add3A_183, %add3A_418 : i32
      %get3A_420 = arith.index_cast %add3A_419 : i32 to index
      %get3A_421 = arith.constant 32 : index
      %get3A_422 = tpu.vector_load %arg12[%get3A_420, %get3A_421] {strides = array<i32>} : memref<128x128xf32, #tpu.memory_space<vmem>>, vector<1x16xf32>,
      %get3A_423 = vector.shape_cast %get3A_422 : vector<1x16xf32> to vector<16xf32>
      %swap3A_424 = arith.index_cast %add3A_417 : i32 to index
      %swap3A_425 = arith.constant 32 : index
      %swap3A_426 = tpu.vector_load %arg10[%swap3A_424, %swap3A_425] {strides = array<i32>} : memref<128x128xf32, #tpu.memory_space<vmem>>, vector<1x16xf32>,
      %swap3A_427 = vector.shape_cast %swap3A_426 : vector<1x16xf32> to vector<16xf32>
      %swap3A_428 = vector.shape_cast %get3A_423 : vector<16xf32> to vector<1x16xf32>
      tpu.vector_store %arg10[%swap3A_424, %swap3A_425], %swap3A_428 {add = true, strides = array<i32>} : memref<128x128xf32, #tpu.memory_space<vmem>>, vector<1x16xf32>,
      %add3A_429 = arith.constant 2 : i32
      %add3A_430 = arith.addi %add3A_183, %add3A_429 : i32
      %add3A_431 = arith.constant 2 : i32
      %add3A_432 = arith.addi %add3A_183, %add3A_431 : i32
      %get3A_433 = arith.index_cast %add3A_432 : i32 to index
      %get3A_434 = arith.constant 48 : index
      %get3A_435 = tpu.vector_load %arg12[%get3A_433, %get3A_434] {strides = array<i32>} : memref<128x128xf32, #tpu.memory_space<vmem>>, vector<1x16xf32>,
      %get3A_436 = vector.shape_cast %get3A_435 : vector<1x16xf32> to vector<16xf32>
      %swap3A_437 = arith.index_cast %add3A_430 : i32 to index
      %swap3A_438 = arith.constant 48 : index
      %swap3A_439 = tpu.vector_load %arg10[%swap3A_437, %swap3A_438] {strides = array<i32>} : memref<128x128xf32, #tpu.memory_space<vmem>>, vector<1x16xf32>,
      %swap3A_440 = vector.shape_cast %swap3A_439 : vector<1x16xf32> to vector<16xf32>
      %swap3A_441 = vector.shape_cast %get3A_436 : vector<16xf32> to vector<1x16xf32>
      tpu.vector_store %arg10[%swap3A_437, %swap3A_438], %swap3A_441 {add = true, strides = array<i32>} : memref<128x128xf32, #tpu.memory_space<vmem>>, vector<1x16xf32>,
      %add3A_442 = arith.constant 2 : i32
      %add3A_443 = arith.addi %add3A_183, %add3A_442 : i32
      %add3A_444 = arith.constant 2 : i32
      %add3A_445 = arith.addi %add3A_183, %add3A_444 : i32
      %get3A_446 = arith.index_cast %add3A_445 : i32 to index
      %get3A_447 = arith.constant 64 : index
      %get3A_448 = tpu.vector_load %arg12[%get3A_446, %get3A_447] {strides = array<i32>} : memref<128x128xf32, #tpu.memory_space<vmem>>, vector<1x16xf32>,
      %get3A_449 = vector.shape_cast %get3A_448 : vector<1x16xf32> to vector<16xf32>
      %swap3A_450 = arith.index_cast %add3A_443 : i32 to index
      %swap3A_451 = arith.constant 64 : index
      %swap3A_452 = tpu.vector_load %arg10[%swap3A_450, %swap3A_451] {strides = array<i32>} : memref<128x128xf32, #tpu.memory_space<vmem>>, vector<1x16xf32>,
      %swap3A_453 = vector.shape_cast %swap3A_452 : vector<1x16xf32> to vector<16xf32>
      %swap3A_454 = vector.shape_cast %get3A_449 : vector<16xf32> to vector<1x16xf32>
      tpu.vector_store %arg10[%swap3A_450, %swap3A_451], %swap3A_454 {add = true, strides = array<i32>} : memref<128x128xf32, #tpu.memory_space<vmem>>, vector<1x16xf32>,
      %add3A_455 = arith.constant 2 : i32
      %add3A_456 = arith.addi %add3A_183, %add3A_455 : i32
      %add3A_457 = arith.constant 2 : i32
      %add3A_458 = arith.addi %add3A_183, %add3A_457 : i32
      %get3A_459 = arith.index_cast %add3A_458 : i32 to index
      %get3A_460 = arith.constant 80 : index
      %get3A_461 = tpu.vector_load %arg12[%get3A_459, %get3A_460] {strides = array<i32>} : memref<128x128xf32, #tpu.memory_space<vmem>>, vector<1x16xf32>,
      %get3A_462 = vector.shape_cast %get3A_461 : vector<1x16xf32> to vector<16xf32>
      %swap3A_463 = arith.index_cast %add3A_456 : i32 to index
      %swap3A_464 = arith.constant 80 : index
      %swap3A_465 = tpu.vector_load %arg10[%swap3A_463, %swap3A_464] {strides = array<i32>} : memref<128x128xf32, #tpu.memory_space<vmem>>, vector<1x16xf32>,
      %swap3A_466 = vector.shape_cast %swap3A_465 : vector<1x16xf32> to vector<16xf32>
      %swap3A_467 = vector.shape_cast %get3A_462 : vector<16xf32> to vector<1x16xf32>
      tpu.vector_store %arg10[%swap3A_463, %swap3A_464], %swap3A_467 {add = true, strides = array<i32>} : memref<128x128xf32, #tpu.memory_space<vmem>>, vector<1x16xf32>,
      %add3A_468 = arith.constant 2 : i32
      %add3A_469 = arith.addi %add3A_183, %add3A_468 : i32
      %add3A_470 = arith.constant 2 : i32
      %add3A_471 = arith.addi %add3A_183, %add3A_470 : i32
      %get3A_472 = arith.index_cast %add3A_471 : i32 to index
      %get3A_473 = arith.constant 96 : index
      %get3A_474 = tpu.vector_load %arg12[%get3A_472, %get3A_473] {strides = array<i32>} : memref<128x128xf32, #tpu.memory_space<vmem>>, vector<1x16xf32>,
      %get3A_475 = vector.shape_cast %get3A_474 : vector<1x16xf32> to vector<16xf32>
      %swap3A_476 = arith.index_cast %add3A_469 : i32 to index
      %swap3A_477 = arith.constant 96 : index
      %swap3A_478 = tpu.vector_load %arg10[%swap3A_476, %swap3A_477] {strides = array<i32>} : memref<128x128xf32, #tpu.memory_space<vmem>>, vector<1x16xf32>,
      %swap3A_479 = vector.shape_cast %swap3A_478 : vector<1x16xf32> to vector<16xf32>
      %swap3A_480 = vector.shape_cast %get3A_475 : vector<16xf32> to vector<1x16xf32>
      tpu.vector_store %arg10[%swap3A_476, %swap3A_477], %swap3A_480 {add = true, strides = array<i32>} : memref<128x128xf32, #tpu.memory_space<vmem>>, vector<1x16xf32>,
      %add3A_481 = arith.constant 2 : i32
      %add3A_482 = arith.addi %add3A_183, %add3A_481 : i32
      %add3A_483 = arith.constant 2 : i32
      %add3A_484 = arith.addi %add3A_183, %add3A_483 : i32
      %get3A_485 = arith.index_cast %add3A_484 : i32 to index
      %get3A_486 = arith.constant 112 : index
      %get3A_487 = tpu.vector_load %arg12[%get3A_485, %get3A_486] {strides = array<i32>} : memref<128x128xf32, #tpu.memory_space<vmem>>, vector<1x16xf32>,
      %get3A_488 = vector.shape_cast %get3A_487 : vector<1x16xf32> to vector<16xf32>
      %swap3A_489 = arith.index_cast %add3A_482 : i32 to index
      %swap3A_490 = arith.constant 112 : index
      %swap3A_491 = tpu.vector_load %arg10[%swap3A_489, %swap3A_490] {strides = array<i32>} : memref<128x128xf32, #tpu.memory_space<vmem>>, vector<1x16xf32>,
      %swap3A_492 = vector.shape_cast %swap3A_491 : vector<1x16xf32> to vector<16xf32>
      %swap3A_493 = vector.shape_cast %get3A_488 : vector<16xf32> to vector<1x16xf32>
      tpu.vector_store %arg10[%swap3A_489, %swap3A_490], %swap3A_493 {add = true, strides = array<i32>} : memref<128x128xf32, #tpu.memory_space<vmem>>, vector<1x16xf32>,
      %add3A_494 = arith.constant 3 : i32
      %add3A_495 = arith.addi %add3A_183, %add3A_494 : i32
      %add3A_496 = arith.constant 3 : i32
      %add3A_497 = arith.addi %add3A_183, %add3A_496 : i32
      %get3A_498 = arith.index_cast %add3A_497 : i32 to index
      %get3A_499 = arith.constant 0 : index
      %get3A_500 = tpu.vector_load %arg12[%get3A_498, %get3A_499] {strides = array<i32>} : memref<128x128xf32, #tpu.memory_space<vmem>>, vector<1x16xf32>,
      %get3A_501 = vector.shape_cast %get3A_500 : vector<1x16xf32> to vector<16xf32>
      %swap3A_502 = arith.index_cast %add3A_495 : i32 to index
      %swap3A_503 = arith.constant 0 : index
      %swap3A_504 = tpu.vector_load %arg10[%swap3A_502, %swap3A_503] {strides = array<i32>} : memref<128x128xf32, #tpu.memory_space<vmem>>, vector<1x16xf32>,
      %swap3A_505 = vector.shape_cast %swap3A_504 : vector<1x16xf32> to vector<16xf32>
      %swap3A_506 = vector.shape_cast %get3A_501 : vector<16xf32> to vector<1x16xf32>
      tpu.vector_store %arg10[%swap3A_502, %swap3A_503], %swap3A_506 {add = true, strides = array<i32>} : memref<128x128xf32, #tpu.memory_space<vmem>>, vector<1x16xf32>,
      %add3A_507 = arith.constant 3 : i32
      %add3A_508 = arith.addi %add3A_183, %add3A_507 : i32
      %add3A_509 = arith.constant 3 : i32
      %add3A_510 = arith.addi %add3A_183, %add3A_509 : i32
      %get3A_511 = arith.index_cast %add3A_510 : i32 to index
      %get3A_512 = arith.constant 16 : index
      %get3A_513 = tpu.vector_load %arg12[%get3A_511, %get3A_512] {strides = array<i32>} : memref<128x128xf32, #tpu.memory_space<vmem>>, vector<1x16xf32>,
      %get3A_514 = vector.shape_cast %get3A_513 : vector<1x16xf32> to vector<16xf32>
      %swap3A_515 = arith.index_cast %add3A_508 : i32 to index
      %swap3A_516 = arith.constant 16 : index
      %swap3A_517 = tpu.vector_load %arg10[%swap3A_515, %swap3A_516] {strides = array<i32>} : memref<128x128xf32, #tpu.memory_space<vmem>>, vector<1x16xf32>,
      %swap3A_518 = vector.shape_cast %swap3A_517 : vector<1x16xf32> to vector<16xf32>
      %swap3A_519 = vector.shape_cast %get3A_514 : vector<16xf32> to vector<1x16xf32>
      tpu.vector_store %arg10[%swap3A_515, %swap3A_516], %swap3A_519 {add = true, strides = array<i32>} : memref<128x128xf32, #tpu.memory_space<vmem>>, vector<1x16xf32>,
      %add3A_520 = arith.constant 3 : i32
      %add3A_521 = arith.addi %add3A_183, %add3A_520 : i32
      %add3A_522 = arith.constant 3 : i32
      %add3A_523 = arith.addi %add3A_183, %add3A_522 : i32
      %get3A_524 = arith.index_cast %add3A_523 : i32 to index
      %get3A_525 = arith.constant 32 : index
      %get3A_526 = tpu.vector_load %arg12[%get3A_524, %get3A_525] {strides = array<i32>} : memref<128x128xf32, #tpu.memory_space<vmem>>, vector<1x16xf32>,
      %get3A_527 = vector.shape_cast %get3A_526 : vector<1x16xf32> to vector<16xf32>
      %swap3A_528 = arith.index_cast %add3A_521 : i32 to index
      %swap3A_529 = arith.constant 32 : index
      %swap3A_530 = tpu.vector_load %arg10[%swap3A_528, %swap3A_529] {strides = array<i32>} : memref<128x128xf32, #tpu.memory_space<vmem>>, vector<1x16xf32>,
      %swap3A_531 = vector.shape_cast %swap3A_530 : vector<1x16xf32> to vector<16xf32>
      %swap3A_532 = vector.shape_cast %get3A_527 : vector<16xf32> to vector<1x16xf32>
      tpu.vector_store %arg10[%swap3A_528, %swap3A_529], %swap3A_532 {add = true, strides = array<i32>} : memref<128x128xf32, #tpu.memory_space<vmem>>, vector<1x16xf32>,
      %add3A_533 = arith.constant 3 : i32
      %add3A_534 = arith.addi %add3A_183, %add3A_533 : i32
      %add3A_535 = arith.constant 3 : i32
      %add3A_536 = arith.addi %add3A_183, %add3A_535 : i32
      %get3A_537 = arith.index_cast %add3A_536 : i32 to index
      %get3A_538 = arith.constant 48 : index
      %get3A_539 = tpu.vector_load %arg12[%get3A_537, %get3A_538] {strides = array<i32>} : memref<128x128xf32, #tpu.memory_space<vmem>>, vector<1x16xf32>,
      %get3A_540 = vector.shape_cast %get3A_539 : vector<1x16xf32> to vector<16xf32>
      %swap3A_541 = arith.index_cast %add3A_534 : i32 to index
      %swap3A_542 = arith.constant 48 : index
      %swap3A_543 = tpu.vector_load %arg10[%swap3A_541, %swap3A_542] {strides = array<i32>} : memref<128x128xf32, #tpu.memory_space<vmem>>, vector<1x16xf32>,
      %swap3A_544 = vector.shape_cast %swap3A_543 : vector<1x16xf32> to vector<16xf32>
      %swap3A_545 = vector.shape_cast %get3A_540 : vector<16xf32> to vector<1x16xf32>
      tpu.vector_store %arg10[%swap3A_541, %swap3A_542], %swap3A_545 {add = true, strides = array<i32>} : memref<128x128xf32, #tpu.memory_space<vmem>>, vector<1x16xf32>,
      %add3A_546 = arith.constant 3 : i32
      %add3A_547 = arith.addi %add3A_183, %add3A_546 : i32
      %add3A_548 = arith.constant 3 : i32
      %add3A_549 = arith.addi %add3A_183, %add3A_548 : i32
      %get3A_550 = arith.index_cast %add3A_549 : i32 to index
      %get3A_551 = arith.constant 64 : index
      %get3A_552 = tpu.vector_load %arg12[%get3A_550, %get3A_551] {strides = array<i32>} : memref<128x128xf32, #tpu.memory_space<vmem>>, vector<1x16xf32>,
      %get3A_553 = vector.shape_cast %get3A_552 : vector<1x16xf32> to vector<16xf32>
      %swap3A_554 = arith.index_cast %add3A_547 : i32 to index
      %swap3A_555 = arith.constant 64 : index
      %swap3A_556 = tpu.vector_load %arg10[%swap3A_554, %swap3A_555] {strides = array<i32>} : memref<128x128xf32, #tpu.memory_space<vmem>>, vector<1x16xf32>,
      %swap3A_557 = vector.shape_cast %swap3A_556 : vector<1x16xf32> to vector<16xf32>
      %swap3A_558 = vector.shape_cast %get3A_553 : vector<16xf32> to vector<1x16xf32>
      tpu.vector_store %arg10[%swap3A_554, %swap3A_555], %swap3A_558 {add = true, strides = array<i32>} : memref<128x128xf32, #tpu.memory_space<vmem>>, vector<1x16xf32>,
      %add3A_559 = arith.constant 3 : i32
      %add3A_560 = arith.addi %add3A_183, %add3A_559 : i32
      %add3A_561 = arith.constant 3 : i32
      %add3A_562 = arith.addi %add3A_183, %add3A_561 : i32
      %get3A_563 = arith.index_cast %add3A_562 : i32 to index
      %get3A_564 = arith.constant 80 : index
      %get3A_565 = tpu.vector_load %arg12[%get3A_563, %get3A_564] {strides = array<i32>} : memref<128x128xf32, #tpu.memory_space<vmem>>, vector<1x16xf32>,
      %get3A_566 = vector.shape_cast %get3A_565 : vector<1x16xf32> to vector<16xf32>
      %swap3A_567 = arith.index_cast %add3A_560 : i32 to index
      %swap3A_568 = arith.constant 80 : index
      %swap3A_569 = tpu.vector_load %arg10[%swap3A_567, %swap3A_568] {strides = array<i32>} : memref<128x128xf32, #tpu.memory_space<vmem>>, vector<1x16xf32>,
      %swap3A_570 = vector.shape_cast %swap3A_569 : vector<1x16xf32> to vector<16xf32>
      %swap3A_571 = vector.shape_cast %get3A_566 : vector<16xf32> to vector<1x16xf32>
      tpu.vector_store %arg10[%swap3A_567, %swap3A_568], %swap3A_571 {add = true, strides = array<i32>} : memref<128x128xf32, #tpu.memory_space<vmem>>, vector<1x16xf32>,
      %add3A_572 = arith.constant 3 : i32
      %add3A_573 = arith.addi %add3A_183, %add3A_572 : i32
      %add3A_574 = arith.constant 3 : i32
      %add3A_575 = arith.addi %add3A_183, %add3A_574 : i32
      %get3A_576 = arith.index_cast %add3A_575 : i32 to index
      %get3A_577 = arith.constant 96 : index
      %get3A_578 = tpu.vector_load %arg12[%get3A_576, %get3A_577] {strides = array<i32>} : memref<128x128xf32, #tpu.memory_space<vmem>>, vector<1x16xf32>,
      %get3A_579 = vector.shape_cast %get3A_578 : vector<1x16xf32> to vector<16xf32>
      %swap3A_580 = arith.index_cast %add3A_573 : i32 to index
      %swap3A_581 = arith.constant 96 : index
      %swap3A_582 = tpu.vector_load %arg10[%swap3A_580, %swap3A_581] {strides = array<i32>} : memref<128x128xf32, #tpu.memory_space<vmem>>, vector<1x16xf32>,
      %swap3A_583 = vector.shape_cast %swap3A_582 : vector<1x16xf32> to vector<16xf32>
      %swap3A_584 = vector.shape_cast %get3A_579 : vector<16xf32> to vector<1x16xf32>
      tpu.vector_store %arg10[%swap3A_580, %swap3A_581], %swap3A_584 {add = true, strides = array<i32>} : memref<128x128xf32, #tpu.memory_space<vmem>>, vector<1x16xf32>,
      %add3A_585 = arith.constant 3 : i32
      %add3A_586 = arith.addi %add3A_183, %add3A_585 : i32
      %add3A_587 = arith.constant 3 : i32
      %add3A_588 = arith.addi %add3A_183, %add3A_587 : i32
      %get3A_589 = arith.index_cast %add3A_588 : i32 to index
      %get3A_590 = arith.constant 112 : index
      %get3A_591 = tpu.vector_load %arg12[%get3A_589, %get3A_590] {strides = array<i32>} : memref<128x128xf32, #tpu.memory_space<vmem>>, vector<1x16xf32>,
      %get3A_592 = vector.shape_cast %get3A_591 : vector<1x16xf32> to vector<16xf32>
      %swap3A_593 = arith.index_cast %add3A_586 : i32 to index
      %swap3A_594 = arith.constant 112 : index
      %swap3A_595 = tpu.vector_load %arg10[%swap3A_593, %swap3A_594] {strides = array<i32>} : memref<128x128xf32, #tpu.memory_space<vmem>>, vector<1x16xf32>,
      %swap3A_596 = vector.shape_cast %swap3A_595 : vector<1x16xf32> to vector<16xf32>
      %swap3A_597 = vector.shape_cast %get3A_592 : vector<16xf32> to vector<1x16xf32>
      tpu.vector_store %arg10[%swap3A_593, %swap3A_594], %swap3A_597 {add = true, strides = array<i32>} : memref<128x128xf32, #tpu.memory_space<vmem>>, vector<1x16xf32>,
    }
    %scan3A_108 = arith.constant 16 : i32
    %add3A_109 = arith.constant 25472 : i32
    %add3A_110 = arith.addi %mul3A_2, %add3A_109 : i32
    %add3A_111 = arith.constant 64 : i32
    %add3A_112 = arith.addi %add3A_110, %add3A_111 : i32
    %dma_start3A_113 = arith.constant 64 : i32
    %dma_start3A_114 = arith.constant 0 : i32
    %dma_start3A_115 = tpu.memref_slice %arg10[%dma_start3A_113, %dma_start3A_114] : memref<128x128xf32, #tpu.memory_space<vmem>> -> memref<64x128xf32, #tpu.memory_space<vmem>>
    %dma_start3A_116 = arith.constant 0 : i32
    %dma_start3A_117 = tpu.memref_slice %arg6[%add3A_112, %dma_start3A_116] : memref<819200x128xf32, #tpu.memory_space<hbm>> -> memref<64x128xf32, #tpu.memory_space<hbm>>
    %dma_start3A_118 = arith.constant 0 : i32
    %dma_start3A_119 = tpu.memref_slice %arg6[%add3A_112, %dma_start3A_118] : memref<819200x128xf32, #tpu.memory_space<hbm>> -> memref<64x128xf32, #tpu.memory_space<hbm>>
    %dma_start3A_120 = arith.constant 64 : i32
    %dma_start3A_121 = arith.constant 0 : i32
    %dma_start3A_122 = tpu.memref_slice %arg10[%dma_start3A_120, %dma_start3A_121] : memref<128x128xf32, #tpu.memory_space<vmem>> -> memref<64x128xf32, #tpu.memory_space<vmem>>
    tpu.enqueue_dma source(%dma_start3A_122 : memref<64x128xf32, #tpu.memory_space<vmem>>) target(%dma_start3A_119 : memref<64x128xf32, #tpu.memory_space<hbm>>) target_semaphore(%arg19 : memref<!tpu.dma_semaphore, #tpu.memory_space<semaphore_mem>>)
    %add3A_123 = arith.constant 25344 : i32
    %add3A_124 = arith.addi %mul3A_2, %add3A_123 : i32
    %add3A_125 = arith.constant 0 : i32
    %add3A_126 = arith.addi %add3A_124, %add3A_125 : i32
    %dma_wait3A_127 = arith.constant 0 : i32
    %dma_wait3A_128 = arith.constant 0 : i32
    %dma_wait3A_129 = tpu.memref_slice %arg9[%dma_wait3A_127, %dma_wait3A_128] : memref<128x128xf32, #tpu.memory_space<vmem>> -> memref<64x128xf32, #tpu.memory_space<vmem>>
    %dma_wait3A_130 = arith.constant 0 : i32
    %dma_wait3A_131 = tpu.memref_slice %arg6[%add3A_126, %dma_wait3A_130] : memref<819200x128xf32, #tpu.memory_space<hbm>> -> memref<64x128xf32, #tpu.memory_space<hbm>>
    %dma_wait3A_132 = arith.constant 0 : i32
    %dma_wait3A_133 = tpu.memref_slice %arg6[%add3A_126, %dma_wait3A_132] : memref<819200x128xf32, #tpu.memory_space<hbm>> -> memref<64x128xf32, #tpu.memory_space<hbm>>
    %dma_wait3A_134 = arith.constant 0 : i32
    %dma_wait3A_135 = arith.constant 0 : i32
    %dma_wait3A_136 = tpu.memref_slice %arg9[%dma_wait3A_134, %dma_wait3A_135] : memref<128x128xf32, #tpu.memory_space<vmem>> -> memref<64x128xf32, #tpu.memory_space<vmem>>
    tpu.wait_dma2 semaphore(%arg18 : memref<!tpu.dma_semaphore, #tpu.memory_space<semaphore_mem>>) src(%dma_wait3A_136 : memref<64x128xf32, #tpu.memory_space<vmem>>) dst(%dma_wait3A_133 : memref<64x128xf32, #tpu.memory_space<hbm>>)
    %add3A_137 = arith.constant 25344 : i32
    %add3A_138 = arith.addi %mul3A_2, %add3A_137 : i32
    %add3A_139 = arith.constant 64 : i32
    %add3A_140 = arith.addi %add3A_138, %add3A_139 : i32
    %dma_wait3A_141 = arith.constant 64 : i32
    %dma_wait3A_142 = arith.constant 0 : i32
    %dma_wait3A_143 = tpu.memref_slice %arg9[%dma_wait3A_141, %dma_wait3A_142] : memref<128x128xf32, #tpu.memory_space<vmem>> -> memref<64x128xf32, #tpu.memory_space<vmem>>
    %dma_wait3A_144 = arith.constant 0 : i32
    %dma_wait3A_145 = tpu.memref_slice %arg6[%add3A_140, %dma_wait3A_144] : memref<819200x128xf32, #tpu.memory_space<hbm>> -> memref<64x128xf32, #tpu.memory_space<hbm>>
    %dma_wait3A_146 = arith.constant 0 : i32
    %dma_wait3A_147 = tpu.memref_slice %arg6[%add3A_140, %dma_wait3A_146] : memref<819200x128xf32, #tpu.memory_space<hbm>> -> memref<64x128xf32, #tpu.memory_space<hbm>>
    %dma_wait3A_148 = arith.constant 64 : i32
    %dma_wait3A_149 = arith.constant 0 : i32
    %dma_wait3A_150 = tpu.memref_slice %arg9[%dma_wait3A_148, %dma_wait3A_149] : memref<128x128xf32, #tpu.memory_space<vmem>> -> memref<64x128xf32, #tpu.memory_space<vmem>>
    tpu.wait_dma2 semaphore(%arg18 : memref<!tpu.dma_semaphore, #tpu.memory_space<semaphore_mem>>) src(%dma_wait3A_150 : memref<64x128xf32, #tpu.memory_space<vmem>>) dst(%dma_wait3A_147 : memref<64x128xf32, #tpu.memory_space<hbm>>)
    %add3A_151 = arith.constant 25472 : i32
    %add3A_152 = arith.addi %mul3A_2, %add3A_151 : i32
    %add3A_153 = arith.constant 0 : i32
    %add3A_154 = arith.addi %add3A_152, %add3A_153 : i32
    %dma_wait3A_155 = arith.constant 0 : i32
    %dma_wait3A_156 = arith.constant 0 : i32
    %dma_wait3A_157 = tpu.memref_slice %arg10[%dma_wait3A_155, %dma_wait3A_156] : memref<128x128xf32, #tpu.memory_space<vmem>> -> memref<64x128xf32, #tpu.memory_space<vmem>>
    %dma_wait3A_158 = arith.constant 0 : i32
    %dma_wait3A_159 = tpu.memref_slice %arg6[%add3A_154, %dma_wait3A_158] : memref<819200x128xf32, #tpu.memory_space<hbm>> -> memref<64x128xf32, #tpu.memory_space<hbm>>
    %dma_wait3A_160 = arith.constant 0 : i32
    %dma_wait3A_161 = tpu.memref_slice %arg6[%add3A_154, %dma_wait3A_160] : memref<819200x128xf32, #tpu.memory_space<hbm>> -> memref<64x128xf32, #tpu.memory_space<hbm>>
    %dma_wait3A_162 = arith.constant 0 : i32
    %dma_wait3A_163 = arith.constant 0 : i32
    %dma_wait3A_164 = tpu.memref_slice %arg10[%dma_wait3A_162, %dma_wait3A_163] : memref<128x128xf32, #tpu.memory_space<vmem>> -> memref<64x128xf32, #tpu.memory_space<vmem>>
    tpu.wait_dma2 semaphore(%arg19 : memref<!tpu.dma_semaphore, #tpu.memory_space<semaphore_mem>>) src(%dma_wait3A_164 : memref<64x128xf32, #tpu.memory_space<vmem>>) dst(%dma_wait3A_161 : memref<64x128xf32, #tpu.memory_space<hbm>>)
    %add3A_165 = arith.constant 25472 : i32
    %add3A_166 = arith.addi %mul3A_2, %add3A_165 : i32
    %add3A_167 = arith.constant 64 : i32
    %add3A_168 = arith.addi %add3A_166, %add3A_167 : i32
    %dma_wait3A_169 = arith.constant 64 : i32
    %dma_wait3A_170 = arith.constant 0 : i32
    %dma_wait3A_171 = tpu.memref_slice %arg10[%dma_wait3A_169, %dma_wait3A_170] : memref<128x128xf32, #tpu.memory_space<vmem>> -> memref<64x128xf32, #tpu.memory_space<vmem>>
    %dma_wait3A_172 = arith.constant 0 : i32
    %dma_wait3A_173 = tpu.memref_slice %arg6[%add3A_168, %dma_wait3A_172] : memref<819200x128xf32, #tpu.memory_space<hbm>> -> memref<64x128xf32, #tpu.memory_space<hbm>>
    %dma_wait3A_174 = arith.constant 0 : i32
    %dma_wait3A_175 = tpu.memref_slice %arg6[%add3A_168, %dma_wait3A_174] : memref<819200x128xf32, #tpu.memory_space<hbm>> -> memref<64x128xf32, #tpu.memory_space<hbm>>
    %dma_wait3A_176 = arith.constant 64 : i32
    %dma_wait3A_177 = arith.constant 0 : i32
    %dma_wait3A_178 = tpu.memref_slice %arg10[%dma_wait3A_176, %dma_wait3A_177] : memref<128x128xf32, #tpu.memory_space<vmem>> -> memref<64x128xf32, #tpu.memory_space<vmem>>
    tpu.wait_dma2 semaphore(%arg19 : memref<!tpu.dma_semaphore, #tpu.memory_space<semaphore_mem>>) src(%dma_wait3A_178 : memref<64x128xf32, #tpu.memory_space<vmem>>) dst(%dma_wait3A_175 : memref<64x128xf32, #tpu.memory_space<hbm>>)
    return
  }
}

</mosaic_0001>

<sc_bundles>
// kernel: kernel.3.cloned.1.call-start
scs
__scs_entry_jumppad:
0x0: {  	(pc) =	sbr.rel $0x88, $3  }
0x1: {  	(tag) =	ssettag $0x0;
	lr =	simm.s32 $0x1  }
0x2: {  	[smem:$0x3F9C] =	sst lr;
	_ =	strace $0xD0000000  }
0x3: {  	_ = 	snop  }
0x4: {  	_ = 	snop  }
0x5: {  	_ = 	snop  }
0x6: {  	_ = 	snop  }
0x7: {  	_ = 	snop  }
__scs_overlays_trampoline_lowered:
0x8: {  	[smem:$0x3FAB] =	sst s0  }
0x9: {  	[smem:$0x3FAC] =	sst s1  }
0xa: {  	[smem:$0x3FAD] =	sst s2  }
0xb: {  	[smem:$0x3FAE] =	sst s3  }
0xc: {  	[smem:$0x3FAF] =	sst s4  }
0xd: {  	[smem:$0x3FB0] =	sst s5  }
0xe: {  	[smem:$0x3FB1] =	sst s6  }
0xf: {  	[smem:$0x3FB2] =	sst s7  }
0x10: {  	[smem:$0x3FB3] =	sst s8  }
0x11: {  	[smem:$0x3FB4] =	sst s9;
	s0 =	simm.s32 @!p0 $0x0  }
0x12: {  	s1 =	sld [smem:$0x3F9A];
	s0 =	simm.s32 @p0 $0x1  }
0x13: {  	[smem:$0x3FB5] =	sst s0;
	s0 =	simm.s32 @!p1 $0x0  }
0x14: {  	s2 =	sld [smem:$0x3F99];
	s0 =	simm.s32 @p1 $0x1  }
0x15: {  	[smem:$0x3FB6] =	sst s0;
	s0 =	simm.s32 @!p2 $0x0  }
0x16: {  	s3 =	sld [smem:$0x3FDB];
	s0 =	simm.s32 @p2 $0x1  }
0x17: {  	s4 =	simm.s32 $0x1BF5;
	[smem:$0x3FB8] =	sst s0  }
0x18: {  	s0 =	sld [smem:$0x3F9B];
	_ =	swait.ge [sflag:s4], $0x0  }
0x19: {  	s7 =	sld [smem:$0x3F9C]  }
0x1a: {  	s8 =	sadd.s32 $0xFFFFE003, lr  }
0x1b: {  	s9 =	sadd.s32 $0xFFFFFEF7, lr;
	s5 =	simm.s32 $0xFFFFFFFF;
	p2 =	slt.u32 s8, $0xFFFFF086  }
0x1c: {  	p1 =	slt.u32 s9, $0xF7A;
	s5 =	simm.s32 @!p2 $0x0  }
0x1d: {  	s5 =	simm.s32 @p1 $0x1;
	p0 =	seq.s32 s7, s2  }
0x1e: {  	s7 =	smul.u32 @!p0 $0xF7A, s2;
	p2 =	seq.s32 @!p0 s5, $0x0  }
0x1f: {  	s9 =	smul.u32 $0xF7A, s1;
	s8 =	simm.s32 @!p0 $0x1BF5;
	p2 =	por !p2, p0  }
0x20: {  	[sflag:s8] =	ssyncset.s32 @!p0 $0xFFFFF086;
	s6 =	sadd.s32 @!p0 s3, s7;
	s7 =	simm.s32 @!p0 $0x108  }
0x21: {  	s3 =	sadd.s32 s3, s9;
	s6 =	sadd.s32 @!p0 $0x88, s6;
	s7 =	simm.s32 @p2 $0x1082  }
0x22: {  	[simem:s7], [sflag:s8] =	dma.local @!p0 [hbm:s6], $0xF7A  }
0x23: {  	s9 =	sor.u32 $0xD0000000, s2;
	s6 =	simm.s32 $0x108;
	_ =	swait.ge @!p0 [sflag:s8], $0x0  }
0x24: {  	s3 =	sadd.s32 $0x88, s3;
	s6 =	simm.s32 @!p1 $0x1082;
	[sflag:s4] =	ssyncset.s32 $0xFFFFF086  }
0x25: {  	[simem:s6], [sflag:s4] =	dma.local [hbm:s3], $0xF7A  }
0x26: {  	[smem:$0x3F9C] =	sst s1;
	(tag) =	ssettag s2;
	_ =	strace s9  }
0x27: {  	s1 =	sld [smem:$0x3FAC]  }
0x28: {  	s2 =	sld [smem:$0x3FAD]  }
0x29: {  	s4 =	sld [smem:$0x3FAF]  }
0x2a: {  	p0 =	seq.s32 s5, $0x0;
	s5 =	sld [smem:$0x3FB0]  }
0x2b: {  	s6 =	sld [smem:$0x3FB1]  }
0x2c: {  	s7 =	sld [smem:$0x3FB2]  }
0x2d: {  	s3 =	simm.s32 $0x108;
	s8 =	sld [smem:$0x3FB3]  }
0x2e: {  	s3 =	simm.s32 @!p0 $0x1082;
	s9 =	sld [smem:$0x3FB4]  }
0x2f: {  	lr =	sadd.s32 s0, s3;
	s0 =	sld [smem:$0x3FAB]  }
0x30: {  	s3 =	sld [smem:$0x3FAE]  }
0x31: {  	[smem:$0x3FB7] =	sst s10  }
0x32: {  	s10 =	sld [smem:$0x3FB5];
	_ =	sdelay $0x3  }
0x33: {  	p0 =	seq.s32 s10, $0x1;
	s10 =	sld [smem:$0x3FB7];
	_ =	sdelay $0x3  }
0x34: {  	[smem:$0x3FB7] =	sst s10  }
0x35: {  	s10 =	sld [smem:$0x3FB6];
	_ =	sdelay $0x3  }
0x36: {  	p1 =	seq.s32 s10, $0x1;
	s10 =	sld [smem:$0x3FB7];
	_ =	sdelay $0x3  }
0x37: {  	[smem:$0x3FB7] =	sst s10  }
0x38: {  	s10 =	sld [smem:$0x3FB8]  }
0x39: {  	_ = 	snop;
	(pc) =	sbr.ind lr, $3  }
0x3a: {  	_ = 	snop  }
0x3b: {  	_ = 	snop  }
0x3c: {  	p2 =	seq.s32 s10, $0x1;
	s10 =	sld [smem:$0x3FB7]  }
0x3d: {  	_ =	shalt  }
0x3e: {  	_ =	shalt  }
0x3f: {  	_ =	shalt  }
0x40: {  	_ =	shalt  }
0x41: {  	_ =	shalt  }
0x42: {  	_ =	shalt  }
0x43: {  	_ =	shalt  }
0x44: {  	_ =	shalt  }
0x45: {  	_ =	shalt  }
0x46: {  	_ =	shalt  }
0x47: {  	_ =	shalt  }
0x48: {  	_ =	shalt  }
0x49: {  	_ =	shalt  }
0x4a: {  	_ =	shalt  }
0x4b: {  	_ =	shalt  }
0x4c: {  	_ =	shalt  }
0x4d: {  	_ =	shalt  }
0x4e: {  	_ =	shalt  }
0x4f: {  	_ =	shalt  }
0x50: {  	_ =	shalt  }
0x51: {  	_ =	shalt  }
0x52: {  	_ =	shalt  }
0x53: {  	_ =	shalt  }
0x54: {  	_ =	shalt  }
0x55: {  	_ =	shalt  }
0x56: {  	_ =	shalt  }
0x57: {  	_ =	shalt  }
0x58: {  	_ =	shalt  }
0x59: {  	_ =	shalt  }
0x5a: {  	_ =	shalt  }
0x5b: {  	_ =	shalt  }
0x5c: {  	_ =	shalt  }
0x5d: {  	_ =	shalt  }
0x5e: {  	_ =	shalt  }
0x5f: {  	_ =	shalt  }
0x60: {  	_ =	shalt  }
0x61: {  	_ =	shalt  }
0x62: {  	_ =	shalt  }
0x63: {  	_ =	shalt  }
0x64: {  	_ =	shalt  }
0x65: {  	_ =	shalt  }
0x66: {  	_ =	shalt  }
0x67: {  	_ =	shalt  }
0x68: {  	_ =	shalt  }
0x69: {  	_ =	shalt  }
0x6a: {  	_ =	shalt  }
0x6b: {  	_ =	shalt  }
0x6c: {  	_ =	shalt  }
0x6d: {  	_ =	shalt  }
0x6e: {  	_ =	shalt  }
0x6f: {  	_ =	shalt  }
0x70: {  	_ =	shalt  }
0x71: {  	_ =	shalt  }
0x72: {  	_ =	shalt  }
0x73: {  	_ =	shalt  }
0x74: {  	_ =	shalt  }
0x75: {  	_ =	shalt  }
0x76: {  	_ =	shalt  }
0x77: {  	_ =	shalt  }
0x78: {  	_ =	shalt  }
0x79: {  	_ =	shalt  }
0x7a: {  	_ =	shalt  }
0x7b: {  	_ =	shalt  }
0x7c: {  	_ =	shalt  }
0x7d: {  	_ =	shalt  }
0x7e: {  	_ =	shalt  }
0x7f: {  	_ =	shalt  }
0x80: {  	_ =	shalt  }
0x81: {  	_ =	shalt  }
0x82: {  	_ =	shalt  }
0x83: {  	_ =	shalt  }
0x84: {  	_ =	shalt  }
0x85: {  	_ =	shalt  }
0x86: {  	_ =	shalt  }
0x87: {  	_ =	shalt  }
.Lfunc_end0:
.L_simem_size_0:
called_computation_lowered:
.L_overlay_start_0:
0x88: {  	s2 =	sld [smem:$0x3FD9]  }
0x89: {  	s3 =	sld [smem:$0x3FFE];
	_ =	sdelay $0x1  }
0x8a: {  	s1 =	srdreg.scid  }
0x8b: {  	s0 =	sand.u32 $0x1, s1  }
0x8c: {  	s17 =	sshll.u32 s0, $0xA;
	s2 =	sadd.s32 s3, s2  }
0x8d: {  	s2 =	sadd.s32 s2, s17  }
0x8e: {  	[smem:$0x3FC3] =	sst s2  }
0x8f: {  	_ = 	snop  }
0x90: {  	s2 =	sld [smem:$0x3FC7]  }
0x91: {  	s18 =	sld [smem:$0x3FD0];
	(tm) =	ssettm $0x1  }
0x92: {  	s4 =	sld [smem:$0x3FFB];
	_ =	sdelay $0x3  }
0x93: {  	_ =	strace s4  }
0x94: {  	s4 =	sld [smem:$0x3FFC];
	_ =	sdelay $0x3  }
0x95: {  	_ =	strace s4  }
0x96: {  	s4 =	sld [smem:$0x3FFD];
	_ =	sdelay $0x3  }
0x97: {  	_ =	strace s4  }
0x98: {  	_ =	strace $0x8FFFFFFF  }
0x99: {  	s19 =	sld [smem:$0x3FDB];
	_ =	sdelay $0x1  }
0x9a: {  	s5 =	simm.s32 $_scs_section_size  }
0x9b: {  	s6 =	simm.s32 $_size__tile_overlayer_lowered;
	s7 =	simm.s32 $_tile_overlayer_lowered  }
0x9c: {  	s22 =	simm.s32 $0x1BFF;
	s21 =	sshll.u32 s7, $0x1;
	s4 =	sadd.s32 s5, s19  }
0x9d: {  	s8 =	simm.s32 $0x0;
	s20 =	sshll.u32 s6, $0x1;
	s6 =	sadd.s32 s21, s4  }
0x9e: {  	[timem:s8], [sflag:s22] =	dma.local [hbm:s6], s20  }
0x9f: {  	_ =	swait.ge [sflag:s22], s20  }
0xa0: {  	s5 =	ssub.s32 $0x0, s20;
	[sflag:s22] =	ssyncset.done $0x0  }
0xa1: {  	[sflag:s22] =	ssyncadd.s32 s5;
	_ =	sdelay $0x1  }
0xa2: {  	s23 =	simm.s32 $0x1B8B  }
0xa3: {  	_ =	swait.ge [sflag:s23], $0x1  }
0xa4: {  	[sflag:s23] =	ssyncset.done $0x0  }
0xa5: {  	s25 =	simm.s32 $0x1B8E;
	s24 =	sld [smem:$0x3FFE];
	[sflag:s23] =	ssyncadd.s32 $0xFFFFFFFF  }
0xa6: {  	s26 =	simm.s32 $execute0_lowered;
	[smem:$0x3FD2] =	sst s25  }
0xa7: {  	s6 =	sshll.u32 s26, $0x1;
	_ =	strace $0x80000046;
	[dreg:$0x1] =	wrdreg $0xFFFFFFFF  }
0xa8: {  	s28 =	simm.s32 $_size_execute0_lowered;
	s4 =	sadd.s32 s4, s6;
	[dreg:$0x0] =	wrdreg $0x0  }
0xa9: {  	s6 =	sshll.u32 s28, $0x1;
	[dreg:$0x2] =	wrdreg s4  }
0xaa: {  	[dreg:$0x3] =	wrdreg s6  }
0xab: {  	[dreg:$0x4] =	wrdreg $0xC0  }
0xac: {  	_ =	task [dreg:s8], $0x5FFFF  }
0xad: {  	[dreg:$0x1] =	wrdreg $0xFFFFFFFF  }
0xae: {  	[dreg:$0x0] =	wrdreg $0x60  }
0xaf: {  	[dreg:$0x2] =	wrdreg s24  }
0xb0: {  	[dreg:$0x3] =	wrdreg s2  }
0xb1: {  	[dreg:$0x4] =	wrdreg s18  }
0xb2: {  	[dreg:$0x5] =	wrdreg $0x1C8000  }
0xb3: {  	[dreg:$0x6] =	wrdreg $0x9  }
0xb4: {  	_ =	task.clear_ibuf [dreg:s8], $0x7FFFF;
	_ =	strace $0x90000046  }
0xb5: {  	s29 =	simm.s32 $0x9;
	_ =	strace $0x80000048  }
0xb6: {  	_ =	swait.ge [sflag:s29], $0x1  }
0xb7: {  	[sflag:s29] =	ssyncadd.s32 $0xFFFFFFFF  }
0xb8: {  	_ =	strace $0x90000048  }
0xb9: {  	_ =	sfence  }
0xba: {  	s30 =	sld [smem:$0x0];
	_ =	sdelay $0x2  }
0xbb: {  	s31 =	sshll.u32 s1, $0xD;
	s1 =	sshrl.u32 s1, $0x2  }
0xbc: {  	s3 =	sand.u32 $0x4000, s31;
	s1 =	sadd.s32 s1, s30  }
0xbd: {  	s0 =	sor.u32 s3, s0;
	s1 =	sshll.u32 s1, $0x11  }
0xbe: {  	s0 =	sor.u32 s1, s0  }
0xbf: {  	s0 =	sadd.s32 $0x8F2B, s0  }
0xc0: {  	[sflag:s0] =	ssyncadd.remote.s32 $0x1  }
0xc1: {  	_ =	sfence.sel $0xFFFF  }
0xc2: {  	[dreg:$0x0] =	wrdreg $0xFFFFFFFF;
	(pc) =	sbr.abs _section_cstart, $3  }
0xc3: {  	[dreg:$0x1] =	wrdreg $0xFFFFFFFF  }
0xc4: {  	_ =	task.clear_ibuf [dreg:s8], $0x2FFFF;
	_ =	strace $0x9FFFFFFF  }
0xc5: {  	(tm) =	ssettm $0x7FFFFFFF  }
tec
execute0_lowered:
.L_overlay_start_1:
0x0: {  	(tag) =	ssettag $0x1  }
0x1: {  	s1 =	rddreg [dreg:$0x0]  }
0x2: {  	s0 =	rddreg [dreg:$0x1]  }
0x3: {  	s3 =	srdreg.scid;
	s6 =	stileid.u32  }
0x4: {  	s2 =	rddreg [dreg:$0x2];
	s17 =	simm.s32 $0x7;
	s19 =	simm.s32 $0x80  }
0x5: {  	s28 =	simm.s32 $0xE800;
	s29 =	simm.s32 $0x2;
	s30 =	simm.s32 $0x4  }
0x6: {  	s31 =	simm.s32 $0x5;
	s7 =	sand.u32 $0x1, s3;
	s4 =	sshll.u32 s6, $0x1  }
0x7: {  	s18 =	simm.s32 $0x0;
	s3 =	rddreg [dreg:$0x3];
	s8 =	sor.u32 s7, s4  }
0x8: {  	p0 =	sne.s32 s6, $0x0;
	s4 =	simm.s32 $0x0;
	s5 =	smul.u32 $0x6400, s8  }
0x9: {  	s7 =	ssub.s32 $0x2, s7;
	s16 =	sshrl.u32 @!p0 s3, $0x3;
	s11 =	smul.u32 $0x320000, s8  }
0xa: {  	[smem:$0x7FF] =	sst s4;
	s10 =	sshrl.u32 s7, $0x1;
	s21 =	smul.u32 $0x64000, s8  }
0xb: {  	_ =	strace $0x80000047;
	s20 =	ssub.s32 s7, s10;
	s10 =	sadd.s32 $0x400, s2  }
0xc: {  	s9 =	sshrl.u32 s5, $0x3;
	s24 =	sshrl.u32 s11, $0x3;
	s25 =	sadd.s32 s2, s21  }
0xd: {  	s7 =	sadd.s32 s21, s10;
	s12 =	sor.u32 $0x80, s5;
	s15 =	smax.u32 s20, $0x1  }
0xe: {  	s20 =	simm.s32 $0xC800;
	s21 =	simm.s32 $0x14800;
	[dreg:$0x8] =	wrdreg s25  }
0xf: {  	s9 =	sadd.s32 s9, s1;
	s1 =	sadd.s32 $0x600, s1;
	[dreg:$0x9] =	wrdreg s7  }
0x10: {  	s8 =	sadd.s32 s2, s24;
	[dreg:$0x5] =	wrdreg s1;
	s22 =	sadd.s32 $0x1BC00, s9  }
0x11: {  	s24 =	simm.s32 $0x18800;
	s23 =	sadd.s32 $0x2C00, s9;
	[dreg:$0x6] =	wrdreg s22  }
0x12: {  	s25 =	simm.s32 $0x1;
	s26 =	sadd.s32 $0x63800, s8;
	[dreg:$0x7] =	wrdreg s23  }
0x13: {  	s14 =	sadd.s32 $0x63C00, s8;
	s1 =	simm.s32 $0x12800;
	[dreg:$0xa] =	wrdreg s26  }
0x14: {  	s22 =	simm.s32 $0x10800;
	s26 =	simm.s32 $0x3;
	s23 =	simm.s32 $0x6  }
.LBB2_1:
0x15: {  	s6 =	simm.s32 @!p0 $0x1C07;
	s7 =	rddreg [dreg:$0x5]  }
0x16: {  	[spmem:s16], [sflag:s6] =	dma.local @!p0 [hbm:s7], $0x2580  }
0x17: {  	s6 =	simm.s32 @!p0 $0x7  }
0x18: {  	_ =	swait.ge @!p0 [sflag:s6], $0x2580  }
0x19: {  	[sflag:s6] =	ssyncset.done @!p0 $0x0  }
0x1a: {  	[sflag:s6] =	ssyncadd.s32 @!p0 $0xFFFFDA80  }
0x1b: {  	[bflag:$0x0] =	sbarrier.arrive $0xFFFF  }
0x1c: {  	s8 =	rddreg [dreg:$0x6]  }
0x1d: {  	[tilespmem:s4], [sflag:$0x7] =	stream.linear.gather [hbm4b:s8+s4], $0x6400, $0x38;
	[tilespmem:$0x1DAC0] =	vst v63  }
0x1e: {  	_ =	swait.ge [sflag:s17], $0x6400  }
0x1f: {  	[sflag:s17] =	ssyncset.done $0x0  }
0x20: {  	s11 =	simm.s32 $0x6400;
	s9 =	rddreg [dreg:$0x7];
	[sflag:s17] =	ssyncadd.s32 $0xFFFF9C00  }
0x21: {  	[tilespmem:s11], [sflag:$0x7] =	stream.linear.gather [hbm4b:s9+s4], $0x6400, $0x38;
	[tilespmem:$0x1DAC0] =	vst v63  }
0x22: {  	_ =	swait.ge [sflag:s17], $0x6400  }
0x23: {  	[sflag:s17] =	ssyncset.done $0x0  }
0x24: {  	[sflag:s17] =	ssyncadd.s32 $0xFFFF9C00  }
0x25: {  	[tilespmem:s20], [sflag:$0x1] =	stream.indirect.gather [hbm4b:s0+s19], $0x80, s4, s19, $0xb8;
	[tilespmem:$0x1DAC0] =	vst v63  }
0x26: {  	_ = 	snop  }
0x27: {  	[tilespmem:s21], [sflag:$0x3] =	stream.indirect.gather [spmem:s3], $0x80, s11, s19, $0xb8;
	[tilespmem:$0x1DAC0] =	vst v63  }
0x28: {  	_ = 	snop  }
0x29: {  	[tilespmem:s22], [sflag:$0x2] =	stream.indirect.gather [hbm4b:s0+s19], $0x80, s19, s19, $0xb8;
	[tilespmem:$0x1DAC0] =	vst v63  }
0x2a: {  	s13 =	simm.s32 $0x6480  }
0x2b: {  	[tilespmem:s24], [sflag:$0x4] =	stream.indirect.gather [spmem:s3], $0x80, s13, s19, $0xb8;
	[tilespmem:$0x1DAC0] =	vst v63  }
0x2c: {  	_ =	swait.ge [sflag:s25], $0x4000  }
0x2d: {  	[sflag:s25] =	ssyncset.done $0x0  }
0x2e: {  	[sflag:s25] =	ssyncadd.s32 $0xFFFFC000  }
0x2f: {  	_ =	swait.ge [sflag:s26], $0x4000  }
0x30: {  	[sflag:s26] =	ssyncset.done $0x0  }
0x31: {  	s7 =	simm.s32 $0x800;
	s6 =	simm.s32 $0x0;
	[sflag:s26] =	ssyncadd.s32 $0xFFFFC000  }
.LBB2_2:
0x32: {  	p1 =	sne.s32 s7, $0x7800;
	v0 =	vld [tilespmem:s6+$0x149F0]  }
0x33: {  	v1 =	vld [tilespmem:s6+$0x14800]  }
0x34: {  	v2 =	vld [tilespmem:s6+$0x14810]  }
0x35: {  	v3 =	vld [tilespmem:s6+$0x14820]  }
0x36: {  	v4 =	vld [tilespmem:s6+$0x14830]  }
0x37: {  	[tilespmem:s6+$0xC9F0] =	vst.add.f32.msk $0xffff, v0  }
0x38: {  	v0 =	vld [tilespmem:s6+$0x14840]  }
0x39: {  	v5 =	vld [tilespmem:s6+$0x14850]  }
0x3a: {  	v6 =	vld [tilespmem:s6+$0x14860]  }
0x3b: {  	v7 =	vld [tilespmem:s6+$0x14870]  }
0x3c: {  	v8 =	vld [tilespmem:s6+$0x14880]  }
0x3d: {  	v9 =	vld [tilespmem:s6+$0x14890]  }
0x3e: {  	v10 =	vld [tilespmem:s6+$0x148A0]  }
0x3f: {  	v11 =	vld [tilespmem:s6+$0x148B0]  }
0x40: {  	v12 =	vld [tilespmem:s6+$0x148C0]  }
0x41: {  	v13 =	vld [tilespmem:s6+$0x148D0]  }
0x42: {  	v14 =	vld [tilespmem:s6+$0x148E0]  }
0x43: {  	v15 =	vld [tilespmem:s6+$0x148F0]  }
0x44: {  	v16 =	vld [tilespmem:s6+$0x14900]  }
0x45: {  	v17 =	vld [tilespmem:s6+$0x14910]  }
0x46: {  	v18 =	vld [tilespmem:s6+$0x14920]  }
0x47: {  	v19 =	vld [tilespmem:s6+$0x14930]  }
0x48: {  	v20 =	vld [tilespmem:s6+$0x14940]  }
0x49: {  	v21 =	vld [tilespmem:s6+$0x14950]  }
0x4a: {  	v22 =	vld [tilespmem:s6+$0x14960]  }
0x4b: {  	v23 =	vld [tilespmem:s6+$0x14970]  }
0x4c: {  	v24 =	vld [tilespmem:s6+$0x14980]  }
0x4d: {  	v25 =	vld [tilespmem:s6+$0x14990]  }
0x4e: {  	v26 =	vld [tilespmem:s6+$0x149A0]  }
0x4f: {  	v27 =	vld [tilespmem:s6+$0x149B0]  }
0x50: {  	v28 =	vld [tilespmem:s6+$0x149C0]  }
0x51: {  	v29 =	vld [tilespmem:s6+$0x149D0]  }
0x52: {  	v30 =	vld [tilespmem:s6+$0x149E0]  }
0x53: {  	[tilespmem:s6+$0xC800] =	vst.add.f32.msk $0xffff, v1  }
0x54: {  	[tilespmem:s6+$0xC810] =	vst.add.f32.msk $0xffff, v2  }
0x55: {  	[tilespmem:s6+$0xC820] =	vst.add.f32.msk $0xffff, v3  }
0x56: {  	[tilespmem:s6+$0xC830] =	vst.add.f32.msk $0xffff, v4  }
0x57: {  	[tilespmem:s6+$0xC840] =	vst.add.f32.msk $0xffff, v0  }
0x58: {  	[tilespmem:s6+$0xC850] =	vst.add.f32.msk $0xffff, v5  }
0x59: {  	[tilespmem:s6+$0xC860] =	vst.add.f32.msk $0xffff, v6  }
0x5a: {  	[tilespmem:s6+$0xC870] =	vst.add.f32.msk $0xffff, v7  }
0x5b: {  	[tilespmem:s6+$0xC880] =	vst.add.f32.msk $0xffff, v8  }
0x5c: {  	[tilespmem:s6+$0xC890] =	vst.add.f32.msk $0xffff, v9  }
0x5d: {  	[tilespmem:s6+$0xC8A0] =	vst.add.f32.msk $0xffff, v10  }
0x5e: {  	[tilespmem:s6+$0xC8B0] =	vst.add.f32.msk $0xffff, v11  }
0x5f: {  	[tilespmem:s6+$0xC8C0] =	vst.add.f32.msk $0xffff, v12  }
0x60: {  	[tilespmem:s6+$0xC8D0] =	vst.add.f32.msk $0xffff, v13  }
0x61: {  	[tilespmem:s6+$0xC8E0] =	vst.add.f32.msk $0xffff, v14  }
0x62: {  	[tilespmem:s6+$0xC8F0] =	vst.add.f32.msk $0xffff, v15  }
0x63: {  	[tilespmem:s6+$0xC900] =	vst.add.f32.msk $0xffff, v16  }
0x64: {  	[tilespmem:s6+$0xC910] =	vst.add.f32.msk $0xffff, v17  }
0x65: {  	[tilespmem:s6+$0xC920] =	vst.add.f32.msk $0xffff, v18  }
0x66: {  	[tilespmem:s6+$0xC930] =	vst.add.f32.msk $0xffff, v19  }
0x67: {  	[tilespmem:s6+$0xC940] =	vst.add.f32.msk $0xffff, v20  }
0x68: {  	[tilespmem:s6+$0xC950] =	vst.add.f32.msk $0xffff, v21  }
0x69: {  	[tilespmem:s6+$0xC960] =	vst.add.f32.msk $0xffff, v22  }
0x6a: {  	[tilespmem:s6+$0xC970] =	vst.add.f32.msk $0xffff, v23  }
0x6b: {  	[tilespmem:s6+$0xC980] =	vst.add.f32.msk $0xffff, v24  }
0x6c: {  	[tilespmem:s6+$0xC990] =	vst.add.f32.msk $0xffff, v25  }
.Ltmp0:
0x6d: {  	[tilespmem:s6+$0xC9A0] =	vst.add.f32.msk $0xffff, v26;
	(pc) =	sbr.rel @p1 .LBB2_2-.Ltmp0, $4  }
0x6e: {  	[tilespmem:s6+$0xC9B0] =	vst.add.f32.msk $0xffff, v27  }
0x6f: {  	[tilespmem:s6+$0xC9C0] =	vst.add.f32.msk $0xffff, v28  }
0x70: {  	[tilespmem:s6+$0xC9D0] =	vst.add.f32.msk $0xffff, v29  }
0x71: {  	[tilespmem:s6+$0xC9E0] =	vst.add.f32.msk $0xffff, v30;
	s6 =	sshra.s32 s7, $0x2;
	s7 =	sadd.s32 $0x800, s7  }
0x72: {  	v0 =	vld [tilespmem:s6+$0x149F0]  }
0x73: {  	v1 =	vld [tilespmem:s6+$0x14800]  }
0x74: {  	v2 =	vld [tilespmem:s6+$0x14810]  }
0x75: {  	v3 =	vld [tilespmem:s6+$0x14820]  }
0x76: {  	v4 =	vld [tilespmem:s6+$0x14830]  }
0x77: {  	v63 =	vld [tilespmem:s6+$0x14840]  }
0x78: {  	v5 =	vld [tilespmem:s6+$0x14850]  }
0x79: {  	v6 =	vld [tilespmem:s6+$0x14860]  }
0x7a: {  	v7 =	vld [tilespmem:s6+$0x14870]  }
0x7b: {  	v8 =	vld [tilespmem:s6+$0x14880]  }
0x7c: {  	v9 =	vld [tilespmem:s6+$0x14890]  }
0x7d: {  	v10 =	vld [tilespmem:s6+$0x148A0]  }
0x7e: {  	v11 =	vld [tilespmem:s6+$0x148B0]  }
0x7f: {  	v12 =	vld [tilespmem:s6+$0x148C0]  }
0x80: {  	v13 =	vld [tilespmem:s6+$0x148D0]  }
0x81: {  	v14 =	vld [tilespmem:s6+$0x148E0]  }
0x82: {  	v15 =	vld [tilespmem:s6+$0x148F0]  }
0x83: {  	v16 =	vld [tilespmem:s6+$0x14900]  }
0x84: {  	v17 =	vld [tilespmem:s6+$0x14910]  }
0x85: {  	v18 =	vld [tilespmem:s6+$0x14920]  }
0x86: {  	v19 =	vld [tilespmem:s6+$0x14930]  }
0x87: {  	v20 =	vld [tilespmem:s6+$0x14940]  }
0x88: {  	v21 =	vld [tilespmem:s6+$0x14950]  }
0x89: {  	v22 =	vld [tilespmem:s6+$0x14960]  }
0x8a: {  	v23 =	vld [tilespmem:s6+$0x14970]  }
0x8b: {  	v24 =	vld [tilespmem:s6+$0x14980]  }
0x8c: {  	v25 =	vld [tilespmem:s6+$0x14990]  }
0x8d: {  	v26 =	vld [tilespmem:s6+$0x149A0]  }
0x8e: {  	v27 =	vld [tilespmem:s6+$0x149B0]  }
0x8f: {  	v28 =	vld [tilespmem:s6+$0x149C0]  }
0x90: {  	v29 =	vld [tilespmem:s6+$0x149D0]  }
0x91: {  	v30 =	vld [tilespmem:s6+$0x149E0]  }
0x92: {  	[tilespmem:s6+$0xC9F0] =	vst.add.f32.msk $0xffff, v0  }
0x93: {  	[tilespmem:s6+$0xC800] =	vst.add.f32.msk $0xffff, v1  }
0x94: {  	[tilespmem:s6+$0xC810] =	vst.add.f32.msk $0xffff, v2  }
0x95: {  	[tilespmem:s6+$0xC820] =	vst.add.f32.msk $0xffff, v3  }
0x96: {  	[tilespmem:s6+$0xC830] =	vst.add.f32.msk $0xffff, v4  }
0x97: {  	[tilespmem:s6+$0xC840] =	vst.add.f32.msk $0xffff, v63  }
0x98: {  	[tilespmem:s6+$0xC850] =	vst.add.f32.msk $0xffff, v5  }
0x99: {  	[tilespmem:s6+$0xC860] =	vst.add.f32.msk $0xffff, v6  }
0x9a: {  	[tilespmem:s6+$0xC870] =	vst.add.f32.msk $0xffff, v7  }
0x9b: {  	[tilespmem:s6+$0xC880] =	vst.add.f32.msk $0xffff, v8  }
0x9c: {  	[tilespmem:s6+$0xC890] =	vst.add.f32.msk $0xffff, v9  }
0x9d: {  	[tilespmem:s6+$0xC8A0] =	vst.add.f32.msk $0xffff, v10  }
0x9e: {  	[tilespmem:s6+$0xC8B0] =	vst.add.f32.msk $0xffff, v11  }
0x9f: {  	[tilespmem:s6+$0xC8C0] =	vst.add.f32.msk $0xffff, v12  }
0xa0: {  	[tilespmem:s6+$0xC8D0] =	vst.add.f32.msk $0xffff, v13  }
0xa1: {  	[tilespmem:s6+$0xC8E0] =	vst.add.f32.msk $0xffff, v14  }
0xa2: {  	[tilespmem:s6+$0xC8F0] =	vst.add.f32.msk $0xffff, v15  }
0xa3: {  	[tilespmem:s6+$0xC900] =	vst.add.f32.msk $0xffff, v16  }
0xa4: {  	[tilespmem:s6+$0xC910] =	vst.add.f32.msk $0xffff, v17  }
0xa5: {  	[tilespmem:s6+$0xC920] =	vst.add.f32.msk $0xffff, v18  }
0xa6: {  	[tilespmem:s6+$0xC930] =	vst.add.f32.msk $0xffff, v19  }
0xa7: {  	[tilespmem:s6+$0xC940] =	vst.add.f32.msk $0xffff, v20  }
0xa8: {  	[tilespmem:s6+$0xC950] =	vst.add.f32.msk $0xffff, v21  }
0xa9: {  	[tilespmem:s6+$0xC960] =	vst.add.f32.msk $0xffff, v22  }
0xaa: {  	[tilespmem:s6+$0xC970] =	vst.add.f32.msk $0xffff, v23  }
0xab: {  	[tilespmem:s6+$0xC980] =	vst.add.f32.msk $0xffff, v24  }
0xac: {  	[tilespmem:s6+$0xC990] =	vst.add.f32.msk $0xffff, v25  }
0xad: {  	[tilespmem:s6+$0xC9A0] =	vst.add.f32.msk $0xffff, v26  }
0xae: {  	[tilespmem:s6+$0xC9B0] =	vst.add.f32.msk $0xffff, v27  }
0xaf: {  	[tilespmem:s6+$0xC9C0] =	vst.add.f32.msk $0xffff, v28  }
0xb0: {  	[tilespmem:s6+$0xC9D0] =	vst.add.f32.msk $0xffff, v29  }
0xb1: {  	s13 =	simm.s32 $0x0;
	s7 =	rddreg [dreg:$0x8];
	[tilespmem:s6+$0xC9E0] =	vst.add.f32.msk $0xffff, v30  }
0xb2: {  	[hbm4b:s7+s13] =	stream.linear.scatter [tilespmem:s20], [sflag:$0x5], $0x2000, $0x38;
	[tilespmem:$0x1DAC0] =	vst v63  }
0xb3: {  	s6 =	simm.s32 $0x0;
	s7 =	simm.s32 $0x800  }
.LBB2_4:
0xb4: {  	p1 =	sne.s32 s7, $0x7800;
	v0 =	vld [tilespmem:s6+$0x169F0]  }
0xb5: {  	v1 =	vld [tilespmem:s6+$0x16800]  }
0xb6: {  	v2 =	vld [tilespmem:s6+$0x16810]  }
0xb7: {  	v3 =	vld [tilespmem:s6+$0x16820]  }
0xb8: {  	v4 =	vld [tilespmem:s6+$0x16830]  }
0xb9: {  	[tilespmem:s6+$0xE9F0] =	vst.add.f32.msk $0xffff, v0  }
0xba: {  	v0 =	vld [tilespmem:s6+$0x16840]  }
0xbb: {  	v5 =	vld [tilespmem:s6+$0x16850]  }
0xbc: {  	v6 =	vld [tilespmem:s6+$0x16860]  }
0xbd: {  	v7 =	vld [tilespmem:s6+$0x16870]  }
0xbe: {  	v8 =	vld [tilespmem:s6+$0x16880]  }
0xbf: {  	v9 =	vld [tilespmem:s6+$0x16890]  }
0xc0: {  	v10 =	vld [tilespmem:s6+$0x168A0]  }
0xc1: {  	v11 =	vld [tilespmem:s6+$0x168B0]  }
0xc2: {  	v12 =	vld [tilespmem:s6+$0x168C0]  }
0xc3: {  	v13 =	vld [tilespmem:s6+$0x168D0]  }
0xc4: {  	v14 =	vld [tilespmem:s6+$0x168E0]  }
0xc5: {  	v15 =	vld [tilespmem:s6+$0x168F0]  }
0xc6: {  	v16 =	vld [tilespmem:s6+$0x16900]  }
0xc7: {  	v17 =	vld [tilespmem:s6+$0x16910]  }
0xc8: {  	v18 =	vld [tilespmem:s6+$0x16920]  }
0xc9: {  	v19 =	vld [tilespmem:s6+$0x16930]  }
0xca: {  	v20 =	vld [tilespmem:s6+$0x16940]  }
0xcb: {  	v21 =	vld [tilespmem:s6+$0x16950]  }
0xcc: {  	v22 =	vld [tilespmem:s6+$0x16960]  }
0xcd: {  	v23 =	vld [tilespmem:s6+$0x16970]  }
0xce: {  	v24 =	vld [tilespmem:s6+$0x16980]  }
0xcf: {  	v25 =	vld [tilespmem:s6+$0x16990]  }
0xd0: {  	v26 =	vld [tilespmem:s6+$0x169A0]  }
0xd1: {  	v27 =	vld [tilespmem:s6+$0x169B0]  }
0xd2: {  	v28 =	vld [tilespmem:s6+$0x169C0]  }
0xd3: {  	v29 =	vld [tilespmem:s6+$0x169D0]  }
0xd4: {  	v30 =	vld [tilespmem:s6+$0x169E0]  }
0xd5: {  	[tilespmem:s6+$0xE800] =	vst.add.f32.msk $0xffff, v1  }
0xd6: {  	[tilespmem:s6+$0xE810] =	vst.add.f32.msk $0xffff, v2  }
0xd7: {  	[tilespmem:s6+$0xE820] =	vst.add.f32.msk $0xffff, v3  }
0xd8: {  	[tilespmem:s6+$0xE830] =	vst.add.f32.msk $0xffff, v4  }
0xd9: {  	[tilespmem:s6+$0xE840] =	vst.add.f32.msk $0xffff, v0  }
0xda: {  	[tilespmem:s6+$0xE850] =	vst.add.f32.msk $0xffff, v5  }
0xdb: {  	[tilespmem:s6+$0xE860] =	vst.add.f32.msk $0xffff, v6  }
0xdc: {  	[tilespmem:s6+$0xE870] =	vst.add.f32.msk $0xffff, v7  }
0xdd: {  	[tilespmem:s6+$0xE880] =	vst.add.f32.msk $0xffff, v8  }
0xde: {  	[tilespmem:s6+$0xE890] =	vst.add.f32.msk $0xffff, v9  }
0xdf: {  	[tilespmem:s6+$0xE8A0] =	vst.add.f32.msk $0xffff, v10  }
0xe0: {  	[tilespmem:s6+$0xE8B0] =	vst.add.f32.msk $0xffff, v11  }
0xe1: {  	[tilespmem:s6+$0xE8C0] =	vst.add.f32.msk $0xffff, v12  }
0xe2: {  	[tilespmem:s6+$0xE8D0] =	vst.add.f32.msk $0xffff, v13  }
0xe3: {  	[tilespmem:s6+$0xE8E0] =	vst.add.f32.msk $0xffff, v14  }
0xe4: {  	[tilespmem:s6+$0xE8F0] =	vst.add.f32.msk $0xffff, v15  }
0xe5: {  	[tilespmem:s6+$0xE900] =	vst.add.f32.msk $0xffff, v16  }
0xe6: {  	[tilespmem:s6+$0xE910] =	vst.add.f32.msk $0xffff, v17  }
0xe7: {  	[tilespmem:s6+$0xE920] =	vst.add.f32.msk $0xffff, v18  }
0xe8: {  	[tilespmem:s6+$0xE930] =	vst.add.f32.msk $0xffff, v19  }
0xe9: {  	[tilespmem:s6+$0xE940] =	vst.add.f32.msk $0xffff, v20  }
0xea: {  	[tilespmem:s6+$0xE950] =	vst.add.f32.msk $0xffff, v21  }
0xeb: {  	[tilespmem:s6+$0xE960] =	vst.add.f32.msk $0xffff, v22  }
0xec: {  	[tilespmem:s6+$0xE970] =	vst.add.f32.msk $0xffff, v23  }
0xed: {  	[tilespmem:s6+$0xE980] =	vst.add.f32.msk $0xffff, v24  }
0xee: {  	[tilespmem:s6+$0xE990] =	vst.add.f32.msk $0xffff, v25  }
.Ltmp1:
0xef: {  	[tilespmem:s6+$0xE9A0] =	vst.add.f32.msk $0xffff, v26;
	(pc) =	sbr.rel @p1 .LBB2_4-.Ltmp1, $4  }
0xf0: {  	[tilespmem:s6+$0xE9B0] =	vst.add.f32.msk $0xffff, v27  }
0xf1: {  	[tilespmem:s6+$0xE9C0] =	vst.add.f32.msk $0xffff, v28  }
0xf2: {  	[tilespmem:s6+$0xE9D0] =	vst.add.f32.msk $0xffff, v29  }
0xf3: {  	[tilespmem:s6+$0xE9E0] =	vst.add.f32.msk $0xffff, v30;
	s6 =	sshra.s32 s7, $0x2;
	s7 =	sadd.s32 $0x800, s7  }
0xf4: {  	v0 =	vld [tilespmem:s6+$0x169F0]  }
0xf5: {  	v1 =	vld [tilespmem:s6+$0x16800]  }
0xf6: {  	v2 =	vld [tilespmem:s6+$0x16810]  }
0xf7: {  	v3 =	vld [tilespmem:s6+$0x16820]  }
0xf8: {  	v4 =	vld [tilespmem:s6+$0x16830]  }
0xf9: {  	v63 =	vld [tilespmem:s6+$0x16840]  }
0xfa: {  	v5 =	vld [tilespmem:s6+$0x16850]  }
0xfb: {  	v6 =	vld [tilespmem:s6+$0x16860]  }
0xfc: {  	v7 =	vld [tilespmem:s6+$0x16870]  }
0xfd: {  	v8 =	vld [tilespmem:s6+$0x16880]  }
0xfe: {  	v9 =	vld [tilespmem:s6+$0x16890]  }
0xff: {  	v10 =	vld [tilespmem:s6+$0x168A0]  }
0x100: {  	v11 =	vld [tilespmem:s6+$0x168B0]  }
0x101: {  	v12 =	vld [tilespmem:s6+$0x168C0]  }
0x102: {  	v13 =	vld [tilespmem:s6+$0x168D0]  }
0x103: {  	v14 =	vld [tilespmem:s6+$0x168E0]  }
0x104: {  	v15 =	vld [tilespmem:s6+$0x168F0]  }
0x105: {  	v16 =	vld [tilespmem:s6+$0x16900]  }
0x106: {  	v17 =	vld [tilespmem:s6+$0x16910]  }
0x107: {  	v18 =	vld [tilespmem:s6+$0x16920]  }
0x108: {  	v19 =	vld [tilespmem:s6+$0x16930]  }
0x109: {  	v20 =	vld [tilespmem:s6+$0x16940]  }
0x10a: {  	v21 =	vld [tilespmem:s6+$0x16950]  }
0x10b: {  	v22 =	vld [tilespmem:s6+$0x16960]  }
0x10c: {  	v23 =	vld [tilespmem:s6+$0x16970]  }
0x10d: {  	v24 =	vld [tilespmem:s6+$0x16980]  }
0x10e: {  	v25 =	vld [tilespmem:s6+$0x16990]  }
0x10f: {  	v26 =	vld [tilespmem:s6+$0x169A0]  }
0x110: {  	v27 =	vld [tilespmem:s6+$0x169B0]  }
0x111: {  	v28 =	vld [tilespmem:s6+$0x169C0]  }
0x112: {  	v29 =	vld [tilespmem:s6+$0x169D0]  }
0x113: {  	v30 =	vld [tilespmem:s6+$0x169E0]  }
0x114: {  	[tilespmem:s6+$0xE9F0] =	vst.add.f32.msk $0xffff, v0  }
0x115: {  	[tilespmem:s6+$0xE800] =	vst.add.f32.msk $0xffff, v1  }
0x116: {  	[tilespmem:s6+$0xE810] =	vst.add.f32.msk $0xffff, v2  }
0x117: {  	[tilespmem:s6+$0xE820] =	vst.add.f32.msk $0xffff, v3  }
0x118: {  	[tilespmem:s6+$0xE830] =	vst.add.f32.msk $0xffff, v4  }
0x119: {  	[tilespmem:s6+$0xE840] =	vst.add.f32.msk $0xffff, v63  }
0x11a: {  	[tilespmem:s6+$0xE850] =	vst.add.f32.msk $0xffff, v5  }
0x11b: {  	[tilespmem:s6+$0xE860] =	vst.add.f32.msk $0xffff, v6  }
0x11c: {  	[tilespmem:s6+$0xE870] =	vst.add.f32.msk $0xffff, v7  }
0x11d: {  	[tilespmem:s6+$0xE880] =	vst.add.f32.msk $0xffff, v8  }
0x11e: {  	[tilespmem:s6+$0xE890] =	vst.add.f32.msk $0xffff, v9  }
0x11f: {  	[tilespmem:s6+$0xE8A0] =	vst.add.f32.msk $0xffff, v10  }
0x120: {  	[tilespmem:s6+$0xE8B0] =	vst.add.f32.msk $0xffff, v11  }
0x121: {  	[tilespmem:s6+$0xE8C0] =	vst.add.f32.msk $0xffff, v12  }
0x122: {  	[tilespmem:s6+$0xE8D0] =	vst.add.f32.msk $0xffff, v13  }
0x123: {  	[tilespmem:s6+$0xE8E0] =	vst.add.f32.msk $0xffff, v14  }
0x124: {  	[tilespmem:s6+$0xE8F0] =	vst.add.f32.msk $0xffff, v15  }
0x125: {  	[tilespmem:s6+$0xE900] =	vst.add.f32.msk $0xffff, v16  }
0x126: {  	[tilespmem:s6+$0xE910] =	vst.add.f32.msk $0xffff, v17  }
0x127: {  	[tilespmem:s6+$0xE920] =	vst.add.f32.msk $0xffff, v18  }
0x128: {  	[tilespmem:s6+$0xE930] =	vst.add.f32.msk $0xffff, v19  }
0x129: {  	[tilespmem:s6+$0xE940] =	vst.add.f32.msk $0xffff, v20  }
0x12a: {  	[tilespmem:s6+$0xE950] =	vst.add.f32.msk $0xffff, v21  }
0x12b: {  	[tilespmem:s6+$0xE960] =	vst.add.f32.msk $0xffff, v22  }
0x12c: {  	[tilespmem:s6+$0xE970] =	vst.add.f32.msk $0xffff, v23  }
0x12d: {  	[tilespmem:s6+$0xE980] =	vst.add.f32.msk $0xffff, v24  }
0x12e: {  	[tilespmem:s6+$0xE990] =	vst.add.f32.msk $0xffff, v25  }
0x12f: {  	[tilespmem:s6+$0xE9A0] =	vst.add.f32.msk $0xffff, v26  }
0x130: {  	[tilespmem:s6+$0xE9B0] =	vst.add.f32.msk $0xffff, v27  }
0x131: {  	[tilespmem:s6+$0xE9C0] =	vst.add.f32.msk $0xffff, v28  }
0x132: {  	[tilespmem:s6+$0xE9D0] =	vst.add.f32.msk $0xffff, v29  }
0x133: {  	s7 =	rddreg [dreg:$0x9];
	[tilespmem:s6+$0xE9E0] =	vst.add.f32.msk $0xffff, v30;
	s6 =	simm.s32 $0x0  }
0x134: {  	[hbm4b:s7+s6] =	stream.linear.scatter [tilespmem:s28], [sflag:$0x5], $0x2000, $0x38;
	[tilespmem:$0x1DAC0] =	vst v63  }
.LBB2_6:
0x135: {  	_ =	swait.ge [sflag:s29], $0x4000  }
0x136: {  	[sflag:s29] =	ssyncset.done $0x0  }
0x137: {  	[sflag:s29] =	ssyncadd.s32 $0xFFFFC000  }
0x138: {  	_ =	swait.ge [sflag:s30], $0x4000  }
0x139: {  	[sflag:s30] =	ssyncset.done $0x0  }
0x13a: {  	[sflag:s30] =	ssyncadd.s32 $0xFFFFC000  }
0x13b: {  	_ =	swait.ge [sflag:s31], $0x2000  }
0x13c: {  	[sflag:s31] =	ssyncset.done $0x0  }
0x13d: {  	[sflag:s31] =	ssyncadd.s32 $0xFFFFE000  }
0x13e: {  	_ =	swait.ge [sflag:s31], $0x2000  }
0x13f: {  	s8 =	sshll.u32 s6, $0x8;
	[sflag:s31] =	ssyncset.done $0x0  }
0x140: {  	s7 =	sadd.s32 $0x100, s8;
	[sflag:s31] =	ssyncadd.s32 $0xFFFFE000  }
0x141: {  	[tilespmem:s20], [sflag:$0x1] =	stream.indirect.gather [hbm4b:s0+s19], $0x80, s7, s19, $0xb8;
	[tilespmem:$0x1DAC0] =	vst v63  }
0x142: {  	s9 =	sadd.s32 $0x6500, s8  }
0x143: {  	[tilespmem:s21], [sflag:$0x3] =	stream.indirect.gather [spmem:s3], $0x80, s9, s19, $0xb8;
	[tilespmem:$0x1DAC0] =	vst v63  }
0x144: {  	s11 =	simm.s32 $0x0;
	s9 =	simm.s32 $0x800  }
.LBB2_7:
0x145: {  	p1 =	sne.s32 s9, $0x7800;
	v0 =	vld [tilespmem:s11+$0x189F0]  }
0x146: {  	v1 =	vld [tilespmem:s11+$0x18800]  }
0x147: {  	v2 =	vld [tilespmem:s11+$0x18810]  }
0x148: {  	v3 =	vld [tilespmem:s11+$0x18820]  }
0x149: {  	v4 =	vld [tilespmem:s11+$0x18830]  }
0x14a: {  	[tilespmem:s11+$0x109F0] =	vst.add.f32.msk $0xffff, v0  }
0x14b: {  	v0 =	vld [tilespmem:s11+$0x18840]  }
0x14c: {  	v5 =	vld [tilespmem:s11+$0x18850]  }
0x14d: {  	v6 =	vld [tilespmem:s11+$0x18860]  }
0x14e: {  	v7 =	vld [tilespmem:s11+$0x18870]  }
0x14f: {  	v8 =	vld [tilespmem:s11+$0x18880]  }
0x150: {  	v9 =	vld [tilespmem:s11+$0x18890]  }
0x151: {  	v10 =	vld [tilespmem:s11+$0x188A0]  }
0x152: {  	v11 =	vld [tilespmem:s11+$0x188B0]  }
0x153: {  	v12 =	vld [tilespmem:s11+$0x188C0]  }
0x154: {  	v13 =	vld [tilespmem:s11+$0x188D0]  }
0x155: {  	v14 =	vld [tilespmem:s11+$0x188E0]  }
0x156: {  	v15 =	vld [tilespmem:s11+$0x188F0]  }
0x157: {  	v16 =	vld [tilespmem:s11+$0x18900]  }
0x158: {  	v17 =	vld [tilespmem:s11+$0x18910]  }
0x159: {  	v18 =	vld [tilespmem:s11+$0x18920]  }
0x15a: {  	v19 =	vld [tilespmem:s11+$0x18930]  }
0x15b: {  	v20 =	vld [tilespmem:s11+$0x18940]  }
0x15c: {  	v21 =	vld [tilespmem:s11+$0x18950]  }
0x15d: {  	v22 =	vld [tilespmem:s11+$0x18960]  }
0x15e: {  	v23 =	vld [tilespmem:s11+$0x18970]  }
0x15f: {  	v24 =	vld [tilespmem:s11+$0x18980]  }
0x160: {  	v25 =	vld [tilespmem:s11+$0x18990]  }
0x161: {  	v26 =	vld [tilespmem:s11+$0x189A0]  }
0x162: {  	v27 =	vld [tilespmem:s11+$0x189B0]  }
0x163: {  	v28 =	vld [tilespmem:s11+$0x189C0]  }
0x164: {  	v29 =	vld [tilespmem:s11+$0x189D0]  }
0x165: {  	v30 =	vld [tilespmem:s11+$0x189E0]  }
0x166: {  	[tilespmem:s11+$0x10800] =	vst.add.f32.msk $0xffff, v1  }
0x167: {  	[tilespmem:s11+$0x10810] =	vst.add.f32.msk $0xffff, v2  }
0x168: {  	[tilespmem:s11+$0x10820] =	vst.add.f32.msk $0xffff, v3  }
0x169: {  	[tilespmem:s11+$0x10830] =	vst.add.f32.msk $0xffff, v4  }
0x16a: {  	[tilespmem:s11+$0x10840] =	vst.add.f32.msk $0xffff, v0  }
0x16b: {  	[tilespmem:s11+$0x10850] =	vst.add.f32.msk $0xffff, v5  }
0x16c: {  	[tilespmem:s11+$0x10860] =	vst.add.f32.msk $0xffff, v6  }
0x16d: {  	[tilespmem:s11+$0x10870] =	vst.add.f32.msk $0xffff, v7  }
0x16e: {  	[tilespmem:s11+$0x10880] =	vst.add.f32.msk $0xffff, v8  }
0x16f: {  	[tilespmem:s11+$0x10890] =	vst.add.f32.msk $0xffff, v9  }
0x170: {  	[tilespmem:s11+$0x108A0] =	vst.add.f32.msk $0xffff, v10  }
0x171: {  	[tilespmem:s11+$0x108B0] =	vst.add.f32.msk $0xffff, v11  }
0x172: {  	[tilespmem:s11+$0x108C0] =	vst.add.f32.msk $0xffff, v12  }
0x173: {  	[tilespmem:s11+$0x108D0] =	vst.add.f32.msk $0xffff, v13  }
0x174: {  	[tilespmem:s11+$0x108E0] =	vst.add.f32.msk $0xffff, v14  }
0x175: {  	[tilespmem:s11+$0x108F0] =	vst.add.f32.msk $0xffff, v15  }
0x176: {  	[tilespmem:s11+$0x10900] =	vst.add.f32.msk $0xffff, v16  }
0x177: {  	[tilespmem:s11+$0x10910] =	vst.add.f32.msk $0xffff, v17  }
0x178: {  	[tilespmem:s11+$0x10920] =	vst.add.f32.msk $0xffff, v18  }
0x179: {  	[tilespmem:s11+$0x10930] =	vst.add.f32.msk $0xffff, v19  }
0x17a: {  	[tilespmem:s11+$0x10940] =	vst.add.f32.msk $0xffff, v20  }
0x17b: {  	[tilespmem:s11+$0x10950] =	vst.add.f32.msk $0xffff, v21  }
0x17c: {  	[tilespmem:s11+$0x10960] =	vst.add.f32.msk $0xffff, v22  }
0x17d: {  	[tilespmem:s11+$0x10970] =	vst.add.f32.msk $0xffff, v23  }
0x17e: {  	[tilespmem:s11+$0x10980] =	vst.add.f32.msk $0xffff, v24  }
0x17f: {  	[tilespmem:s11+$0x10990] =	vst.add.f32.msk $0xffff, v25  }
.Ltmp2:
0x180: {  	[tilespmem:s11+$0x109A0] =	vst.add.f32.msk $0xffff, v26;
	(pc) =	sbr.rel @p1 .LBB2_7-.Ltmp2, $4  }
0x181: {  	[tilespmem:s11+$0x109B0] =	vst.add.f32.msk $0xffff, v27  }
0x182: {  	[tilespmem:s11+$0x109C0] =	vst.add.f32.msk $0xffff, v28  }
0x183: {  	[tilespmem:s11+$0x109D0] =	vst.add.f32.msk $0xffff, v29  }
0x184: {  	[tilespmem:s11+$0x109E0] =	vst.add.f32.msk $0xffff, v30;
	s11 =	sshra.s32 s9, $0x2;
	s9 =	sadd.s32 $0x800, s9  }
0x185: {  	v0 =	vld [tilespmem:s11+$0x189F0]  }
0x186: {  	v1 =	vld [tilespmem:s11+$0x18800]  }
0x187: {  	v2 =	vld [tilespmem:s11+$0x18810]  }
0x188: {  	v3 =	vld [tilespmem:s11+$0x18820]  }
0x189: {  	v4 =	vld [tilespmem:s11+$0x18830]  }
0x18a: {  	v63 =	vld [tilespmem:s11+$0x18840]  }
0x18b: {  	v5 =	vld [tilespmem:s11+$0x18850]  }
0x18c: {  	v6 =	vld [tilespmem:s11+$0x18860]  }
0x18d: {  	v7 =	vld [tilespmem:s11+$0x18870]  }
0x18e: {  	v8 =	vld [tilespmem:s11+$0x18880]  }
0x18f: {  	v9 =	vld [tilespmem:s11+$0x18890]  }
0x190: {  	v10 =	vld [tilespmem:s11+$0x188A0]  }
0x191: {  	v11 =	vld [tilespmem:s11+$0x188B0]  }
0x192: {  	v12 =	vld [tilespmem:s11+$0x188C0]  }
0x193: {  	v13 =	vld [tilespmem:s11+$0x188D0]  }
0x194: {  	v14 =	vld [tilespmem:s11+$0x188E0]  }
0x195: {  	v15 =	vld [tilespmem:s11+$0x188F0]  }
0x196: {  	v16 =	vld [tilespmem:s11+$0x18900]  }
0x197: {  	v17 =	vld [tilespmem:s11+$0x18910]  }
0x198: {  	v18 =	vld [tilespmem:s11+$0x18920]  }
0x199: {  	v19 =	vld [tilespmem:s11+$0x18930]  }
0x19a: {  	v20 =	vld [tilespmem:s11+$0x18940]  }
0x19b: {  	v21 =	vld [tilespmem:s11+$0x18950]  }
0x19c: {  	v22 =	vld [tilespmem:s11+$0x18960]  }
0x19d: {  	v23 =	vld [tilespmem:s11+$0x18970]  }
0x19e: {  	v24 =	vld [tilespmem:s11+$0x18980]  }
0x19f: {  	v25 =	vld [tilespmem:s11+$0x18990]  }
0x1a0: {  	v26 =	vld [tilespmem:s11+$0x189A0]  }
0x1a1: {  	v27 =	vld [tilespmem:s11+$0x189B0]  }
0x1a2: {  	v28 =	vld [tilespmem:s11+$0x189C0]  }
0x1a3: {  	v29 =	vld [tilespmem:s11+$0x189D0]  }
0x1a4: {  	v30 =	vld [tilespmem:s11+$0x189E0]  }
0x1a5: {  	[tilespmem:s11+$0x109F0] =	vst.add.f32.msk $0xffff, v0  }
0x1a6: {  	[tilespmem:s11+$0x10800] =	vst.add.f32.msk $0xffff, v1  }
0x1a7: {  	[tilespmem:s11+$0x10810] =	vst.add.f32.msk $0xffff, v2  }
0x1a8: {  	[tilespmem:s11+$0x10820] =	vst.add.f32.msk $0xffff, v3  }
0x1a9: {  	[tilespmem:s11+$0x10830] =	vst.add.f32.msk $0xffff, v4  }
0x1aa: {  	[tilespmem:s11+$0x10840] =	vst.add.f32.msk $0xffff, v63  }
0x1ab: {  	[tilespmem:s11+$0x10850] =	vst.add.f32.msk $0xffff, v5  }
0x1ac: {  	[tilespmem:s11+$0x10860] =	vst.add.f32.msk $0xffff, v6  }
0x1ad: {  	[tilespmem:s11+$0x10870] =	vst.add.f32.msk $0xffff, v7  }
0x1ae: {  	[tilespmem:s11+$0x10880] =	vst.add.f32.msk $0xffff, v8  }
0x1af: {  	[tilespmem:s11+$0x10890] =	vst.add.f32.msk $0xffff, v9  }
0x1b0: {  	[tilespmem:s11+$0x108A0] =	vst.add.f32.msk $0xffff, v10  }
0x1b1: {  	[tilespmem:s11+$0x108B0] =	vst.add.f32.msk $0xffff, v11  }
0x1b2: {  	[tilespmem:s11+$0x108C0] =	vst.add.f32.msk $0xffff, v12  }
0x1b3: {  	[tilespmem:s11+$0x108D0] =	vst.add.f32.msk $0xffff, v13  }
0x1b4: {  	[tilespmem:s11+$0x108E0] =	vst.add.f32.msk $0xffff, v14  }
0x1b5: {  	[tilespmem:s11+$0x108F0] =	vst.add.f32.msk $0xffff, v15  }
0x1b6: {  	[tilespmem:s11+$0x10900] =	vst.add.f32.msk $0xffff, v16  }
0x1b7: {  	[tilespmem:s11+$0x10910] =	vst.add.f32.msk $0xffff, v17  }
0x1b8: {  	[tilespmem:s11+$0x10920] =	vst.add.f32.msk $0xffff, v18  }
0x1b9: {  	[tilespmem:s11+$0x10930] =	vst.add.f32.msk $0xffff, v19  }
0x1ba: {  	[tilespmem:s11+$0x10940] =	vst.add.f32.msk $0xffff, v20  }
0x1bb: {  	[tilespmem:s11+$0x10950] =	vst.add.f32.msk $0xffff, v21  }
0x1bc: {  	[tilespmem:s11+$0x10960] =	vst.add.f32.msk $0xffff, v22  }
0x1bd: {  	[tilespmem:s11+$0x10970] =	vst.add.f32.msk $0xffff, v23  }
0x1be: {  	[tilespmem:s11+$0x10980] =	vst.add.f32.msk $0xffff, v24  }
0x1bf: {  	[tilespmem:s11+$0x10990] =	vst.add.f32.msk $0xffff, v25  }
0x1c0: {  	[tilespmem:s11+$0x109A0] =	vst.add.f32.msk $0xffff, v26  }
0x1c1: {  	[tilespmem:s11+$0x109B0] =	vst.add.f32.msk $0xffff, v27  }
0x1c2: {  	s9 =	sadd.s32 s8, s12;
	[tilespmem:s11+$0x109C0] =	vst.add.f32.msk $0xffff, v28  }
0x1c3: {  	s9 =	sshll.u32 s9, $0x4;
	[tilespmem:s11+$0x109D0] =	vst.add.f32.msk $0xffff, v29  }
0x1c4: {  	s13 =	simm.s32 $0x0;
	[tilespmem:s11+$0x109E0] =	vst.add.f32.msk $0xffff, v30;
	s11 =	sadd.s32 s2, s9  }
0x1c5: {  	[hbm4b:s11+s13] =	stream.linear.scatter [tilespmem:s22], [sflag:$0x6], $0x2000, $0x38;
	[tilespmem:$0x1DAC0] =	vst v63  }
0x1c6: {  	s11 =	simm.s32 $0x0;
	s13 =	simm.s32 $0x800  }
.LBB2_9:
0x1c7: {  	p1 =	sne.s32 s13, $0x7800;
	v0 =	vld [tilespmem:s11+$0x1A9F0]  }
0x1c8: {  	v1 =	vld [tilespmem:s11+$0x1A800]  }
0x1c9: {  	v2 =	vld [tilespmem:s11+$0x1A810]  }
0x1ca: {  	v3 =	vld [tilespmem:s11+$0x1A820]  }
0x1cb: {  	v4 =	vld [tilespmem:s11+$0x1A830]  }
0x1cc: {  	[tilespmem:s11+$0x129F0] =	vst.add.f32.msk $0xffff, v0  }
0x1cd: {  	v0 =	vld [tilespmem:s11+$0x1A840]  }
0x1ce: {  	v5 =	vld [tilespmem:s11+$0x1A850]  }
0x1cf: {  	v6 =	vld [tilespmem:s11+$0x1A860]  }
0x1d0: {  	v7 =	vld [tilespmem:s11+$0x1A870]  }
0x1d1: {  	v8 =	vld [tilespmem:s11+$0x1A880]  }
0x1d2: {  	v9 =	vld [tilespmem:s11+$0x1A890]  }
0x1d3: {  	v10 =	vld [tilespmem:s11+$0x1A8A0]  }
0x1d4: {  	v11 =	vld [tilespmem:s11+$0x1A8B0]  }
0x1d5: {  	v12 =	vld [tilespmem:s11+$0x1A8C0]  }
0x1d6: {  	v13 =	vld [tilespmem:s11+$0x1A8D0]  }
0x1d7: {  	v14 =	vld [tilespmem:s11+$0x1A8E0]  }
0x1d8: {  	v15 =	vld [tilespmem:s11+$0x1A8F0]  }
0x1d9: {  	v16 =	vld [tilespmem:s11+$0x1A900]  }
0x1da: {  	v17 =	vld [tilespmem:s11+$0x1A910]  }
0x1db: {  	v18 =	vld [tilespmem:s11+$0x1A920]  }
0x1dc: {  	v19 =	vld [tilespmem:s11+$0x1A930]  }
0x1dd: {  	v20 =	vld [tilespmem:s11+$0x1A940]  }
0x1de: {  	v21 =	vld [tilespmem:s11+$0x1A950]  }
0x1df: {  	v22 =	vld [tilespmem:s11+$0x1A960]  }
0x1e0: {  	v23 =	vld [tilespmem:s11+$0x1A970]  }
0x1e1: {  	v24 =	vld [tilespmem:s11+$0x1A980]  }
0x1e2: {  	v25 =	vld [tilespmem:s11+$0x1A990]  }
0x1e3: {  	v26 =	vld [tilespmem:s11+$0x1A9A0]  }
0x1e4: {  	v27 =	vld [tilespmem:s11+$0x1A9B0]  }
0x1e5: {  	v28 =	vld [tilespmem:s11+$0x1A9C0]  }
0x1e6: {  	v29 =	vld [tilespmem:s11+$0x1A9D0]  }
0x1e7: {  	v30 =	vld [tilespmem:s11+$0x1A9E0]  }
0x1e8: {  	[tilespmem:s11+$0x12800] =	vst.add.f32.msk $0xffff, v1  }
0x1e9: {  	[tilespmem:s11+$0x12810] =	vst.add.f32.msk $0xffff, v2  }
0x1ea: {  	[tilespmem:s11+$0x12820] =	vst.add.f32.msk $0xffff, v3  }
0x1eb: {  	[tilespmem:s11+$0x12830] =	vst.add.f32.msk $0xffff, v4  }
0x1ec: {  	[tilespmem:s11+$0x12840] =	vst.add.f32.msk $0xffff, v0  }
0x1ed: {  	[tilespmem:s11+$0x12850] =	vst.add.f32.msk $0xffff, v5  }
0x1ee: {  	[tilespmem:s11+$0x12860] =	vst.add.f32.msk $0xffff, v6  }
0x1ef: {  	[tilespmem:s11+$0x12870] =	vst.add.f32.msk $0xffff, v7  }
0x1f0: {  	[tilespmem:s11+$0x12880] =	vst.add.f32.msk $0xffff, v8  }
0x1f1: {  	[tilespmem:s11+$0x12890] =	vst.add.f32.msk $0xffff, v9  }
0x1f2: {  	[tilespmem:s11+$0x128A0] =	vst.add.f32.msk $0xffff, v10  }
0x1f3: {  	[tilespmem:s11+$0x128B0] =	vst.add.f32.msk $0xffff, v11  }
0x1f4: {  	[tilespmem:s11+$0x128C0] =	vst.add.f32.msk $0xffff, v12  }
0x1f5: {  	[tilespmem:s11+$0x128D0] =	vst.add.f32.msk $0xffff, v13  }
0x1f6: {  	[tilespmem:s11+$0x128E0] =	vst.add.f32.msk $0xffff, v14  }
0x1f7: {  	[tilespmem:s11+$0x128F0] =	vst.add.f32.msk $0xffff, v15  }
0x1f8: {  	[tilespmem:s11+$0x12900] =	vst.add.f32.msk $0xffff, v16  }
0x1f9: {  	[tilespmem:s11+$0x12910] =	vst.add.f32.msk $0xffff, v17  }
0x1fa: {  	[tilespmem:s11+$0x12920] =	vst.add.f32.msk $0xffff, v18  }
0x1fb: {  	[tilespmem:s11+$0x12930] =	vst.add.f32.msk $0xffff, v19  }
0x1fc: {  	[tilespmem:s11+$0x12940] =	vst.add.f32.msk $0xffff, v20  }
0x1fd: {  	[tilespmem:s11+$0x12950] =	vst.add.f32.msk $0xffff, v21  }
0x1fe: {  	[tilespmem:s11+$0x12960] =	vst.add.f32.msk $0xffff, v22  }
0x1ff: {  	[tilespmem:s11+$0x12970] =	vst.add.f32.msk $0xffff, v23  }
0x200: {  	[tilespmem:s11+$0x12980] =	vst.add.f32.msk $0xffff, v24  }
0x201: {  	[tilespmem:s11+$0x12990] =	vst.add.f32.msk $0xffff, v25  }
.Ltmp3:
0x202: {  	[tilespmem:s11+$0x129A0] =	vst.add.f32.msk $0xffff, v26;
	(pc) =	sbr.rel @p1 .LBB2_9-.Ltmp3, $4  }
0x203: {  	[tilespmem:s11+$0x129B0] =	vst.add.f32.msk $0xffff, v27  }
0x204: {  	[tilespmem:s11+$0x129C0] =	vst.add.f32.msk $0xffff, v28  }
0x205: {  	[tilespmem:s11+$0x129D0] =	vst.add.f32.msk $0xffff, v29  }
0x206: {  	[tilespmem:s11+$0x129E0] =	vst.add.f32.msk $0xffff, v30;
	s11 =	sshra.s32 s13, $0x2;
	s13 =	sadd.s32 $0x800, s13  }
0x207: {  	v0 =	vld [tilespmem:s11+$0x1A9F0]  }
0x208: {  	v1 =	vld [tilespmem:s11+$0x1A800]  }
0x209: {  	v2 =	vld [tilespmem:s11+$0x1A810]  }
0x20a: {  	v3 =	vld [tilespmem:s11+$0x1A820]  }
0x20b: {  	v4 =	vld [tilespmem:s11+$0x1A830]  }
0x20c: {  	v63 =	vld [tilespmem:s11+$0x1A840]  }
0x20d: {  	v5 =	vld [tilespmem:s11+$0x1A850]  }
0x20e: {  	v6 =	vld [tilespmem:s11+$0x1A860]  }
0x20f: {  	v7 =	vld [tilespmem:s11+$0x1A870]  }
0x210: {  	v8 =	vld [tilespmem:s11+$0x1A880]  }
0x211: {  	v9 =	vld [tilespmem:s11+$0x1A890]  }
0x212: {  	v10 =	vld [tilespmem:s11+$0x1A8A0]  }
0x213: {  	v11 =	vld [tilespmem:s11+$0x1A8B0]  }
0x214: {  	v12 =	vld [tilespmem:s11+$0x1A8C0]  }
0x215: {  	v13 =	vld [tilespmem:s11+$0x1A8D0]  }
0x216: {  	v14 =	vld [tilespmem:s11+$0x1A8E0]  }
0x217: {  	v15 =	vld [tilespmem:s11+$0x1A8F0]  }
0x218: {  	v16 =	vld [tilespmem:s11+$0x1A900]  }
0x219: {  	v17 =	vld [tilespmem:s11+$0x1A910]  }
0x21a: {  	v18 =	vld [tilespmem:s11+$0x1A920]  }
0x21b: {  	v19 =	vld [tilespmem:s11+$0x1A930]  }
0x21c: {  	v20 =	vld [tilespmem:s11+$0x1A940]  }
0x21d: {  	v21 =	vld [tilespmem:s11+$0x1A950]  }
0x21e: {  	v22 =	vld [tilespmem:s11+$0x1A960]  }
0x21f: {  	v23 =	vld [tilespmem:s11+$0x1A970]  }
0x220: {  	v24 =	vld [tilespmem:s11+$0x1A980]  }
0x221: {  	v25 =	vld [tilespmem:s11+$0x1A990]  }
0x222: {  	v26 =	vld [tilespmem:s11+$0x1A9A0]  }
0x223: {  	v27 =	vld [tilespmem:s11+$0x1A9B0]  }
0x224: {  	v28 =	vld [tilespmem:s11+$0x1A9C0]  }
0x225: {  	v29 =	vld [tilespmem:s11+$0x1A9D0]  }
0x226: {  	v30 =	vld [tilespmem:s11+$0x1A9E0]  }
0x227: {  	[tilespmem:s11+$0x129F0] =	vst.add.f32.msk $0xffff, v0  }
0x228: {  	[tilespmem:s11+$0x12800] =	vst.add.f32.msk $0xffff, v1  }
0x229: {  	[tilespmem:s11+$0x12810] =	vst.add.f32.msk $0xffff, v2  }
0x22a: {  	[tilespmem:s11+$0x12820] =	vst.add.f32.msk $0xffff, v3  }
0x22b: {  	[tilespmem:s11+$0x12830] =	vst.add.f32.msk $0xffff, v4  }
0x22c: {  	[tilespmem:s11+$0x12840] =	vst.add.f32.msk $0xffff, v63  }
0x22d: {  	[tilespmem:s11+$0x12850] =	vst.add.f32.msk $0xffff, v5  }
0x22e: {  	[tilespmem:s11+$0x12860] =	vst.add.f32.msk $0xffff, v6  }
0x22f: {  	[tilespmem:s11+$0x12870] =	vst.add.f32.msk $0xffff, v7  }
0x230: {  	[tilespmem:s11+$0x12880] =	vst.add.f32.msk $0xffff, v8  }
0x231: {  	[tilespmem:s11+$0x12890] =	vst.add.f32.msk $0xffff, v9  }
0x232: {  	[tilespmem:s11+$0x128A0] =	vst.add.f32.msk $0xffff, v10  }
0x233: {  	[tilespmem:s11+$0x128B0] =	vst.add.f32.msk $0xffff, v11  }
0x234: {  	[tilespmem:s11+$0x128C0] =	vst.add.f32.msk $0xffff, v12  }
0x235: {  	[tilespmem:s11+$0x128D0] =	vst.add.f32.msk $0xffff, v13  }
0x236: {  	[tilespmem:s11+$0x128E0] =	vst.add.f32.msk $0xffff, v14  }
0x237: {  	[tilespmem:s11+$0x128F0] =	vst.add.f32.msk $0xffff, v15  }
0x238: {  	[tilespmem:s11+$0x12900] =	vst.add.f32.msk $0xffff, v16  }
0x239: {  	[tilespmem:s11+$0x12910] =	vst.add.f32.msk $0xffff, v17  }
0x23a: {  	[tilespmem:s11+$0x12920] =	vst.add.f32.msk $0xffff, v18  }
0x23b: {  	[tilespmem:s11+$0x12930] =	vst.add.f32.msk $0xffff, v19  }
0x23c: {  	[tilespmem:s11+$0x12940] =	vst.add.f32.msk $0xffff, v20  }
0x23d: {  	[tilespmem:s11+$0x12950] =	vst.add.f32.msk $0xffff, v21  }
0x23e: {  	[tilespmem:s11+$0x12960] =	vst.add.f32.msk $0xffff, v22  }
0x23f: {  	[tilespmem:s11+$0x12970] =	vst.add.f32.msk $0xffff, v23  }
0x240: {  	[tilespmem:s11+$0x12980] =	vst.add.f32.msk $0xffff, v24  }
0x241: {  	[tilespmem:s11+$0x12990] =	vst.add.f32.msk $0xffff, v25  }
0x242: {  	[tilespmem:s11+$0x129A0] =	vst.add.f32.msk $0xffff, v26  }
0x243: {  	[tilespmem:s11+$0x129B0] =	vst.add.f32.msk $0xffff, v27  }
0x244: {  	[tilespmem:s11+$0x129C0] =	vst.add.f32.msk $0xffff, v28  }
0x245: {  	s9 =	sand.u32 $0x1FFFF800, s9;
	[tilespmem:s11+$0x129D0] =	vst.add.f32.msk $0xffff, v29  }
0x246: {  	s13 =	simm.s32 $0x0;
	s9 =	sadd.s32 s9, s10;
	[tilespmem:s11+$0x129E0] =	vst.add.f32.msk $0xffff, v30  }
0x247: {  	[hbm4b:s9+s13] =	stream.linear.scatter [tilespmem:s1], [sflag:$0x6], $0x2000, $0x38;
	[tilespmem:$0x1DAC0] =	vst v63  }
0x248: {  	_ =	swait.ge [sflag:s25], $0x4000  }
0x249: {  	[sflag:s25] =	ssyncset.done $0x0  }
0x24a: {  	[sflag:s25] =	ssyncadd.s32 $0xFFFFC000  }
0x24b: {  	_ =	swait.ge [sflag:s26], $0x4000  }
0x24c: {  	[sflag:s26] =	ssyncset.done $0x0  }
0x24d: {  	[sflag:s26] =	ssyncadd.s32 $0xFFFFC000  }
0x24e: {  	_ =	swait.ge [sflag:s23], $0x2000  }
0x24f: {  	[sflag:s23] =	ssyncset.done $0x0  }
0x250: {  	[sflag:s23] =	ssyncadd.s32 $0xFFFFE000  }
0x251: {  	_ =	swait.ge [sflag:s23], $0x2000  }
0x252: {  	[sflag:s23] =	ssyncset.done $0x0  }
0x253: {  	s11 =	sadd.s32 $0x180, s8;
	[sflag:s23] =	ssyncadd.s32 $0xFFFFE000  }
0x254: {  	[tilespmem:s22], [sflag:$0x2] =	stream.indirect.gather [hbm4b:s0+s19], $0x80, s11, s19, $0xb8;
	[tilespmem:$0x1DAC0] =	vst v63  }
0x255: {  	s13 =	sadd.s32 $0x6580, s8;
	s8 =	simm.s32 $0x0;
	s9 =	simm.s32 $0x800  }
0x256: {  	[tilespmem:s24], [sflag:$0x4] =	stream.indirect.gather [spmem:s3], $0x80, s13, s19, $0xb8;
	[tilespmem:$0x1DAC0] =	vst v63  }
.LBB2_11:
0x257: {  	p1 =	sne.s32 s9, $0x7800;
	v0 =	vld [tilespmem:s8+$0x149F0]  }
0x258: {  	v1 =	vld [tilespmem:s8+$0x14800]  }
0x259: {  	v2 =	vld [tilespmem:s8+$0x14810]  }
0x25a: {  	v3 =	vld [tilespmem:s8+$0x14820]  }
0x25b: {  	v4 =	vld [tilespmem:s8+$0x14830]  }
0x25c: {  	[tilespmem:s8+$0xC9F0] =	vst.add.f32.msk $0xffff, v0  }
0x25d: {  	v0 =	vld [tilespmem:s8+$0x14840]  }
0x25e: {  	v5 =	vld [tilespmem:s8+$0x14850]  }
0x25f: {  	v6 =	vld [tilespmem:s8+$0x14860]  }
0x260: {  	v7 =	vld [tilespmem:s8+$0x14870]  }
0x261: {  	v8 =	vld [tilespmem:s8+$0x14880]  }
0x262: {  	v9 =	vld [tilespmem:s8+$0x14890]  }
0x263: {  	v10 =	vld [tilespmem:s8+$0x148A0]  }
0x264: {  	v11 =	vld [tilespmem:s8+$0x148B0]  }
0x265: {  	v12 =	vld [tilespmem:s8+$0x148C0]  }
0x266: {  	v13 =	vld [tilespmem:s8+$0x148D0]  }
0x267: {  	v14 =	vld [tilespmem:s8+$0x148E0]  }
0x268: {  	v15 =	vld [tilespmem:s8+$0x148F0]  }
0x269: {  	v16 =	vld [tilespmem:s8+$0x14900]  }
0x26a: {  	v17 =	vld [tilespmem:s8+$0x14910]  }
0x26b: {  	v18 =	vld [tilespmem:s8+$0x14920]  }
0x26c: {  	v19 =	vld [tilespmem:s8+$0x14930]  }
0x26d: {  	v20 =	vld [tilespmem:s8+$0x14940]  }
0x26e: {  	v21 =	vld [tilespmem:s8+$0x14950]  }
0x26f: {  	v22 =	vld [tilespmem:s8+$0x14960]  }
0x270: {  	v23 =	vld [tilespmem:s8+$0x14970]  }
0x271: {  	v24 =	vld [tilespmem:s8+$0x14980]  }
0x272: {  	v25 =	vld [tilespmem:s8+$0x14990]  }
0x273: {  	v26 =	vld [tilespmem:s8+$0x149A0]  }
0x274: {  	v27 =	vld [tilespmem:s8+$0x149B0]  }
0x275: {  	v28 =	vld [tilespmem:s8+$0x149C0]  }
0x276: {  	v29 =	vld [tilespmem:s8+$0x149D0]  }
0x277: {  	v30 =	vld [tilespmem:s8+$0x149E0]  }
0x278: {  	[tilespmem:s8+$0xC800] =	vst.add.f32.msk $0xffff, v1  }
0x279: {  	[tilespmem:s8+$0xC810] =	vst.add.f32.msk $0xffff, v2  }
0x27a: {  	[tilespmem:s8+$0xC820] =	vst.add.f32.msk $0xffff, v3  }
0x27b: {  	[tilespmem:s8+$0xC830] =	vst.add.f32.msk $0xffff, v4  }
0x27c: {  	[tilespmem:s8+$0xC840] =	vst.add.f32.msk $0xffff, v0  }
0x27d: {  	[tilespmem:s8+$0xC850] =	vst.add.f32.msk $0xffff, v5  }
0x27e: {  	[tilespmem:s8+$0xC860] =	vst.add.f32.msk $0xffff, v6  }
0x27f: {  	[tilespmem:s8+$0xC870] =	vst.add.f32.msk $0xffff, v7  }
0x280: {  	[tilespmem:s8+$0xC880] =	vst.add.f32.msk $0xffff, v8  }
0x281: {  	[tilespmem:s8+$0xC890] =	vst.add.f32.msk $0xffff, v9  }
0x282: {  	[tilespmem:s8+$0xC8A0] =	vst.add.f32.msk $0xffff, v10  }
0x283: {  	[tilespmem:s8+$0xC8B0] =	vst.add.f32.msk $0xffff, v11  }
0x284: {  	[tilespmem:s8+$0xC8C0] =	vst.add.f32.msk $0xffff, v12  }
0x285: {  	[tilespmem:s8+$0xC8D0] =	vst.add.f32.msk $0xffff, v13  }
0x286: {  	[tilespmem:s8+$0xC8E0] =	vst.add.f32.msk $0xffff, v14  }
0x287: {  	[tilespmem:s8+$0xC8F0] =	vst.add.f32.msk $0xffff, v15  }
0x288: {  	[tilespmem:s8+$0xC900] =	vst.add.f32.msk $0xffff, v16  }
0x289: {  	[tilespmem:s8+$0xC910] =	vst.add.f32.msk $0xffff, v17  }
0x28a: {  	[tilespmem:s8+$0xC920] =	vst.add.f32.msk $0xffff, v18  }
0x28b: {  	[tilespmem:s8+$0xC930] =	vst.add.f32.msk $0xffff, v19  }
0x28c: {  	[tilespmem:s8+$0xC940] =	vst.add.f32.msk $0xffff, v20  }
0x28d: {  	[tilespmem:s8+$0xC950] =	vst.add.f32.msk $0xffff, v21  }
0x28e: {  	[tilespmem:s8+$0xC960] =	vst.add.f32.msk $0xffff, v22  }
0x28f: {  	[tilespmem:s8+$0xC970] =	vst.add.f32.msk $0xffff, v23  }
0x290: {  	[tilespmem:s8+$0xC980] =	vst.add.f32.msk $0xffff, v24  }
0x291: {  	[tilespmem:s8+$0xC990] =	vst.add.f32.msk $0xffff, v25  }
.Ltmp4:
0x292: {  	[tilespmem:s8+$0xC9A0] =	vst.add.f32.msk $0xffff, v26;
	(pc) =	sbr.rel @p1 .LBB2_11-.Ltmp4, $4  }
0x293: {  	[tilespmem:s8+$0xC9B0] =	vst.add.f32.msk $0xffff, v27  }
0x294: {  	[tilespmem:s8+$0xC9C0] =	vst.add.f32.msk $0xffff, v28  }
0x295: {  	[tilespmem:s8+$0xC9D0] =	vst.add.f32.msk $0xffff, v29  }
0x296: {  	[tilespmem:s8+$0xC9E0] =	vst.add.f32.msk $0xffff, v30;
	s8 =	sshra.s32 s9, $0x2;
	s9 =	sadd.s32 $0x800, s9  }
0x297: {  	v0 =	vld [tilespmem:s8+$0x149F0]  }
0x298: {  	v1 =	vld [tilespmem:s8+$0x14800]  }
0x299: {  	v2 =	vld [tilespmem:s8+$0x14810]  }
0x29a: {  	v3 =	vld [tilespmem:s8+$0x14820]  }
0x29b: {  	v4 =	vld [tilespmem:s8+$0x14830]  }
0x29c: {  	v63 =	vld [tilespmem:s8+$0x14840]  }
0x29d: {  	v5 =	vld [tilespmem:s8+$0x14850]  }
0x29e: {  	v6 =	vld [tilespmem:s8+$0x14860]  }
0x29f: {  	v7 =	vld [tilespmem:s8+$0x14870]  }
0x2a0: {  	v8 =	vld [tilespmem:s8+$0x14880]  }
0x2a1: {  	v9 =	vld [tilespmem:s8+$0x14890]  }
0x2a2: {  	v10 =	vld [tilespmem:s8+$0x148A0]  }
0x2a3: {  	v11 =	vld [tilespmem:s8+$0x148B0]  }
0x2a4: {  	v12 =	vld [tilespmem:s8+$0x148C0]  }
0x2a5: {  	v13 =	vld [tilespmem:s8+$0x148D0]  }
0x2a6: {  	v14 =	vld [tilespmem:s8+$0x148E0]  }
0x2a7: {  	v15 =	vld [tilespmem:s8+$0x148F0]  }
0x2a8: {  	v16 =	vld [tilespmem:s8+$0x14900]  }
0x2a9: {  	v17 =	vld [tilespmem:s8+$0x14910]  }
0x2aa: {  	v18 =	vld [tilespmem:s8+$0x14920]  }
0x2ab: {  	v19 =	vld [tilespmem:s8+$0x14930]  }
0x2ac: {  	v20 =	vld [tilespmem:s8+$0x14940]  }
0x2ad: {  	v21 =	vld [tilespmem:s8+$0x14950]  }
0x2ae: {  	v22 =	vld [tilespmem:s8+$0x14960]  }
0x2af: {  	v23 =	vld [tilespmem:s8+$0x14970]  }
0x2b0: {  	v24 =	vld [tilespmem:s8+$0x14980]  }
0x2b1: {  	v25 =	vld [tilespmem:s8+$0x14990]  }
0x2b2: {  	v26 =	vld [tilespmem:s8+$0x149A0]  }
0x2b3: {  	v27 =	vld [tilespmem:s8+$0x149B0]  }
0x2b4: {  	v28 =	vld [tilespmem:s8+$0x149C0]  }
0x2b5: {  	v29 =	vld [tilespmem:s8+$0x149D0]  }
0x2b6: {  	v30 =	vld [tilespmem:s8+$0x149E0]  }
0x2b7: {  	[tilespmem:s8+$0xC9F0] =	vst.add.f32.msk $0xffff, v0  }
0x2b8: {  	[tilespmem:s8+$0xC800] =	vst.add.f32.msk $0xffff, v1  }
0x2b9: {  	[tilespmem:s8+$0xC810] =	vst.add.f32.msk $0xffff, v2  }
0x2ba: {  	[tilespmem:s8+$0xC820] =	vst.add.f32.msk $0xffff, v3  }
0x2bb: {  	[tilespmem:s8+$0xC830] =	vst.add.f32.msk $0xffff, v4  }
0x2bc: {  	[tilespmem:s8+$0xC840] =	vst.add.f32.msk $0xffff, v63  }
0x2bd: {  	[tilespmem:s8+$0xC850] =	vst.add.f32.msk $0xffff, v5  }
0x2be: {  	[tilespmem:s8+$0xC860] =	vst.add.f32.msk $0xffff, v6  }
0x2bf: {  	[tilespmem:s8+$0xC870] =	vst.add.f32.msk $0xffff, v7  }
0x2c0: {  	[tilespmem:s8+$0xC880] =	vst.add.f32.msk $0xffff, v8  }
0x2c1: {  	[tilespmem:s8+$0xC890] =	vst.add.f32.msk $0xffff, v9  }
0x2c2: {  	[tilespmem:s8+$0xC8A0] =	vst.add.f32.msk $0xffff, v10  }
0x2c3: {  	[tilespmem:s8+$0xC8B0] =	vst.add.f32.msk $0xffff, v11  }
0x2c4: {  	[tilespmem:s8+$0xC8C0] =	vst.add.f32.msk $0xffff, v12  }
0x2c5: {  	[tilespmem:s8+$0xC8D0] =	vst.add.f32.msk $0xffff, v13  }
0x2c6: {  	[tilespmem:s8+$0xC8E0] =	vst.add.f32.msk $0xffff, v14  }
0x2c7: {  	[tilespmem:s8+$0xC8F0] =	vst.add.f32.msk $0xffff, v15  }
0x2c8: {  	[tilespmem:s8+$0xC900] =	vst.add.f32.msk $0xffff, v16  }
0x2c9: {  	[tilespmem:s8+$0xC910] =	vst.add.f32.msk $0xffff, v17  }
0x2ca: {  	[tilespmem:s8+$0xC920] =	vst.add.f32.msk $0xffff, v18  }
0x2cb: {  	[tilespmem:s8+$0xC930] =	vst.add.f32.msk $0xffff, v19  }
0x2cc: {  	[tilespmem:s8+$0xC940] =	vst.add.f32.msk $0xffff, v20  }
0x2cd: {  	[tilespmem:s8+$0xC950] =	vst.add.f32.msk $0xffff, v21  }
0x2ce: {  	[tilespmem:s8+$0xC960] =	vst.add.f32.msk $0xffff, v22  }
0x2cf: {  	[tilespmem:s8+$0xC970] =	vst.add.f32.msk $0xffff, v23  }
0x2d0: {  	[tilespmem:s8+$0xC980] =	vst.add.f32.msk $0xffff, v24  }
0x2d1: {  	[tilespmem:s8+$0xC990] =	vst.add.f32.msk $0xffff, v25  }
0x2d2: {  	[tilespmem:s8+$0xC9A0] =	vst.add.f32.msk $0xffff, v26  }
0x2d3: {  	[tilespmem:s8+$0xC9B0] =	vst.add.f32.msk $0xffff, v27  }
0x2d4: {  	s7 =	sadd.s32 s5, s7;
	[tilespmem:s8+$0xC9C0] =	vst.add.f32.msk $0xffff, v28  }
0x2d5: {  	s7 =	sshll.u32 s7, $0x4;
	[tilespmem:s8+$0xC9D0] =	vst.add.f32.msk $0xffff, v29  }
0x2d6: {  	s9 =	simm.s32 $0x0;
	s13 =	sadd.s32 s2, s7;
	[tilespmem:s8+$0xC9E0] =	vst.add.f32.msk $0xffff, v30  }
0x2d7: {  	[hbm4b:s13+s9] =	stream.linear.scatter [tilespmem:s20], [sflag:$0x5], $0x2000, $0x38;
	[tilespmem:$0x1DAC0] =	vst v63  }
0x2d8: {  	s8 =	simm.s32 $0x0;
	s9 =	simm.s32 $0x800  }
.LBB2_13:
0x2d9: {  	p1 =	sne.s32 s9, $0x7800;
	v0 =	vld [tilespmem:s8+$0x169F0]  }
0x2da: {  	v1 =	vld [tilespmem:s8+$0x16800]  }
0x2db: {  	v2 =	vld [tilespmem:s8+$0x16810]  }
0x2dc: {  	v3 =	vld [tilespmem:s8+$0x16820]  }
0x2dd: {  	v4 =	vld [tilespmem:s8+$0x16830]  }
0x2de: {  	[tilespmem:s8+$0xE9F0] =	vst.add.f32.msk $0xffff, v0  }
0x2df: {  	v0 =	vld [tilespmem:s8+$0x16840]  }
0x2e0: {  	v5 =	vld [tilespmem:s8+$0x16850]  }
0x2e1: {  	v6 =	vld [tilespmem:s8+$0x16860]  }
0x2e2: {  	v7 =	vld [tilespmem:s8+$0x16870]  }
0x2e3: {  	v8 =	vld [tilespmem:s8+$0x16880]  }
0x2e4: {  	v9 =	vld [tilespmem:s8+$0x16890]  }
0x2e5: {  	v10 =	vld [tilespmem:s8+$0x168A0]  }
0x2e6: {  	v11 =	vld [tilespmem:s8+$0x168B0]  }
0x2e7: {  	v12 =	vld [tilespmem:s8+$0x168C0]  }
0x2e8: {  	v13 =	vld [tilespmem:s8+$0x168D0]  }
0x2e9: {  	v14 =	vld [tilespmem:s8+$0x168E0]  }
0x2ea: {  	v15 =	vld [tilespmem:s8+$0x168F0]  }
0x2eb: {  	v16 =	vld [tilespmem:s8+$0x16900]  }
0x2ec: {  	v17 =	vld [tilespmem:s8+$0x16910]  }
0x2ed: {  	v18 =	vld [tilespmem:s8+$0x16920]  }
0x2ee: {  	v19 =	vld [tilespmem:s8+$0x16930]  }
0x2ef: {  	v20 =	vld [tilespmem:s8+$0x16940]  }
0x2f0: {  	v21 =	vld [tilespmem:s8+$0x16950]  }
0x2f1: {  	v22 =	vld [tilespmem:s8+$0x16960]  }
0x2f2: {  	v23 =	vld [tilespmem:s8+$0x16970]  }
0x2f3: {  	v24 =	vld [tilespmem:s8+$0x16980]  }
0x2f4: {  	v25 =	vld [tilespmem:s8+$0x16990]  }
0x2f5: {  	v26 =	vld [tilespmem:s8+$0x169A0]  }
0x2f6: {  	v27 =	vld [tilespmem:s8+$0x169B0]  }
0x2f7: {  	v28 =	vld [tilespmem:s8+$0x169C0]  }
0x2f8: {  	v29 =	vld [tilespmem:s8+$0x169D0]  }
0x2f9: {  	v30 =	vld [tilespmem:s8+$0x169E0]  }
0x2fa: {  	[tilespmem:s8+$0xE800] =	vst.add.f32.msk $0xffff, v1  }
0x2fb: {  	[tilespmem:s8+$0xE810] =	vst.add.f32.msk $0xffff, v2  }
0x2fc: {  	[tilespmem:s8+$0xE820] =	vst.add.f32.msk $0xffff, v3  }
0x2fd: {  	[tilespmem:s8+$0xE830] =	vst.add.f32.msk $0xffff, v4  }
0x2fe: {  	[tilespmem:s8+$0xE840] =	vst.add.f32.msk $0xffff, v0  }
0x2ff: {  	[tilespmem:s8+$0xE850] =	vst.add.f32.msk $0xffff, v5  }
0x300: {  	[tilespmem:s8+$0xE860] =	vst.add.f32.msk $0xffff, v6  }
0x301: {  	[tilespmem:s8+$0xE870] =	vst.add.f32.msk $0xffff, v7  }
0x302: {  	[tilespmem:s8+$0xE880] =	vst.add.f32.msk $0xffff, v8  }
0x303: {  	[tilespmem:s8+$0xE890] =	vst.add.f32.msk $0xffff, v9  }
0x304: {  	[tilespmem:s8+$0xE8A0] =	vst.add.f32.msk $0xffff, v10  }
0x305: {  	[tilespmem:s8+$0xE8B0] =	vst.add.f32.msk $0xffff, v11  }
0x306: {  	[tilespmem:s8+$0xE8C0] =	vst.add.f32.msk $0xffff, v12  }
0x307: {  	[tilespmem:s8+$0xE8D0] =	vst.add.f32.msk $0xffff, v13  }
0x308: {  	[tilespmem:s8+$0xE8E0] =	vst.add.f32.msk $0xffff, v14  }
0x309: {  	[tilespmem:s8+$0xE8F0] =	vst.add.f32.msk $0xffff, v15  }
0x30a: {  	[tilespmem:s8+$0xE900] =	vst.add.f32.msk $0xffff, v16  }
0x30b: {  	[tilespmem:s8+$0xE910] =	vst.add.f32.msk $0xffff, v17  }
0x30c: {  	[tilespmem:s8+$0xE920] =	vst.add.f32.msk $0xffff, v18  }
0x30d: {  	[tilespmem:s8+$0xE930] =	vst.add.f32.msk $0xffff, v19  }
0x30e: {  	[tilespmem:s8+$0xE940] =	vst.add.f32.msk $0xffff, v20  }
0x30f: {  	[tilespmem:s8+$0xE950] =	vst.add.f32.msk $0xffff, v21  }
0x310: {  	[tilespmem:s8+$0xE960] =	vst.add.f32.msk $0xffff, v22  }
0x311: {  	[tilespmem:s8+$0xE970] =	vst.add.f32.msk $0xffff, v23  }
0x312: {  	[tilespmem:s8+$0xE980] =	vst.add.f32.msk $0xffff, v24  }
0x313: {  	[tilespmem:s8+$0xE990] =	vst.add.f32.msk $0xffff, v25  }
.Ltmp5:
0x314: {  	[tilespmem:s8+$0xE9A0] =	vst.add.f32.msk $0xffff, v26;
	(pc) =	sbr.rel @p1 .LBB2_13-.Ltmp5, $4  }
0x315: {  	[tilespmem:s8+$0xE9B0] =	vst.add.f32.msk $0xffff, v27  }
0x316: {  	[tilespmem:s8+$0xE9C0] =	vst.add.f32.msk $0xffff, v28  }
0x317: {  	[tilespmem:s8+$0xE9D0] =	vst.add.f32.msk $0xffff, v29  }
0x318: {  	[tilespmem:s8+$0xE9E0] =	vst.add.f32.msk $0xffff, v30;
	s8 =	sshra.s32 s9, $0x2;
	s9 =	sadd.s32 $0x800, s9  }
0x319: {  	v0 =	vld [tilespmem:s8+$0x169F0]  }
0x31a: {  	v1 =	vld [tilespmem:s8+$0x16800]  }
0x31b: {  	v2 =	vld [tilespmem:s8+$0x16810]  }
0x31c: {  	v3 =	vld [tilespmem:s8+$0x16820]  }
0x31d: {  	v4 =	vld [tilespmem:s8+$0x16830]  }
0x31e: {  	v63 =	vld [tilespmem:s8+$0x16840]  }
0x31f: {  	v5 =	vld [tilespmem:s8+$0x16850]  }
0x320: {  	v6 =	vld [tilespmem:s8+$0x16860]  }
0x321: {  	v7 =	vld [tilespmem:s8+$0x16870]  }
0x322: {  	v8 =	vld [tilespmem:s8+$0x16880]  }
0x323: {  	v9 =	vld [tilespmem:s8+$0x16890]  }
0x324: {  	v10 =	vld [tilespmem:s8+$0x168A0]  }
0x325: {  	v11 =	vld [tilespmem:s8+$0x168B0]  }
0x326: {  	v12 =	vld [tilespmem:s8+$0x168C0]  }
0x327: {  	v13 =	vld [tilespmem:s8+$0x168D0]  }
0x328: {  	v14 =	vld [tilespmem:s8+$0x168E0]  }
0x329: {  	v15 =	vld [tilespmem:s8+$0x168F0]  }
0x32a: {  	v16 =	vld [tilespmem:s8+$0x16900]  }
0x32b: {  	v17 =	vld [tilespmem:s8+$0x16910]  }
0x32c: {  	v18 =	vld [tilespmem:s8+$0x16920]  }
0x32d: {  	v19 =	vld [tilespmem:s8+$0x16930]  }
0x32e: {  	v20 =	vld [tilespmem:s8+$0x16940]  }
0x32f: {  	v21 =	vld [tilespmem:s8+$0x16950]  }
0x330: {  	v22 =	vld [tilespmem:s8+$0x16960]  }
0x331: {  	v23 =	vld [tilespmem:s8+$0x16970]  }
0x332: {  	v24 =	vld [tilespmem:s8+$0x16980]  }
0x333: {  	v25 =	vld [tilespmem:s8+$0x16990]  }
0x334: {  	v26 =	vld [tilespmem:s8+$0x169A0]  }
0x335: {  	v27 =	vld [tilespmem:s8+$0x169B0]  }
0x336: {  	v28 =	vld [tilespmem:s8+$0x169C0]  }
0x337: {  	v29 =	vld [tilespmem:s8+$0x169D0]  }
0x338: {  	v30 =	vld [tilespmem:s8+$0x169E0]  }
0x339: {  	[tilespmem:s8+$0xE9F0] =	vst.add.f32.msk $0xffff, v0  }
0x33a: {  	[tilespmem:s8+$0xE800] =	vst.add.f32.msk $0xffff, v1  }
0x33b: {  	[tilespmem:s8+$0xE810] =	vst.add.f32.msk $0xffff, v2  }
0x33c: {  	[tilespmem:s8+$0xE820] =	vst.add.f32.msk $0xffff, v3  }
0x33d: {  	[tilespmem:s8+$0xE830] =	vst.add.f32.msk $0xffff, v4  }
0x33e: {  	[tilespmem:s8+$0xE840] =	vst.add.f32.msk $0xffff, v63  }
0x33f: {  	[tilespmem:s8+$0xE850] =	vst.add.f32.msk $0xffff, v5  }
0x340: {  	[tilespmem:s8+$0xE860] =	vst.add.f32.msk $0xffff, v6  }
0x341: {  	[tilespmem:s8+$0xE870] =	vst.add.f32.msk $0xffff, v7  }
0x342: {  	[tilespmem:s8+$0xE880] =	vst.add.f32.msk $0xffff, v8  }
0x343: {  	[tilespmem:s8+$0xE890] =	vst.add.f32.msk $0xffff, v9  }
0x344: {  	[tilespmem:s8+$0xE8A0] =	vst.add.f32.msk $0xffff, v10  }
0x345: {  	[tilespmem:s8+$0xE8B0] =	vst.add.f32.msk $0xffff, v11  }
0x346: {  	[tilespmem:s8+$0xE8C0] =	vst.add.f32.msk $0xffff, v12  }
0x347: {  	[tilespmem:s8+$0xE8D0] =	vst.add.f32.msk $0xffff, v13  }
0x348: {  	[tilespmem:s8+$0xE8E0] =	vst.add.f32.msk $0xffff, v14  }
0x349: {  	[tilespmem:s8+$0xE8F0] =	vst.add.f32.msk $0xffff, v15  }
0x34a: {  	[tilespmem:s8+$0xE900] =	vst.add.f32.msk $0xffff, v16  }
0x34b: {  	[tilespmem:s8+$0xE910] =	vst.add.f32.msk $0xffff, v17  }
0x34c: {  	[tilespmem:s8+$0xE920] =	vst.add.f32.msk $0xffff, v18  }
0x34d: {  	[tilespmem:s8+$0xE930] =	vst.add.f32.msk $0xffff, v19  }
0x34e: {  	[tilespmem:s8+$0xE940] =	vst.add.f32.msk $0xffff, v20  }
0x34f: {  	[tilespmem:s8+$0xE950] =	vst.add.f32.msk $0xffff, v21  }
0x350: {  	[tilespmem:s8+$0xE960] =	vst.add.f32.msk $0xffff, v22  }
0x351: {  	[tilespmem:s8+$0xE970] =	vst.add.f32.msk $0xffff, v23  }
0x352: {  	[tilespmem:s8+$0xE980] =	vst.add.f32.msk $0xffff, v24  }
0x353: {  	s6 =	sadd.s32 $0x1, s6;
	[tilespmem:s8+$0xE990] =	vst.add.f32.msk $0xffff, v25  }
0x354: {  	p1 =	sne.s32 s6, $0x63;
	[tilespmem:s8+$0xE9A0] =	vst.add.f32.msk $0xffff, v26  }
.Ltmp6:
0x355: {  	[tilespmem:s8+$0xE9B0] =	vst.add.f32.msk $0xffff, v27;
	(pc) =	sbr.rel @p1 .LBB2_6-.Ltmp6, $4  }
0x356: {  	[tilespmem:s8+$0xE9C0] =	vst.add.f32.msk $0xffff, v28  }
0x357: {  	s7 =	sand.u32 $0x1FFFF000, s7;
	[tilespmem:s8+$0xE9D0] =	vst.add.f32.msk $0xffff, v29  }
0x358: {  	s7 =	sadd.s32 s7, s10;
	[tilespmem:s8+$0xE9E0] =	vst.add.f32.msk $0xffff, v30  }
0x359: {  	[hbm4b:s7+s4] =	stream.linear.scatter [tilespmem:s28], [sflag:$0x5], $0x2000, $0x38;
	[tilespmem:$0x1DAC0] =	vst v63  }
0x35a: {  	_ =	swait.ge [sflag:s29], $0x4000  }
0x35b: {  	[sflag:s29] =	ssyncset.done $0x0  }
0x35c: {  	[sflag:s29] =	ssyncadd.s32 $0xFFFFC000  }
0x35d: {  	_ =	swait.ge [sflag:s30], $0x4000  }
0x35e: {  	[sflag:s30] =	ssyncset.done $0x0  }
0x35f: {  	s6 =	simm.s32 $0x0;
	s7 =	simm.s32 $0x800;
	[sflag:s30] =	ssyncadd.s32 $0xFFFFC000  }
.LBB2_16:
0x360: {  	p1 =	sne.s32 s7, $0x7800;
	v0 =	vld [tilespmem:s6+$0x189F0]  }
0x361: {  	v1 =	vld [tilespmem:s6+$0x18800]  }
0x362: {  	v2 =	vld [tilespmem:s6+$0x18810]  }
0x363: {  	v3 =	vld [tilespmem:s6+$0x18820]  }
0x364: {  	v4 =	vld [tilespmem:s6+$0x18830]  }
0x365: {  	[tilespmem:s6+$0x109F0] =	vst.add.f32.msk $0xffff, v0  }
0x366: {  	v0 =	vld [tilespmem:s6+$0x18840]  }
0x367: {  	v5 =	vld [tilespmem:s6+$0x18850]  }
0x368: {  	v6 =	vld [tilespmem:s6+$0x18860]  }
0x369: {  	v7 =	vld [tilespmem:s6+$0x18870]  }
0x36a: {  	v8 =	vld [tilespmem:s6+$0x18880]  }
0x36b: {  	v9 =	vld [tilespmem:s6+$0x18890]  }
0x36c: {  	v10 =	vld [tilespmem:s6+$0x188A0]  }
0x36d: {  	v11 =	vld [tilespmem:s6+$0x188B0]  }
0x36e: {  	v12 =	vld [tilespmem:s6+$0x188C0]  }
0x36f: {  	v13 =	vld [tilespmem:s6+$0x188D0]  }
0x370: {  	v14 =	vld [tilespmem:s6+$0x188E0]  }
0x371: {  	v15 =	vld [tilespmem:s6+$0x188F0]  }
0x372: {  	v16 =	vld [tilespmem:s6+$0x18900]  }
0x373: {  	v17 =	vld [tilespmem:s6+$0x18910]  }
0x374: {  	v18 =	vld [tilespmem:s6+$0x18920]  }
0x375: {  	v19 =	vld [tilespmem:s6+$0x18930]  }
0x376: {  	v20 =	vld [tilespmem:s6+$0x18940]  }
0x377: {  	v21 =	vld [tilespmem:s6+$0x18950]  }
0x378: {  	v22 =	vld [tilespmem:s6+$0x18960]  }
0x379: {  	v23 =	vld [tilespmem:s6+$0x18970]  }
0x37a: {  	v24 =	vld [tilespmem:s6+$0x18980]  }
0x37b: {  	v25 =	vld [tilespmem:s6+$0x18990]  }
0x37c: {  	v26 =	vld [tilespmem:s6+$0x189A0]  }
0x37d: {  	v27 =	vld [tilespmem:s6+$0x189B0]  }
0x37e: {  	v28 =	vld [tilespmem:s6+$0x189C0]  }
0x37f: {  	v29 =	vld [tilespmem:s6+$0x189D0]  }
0x380: {  	v30 =	vld [tilespmem:s6+$0x189E0]  }
0x381: {  	[tilespmem:s6+$0x10800] =	vst.add.f32.msk $0xffff, v1  }
0x382: {  	[tilespmem:s6+$0x10810] =	vst.add.f32.msk $0xffff, v2  }
0x383: {  	[tilespmem:s6+$0x10820] =	vst.add.f32.msk $0xffff, v3  }
0x384: {  	[tilespmem:s6+$0x10830] =	vst.add.f32.msk $0xffff, v4  }
0x385: {  	[tilespmem:s6+$0x10840] =	vst.add.f32.msk $0xffff, v0  }
0x386: {  	[tilespmem:s6+$0x10850] =	vst.add.f32.msk $0xffff, v5  }
0x387: {  	[tilespmem:s6+$0x10860] =	vst.add.f32.msk $0xffff, v6  }
0x388: {  	[tilespmem:s6+$0x10870] =	vst.add.f32.msk $0xffff, v7  }
0x389: {  	[tilespmem:s6+$0x10880] =	vst.add.f32.msk $0xffff, v8  }
0x38a: {  	[tilespmem:s6+$0x10890] =	vst.add.f32.msk $0xffff, v9  }
0x38b: {  	[tilespmem:s6+$0x108A0] =	vst.add.f32.msk $0xffff, v10  }
0x38c: {  	[tilespmem:s6+$0x108B0] =	vst.add.f32.msk $0xffff, v11  }
0x38d: {  	[tilespmem:s6+$0x108C0] =	vst.add.f32.msk $0xffff, v12  }
0x38e: {  	[tilespmem:s6+$0x108D0] =	vst.add.f32.msk $0xffff, v13  }
0x38f: {  	[tilespmem:s6+$0x108E0] =	vst.add.f32.msk $0xffff, v14  }
0x390: {  	[tilespmem:s6+$0x108F0] =	vst.add.f32.msk $0xffff, v15  }
0x391: {  	[tilespmem:s6+$0x10900] =	vst.add.f32.msk $0xffff, v16  }
0x392: {  	[tilespmem:s6+$0x10910] =	vst.add.f32.msk $0xffff, v17  }
0x393: {  	[tilespmem:s6+$0x10920] =	vst.add.f32.msk $0xffff, v18  }
0x394: {  	[tilespmem:s6+$0x10930] =	vst.add.f32.msk $0xffff, v19  }
0x395: {  	[tilespmem:s6+$0x10940] =	vst.add.f32.msk $0xffff, v20  }
0x396: {  	[tilespmem:s6+$0x10950] =	vst.add.f32.msk $0xffff, v21  }
0x397: {  	[tilespmem:s6+$0x10960] =	vst.add.f32.msk $0xffff, v22  }
0x398: {  	[tilespmem:s6+$0x10970] =	vst.add.f32.msk $0xffff, v23  }
0x399: {  	[tilespmem:s6+$0x10980] =	vst.add.f32.msk $0xffff, v24  }
0x39a: {  	[tilespmem:s6+$0x10990] =	vst.add.f32.msk $0xffff, v25  }
.Ltmp7:
0x39b: {  	[tilespmem:s6+$0x109A0] =	vst.add.f32.msk $0xffff, v26;
	(pc) =	sbr.rel @p1 .LBB2_16-.Ltmp7, $4  }
0x39c: {  	[tilespmem:s6+$0x109B0] =	vst.add.f32.msk $0xffff, v27  }
0x39d: {  	[tilespmem:s6+$0x109C0] =	vst.add.f32.msk $0xffff, v28  }
0x39e: {  	[tilespmem:s6+$0x109D0] =	vst.add.f32.msk $0xffff, v29  }
0x39f: {  	[tilespmem:s6+$0x109E0] =	vst.add.f32.msk $0xffff, v30;
	s6 =	sshra.s32 s7, $0x2;
	s7 =	sadd.s32 $0x800, s7  }
0x3a0: {  	v0 =	vld [tilespmem:s6+$0x189F0]  }
0x3a1: {  	v1 =	vld [tilespmem:s6+$0x18800]  }
0x3a2: {  	v2 =	vld [tilespmem:s6+$0x18810]  }
0x3a3: {  	v3 =	vld [tilespmem:s6+$0x18820]  }
0x3a4: {  	v4 =	vld [tilespmem:s6+$0x18830]  }
0x3a5: {  	v63 =	vld [tilespmem:s6+$0x18840]  }
0x3a6: {  	v5 =	vld [tilespmem:s6+$0x18850]  }
0x3a7: {  	v6 =	vld [tilespmem:s6+$0x18860]  }
0x3a8: {  	v7 =	vld [tilespmem:s6+$0x18870]  }
0x3a9: {  	v8 =	vld [tilespmem:s6+$0x18880]  }
0x3aa: {  	v9 =	vld [tilespmem:s6+$0x18890]  }
0x3ab: {  	v10 =	vld [tilespmem:s6+$0x188A0]  }
0x3ac: {  	v11 =	vld [tilespmem:s6+$0x188B0]  }
0x3ad: {  	v12 =	vld [tilespmem:s6+$0x188C0]  }
0x3ae: {  	v13 =	vld [tilespmem:s6+$0x188D0]  }
0x3af: {  	v14 =	vld [tilespmem:s6+$0x188E0]  }
0x3b0: {  	v15 =	vld [tilespmem:s6+$0x188F0]  }
0x3b1: {  	v16 =	vld [tilespmem:s6+$0x18900]  }
0x3b2: {  	v17 =	vld [tilespmem:s6+$0x18910]  }
0x3b3: {  	v18 =	vld [tilespmem:s6+$0x18920]  }
0x3b4: {  	v19 =	vld [tilespmem:s6+$0x18930]  }
0x3b5: {  	v20 =	vld [tilespmem:s6+$0x18940]  }
0x3b6: {  	v21 =	vld [tilespmem:s6+$0x18950]  }
0x3b7: {  	v22 =	vld [tilespmem:s6+$0x18960]  }
0x3b8: {  	v23 =	vld [tilespmem:s6+$0x18970]  }
0x3b9: {  	v24 =	vld [tilespmem:s6+$0x18980]  }
0x3ba: {  	v25 =	vld [tilespmem:s6+$0x18990]  }
0x3bb: {  	v26 =	vld [tilespmem:s6+$0x189A0]  }
0x3bc: {  	v27 =	vld [tilespmem:s6+$0x189B0]  }
0x3bd: {  	v28 =	vld [tilespmem:s6+$0x189C0]  }
0x3be: {  	v29 =	vld [tilespmem:s6+$0x189D0]  }
0x3bf: {  	v30 =	vld [tilespmem:s6+$0x189E0]  }
0x3c0: {  	[tilespmem:s6+$0x109F0] =	vst.add.f32.msk $0xffff, v0  }
0x3c1: {  	[tilespmem:s6+$0x10800] =	vst.add.f32.msk $0xffff, v1  }
0x3c2: {  	[tilespmem:s6+$0x10810] =	vst.add.f32.msk $0xffff, v2  }
0x3c3: {  	[tilespmem:s6+$0x10820] =	vst.add.f32.msk $0xffff, v3  }
0x3c4: {  	[tilespmem:s6+$0x10830] =	vst.add.f32.msk $0xffff, v4  }
0x3c5: {  	[tilespmem:s6+$0x10840] =	vst.add.f32.msk $0xffff, v63  }
0x3c6: {  	[tilespmem:s6+$0x10850] =	vst.add.f32.msk $0xffff, v5  }
0x3c7: {  	[tilespmem:s6+$0x10860] =	vst.add.f32.msk $0xffff, v6  }
0x3c8: {  	[tilespmem:s6+$0x10870] =	vst.add.f32.msk $0xffff, v7  }
0x3c9: {  	[tilespmem:s6+$0x10880] =	vst.add.f32.msk $0xffff, v8  }
0x3ca: {  	[tilespmem:s6+$0x10890] =	vst.add.f32.msk $0xffff, v9  }
0x3cb: {  	[tilespmem:s6+$0x108A0] =	vst.add.f32.msk $0xffff, v10  }
0x3cc: {  	[tilespmem:s6+$0x108B0] =	vst.add.f32.msk $0xffff, v11  }
0x3cd: {  	[tilespmem:s6+$0x108C0] =	vst.add.f32.msk $0xffff, v12  }
0x3ce: {  	[tilespmem:s6+$0x108D0] =	vst.add.f32.msk $0xffff, v13  }
0x3cf: {  	[tilespmem:s6+$0x108E0] =	vst.add.f32.msk $0xffff, v14  }
0x3d0: {  	[tilespmem:s6+$0x108F0] =	vst.add.f32.msk $0xffff, v15  }
0x3d1: {  	[tilespmem:s6+$0x10900] =	vst.add.f32.msk $0xffff, v16  }
0x3d2: {  	[tilespmem:s6+$0x10910] =	vst.add.f32.msk $0xffff, v17  }
0x3d3: {  	[tilespmem:s6+$0x10920] =	vst.add.f32.msk $0xffff, v18  }
0x3d4: {  	[tilespmem:s6+$0x10930] =	vst.add.f32.msk $0xffff, v19  }
0x3d5: {  	[tilespmem:s6+$0x10940] =	vst.add.f32.msk $0xffff, v20  }
0x3d6: {  	[tilespmem:s6+$0x10950] =	vst.add.f32.msk $0xffff, v21  }
0x3d7: {  	[tilespmem:s6+$0x10960] =	vst.add.f32.msk $0xffff, v22  }
0x3d8: {  	[tilespmem:s6+$0x10970] =	vst.add.f32.msk $0xffff, v23  }
0x3d9: {  	[tilespmem:s6+$0x10980] =	vst.add.f32.msk $0xffff, v24  }
0x3da: {  	[tilespmem:s6+$0x10990] =	vst.add.f32.msk $0xffff, v25  }
0x3db: {  	[tilespmem:s6+$0x109A0] =	vst.add.f32.msk $0xffff, v26  }
0x3dc: {  	[tilespmem:s6+$0x109B0] =	vst.add.f32.msk $0xffff, v27  }
0x3dd: {  	[tilespmem:s6+$0x109C0] =	vst.add.f32.msk $0xffff, v28  }
0x3de: {  	[tilespmem:s6+$0x109D0] =	vst.add.f32.msk $0xffff, v29  }
0x3df: {  	s13 =	simm.s32 $0x0;
	s7 =	rddreg [dreg:$0xa];
	[tilespmem:s6+$0x109E0] =	vst.add.f32.msk $0xffff, v30  }
0x3e0: {  	[hbm4b:s7+s13] =	stream.linear.scatter [tilespmem:s22], [sflag:$0x6], $0x2000, $0x38;
	[tilespmem:$0x1DAC0] =	vst v63  }
0x3e1: {  	s6 =	simm.s32 $0x0;
	s7 =	simm.s32 $0x800  }
.LBB2_18:
0x3e2: {  	p1 =	sne.s32 s7, $0x7800;
	v0 =	vld [tilespmem:s6+$0x1A9F0]  }
0x3e3: {  	v1 =	vld [tilespmem:s6+$0x1A800]  }
0x3e4: {  	v2 =	vld [tilespmem:s6+$0x1A810]  }
0x3e5: {  	v3 =	vld [tilespmem:s6+$0x1A820]  }
0x3e6: {  	v4 =	vld [tilespmem:s6+$0x1A830]  }
0x3e7: {  	[tilespmem:s6+$0x129F0] =	vst.add.f32.msk $0xffff, v0  }
0x3e8: {  	v0 =	vld [tilespmem:s6+$0x1A840]  }
0x3e9: {  	v5 =	vld [tilespmem:s6+$0x1A850]  }
0x3ea: {  	v6 =	vld [tilespmem:s6+$0x1A860]  }
0x3eb: {  	v7 =	vld [tilespmem:s6+$0x1A870]  }
0x3ec: {  	v8 =	vld [tilespmem:s6+$0x1A880]  }
0x3ed: {  	v9 =	vld [tilespmem:s6+$0x1A890]  }
0x3ee: {  	v10 =	vld [tilespmem:s6+$0x1A8A0]  }
0x3ef: {  	v11 =	vld [tilespmem:s6+$0x1A8B0]  }
0x3f0: {  	v12 =	vld [tilespmem:s6+$0x1A8C0]  }
0x3f1: {  	v13 =	vld [tilespmem:s6+$0x1A8D0]  }
0x3f2: {  	v14 =	vld [tilespmem:s6+$0x1A8E0]  }
0x3f3: {  	v15 =	vld [tilespmem:s6+$0x1A8F0]  }
0x3f4: {  	v16 =	vld [tilespmem:s6+$0x1A900]  }
0x3f5: {  	v17 =	vld [tilespmem:s6+$0x1A910]  }
0x3f6: {  	v18 =	vld [tilespmem:s6+$0x1A920]  }
0x3f7: {  	v19 =	vld [tilespmem:s6+$0x1A930]  }
0x3f8: {  	v20 =	vld [tilespmem:s6+$0x1A940]  }
0x3f9: {  	v21 =	vld [tilespmem:s6+$0x1A950]  }
0x3fa: {  	v22 =	vld [tilespmem:s6+$0x1A960]  }
0x3fb: {  	v23 =	vld [tilespmem:s6+$0x1A970]  }
0x3fc: {  	v24 =	vld [tilespmem:s6+$0x1A980]  }
0x3fd: {  	v25 =	vld [tilespmem:s6+$0x1A990]  }
0x3fe: {  	v26 =	vld [tilespmem:s6+$0x1A9A0]  }
0x3ff: {  	v27 =	vld [tilespmem:s6+$0x1A9B0]  }
0x400: {  	v28 =	vld [tilespmem:s6+$0x1A9C0]  }
0x401: {  	v29 =	vld [tilespmem:s6+$0x1A9D0]  }
0x402: {  	v30 =	vld [tilespmem:s6+$0x1A9E0]  }
0x403: {  	[tilespmem:s6+$0x12800] =	vst.add.f32.msk $0xffff, v1  }
0x404: {  	[tilespmem:s6+$0x12810] =	vst.add.f32.msk $0xffff, v2  }
0x405: {  	[tilespmem:s6+$0x12820] =	vst.add.f32.msk $0xffff, v3  }
0x406: {  	[tilespmem:s6+$0x12830] =	vst.add.f32.msk $0xffff, v4  }
0x407: {  	[tilespmem:s6+$0x12840] =	vst.add.f32.msk $0xffff, v0  }
0x408: {  	[tilespmem:s6+$0x12850] =	vst.add.f32.msk $0xffff, v5  }
0x409: {  	[tilespmem:s6+$0x12860] =	vst.add.f32.msk $0xffff, v6  }
0x40a: {  	[tilespmem:s6+$0x12870] =	vst.add.f32.msk $0xffff, v7  }
0x40b: {  	[tilespmem:s6+$0x12880] =	vst.add.f32.msk $0xffff, v8  }
0x40c: {  	[tilespmem:s6+$0x12890] =	vst.add.f32.msk $0xffff, v9  }
0x40d: {  	[tilespmem:s6+$0x128A0] =	vst.add.f32.msk $0xffff, v10  }
0x40e: {  	[tilespmem:s6+$0x128B0] =	vst.add.f32.msk $0xffff, v11  }
0x40f: {  	[tilespmem:s6+$0x128C0] =	vst.add.f32.msk $0xffff, v12  }
0x410: {  	[tilespmem:s6+$0x128D0] =	vst.add.f32.msk $0xffff, v13  }
0x411: {  	[tilespmem:s6+$0x128E0] =	vst.add.f32.msk $0xffff, v14  }
0x412: {  	[tilespmem:s6+$0x128F0] =	vst.add.f32.msk $0xffff, v15  }
0x413: {  	[tilespmem:s6+$0x12900] =	vst.add.f32.msk $0xffff, v16  }
0x414: {  	[tilespmem:s6+$0x12910] =	vst.add.f32.msk $0xffff, v17  }
0x415: {  	[tilespmem:s6+$0x12920] =	vst.add.f32.msk $0xffff, v18  }
0x416: {  	[tilespmem:s6+$0x12930] =	vst.add.f32.msk $0xffff, v19  }
0x417: {  	[tilespmem:s6+$0x12940] =	vst.add.f32.msk $0xffff, v20  }
0x418: {  	[tilespmem:s6+$0x12950] =	vst.add.f32.msk $0xffff, v21  }
0x419: {  	[tilespmem:s6+$0x12960] =	vst.add.f32.msk $0xffff, v22  }
0x41a: {  	[tilespmem:s6+$0x12970] =	vst.add.f32.msk $0xffff, v23  }
0x41b: {  	[tilespmem:s6+$0x12980] =	vst.add.f32.msk $0xffff, v24  }
0x41c: {  	[tilespmem:s6+$0x12990] =	vst.add.f32.msk $0xffff, v25  }
.Ltmp8:
0x41d: {  	[tilespmem:s6+$0x129A0] =	vst.add.f32.msk $0xffff, v26;
	(pc) =	sbr.rel @p1 .LBB2_18-.Ltmp8, $4  }
0x41e: {  	[tilespmem:s6+$0x129B0] =	vst.add.f32.msk $0xffff, v27  }
0x41f: {  	[tilespmem:s6+$0x129C0] =	vst.add.f32.msk $0xffff, v28  }
0x420: {  	[tilespmem:s6+$0x129D0] =	vst.add.f32.msk $0xffff, v29  }
0x421: {  	[tilespmem:s6+$0x129E0] =	vst.add.f32.msk $0xffff, v30;
	s6 =	sshra.s32 s7, $0x2;
	s7 =	sadd.s32 $0x800, s7  }
0x422: {  	v0 =	vld [tilespmem:s6+$0x1A9F0]  }
0x423: {  	v1 =	vld [tilespmem:s6+$0x1A800]  }
0x424: {  	v2 =	vld [tilespmem:s6+$0x1A810]  }
0x425: {  	v3 =	vld [tilespmem:s6+$0x1A820]  }
0x426: {  	v4 =	vld [tilespmem:s6+$0x1A830]  }
0x427: {  	v63 =	vld [tilespmem:s6+$0x1A840]  }
0x428: {  	v5 =	vld [tilespmem:s6+$0x1A850]  }
0x429: {  	v6 =	vld [tilespmem:s6+$0x1A860]  }
0x42a: {  	v7 =	vld [tilespmem:s6+$0x1A870]  }
0x42b: {  	v8 =	vld [tilespmem:s6+$0x1A880]  }
0x42c: {  	v9 =	vld [tilespmem:s6+$0x1A890]  }
0x42d: {  	v10 =	vld [tilespmem:s6+$0x1A8A0]  }
0x42e: {  	v11 =	vld [tilespmem:s6+$0x1A8B0]  }
0x42f: {  	v12 =	vld [tilespmem:s6+$0x1A8C0]  }
0x430: {  	v13 =	vld [tilespmem:s6+$0x1A8D0]  }
0x431: {  	v14 =	vld [tilespmem:s6+$0x1A8E0]  }
0x432: {  	v15 =	vld [tilespmem:s6+$0x1A8F0]  }
0x433: {  	v16 =	vld [tilespmem:s6+$0x1A900]  }
0x434: {  	v17 =	vld [tilespmem:s6+$0x1A910]  }
0x435: {  	v18 =	vld [tilespmem:s6+$0x1A920]  }
0x436: {  	v19 =	vld [tilespmem:s6+$0x1A930]  }
0x437: {  	v20 =	vld [tilespmem:s6+$0x1A940]  }
0x438: {  	v21 =	vld [tilespmem:s6+$0x1A950]  }
0x439: {  	v22 =	vld [tilespmem:s6+$0x1A960]  }
0x43a: {  	v23 =	vld [tilespmem:s6+$0x1A970]  }
0x43b: {  	v24 =	vld [tilespmem:s6+$0x1A980]  }
0x43c: {  	v25 =	vld [tilespmem:s6+$0x1A990]  }
0x43d: {  	v26 =	vld [tilespmem:s6+$0x1A9A0]  }
0x43e: {  	v27 =	vld [tilespmem:s6+$0x1A9B0]  }
0x43f: {  	v28 =	vld [tilespmem:s6+$0x1A9C0]  }
0x440: {  	v29 =	vld [tilespmem:s6+$0x1A9D0]  }
0x441: {  	v30 =	vld [tilespmem:s6+$0x1A9E0]  }
0x442: {  	[tilespmem:s6+$0x129F0] =	vst.add.f32.msk $0xffff, v0  }
0x443: {  	[tilespmem:s6+$0x12800] =	vst.add.f32.msk $0xffff, v1  }
0x444: {  	[tilespmem:s6+$0x12810] =	vst.add.f32.msk $0xffff, v2  }
0x445: {  	[tilespmem:s6+$0x12820] =	vst.add.f32.msk $0xffff, v3  }
0x446: {  	[tilespmem:s6+$0x12830] =	vst.add.f32.msk $0xffff, v4  }
0x447: {  	[tilespmem:s6+$0x12840] =	vst.add.f32.msk $0xffff, v63  }
0x448: {  	[tilespmem:s6+$0x12850] =	vst.add.f32.msk $0xffff, v5  }
0x449: {  	[tilespmem:s6+$0x12860] =	vst.add.f32.msk $0xffff, v6  }
0x44a: {  	[tilespmem:s6+$0x12870] =	vst.add.f32.msk $0xffff, v7  }
0x44b: {  	[tilespmem:s6+$0x12880] =	vst.add.f32.msk $0xffff, v8  }
0x44c: {  	[tilespmem:s6+$0x12890] =	vst.add.f32.msk $0xffff, v9  }
0x44d: {  	[tilespmem:s6+$0x128A0] =	vst.add.f32.msk $0xffff, v10  }
0x44e: {  	[tilespmem:s6+$0x128B0] =	vst.add.f32.msk $0xffff, v11  }
0x44f: {  	[tilespmem:s6+$0x128C0] =	vst.add.f32.msk $0xffff, v12  }
0x450: {  	[tilespmem:s6+$0x128D0] =	vst.add.f32.msk $0xffff, v13  }
0x451: {  	[tilespmem:s6+$0x128E0] =	vst.add.f32.msk $0xffff, v14  }
0x452: {  	[tilespmem:s6+$0x128F0] =	vst.add.f32.msk $0xffff, v15  }
0x453: {  	[tilespmem:s6+$0x12900] =	vst.add.f32.msk $0xffff, v16  }
0x454: {  	[tilespmem:s6+$0x12910] =	vst.add.f32.msk $0xffff, v17  }
0x455: {  	[tilespmem:s6+$0x12920] =	vst.add.f32.msk $0xffff, v18  }
0x456: {  	[tilespmem:s6+$0x12930] =	vst.add.f32.msk $0xffff, v19  }
0x457: {  	[tilespmem:s6+$0x12940] =	vst.add.f32.msk $0xffff, v20  }
0x458: {  	[tilespmem:s6+$0x12950] =	vst.add.f32.msk $0xffff, v21  }
0x459: {  	[tilespmem:s6+$0x12960] =	vst.add.f32.msk $0xffff, v22  }
0x45a: {  	[tilespmem:s6+$0x12970] =	vst.add.f32.msk $0xffff, v23  }
0x45b: {  	[tilespmem:s6+$0x12980] =	vst.add.f32.msk $0xffff, v24  }
0x45c: {  	[tilespmem:s6+$0x12990] =	vst.add.f32.msk $0xffff, v25  }
0x45d: {  	[tilespmem:s6+$0x129A0] =	vst.add.f32.msk $0xffff, v26  }
0x45e: {  	[tilespmem:s6+$0x129B0] =	vst.add.f32.msk $0xffff, v27  }
0x45f: {  	[tilespmem:s6+$0x129C0] =	vst.add.f32.msk $0xffff, v28  }
0x460: {  	[tilespmem:s6+$0x129D0] =	vst.add.f32.msk $0xffff, v29  }
0x461: {  	[tilespmem:s6+$0x129E0] =	vst.add.f32.msk $0xffff, v30  }
0x462: {  	[hbm4b:s14+s4] =	stream.linear.scatter [tilespmem:s1], [sflag:$0x6], $0x2000, $0x38;
	[tilespmem:$0x1DAC0] =	vst v63  }
0x463: {  	_ =	swait.ge [sflag:s31], $0x2000  }
0x464: {  	[sflag:s31] =	ssyncset.done $0x0  }
0x465: {  	[sflag:s31] =	ssyncadd.s32 $0xFFFFE000  }
0x466: {  	_ =	swait.ge [sflag:s31], $0x2000  }
0x467: {  	[sflag:s31] =	ssyncset.done $0x0  }
0x468: {  	s18 =	sadd.s32 $0x1, s18;
	[sflag:s31] =	ssyncadd.s32 $0xFFFFE000  }
0x469: {  	p1 =	sne.s32 s18, s15;
	_ =	swait.ge [sflag:s23], $0x2000  }
.Ltmp9:
0x46a: {  	[sflag:s23] =	ssyncset.done $0x0;
	(pc) =	sbr.rel @p1 .LBB2_1-.Ltmp9, $4  }
0x46b: {  	[sflag:s23] =	ssyncadd.s32 $0xFFFFE000  }
0x46c: {  	_ =	swait.ge [sflag:s23], $0x2000  }
0x46d: {  	[sflag:s23] =	ssyncset.done $0x0  }
0x46e: {  	[sflag:s23] =	ssyncadd.s32 $0xFFFFE000  }
0x46f: {  	_ =	sfence.sel $0x180000  }
0x470: {  	[bflag:$0x0] =	sbarrier.arrive $0xFFFF  }
0x471: {  	_ =	strace $0x90000047  }
0x472: {  	[bflag:$0x2] =	sbarrier.arrive $0xFFFF  }
0x473: {  	s0 =	rddreg [dreg:$0x4]  }
0x474: {  	s0 =	sadd.s32 @!p0 $0x100000, s0  }
0x475: {  	[sflag:s0] =	ssyncadd.tile.s32 @!p0 $0x1;
	_ =	shalt  }
.Lfunc_end2:
_tile_overlayer_lowered:
.L_overlay_start_2:
0x476: {  	(tag) =	ssettag $0x2  }
0x477: {  	s0 =	rddreg [dreg:$0x0];
	s2 =	stileid.u32  }
0x478: {  	s1 =	rddreg [dreg:$0x1];
	p0 =	sne.s32 s2, $0x0  }
0x479: {  	s3 =	rddreg [dreg:$0x2];
	[bflag:$0x3] =	sbarrier.arrive $0xFFFF;
	s2 =	simm.s32 @!p0 $0x1C07  }
0x47a: {  	[timem:s3], [sflag:s2] =	dma.local @!p0 [hbm:s0], s1  }
0x47b: {  	s0 =	simm.s32 @!p0 $0x7  }
0x47c: {  	_ =	swait.ge @!p0 [sflag:s0], s1  }
0x47d: {  	s1 =	ssub.s32 @!p0 $0x0, s1;
	[sflag:s0] =	ssyncset.done @!p0 $0x0  }
0x47e: {  	[sflag:s0] =	ssyncadd.s32 @!p0 s1  }
0x47f: {  	[bflag:$0x3] =	sbarrier.arrive $0xFFFF  }
0x480: {  	_ =	shalt  }

</sc_bundles>
